<compile_context>
chip_gen: v7x
topology: tpu7x:2x2x1
jax: 0.10.2.dev20260603
libtpu: 0.0.44.dev20260713+nightly
codegen_flags: <defaults>
</compile_context>

<pallas_src>
import jax
import jax.numpy as jnp
from jax import lax
from jax.experimental import pallas as pl
from jax.experimental.pallas import tpu as pltpu
from jax.experimental.pallas import tpu_sc as plsc

T = 2048
D = 1024
E = 8
F = 704
TM = 256
A = 2 * T
A_PAD = A + E * TM
NT = A_PAD // TM
NW = 32
TPW = T // NW
CH = TPW // 2


def _dispatch_body(x_ref, wr_ref, pe_ref, po_ref, w0_ref, w1_ref, texp_ref,
                   cum_ref, ohb_ref):
    xb = x_ref[...]
    logits = jnp.dot(xb, wr_ref[...], preferred_element_type=jnp.float32)
    lane = lax.broadcasted_iota(jnp.int32, (T, 128), 1)
    mask = lane < E
    lm = jnp.where(mask, logits, -1e30)
    mx = jnp.max(lm, axis=1, keepdims=True)
    p = jnp.where(mask, jnp.exp(lm - mx), 0.0)
    sc = p / jnp.sum(p, axis=1, keepdims=True)
    a1 = jnp.argmax(sc, axis=1)
    oh1 = lane == a1[:, None]
    m1 = jnp.sum(jnp.where(oh1, sc, 0.0), axis=1, keepdims=True)
    sc2 = jnp.where(oh1, -1.0, sc)
    a2 = jnp.argmax(sc2, axis=1)
    oh2 = lane == a2[:, None]
    m2 = jnp.sum(jnp.where(oh2, sc, 0.0), axis=1, keepdims=True)
    wsum = m1 + m2
    w0_ref[...] = jnp.broadcast_to(m1 / wsum, (T, 128))
    w1_ref[...] = jnp.broadcast_to(m2 / wsum, (T, 128))

    ohb_ref[...] = (jnp.where(oh1, 1.0, 0.0) + jnp.where(oh2, 1.0, 0.0))
    r128 = lax.broadcasted_iota(jnp.int32, (128, 128), 0)
    c128 = lax.broadcasted_iota(jnp.int32, (128, 128), 1)
    ltri = jnp.where(r128 > c128, 1.0, 0.0).astype(jnp.bfloat16)

    def blk(i, run):
        bi = ohb_ref[pl.ds(i * 128, 128), :]
        ci = jnp.dot(ltri, bi.astype(jnp.bfloat16),
                     preferred_element_type=jnp.float32)
        cum_ref[pl.ds(i * 128, 128), :] = ci + run
        return run + jnp.sum(bi, axis=0, keepdims=True)

    cnt = lax.fori_loop(0, T // 128, blk, jnp.zeros((1, 128), jnp.float32))

    cnt_i = cnt.astype(jnp.int32)
    padded = ((cnt_i + (TM - 1)) // TM * TM).astype(jnp.float32)
    lane1 = lane[:1, :]
    poff = jnp.zeros((1, 128), jnp.float32)
    for ep in range(E - 1):
        pv = jnp.sum(jnp.where(lane1 == ep, padded, 0.0), axis=1,
                     keepdims=True)
        poff = poff + jnp.where(lane1 > ep, pv, 0.0)

    pos = cum_ref[...] + poff
    pe_ref[...] = jnp.sum(jnp.where(oh1, pos, 0.0), axis=1,
                          keepdims=True).astype(jnp.int32)
    po_ref[...] = jnp.sum(jnp.where(oh2, pos, 0.0), axis=1,
                          keepdims=True).astype(jnp.int32)

    start = (lane1 * TM).astype(jnp.float32)
    texp = jnp.zeros((1, 128), jnp.int32)
    for ep in range(E - 1):
        pend = jnp.sum(jnp.where(lane1 <= ep, padded, 0.0), axis=1,
                       keepdims=True)
        texp = texp + jnp.where(start >= pend, 1, 0)
    nvalid = (jnp.sum(jnp.where(lane1 < E, padded, 0.0), axis=1,
                      keepdims=True) / TM).astype(jnp.int32)
    texp_ref[...] = jnp.where(lane1 == 127, nvalid, texp)


def _sc_scatter_body(x_hbm, pe_hbm, po_hbm, xg_hbm, xv, pev, pov, sem):
    wid = lax.axis_index("s") * 2 + lax.axis_index("c")
    base = wid * TPW
    pltpu.sync_copy(x_hbm.at[pl.ds(base, TPW), :], xv)
    pltpu.sync_copy(pe_hbm.at[pl.ds(base, TPW)], pev)
    pltpu.sync_copy(po_hbm.at[pl.ds(base, TPW)], pov)
    c1 = pltpu.async_copy(xv, xg_hbm.at[pev], sem)
    c2 = pltpu.async_copy(xv, xg_hbm.at[pov], sem)
    c1.wait()
    c2.wait()


def _grouped_body(texp_ref, xg_ref, wg_ref, wu_ref, wd_ref, yg_ref):
    @pl.when(pl.program_id(0) < texp_ref[127])
    def _():
        xb = xg_ref[...]
        hg = jnp.dot(xb, wg_ref[0], preferred_element_type=jnp.float32)
        hu = jnp.dot(xb, wu_ref[0], preferred_element_type=jnp.float32)
        h = (hg * jax.nn.sigmoid(hg)) * hu
        yg_ref[...] = jnp.dot(h, wd_ref[0], preferred_element_type=jnp.float32)


def _shared_body(x_ref, wsg_ref, wsu_ref, wsd_ref, out_ref):
    xb = x_ref[...]
    hg = jnp.dot(xb, wsg_ref[...], preferred_element_type=jnp.float32)
    hu = jnp.dot(xb, wsu_ref[...], preferred_element_type=jnp.float32)
    h = (hg * jax.nn.sigmoid(hg)) * hu
    out_ref[...] = jnp.dot(h, wsd_ref[...], preferred_element_type=jnp.float32)


def _sc_combine_body(yg_hbm, sh_hbm, pe_hbm, po_hbm, w0_hbm, w1_hbm, out_hbm,
                     ga, gb, shv, wv0, wv1, pev, pov, sem):
    wid = lax.axis_index("s") * 2 + lax.axis_index("c")
    base = wid * TPW
    for c in range(2):
        b = base + c * CH
        pltpu.sync_copy(pe_hbm.at[pl.ds(b, CH)], pev)
        pltpu.sync_copy(po_hbm.at[pl.ds(b, CH)], pov)
        pltpu.sync_copy(w0_hbm.at[pl.ds(b, CH), :], wv0)
        pltpu.sync_copy(w1_hbm.at[pl.ds(b, CH), :], wv1)
        g1 = pltpu.async_copy(yg_hbm.at[pev], ga, sem)
        g2 = pltpu.async_copy(yg_hbm.at[pov], gb, sem)
        g3 = pltpu.async_copy(sh_hbm.at[pl.ds(b, CH), :], shv, sem)
        g1.wait()
        g2.wait()
        g3.wait()

        def row(r, _):
            wa = wv0[r, pl.ds(0, 16)]
            wb = wv1[r, pl.ds(0, 16)]
            for cc in range(D // 16):
                sl = pl.ds(cc * 16, 16)
                ga[r, sl] = ga[r, sl] * wa + gb[r, sl] * wb + shv[r, sl]
            return 0

        lax.fori_loop(0, CH, row, 0)
        pltpu.sync_copy(ga, out_hbm.at[pl.ds(b, CH), :])


def kernel(hidden_states, W_router, Wg, Wu, Wd, Ws_g, Ws_u, Ws_d):
    x = hidden_states
    FS = Ws_g.shape[1]
    wr_pad = jnp.zeros((D, 128), jnp.float32).at[:, :E].set(W_router)

    pe2, po2, w02, w12, texp2 = pl.pallas_call(
        _dispatch_body,
        grid=(1,),
        in_specs=[
            pl.BlockSpec((T, D), lambda i: (0, 0)),
            pl.BlockSpec((D, 128), lambda i: (0, 0)),
        ],
        out_specs=[
            pl.BlockSpec((T, 1), lambda i: (0, 0)),
            pl.BlockSpec((T, 1), lambda i: (0, 0)),
            pl.BlockSpec((T, 128), lambda i: (0, 0)),
            pl.BlockSpec((T, 128), lambda i: (0, 0)),
            pl.BlockSpec((1, 128), lambda i: (0, 0)),
        ],
        out_shape=[
            jax.ShapeDtypeStruct((T, 1), jnp.int32),
            jax.ShapeDtypeStruct((T, 1), jnp.int32),
            jax.ShapeDtypeStruct((T, 128), jnp.float32),
            jax.ShapeDtypeStruct((T, 128), jnp.float32),
            jax.ShapeDtypeStruct((1, 128), jnp.int32),
        ],
        scratch_shapes=[pltpu.VMEM((T, 128), jnp.float32),
                        pltpu.VMEM((T, 128), jnp.float32)],
    )(x, wr_pad)

    pe = pe2.reshape(T)
    po = po2.reshape(T)
    texp_arr = texp2.reshape(128)

    ST = 512
    shared = pl.pallas_call(
        _shared_body,
        grid=(T // ST,),
        in_specs=[
            pl.BlockSpec((ST, D), lambda t: (t, 0)),
            pl.BlockSpec((D, FS), lambda t: (0, 0)),
            pl.BlockSpec((D, FS), lambda t: (0, 0)),
            pl.BlockSpec((FS, D), lambda t: (0, 0)),
        ],
        out_specs=pl.BlockSpec((ST, D), lambda t: (t, 0)),
        out_shape=jax.ShapeDtypeStruct((T, D), jnp.float32),
        compiler_params=pltpu.CompilerParams(
            dimension_semantics=("arbitrary",)),
    )(x, Ws_g, Ws_u, Ws_d)

    mesh = plsc.VectorSubcoreMesh(core_axis_name="c", subcore_axis_name="s")
    xg = pl.kernel(
        _sc_scatter_body,
        out_type=jax.ShapeDtypeStruct((A_PAD, D), jnp.float32),
        mesh=mesh,
        scratch_types=[
            pltpu.VMEM((TPW, D), jnp.float32),
            pltpu.VMEM((TPW,), jnp.int32),
            pltpu.VMEM((TPW,), jnp.int32),
            pltpu.SemaphoreType.DMA,
        ],
    )(x, pe, po)

    yg = pl.pallas_call(
        _grouped_body,
        grid_spec=pltpu.PrefetchScalarGridSpec(
            num_scalar_prefetch=1,
            grid=(NT,),
            in_specs=[
                pl.BlockSpec(
                    (TM, D),
                    lambda i, s: (jnp.minimum(i, s[127] - 1), 0)),
                pl.BlockSpec(
                    (1, D, F),
                    lambda i, s: (s[jnp.minimum(i, s[127] - 1)], 0, 0)),
                pl.BlockSpec(
                    (1, D, F),
                    lambda i, s: (s[jnp.minimum(i, s[127] - 1)], 0, 0)),
                pl.BlockSpec(
                    (1, F, D),
                    lambda i, s: (s[jnp.minimum(i, s[127] - 1)], 0, 0)),
            ],
            out_specs=pl.BlockSpec(
                (TM, D), lambda i, s: (jnp.minimum(i, s[127] - 1), 0)),
        ),
        out_shape=jax.ShapeDtypeStruct((A_PAD, D), jnp.float32),
        compiler_params=pltpu.CompilerParams(
            dimension_semantics=("arbitrary",)),
    )(texp_arr, xg, Wg, Wu, Wd)

    out = pl.kernel(
        _sc_combine_body,
        out_type=jax.ShapeDtypeStruct((T, D), jnp.float32),
        mesh=mesh,
        scratch_types=[
            pltpu.VMEM((CH, D), jnp.float32),
            pltpu.VMEM((CH, D), jnp.float32),
            pltpu.VMEM((CH, D), jnp.float32),
            pltpu.VMEM((CH, 128), jnp.float32),
            pltpu.VMEM((CH, 128), jnp.float32),
            pltpu.VMEM((CH,), jnp.int32),
            pltpu.VMEM((CH,), jnp.int32),
            pltpu.SemaphoreType.DMA,
        ],
    )(yg, shared, pe, po, w02, w12)
    return out

# --- scband reference (transcript-rebuilt; emitter-appended) ---
"""Pipeline reference for scband-axk1-model-35442070126889 (READ-ONLY COPY).

The authoritative reference and input builder live on the scoring server;
editing this copy changes nothing except your own understanding.
"""

import jax, jax.numpy as jnp
import numpy as np

T = 2048   # batch(1) * seq_len(2048) tokens
D = 1024   # d_model
E = 8      # n_routed_experts
K = 2      # top_k
F = 704    # moe_intermediate_size per routed expert
FS = 1408  # shared expert intermediate (n_shared_experts=2 * 704)
ROUTED_SCALING = 1.0


def setup_inputs(seed: int = 0) -> dict:
    key = jax.random.key(seed)
    ks = jax.random.split(key, 9)
    x = jax.random.normal(ks[0], (T, D), dtype=jnp.float32)
    W_router = jax.random.normal(ks[1], (D, E), dtype=jnp.float32) * 0.02
    Wg = jax.random.normal(ks[2], (E, D, F), dtype=jnp.float32) * 0.02
    Wu = jax.random.normal(ks[3], (E, D, F), dtype=jnp.float32) * 0.02
    Wd = jax.random.normal(ks[4], (E, F, D), dtype=jnp.float32) * 0.02
    Ws_g = jax.random.normal(ks[5], (D, FS), dtype=jnp.float32) * 0.02
    Ws_u = jax.random.normal(ks[6], (D, FS), dtype=jnp.float32) * 0.02
    Ws_d = jax.random.normal(ks[7], (FS, D), dtype=jnp.float32) * 0.02
    return {"hidden_states": x, "W_router": W_router, "Wg": Wg, "Wu": Wu,
            "Wd": Wd, "Ws_g": Ws_g, "Ws_u": Ws_u, "Ws_d": Ws_d}


def reference(hidden_states, W_router, Wg, Wu, Wd, Ws_g, Ws_u, Ws_d):
    x = hidden_states
    # ---- router (softmax scoring, top-k, renormalize) ----
    router_logits = x @ W_router                       # [T, E]
    scores = jax.nn.softmax(router_logits, axis=-1)    # [T, E]
    topk_w, topk_idx = jax.lax.top_k(scores, K)        # [T, K]
    topk_w = topk_w / jnp.sum(topk_w, axis=-1, keepdims=True)  # norm_topk_prob
    topk_w = topk_w * ROUTED_SCALING
    # dense combine weights via scatter-add: [T, E]
    combine_w = jnp.zeros((T, E), dtype=x.dtype).at[
        jnp.arange(T)[:, None], topk_idx].add(topk_w)
    # ---- routed experts (SwiGLU MLPs), weighted combine ----
    hg = jnp.einsum('td,edf->tef', x, Wg)              # [T, E, F]
    hu = jnp.einsum('td,edf->tef', x, Wu)              # [T, E, F]
    h = jax.nn.silu(hg) * hu
    expert_out = jnp.einsum('tef,efd->ted', h, Wd)     # [T, E, D]
    routed_out = jnp.einsum('te,ted->td', combine_w, expert_out)
    # ---- shared expert (always active) ----
    shared = (jax.nn.silu(x @ Ws_g) * (x @ Ws_u)) @ Ws_d
    return routed_out + shared

if __name__ == "__main__":
    import jax
    _d = setup_inputs()
    print(jax.jit(kernel)(*tuple(_d.values())))

</pallas_src>

<mosaic_0001>
#map = affine_map<(d0, d1) -> (0, 0)>
#map1 = affine_map<(d0, d1) -> (0)>
module attributes {stable_mosaic.version = 14 : i64} {
  func.func @_sc_combine_body(%arg0: i32, %arg1: i32, %arg2: memref<6144x1024xf32, #tpu.memory_space<hbm>>, %arg3: memref<2048x1024xf32, #tpu.memory_space<hbm>>, %arg4: memref<2048xi32, #tpu.memory_space<hbm>>, %arg5: memref<2048xi32, #tpu.memory_space<hbm>>, %arg6: memref<2048x128xf32, #tpu.memory_space<hbm>>, %arg7: memref<2048x128xf32, #tpu.memory_space<hbm>>, %arg8: memref<2048x1024xf32, #tpu.memory_space<hbm>>, %arg9: memref<32x1024xf32, #tpu.memory_space<vmem>>, %arg10: memref<32x1024xf32, #tpu.memory_space<vmem>>, %arg11: memref<32x1024xf32, #tpu.memory_space<vmem>>, %arg12: memref<32x128xf32, #tpu.memory_space<vmem>>, %arg13: memref<32x128xf32, #tpu.memory_space<vmem>>, %arg14: memref<32xi32, #tpu.memory_space<vmem>>, %arg15: memref<32xi32, #tpu.memory_space<vmem>>, %arg16: memref<!tpu.dma_semaphore, #tpu.memory_space<semaphore_mem>>) attributes {dimension_semantics = [#tpu.dimension_semantics<core_parallel>, #tpu.dimension_semantics<subcore_parallel>], iteration_bounds = array<i64: 2, 16>, scalar_prefetch = 0 : i64, scratch_operands = 8 : i64, tpu.core_type = #tpu.core_type<sc_vector_subcore>, window_params = [{transform_indices = #map}, {transform_indices = #map}, {transform_indices = #map1}, {transform_indices = #map1}, {transform_indices = #map}, {transform_indices = #map}, {transform_indices = #map}]} {
    %mul3A = arith.constant 2 : i32
    %mul3A_0 = arith.muli %arg1, %mul3A : i32
    %add3A = arith.addi %mul3A_0, %arg0 : i32
    %mul3A_1 = arith.constant 64 : i32
    %mul3A_2 = arith.muli %add3A, %mul3A_1 : i32
    %add3A_3 = arith.constant 0 : i32
    %add3A_4 = arith.addi %mul3A_2, %add3A_3 : i32
    "tpu.region"() ({
      %run_scoped3A = tpu.sem_alloc : memref<!tpu.dma_semaphore, #tpu.memory_space<semaphore_mem>>
      %dma_start3A_58 = tpu.memref_slice %arg4[%add3A_4] : memref<2048xi32, #tpu.memory_space<hbm>> -> memref<32xi32, #tpu.memory_space<hbm>>
      %dma_start3A_59 = tpu.memref_slice %arg4[%add3A_4] : memref<2048xi32, #tpu.memory_space<hbm>> -> memref<32xi32, #tpu.memory_space<hbm>>
      tpu.enqueue_dma source(%dma_start3A_59 : memref<32xi32, #tpu.memory_space<hbm>>) target(%arg14 : memref<32xi32, #tpu.memory_space<vmem>>) target_semaphore(%run_scoped3A : memref<!tpu.dma_semaphore, #tpu.memory_space<semaphore_mem>>)
      %dma_wait3A_60 = tpu.memref_slice %arg4[%add3A_4] : memref<2048xi32, #tpu.memory_space<hbm>> -> memref<32xi32, #tpu.memory_space<hbm>>
      %dma_wait3A_61 = tpu.memref_slice %arg4[%add3A_4] : memref<2048xi32, #tpu.memory_space<hbm>> -> memref<32xi32, #tpu.memory_space<hbm>>
      tpu.wait_dma2 semaphore(%run_scoped3A : memref<!tpu.dma_semaphore, #tpu.memory_space<semaphore_mem>>) src(%dma_wait3A_61 : memref<32xi32, #tpu.memory_space<hbm>>) dst(%arg14 : memref<32xi32, #tpu.memory_space<vmem>>)
      tpu.yield
    }) : () -> ()
    "tpu.region"() ({
      %run_scoped3A = tpu.sem_alloc : memref<!tpu.dma_semaphore, #tpu.memory_space<semaphore_mem>>
      %dma_start3A_58 = tpu.memref_slice %arg5[%add3A_4] : memref<2048xi32, #tpu.memory_space<hbm>> -> memref<32xi32, #tpu.memory_space<hbm>>
      %dma_start3A_59 = tpu.memref_slice %arg5[%add3A_4] : memref<2048xi32, #tpu.memory_space<hbm>> -> memref<32xi32, #tpu.memory_space<hbm>>
      tpu.enqueue_dma source(%dma_start3A_59 : memref<32xi32, #tpu.memory_space<hbm>>) target(%arg15 : memref<32xi32, #tpu.memory_space<vmem>>) target_semaphore(%run_scoped3A : memref<!tpu.dma_semaphore, #tpu.memory_space<semaphore_mem>>)
      %dma_wait3A_60 = tpu.memref_slice %arg5[%add3A_4] : memref<2048xi32, #tpu.memory_space<hbm>> -> memref<32xi32, #tpu.memory_space<hbm>>
      %dma_wait3A_61 = tpu.memref_slice %arg5[%add3A_4] : memref<2048xi32, #tpu.memory_space<hbm>> -> memref<32xi32, #tpu.memory_space<hbm>>
      tpu.wait_dma2 semaphore(%run_scoped3A : memref<!tpu.dma_semaphore, #tpu.memory_space<semaphore_mem>>) src(%dma_wait3A_61 : memref<32xi32, #tpu.memory_space<hbm>>) dst(%arg15 : memref<32xi32, #tpu.memory_space<vmem>>)
      tpu.yield
    }) : () -> ()
    "tpu.region"() ({
      %run_scoped3A = tpu.sem_alloc : memref<!tpu.dma_semaphore, #tpu.memory_space<semaphore_mem>>
      %dma_start3A_58 = arith.constant 0 : i32
      %dma_start3A_59 = tpu.memref_slice %arg6[%add3A_4, %dma_start3A_58] : memref<2048x128xf32, #tpu.memory_space<hbm>> -> memref<32x128xf32, #tpu.memory_space<hbm>>
      %dma_start3A_60 = arith.constant 0 : i32
      %dma_start3A_61 = tpu.memref_slice %arg6[%add3A_4, %dma_start3A_60] : memref<2048x128xf32, #tpu.memory_space<hbm>> -> memref<32x128xf32, #tpu.memory_space<hbm>>
      tpu.enqueue_dma source(%dma_start3A_61 : memref<32x128xf32, #tpu.memory_space<hbm>>) target(%arg12 : memref<32x128xf32, #tpu.memory_space<vmem>>) target_semaphore(%run_scoped3A : memref<!tpu.dma_semaphore, #tpu.memory_space<semaphore_mem>>)
      %dma_wait3A_62 = arith.constant 0 : i32
      %dma_wait3A_63 = tpu.memref_slice %arg6[%add3A_4, %dma_wait3A_62] : memref<2048x128xf32, #tpu.memory_space<hbm>> -> memref<32x128xf32, #tpu.memory_space<hbm>>
      %dma_wait3A_64 = arith.constant 0 : i32
      %dma_wait3A_65 = tpu.memref_slice %arg6[%add3A_4, %dma_wait3A_64] : memref<2048x128xf32, #tpu.memory_space<hbm>> -> memref<32x128xf32, #tpu.memory_space<hbm>>
      tpu.wait_dma2 semaphore(%run_scoped3A : memref<!tpu.dma_semaphore, #tpu.memory_space<semaphore_mem>>) src(%dma_wait3A_65 : memref<32x128xf32, #tpu.memory_space<hbm>>) dst(%arg12 : memref<32x128xf32, #tpu.memory_space<vmem>>)
      tpu.yield
    }) : () -> ()
    "tpu.region"() ({
      %run_scoped3A = tpu.sem_alloc : memref<!tpu.dma_semaphore, #tpu.memory_space<semaphore_mem>>
      %dma_start3A_58 = arith.constant 0 : i32
      %dma_start3A_59 = tpu.memref_slice %arg7[%add3A_4, %dma_start3A_58] : memref<2048x128xf32, #tpu.memory_space<hbm>> -> memref<32x128xf32, #tpu.memory_space<hbm>>
      %dma_start3A_60 = arith.constant 0 : i32
      %dma_start3A_61 = tpu.memref_slice %arg7[%add3A_4, %dma_start3A_60] : memref<2048x128xf32, #tpu.memory_space<hbm>> -> memref<32x128xf32, #tpu.memory_space<hbm>>
      tpu.enqueue_dma source(%dma_start3A_61 : memref<32x128xf32, #tpu.memory_space<hbm>>) target(%arg13 : memref<32x128xf32, #tpu.memory_space<vmem>>) target_semaphore(%run_scoped3A : memref<!tpu.dma_semaphore, #tpu.memory_space<semaphore_mem>>)
      %dma_wait3A_62 = arith.constant 0 : i32
      %dma_wait3A_63 = tpu.memref_slice %arg7[%add3A_4, %dma_wait3A_62] : memref<2048x128xf32, #tpu.memory_space<hbm>> -> memref<32x128xf32, #tpu.memory_space<hbm>>
      %dma_wait3A_64 = arith.constant 0 : i32
      %dma_wait3A_65 = tpu.memref_slice %arg7[%add3A_4, %dma_wait3A_64] : memref<2048x128xf32, #tpu.memory_space<hbm>> -> memref<32x128xf32, #tpu.memory_space<hbm>>
      tpu.wait_dma2 semaphore(%run_scoped3A : memref<!tpu.dma_semaphore, #tpu.memory_space<semaphore_mem>>) src(%dma_wait3A_65 : memref<32x128xf32, #tpu.memory_space<hbm>>) dst(%arg13 : memref<32x128xf32, #tpu.memory_space<vmem>>)
      tpu.yield
    }) : () -> ()
    %dma_start3A = arith.constant 0 : i32
    %dma_start3A_5 = arith.constant 0 : i32
    %dma_start3A_6 = tpu.memref_slice %arg2[%dma_start3A, %dma_start3A_5] : memref<6144x1024xf32, #tpu.memory_space<hbm>> -> memref<6144x1024xf32, #tpu.memory_space<hbm>>
    tpu.enqueue_indirect_dma source(%dma_start3A_6 : memref<6144x1024xf32, #tpu.memory_space<hbm>>) target(%arg9 : memref<32x1024xf32, #tpu.memory_space<vmem>>) offsets(%arg14 : memref<32xi32, #tpu.memory_space<vmem>>) semaphore(%arg16 : memref<!tpu.dma_semaphore, #tpu.memory_space<semaphore_mem>>)
    %dma_start3A_7 = arith.constant 0 : i32
    %dma_start3A_8 = arith.constant 0 : i32
    %dma_start3A_9 = tpu.memref_slice %arg2[%dma_start3A_7, %dma_start3A_8] : memref<6144x1024xf32, #tpu.memory_space<hbm>> -> memref<6144x1024xf32, #tpu.memory_space<hbm>>
    tpu.enqueue_indirect_dma source(%dma_start3A_9 : memref<6144x1024xf32, #tpu.memory_space<hbm>>) target(%arg10 : memref<32x1024xf32, #tpu.memory_space<vmem>>) offsets(%arg15 : memref<32xi32, #tpu.memory_space<vmem>>) semaphore(%arg16 : memref<!tpu.dma_semaphore, #tpu.memory_space<semaphore_mem>>)
    %dma_start3A_10 = arith.constant 0 : i32
    %dma_start3A_11 = tpu.memref_slice %arg3[%add3A_4, %dma_start3A_10] : memref<2048x1024xf32, #tpu.memory_space<hbm>> -> memref<32x1024xf32, #tpu.memory_space<hbm>>
    %dma_start3A_12 = arith.constant 0 : i32
    %dma_start3A_13 = tpu.memref_slice %arg3[%add3A_4, %dma_start3A_12] : memref<2048x1024xf32, #tpu.memory_space<hbm>> -> memref<32x1024xf32, #tpu.memory_space<hbm>>
    tpu.enqueue_dma source(%dma_start3A_13 : memref<32x1024xf32, #tpu.memory_space<hbm>>) target(%arg11 : memref<32x1024xf32, #tpu.memory_space<vmem>>) target_semaphore(%arg16 : memref<!tpu.dma_semaphore, #tpu.memory_space<semaphore_mem>>)
    %dma_wait3A = arith.constant 0 : i32
    %dma_wait3A_14 = arith.constant 0 : i32
    %dma_wait3A_15 = tpu.memref_slice %arg2[%dma_wait3A, %dma_wait3A_14] : memref<6144x1024xf32, #tpu.memory_space<hbm>> -> memref<6144x1024xf32, #tpu.memory_space<hbm>>
    tpu.wait_indirect_dma semaphore(%arg16 : memref<!tpu.dma_semaphore, #tpu.memory_space<semaphore_mem>>) src(%dma_wait3A_15 : memref<6144x1024xf32, #tpu.memory_space<hbm>>) dst(%arg9 : memref<32x1024xf32, #tpu.memory_space<vmem>>)
    %dma_wait3A_16 = arith.constant 0 : i32
    %dma_wait3A_17 = arith.constant 0 : i32
    %dma_wait3A_18 = tpu.memref_slice %arg2[%dma_wait3A_16, %dma_wait3A_17] : memref<6144x1024xf32, #tpu.memory_space<hbm>> -> memref<6144x1024xf32, #tpu.memory_space<hbm>>
    tpu.wait_indirect_dma semaphore(%arg16 : memref<!tpu.dma_semaphore, #tpu.memory_space<semaphore_mem>>) src(%dma_wait3A_18 : memref<6144x1024xf32, #tpu.memory_space<hbm>>) dst(%arg10 : memref<32x1024xf32, #tpu.memory_space<vmem>>)
    %dma_wait3A_19 = arith.constant 0 : i32
    %dma_wait3A_20 = tpu.memref_slice %arg3[%add3A_4, %dma_wait3A_19] : memref<2048x1024xf32, #tpu.memory_space<hbm>> -> memref<32x1024xf32, #tpu.memory_space<hbm>>
    %dma_wait3A_21 = arith.constant 0 : i32
    %dma_wait3A_22 = tpu.memref_slice %arg3[%add3A_4, %dma_wait3A_21] : memref<2048x1024xf32, #tpu.memory_space<hbm>> -> memref<32x1024xf32, #tpu.memory_space<hbm>>
    tpu.wait_dma2 semaphore(%arg16 : memref<!tpu.dma_semaphore, #tpu.memory_space<semaphore_mem>>) src(%dma_wait3A_22 : memref<32x1024xf32, #tpu.memory_space<hbm>>) dst(%arg11 : memref<32x1024xf32, #tpu.memory_space<vmem>>)
    %scan3A = arith.constant 0 : i32
    %scan3A_23 = arith.constant 0 : i32
    %scan3A_24 = arith.constant 32 : i32
    %scan3A_25 = arith.addi %scan3A_23, %scan3A_24 : i32
    %scan3A_26 = arith.constant 1 : i32
    %scan3A_27 = scf.for %scan3A_58 = %scan3A_23 to %scan3A_25 step %scan3A_26 iter_args(%scan3A_59 = %scan3A) -> (i32)  : i32 {
      %get3A = arith.index_cast %scan3A_58 : i32 to index
      %get3A_60 = arith.constant 0 : index
      %get3A_61 = tpu.vector_load %arg12[%get3A, %get3A_60] {strides = array<i32>} : memref<32x128xf32, #tpu.memory_space<vmem>>, vector<1x16xf32>,
      %get3A_62 = vector.shape_cast %get3A_61 : vector<1x16xf32> to vector<16xf32>
      %get3A_63 = arith.index_cast %scan3A_58 : i32 to index
      %get3A_64 = arith.constant 0 : index
      %get3A_65 = tpu.vector_load %arg13[%get3A_63, %get3A_64] {strides = array<i32>} : memref<32x128xf32, #tpu.memory_space<vmem>>, vector<1x16xf32>,
      %get3A_66 = vector.shape_cast %get3A_65 : vector<1x16xf32> to vector<16xf32>
      %get3A_67 = arith.index_cast %scan3A_58 : i32 to index
      %get3A_68 = arith.constant 0 : index
      %get3A_69 = tpu.vector_load %arg9[%get3A_67, %get3A_68] {strides = array<i32>} : memref<32x1024xf32, #tpu.memory_space<vmem>>, vector<1x16xf32>,
      %get3A_70 = vector.shape_cast %get3A_69 : vector<1x16xf32> to vector<16xf32>
      %mul3A_71 = arith.mulf %get3A_70, %get3A_62 : vector<16xf32>
      %get3A_72 = arith.index_cast %scan3A_58 : i32 to index
      %get3A_73 = arith.constant 0 : index
      %get3A_74 = tpu.vector_load %arg10[%get3A_72, %get3A_73] {strides = array<i32>} : memref<32x1024xf32, #tpu.memory_space<vmem>>, vector<1x16xf32>,
      %get3A_75 = vector.shape_cast %get3A_74 : vector<1x16xf32> to vector<16xf32>
      %mul3A_76 = arith.mulf %get3A_75, %get3A_66 : vector<16xf32>
      %add3A_77 = arith.addf %mul3A_71, %mul3A_76 : vector<16xf32>
      %get3A_78 = arith.index_cast %scan3A_58 : i32 to index
      %get3A_79 = arith.constant 0 : index
      %get3A_80 = tpu.vector_load %arg11[%get3A_78, %get3A_79] {strides = array<i32>} : memref<32x1024xf32, #tpu.memory_space<vmem>>, vector<1x16xf32>,
      %get3A_81 = vector.shape_cast %get3A_80 : vector<1x16xf32> to vector<16xf32>
      %add3A_82 = arith.addf %add3A_77, %get3A_81 : vector<16xf32>
      %swap3A = arith.index_cast %scan3A_58 : i32 to index
      %swap3A_83 = arith.constant 0 : index
      %swap3A_84 = tpu.vector_load %arg9[%swap3A, %swap3A_83] {strides = array<i32>} : memref<32x1024xf32, #tpu.memory_space<vmem>>, vector<1x16xf32>,
      %swap3A_85 = vector.shape_cast %swap3A_84 : vector<1x16xf32> to vector<16xf32>
      %swap3A_86 = vector.shape_cast %add3A_82 : vector<16xf32> to vector<1x16xf32>
      tpu.vector_store %arg9[%swap3A, %swap3A_83], %swap3A_86 {strides = array<i32>} : memref<32x1024xf32, #tpu.memory_space<vmem>>, vector<1x16xf32>,
      %get3A_87 = arith.index_cast %scan3A_58 : i32 to index
      %get3A_88 = arith.constant 16 : index
      %get3A_89 = tpu.vector_load %arg9[%get3A_87, %get3A_88] {strides = array<i32>} : memref<32x1024xf32, #tpu.memory_space<vmem>>, vector<1x16xf32>,
      %get3A_90 = vector.shape_cast %get3A_89 : vector<1x16xf32> to vector<16xf32>
      %mul3A_91 = arith.mulf %get3A_90, %get3A_62 : vector<16xf32>
      %get3A_92 = arith.index_cast %scan3A_58 : i32 to index
      %get3A_93 = arith.constant 16 : index
      %get3A_94 = tpu.vector_load %arg10[%get3A_92, %get3A_93] {strides = array<i32>} : memref<32x1024xf32, #tpu.memory_space<vmem>>, vector<1x16xf32>,
      %get3A_95 = vector.shape_cast %get3A_94 : vector<1x16xf32> to vector<16xf32>
      %mul3A_96 = arith.mulf %get3A_95, %get3A_66 : vector<16xf32>
      %add3A_97 = arith.addf %mul3A_91, %mul3A_96 : vector<16xf32>
      %get3A_98 = arith.index_cast %scan3A_58 : i32 to index
      %get3A_99 = arith.constant 16 : index
      %get3A_100 = tpu.vector_load %arg11[%get3A_98, %get3A_99] {strides = array<i32>} : memref<32x1024xf32, #tpu.memory_space<vmem>>, vector<1x16xf32>,
      %get3A_101 = vector.shape_cast %get3A_100 : vector<1x16xf32> to vector<16xf32>
      %add3A_102 = arith.addf %add3A_97, %get3A_101 : vector<16xf32>
      %swap3A_103 = arith.index_cast %scan3A_58 : i32 to index
      %swap3A_104 = arith.constant 16 : index
      %swap3A_105 = tpu.vector_load %arg9[%swap3A_103, %swap3A_104] {strides = array<i32>} : memref<32x1024xf32, #tpu.memory_space<vmem>>, vector<1x16xf32>,
      %swap3A_106 = vector.shape_cast %swap3A_105 : vector<1x16xf32> to vector<16xf32>
      %swap3A_107 = vector.shape_cast %add3A_102 : vector<16xf32> to vector<1x16xf32>
      tpu.vector_store %arg9[%swap3A_103, %swap3A_104], %swap3A_107 {strides = array<i32>} : memref<32x1024xf32, #tpu.memory_space<vmem>>, vector<1x16xf32>,
      %get3A_108 = arith.index_cast %scan3A_58 : i32 to index
      %get3A_109 = arith.constant 32 : index
      %get3A_110 = tpu.vector_load %arg9[%get3A_108, %get3A_109] {strides = array<i32>} : memref<32x1024xf32, #tpu.memory_space<vmem>>, vector<1x16xf32>,
      %get3A_111 = vector.shape_cast %get3A_110 : vector<1x16xf32> to vector<16xf32>
      %mul3A_112 = arith.mulf %get3A_111, %get3A_62 : vector<16xf32>
      %get3A_113 = arith.index_cast %scan3A_58 : i32 to index
      %get3A_114 = arith.constant 32 : index
      %get3A_115 = tpu.vector_load %arg10[%get3A_113, %get3A_114] {strides = array<i32>} : memref<32x1024xf32, #tpu.memory_space<vmem>>, vector<1x16xf32>,
      %get3A_116 = vector.shape_cast %get3A_115 : vector<1x16xf32> to vector<16xf32>
      %mul3A_117 = arith.mulf %get3A_116, %get3A_66 : vector<16xf32>
      %add3A_118 = arith.addf %mul3A_112, %mul3A_117 : vector<16xf32>
      %get3A_119 = arith.index_cast %scan3A_58 : i32 to index
      %get3A_120 = arith.constant 32 : index
      %get3A_121 = tpu.vector_load %arg11[%get3A_119, %get3A_120] {strides = array<i32>} : memref<32x1024xf32, #tpu.memory_space<vmem>>, vector<1x16xf32>,
      %get3A_122 = vector.shape_cast %get3A_121 : vector<1x16xf32> to vector<16xf32>
      %add3A_123 = arith.addf %add3A_118, %get3A_122 : vector<16xf32>
      %swap3A_124 = arith.index_cast %scan3A_58 : i32 to index
      %swap3A_125 = arith.constant 32 : index
      %swap3A_126 = tpu.vector_load %arg9[%swap3A_124, %swap3A_125] {strides = array<i32>} : memref<32x1024xf32, #tpu.memory_space<vmem>>, vector<1x16xf32>,
      %swap3A_127 = vector.shape_cast %swap3A_126 : vector<1x16xf32> to vector<16xf32>
      %swap3A_128 = vector.shape_cast %add3A_123 : vector<16xf32> to vector<1x16xf32>
      tpu.vector_store %arg9[%swap3A_124, %swap3A_125], %swap3A_128 {strides = array<i32>} : memref<32x1024xf32, #tpu.memory_space<vmem>>, vector<1x16xf32>,
      %get3A_129 = arith.index_cast %scan3A_58 : i32 to index
      %get3A_130 = arith.constant 48 : index
      %get3A_131 = tpu.vector_load %arg9[%get3A_129, %get3A_130] {strides = array<i32>} : memref<32x1024xf32, #tpu.memory_space<vmem>>, vector<1x16xf32>,
      %get3A_132 = vector.shape_cast %get3A_131 : vector<1x16xf32> to vector<16xf32>
      %mul3A_133 = arith.mulf %get3A_132, %get3A_62 : vector<16xf32>
      %get3A_134 = arith.index_cast %scan3A_58 : i32 to index
      %get3A_135 = arith.constant 48 : index
      %get3A_136 = tpu.vector_load %arg10[%get3A_134, %get3A_135] {strides = array<i32>} : memref<32x1024xf32, #tpu.memory_space<vmem>>, vector<1x16xf32>,
      %get3A_137 = vector.shape_cast %get3A_136 : vector<1x16xf32> to vector<16xf32>
      %mul3A_138 = arith.mulf %get3A_137, %get3A_66 : vector<16xf32>
      %add3A_139 = arith.addf %mul3A_133, %mul3A_138 : vector<16xf32>
      %get3A_140 = arith.index_cast %scan3A_58 : i32 to index
      %get3A_141 = arith.constant 48 : index
      %get3A_142 = tpu.vector_load %arg11[%get3A_140, %get3A_141] {strides = array<i32>} : memref<32x1024xf32, #tpu.memory_space<vmem>>, vector<1x16xf32>,
      %get3A_143 = vector.shape_cast %get3A_142 : vector<1x16xf32> to vector<16xf32>
      %add3A_144 = arith.addf %add3A_139, %get3A_143 : vector<16xf32>
      %swap3A_145 = arith.index_cast %scan3A_58 : i32 to index
      %swap3A_146 = arith.constant 48 : index
      %swap3A_147 = tpu.vector_load %arg9[%swap3A_145, %swap3A_146] {strides = array<i32>} : memref<32x1024xf32, #tpu.memory_space<vmem>>, vector<1x16xf32>,
      %swap3A_148 = vector.shape_cast %swap3A_147 : vector<1x16xf32> to vector<16xf32>
      %swap3A_149 = vector.shape_cast %add3A_144 : vector<16xf32> to vector<1x16xf32>
      tpu.vector_store %arg9[%swap3A_145, %swap3A_146], %swap3A_149 {strides = array<i32>} : memref<32x1024xf32, #tpu.memory_space<vmem>>, vector<1x16xf32>,
      %get3A_150 = arith.index_cast %scan3A_58 : i32 to index
      %get3A_151 = arith.constant 64 : index
      %get3A_152 = tpu.vector_load %arg9[%get3A_150, %get3A_151] {strides = array<i32>} : memref<32x1024xf32, #tpu.memory_space<vmem>>, vector<1x16xf32>,
      %get3A_153 = vector.shape_cast %get3A_152 : vector<1x16xf32> to vector<16xf32>
      %mul3A_154 = arith.mulf %get3A_153, %get3A_62 : vector<16xf32>
      %get3A_155 = arith.index_cast %scan3A_58 : i32 to index
      %get3A_156 = arith.constant 64 : index
      %get3A_157 = tpu.vector_load %arg10[%get3A_155, %get3A_156] {strides = array<i32>} : memref<32x1024xf32, #tpu.memory_space<vmem>>, vector<1x16xf32>,
      %get3A_158 = vector.shape_cast %get3A_157 : vector<1x16xf32> to vector<16xf32>
      %mul3A_159 = arith.mulf %get3A_158, %get3A_66 : vector<16xf32>
      %add3A_160 = arith.addf %mul3A_154, %mul3A_159 : vector<16xf32>
      %get3A_161 = arith.index_cast %scan3A_58 : i32 to index
      %get3A_162 = arith.constant 64 : index
      %get3A_163 = tpu.vector_load %arg11[%get3A_161, %get3A_162] {strides = array<i32>} : memref<32x1024xf32, #tpu.memory_space<vmem>>, vector<1x16xf32>,
      %get3A_164 = vector.shape_cast %get3A_163 : vector<1x16xf32> to vector<16xf32>
      %add3A_165 = arith.addf %add3A_160, %get3A_164 : vector<16xf32>
      %swap3A_166 = arith.index_cast %scan3A_58 : i32 to index
      %swap3A_167 = arith.constant 64 : index
      %swap3A_168 = tpu.vector_load %arg9[%swap3A_166, %swap3A_167] {strides = array<i32>} : memref<32x1024xf32, #tpu.memory_space<vmem>>, vector<1x16xf32>,
      %swap3A_169 = vector.shape_cast %swap3A_168 : vector<1x16xf32> to vector<16xf32>
      %swap3A_170 = vector.shape_cast %add3A_165 : vector<16xf32> to vector<1x16xf32>
      tpu.vector_store %arg9[%swap3A_166, %swap3A_167], %swap3A_170 {strides = array<i32>} : memref<32x1024xf32, #tpu.memory_space<vmem>>, vector<1x16xf32>,
      %get3A_171 = arith.index_cast %scan3A_58 : i32 to index
      %get3A_172 = arith.constant 80 : index
      %get3A_173 = tpu.vector_load %arg9[%get3A_171, %get3A_172] {strides = array<i32>} : memref<32x1024xf32, #tpu.memory_space<vmem>>, vector<1x16xf32>,
      %get3A_174 = vector.shape_cast %get3A_173 : vector<1x16xf32> to vector<16xf32>
      %mul3A_175 = arith.mulf %get3A_174, %get3A_62 : vector<16xf32>
      %get3A_176 = arith.index_cast %scan3A_58 : i32 to index
      %get3A_177 = arith.constant 80 : index
      %get3A_178 = tpu.vector_load %arg10[%get3A_176, %get3A_177] {strides = array<i32>} : memref<32x1024xf32, #tpu.memory_space<vmem>>, vector<1x16xf32>,
      %get3A_179 = vector.shape_cast %get3A_178 : vector<1x16xf32> to vector<16xf32>
      %mul3A_180 = arith.mulf %get3A_179, %get3A_66 : vector<16xf32>
      %add3A_181 = arith.addf %mul3A_175, %mul3A_180 : vector<16xf32>
      %get3A_182 = arith.index_cast %scan3A_58 : i32 to index
      %get3A_183 = arith.constant 80 : index
      %get3A_184 = tpu.vector_load %arg11[%get3A_182, %get3A_183] {strides = array<i32>} : memref<32x1024xf32, #tpu.memory_space<vmem>>, vector<1x16xf32>,
      %get3A_185 = vector.shape_cast %get3A_184 : vector<1x16xf32> to vector<16xf32>
      %add3A_186 = arith.addf %add3A_181, %get3A_185 : vector<16xf32>
      %swap3A_187 = arith.index_cast %scan3A_58 : i32 to index
      %swap3A_188 = arith.constant 80 : index
      %swap3A_189 = tpu.vector_load %arg9[%swap3A_187, %swap3A_188] {strides = array<i32>} : memref<32x1024xf32, #tpu.memory_space<vmem>>, vector<1x16xf32>,
      %swap3A_190 = vector.shape_cast %swap3A_189 : vector<1x16xf32> to vector<16xf32>
      %swap3A_191 = vector.shape_cast %add3A_186 : vector<16xf32> to vector<1x16xf32>
      tpu.vector_store %arg9[%swap3A_187, %swap3A_188], %swap3A_191 {strides = array<i32>} : memref<32x1024xf32, #tpu.memory_space<vmem>>, vector<1x16xf32>,
      %get3A_192 = arith.index_cast %scan3A_58 : i32 to index
      %get3A_193 = arith.constant 96 : index
      %get3A_194 = tpu.vector_load %arg9[%get3A_192, %get3A_193] {strides = array<i32>} : memref<32x1024xf32, #tpu.memory_space<vmem>>, vector<1x16xf32>,
      %get3A_195 = vector.shape_cast %get3A_194 : vector<1x16xf32> to vector<16xf32>
      %mul3A_196 = arith.mulf %get3A_195, %get3A_62 : vector<16xf32>
      %get3A_197 = arith.index_cast %scan3A_58 : i32 to index
      %get3A_198 = arith.constant 96 : index
      %get3A_199 = tpu.vector_load %arg10[%get3A_197, %get3A_198] {strides = array<i32>} : memref<32x1024xf32, #tpu.memory_space<vmem>>, vector<1x16xf32>,
      %get3A_200 = vector.shape_cast %get3A_199 : vector<1x16xf32> to vector<16xf32>
      %mul3A_201 = arith.mulf %get3A_200, %get3A_66 : vector<16xf32>
      %add3A_202 = arith.addf %mul3A_196, %mul3A_201 : vector<16xf32>
      %get3A_203 = arith.index_cast %scan3A_58 : i32 to index
      %get3A_204 = arith.constant 96 : index
      %get3A_205 = tpu.vector_load %arg11[%get3A_203, %get3A_204] {strides = array<i32>} : memref<32x1024xf32, #tpu.memory_space<vmem>>, vector<1x16xf32>,
      %get3A_206 = vector.shape_cast %get3A_205 : vector<1x16xf32> to vector<16xf32>
      %add3A_207 = arith.addf %add3A_202, %get3A_206 : vector<16xf32>
      %swap3A_208 = arith.index_cast %scan3A_58 : i32 to index
      %swap3A_209 = arith.constant 96 : index
      %swap3A_210 = tpu.vector_load %arg9[%swap3A_208, %swap3A_209] {strides = array<i32>} : memref<32x1024xf32, #tpu.memory_space<vmem>>, vector<1x16xf32>,
      %swap3A_211 = vector.shape_cast %swap3A_210 : vector<1x16xf32> to vector<16xf32>
      %swap3A_212 = vector.shape_cast %add3A_207 : vector<16xf32> to vector<1x16xf32>
      tpu.vector_store %arg9[%swap3A_208, %swap3A_209], %swap3A_212 {strides = array<i32>} : memref<32x1024xf32, #tpu.memory_space<vmem>>, vector<1x16xf32>,
      %get3A_213 = arith.index_cast %scan3A_58 : i32 to index
      %get3A_214 = arith.constant 112 : index
      %get3A_215 = tpu.vector_load %arg9[%get3A_213, %get3A_214] {strides = array<i32>} : memref<32x1024xf32, #tpu.memory_space<vmem>>, vector<1x16xf32>,
      %get3A_216 = vector.shape_cast %get3A_215 : vector<1x16xf32> to vector<16xf32>
      %mul3A_217 = arith.mulf %get3A_216, %get3A_62 : vector<16xf32>
      %get3A_218 = arith.index_cast %scan3A_58 : i32 to index
      %get3A_219 = arith.constant 112 : index
      %get3A_220 = tpu.vector_load %arg10[%get3A_218, %get3A_219] {strides = array<i32>} : memref<32x1024xf32, #tpu.memory_space<vmem>>, vector<1x16xf32>,
      %get3A_221 = vector.shape_cast %get3A_220 : vector<1x16xf32> to vector<16xf32>
      %mul3A_222 = arith.mulf %get3A_221, %get3A_66 : vector<16xf32>
      %add3A_223 = arith.addf %mul3A_217, %mul3A_222 : vector<16xf32>
      %get3A_224 = arith.index_cast %scan3A_58 : i32 to index
      %get3A_225 = arith.constant 112 : index
      %get3A_226 = tpu.vector_load %arg11[%get3A_224, %get3A_225] {strides = array<i32>} : memref<32x1024xf32, #tpu.memory_space<vmem>>, vector<1x16xf32>,
      %get3A_227 = vector.shape_cast %get3A_226 : vector<1x16xf32> to vector<16xf32>
      %add3A_228 = arith.addf %add3A_223, %get3A_227 : vector<16xf32>
      %swap3A_229 = arith.index_cast %scan3A_58 : i32 to index
      %swap3A_230 = arith.constant 112 : index
      %swap3A_231 = tpu.vector_load %arg9[%swap3A_229, %swap3A_230] {strides = array<i32>} : memref<32x1024xf32, #tpu.memory_space<vmem>>, vector<1x16xf32>,
      %swap3A_232 = vector.shape_cast %swap3A_231 : vector<1x16xf32> to vector<16xf32>
      %swap3A_233 = vector.shape_cast %add3A_228 : vector<16xf32> to vector<1x16xf32>
      tpu.vector_store %arg9[%swap3A_229, %swap3A_230], %swap3A_233 {strides = array<i32>} : memref<32x1024xf32, #tpu.memory_space<vmem>>, vector<1x16xf32>,
      %get3A_234 = arith.index_cast %scan3A_58 : i32 to index
      %get3A_235 = arith.constant 128 : index
      %get3A_236 = tpu.vector_load %arg9[%get3A_234, %get3A_235] {strides = array<i32>} : memref<32x1024xf32, #tpu.memory_space<vmem>>, vector<1x16xf32>,
      %get3A_237 = vector.shape_cast %get3A_236 : vector<1x16xf32> to vector<16xf32>
      %mul3A_238 = arith.mulf %get3A_237, %get3A_62 : vector<16xf32>
      %get3A_239 = arith.index_cast %scan3A_58 : i32 to index
      %get3A_240 = arith.constant 128 : index
      %get3A_241 = tpu.vector_load %arg10[%get3A_239, %get3A_240] {strides = array<i32>} : memref<32x1024xf32, #tpu.memory_space<vmem>>, vector<1x16xf32>,
      %get3A_242 = vector.shape_cast %get3A_241 : vector<1x16xf32> to vector<16xf32>
      %mul3A_243 = arith.mulf %get3A_242, %get3A_66 : vector<16xf32>
      %add3A_244 = arith.addf %mul3A_238, %mul3A_243 : vector<16xf32>
      %get3A_245 = arith.index_cast %scan3A_58 : i32 to index
      %get3A_246 = arith.constant 128 : index
      %get3A_247 = tpu.vector_load %arg11[%get3A_245, %get3A_246] {strides = array<i32>} : memref<32x1024xf32, #tpu.memory_space<vmem>>, vector<1x16xf32>,
      %get3A_248 = vector.shape_cast %get3A_247 : vector<1x16xf32> to vector<16xf32>
      %add3A_249 = arith.addf %add3A_244, %get3A_248 : vector<16xf32>
      %swap3A_250 = arith.index_cast %scan3A_58 : i32 to index
      %swap3A_251 = arith.constant 128 : index
      %swap3A_252 = tpu.vector_load %arg9[%swap3A_250, %swap3A_251] {strides = array<i32>} : memref<32x1024xf32, #tpu.memory_space<vmem>>, vector<1x16xf32>,
      %swap3A_253 = vector.shape_cast %swap3A_252 : vector<1x16xf32> to vector<16xf32>
      %swap3A_254 = vector.shape_cast %add3A_249 : vector<16xf32> to vector<1x16xf32>
      tpu.vector_store %arg9[%swap3A_250, %swap3A_251], %swap3A_254 {strides = array<i32>} : memref<32x1024xf32, #tpu.memory_space<vmem>>, vector<1x16xf32>,
      %get3A_255 = arith.index_cast %scan3A_58 : i32 to index
      %get3A_256 = arith.constant 144 : index
      %get3A_257 = tpu.vector_load %arg9[%get3A_255, %get3A_256] {strides = array<i32>} : memref<32x1024xf32, #tpu.memory_space<vmem>>, vector<1x16xf32>,
      %get3A_258 = vector.shape_cast %get3A_257 : vector<1x16xf32> to vector<16xf32>
      %mul3A_259 = arith.mulf %get3A_258, %get3A_62 : vector<16xf32>
      %get3A_260 = arith.index_cast %scan3A_58 : i32 to index
      %get3A_261 = arith.constant 144 : index
      %get3A_262 = tpu.vector_load %arg10[%get3A_260, %get3A_261] {strides = array<i32>} : memref<32x1024xf32, #tpu.memory_space<vmem>>, vector<1x16xf32>,
      %get3A_263 = vector.shape_cast %get3A_262 : vector<1x16xf32> to vector<16xf32>
      %mul3A_264 = arith.mulf %get3A_263, %get3A_66 : vector<16xf32>
      %add3A_265 = arith.addf %mul3A_259, %mul3A_264 : vector<16xf32>
      %get3A_266 = arith.index_cast %scan3A_58 : i32 to index
      %get3A_267 = arith.constant 144 : index
      %get3A_268 = tpu.vector_load %arg11[%get3A_266, %get3A_267] {strides = array<i32>} : memref<32x1024xf32, #tpu.memory_space<vmem>>, vector<1x16xf32>,
      %get3A_269 = vector.shape_cast %get3A_268 : vector<1x16xf32> to vector<16xf32>
      %add3A_270 = arith.addf %add3A_265, %get3A_269 : vector<16xf32>
      %swap3A_271 = arith.index_cast %scan3A_58 : i32 to index
      %swap3A_272 = arith.constant 144 : index
      %swap3A_273 = tpu.vector_load %arg9[%swap3A_271, %swap3A_272] {strides = array<i32>} : memref<32x1024xf32, #tpu.memory_space<vmem>>, vector<1x16xf32>,
      %swap3A_274 = vector.shape_cast %swap3A_273 : vector<1x16xf32> to vector<16xf32>
      %swap3A_275 = vector.shape_cast %add3A_270 : vector<16xf32> to vector<1x16xf32>
      tpu.vector_store %arg9[%swap3A_271, %swap3A_272], %swap3A_275 {strides = array<i32>} : memref<32x1024xf32, #tpu.memory_space<vmem>>, vector<1x16xf32>,
      %get3A_276 = arith.index_cast %scan3A_58 : i32 to index
      %get3A_277 = arith.constant 160 : index
      %get3A_278 = tpu.vector_load %arg9[%get3A_276, %get3A_277] {strides = array<i32>} : memref<32x1024xf32, #tpu.memory_space<vmem>>, vector<1x16xf32>,
      %get3A_279 = vector.shape_cast %get3A_278 : vector<1x16xf32> to vector<16xf32>
      %mul3A_280 = arith.mulf %get3A_279, %get3A_62 : vector<16xf32>
      %get3A_281 = arith.index_cast %scan3A_58 : i32 to index
      %get3A_282 = arith.constant 160 : index
      %get3A_283 = tpu.vector_load %arg10[%get3A_281, %get3A_282] {strides = array<i32>} : memref<32x1024xf32, #tpu.memory_space<vmem>>, vector<1x16xf32>,
      %get3A_284 = vector.shape_cast %get3A_283 : vector<1x16xf32> to vector<16xf32>
      %mul3A_285 = arith.mulf %get3A_284, %get3A_66 : vector<16xf32>
      %add3A_286 = arith.addf %mul3A_280, %mul3A_285 : vector<16xf32>
      %get3A_287 = arith.index_cast %scan3A_58 : i32 to index
      %get3A_288 = arith.constant 160 : index
      %get3A_289 = tpu.vector_load %arg11[%get3A_287, %get3A_288] {strides = array<i32>} : memref<32x1024xf32, #tpu.memory_space<vmem>>, vector<1x16xf32>,
      %get3A_290 = vector.shape_cast %get3A_289 : vector<1x16xf32> to vector<16xf32>
      %add3A_291 = arith.addf %add3A_286, %get3A_290 : vector<16xf32>
      %swap3A_292 = arith.index_cast %scan3A_58 : i32 to index
      %swap3A_293 = arith.constant 160 : index
      %swap3A_294 = tpu.vector_load %arg9[%swap3A_292, %swap3A_293] {strides = array<i32>} : memref<32x1024xf32, #tpu.memory_space<vmem>>, vector<1x16xf32>,
      %swap3A_295 = vector.shape_cast %swap3A_294 : vector<1x16xf32> to vector<16xf32>
      %swap3A_296 = vector.shape_cast %add3A_291 : vector<16xf32> to vector<1x16xf32>
      tpu.vector_store %arg9[%swap3A_292, %swap3A_293], %swap3A_296 {strides = array<i32>} : memref<32x1024xf32, #tpu.memory_space<vmem>>, vector<1x16xf32>,
      %get3A_297 = arith.index_cast %scan3A_58 : i32 to index
      %get3A_298 = arith.constant 176 : index
      %get3A_299 = tpu.vector_load %arg9[%get3A_297, %get3A_298] {strides = array<i32>} : memref<32x1024xf32, #tpu.memory_space<vmem>>, vector<1x16xf32>,
      %get3A_300 = vector.shape_cast %get3A_299 : vector<1x16xf32> to vector<16xf32>
      %mul3A_301 = arith.mulf %get3A_300, %get3A_62 : vector<16xf32>
      %get3A_302 = arith.index_cast %scan3A_58 : i32 to index
      %get3A_303 = arith.constant 176 : index
      %get3A_304 = tpu.vector_load %arg10[%get3A_302, %get3A_303] {strides = array<i32>} : memref<32x1024xf32, #tpu.memory_space<vmem>>, vector<1x16xf32>,
      %get3A_305 = vector.shape_cast %get3A_304 : vector<1x16xf32> to vector<16xf32>
      %mul3A_306 = arith.mulf %get3A_305, %get3A_66 : vector<16xf32>
      %add3A_307 = arith.addf %mul3A_301, %mul3A_306 : vector<16xf32>
      %get3A_308 = arith.index_cast %scan3A_58 : i32 to index
      %get3A_309 = arith.constant 176 : index
      %get3A_310 = tpu.vector_load %arg11[%get3A_308, %get3A_309] {strides = array<i32>} : memref<32x1024xf32, #tpu.memory_space<vmem>>, vector<1x16xf32>,
      %get3A_311 = vector.shape_cast %get3A_310 : vector<1x16xf32> to vector<16xf32>
      %add3A_312 = arith.addf %add3A_307, %get3A_311 : vector<16xf32>
      %swap3A_313 = arith.index_cast %scan3A_58 : i32 to index
      %swap3A_314 = arith.constant 176 : index
      %swap3A_315 = tpu.vector_load %arg9[%swap3A_313, %swap3A_314] {strides = array<i32>} : memref<32x1024xf32, #tpu.memory_space<vmem>>, vector<1x16xf32>,
      %swap3A_316 = vector.shape_cast %swap3A_315 : vector<1x16xf32> to vector<16xf32>
      %swap3A_317 = vector.shape_cast %add3A_312 : vector<16xf32> to vector<1x16xf32>
      tpu.vector_store %arg9[%swap3A_313, %swap3A_314], %swap3A_317 {strides = array<i32>} : memref<32x1024xf32, #tpu.memory_space<vmem>>, vector<1x16xf32>,
      %get3A_318 = arith.index_cast %scan3A_58 : i32 to index
      %get3A_319 = arith.constant 192 : index
      %get3A_320 = tpu.vector_load %arg9[%get3A_318, %get3A_319] {strides = array<i32>} : memref<32x1024xf32, #tpu.memory_space<vmem>>, vector<1x16xf32>,
      %get3A_321 = vector.shape_cast %get3A_320 : vector<1x16xf32> to vector<16xf32>
      %mul3A_322 = arith.mulf %get3A_321, %get3A_62 : vector<16xf32>
      %get3A_323 = arith.index_cast %scan3A_58 : i32 to index
      %get3A_324 = arith.constant 192 : index
      %get3A_325 = tpu.vector_load %arg10[%get3A_323, %get3A_324] {strides = array<i32>} : memref<32x1024xf32, #tpu.memory_space<vmem>>, vector<1x16xf32>,
      %get3A_326 = vector.shape_cast %get3A_325 : vector<1x16xf32> to vector<16xf32>
      %mul3A_327 = arith.mulf %get3A_326, %get3A_66 : vector<16xf32>
      %add3A_328 = arith.addf %mul3A_322, %mul3A_327 : vector<16xf32>
      %get3A_329 = arith.index_cast %scan3A_58 : i32 to index
      %get3A_330 = arith.constant 192 : index
      %get3A_331 = tpu.vector_load %arg11[%get3A_329, %get3A_330] {strides = array<i32>} : memref<32x1024xf32, #tpu.memory_space<vmem>>, vector<1x16xf32>,
      %get3A_332 = vector.shape_cast %get3A_331 : vector<1x16xf32> to vector<16xf32>
      %add3A_333 = arith.addf %add3A_328, %get3A_332 : vector<16xf32>
      %swap3A_334 = arith.index_cast %scan3A_58 : i32 to index
      %swap3A_335 = arith.constant 192 : index
      %swap3A_336 = tpu.vector_load %arg9[%swap3A_334, %swap3A_335] {strides = array<i32>} : memref<32x1024xf32, #tpu.memory_space<vmem>>, vector<1x16xf32>,
      %swap3A_337 = vector.shape_cast %swap3A_336 : vector<1x16xf32> to vector<16xf32>
      %swap3A_338 = vector.shape_cast %add3A_333 : vector<16xf32> to vector<1x16xf32>
      tpu.vector_store %arg9[%swap3A_334, %swap3A_335], %swap3A_338 {strides = array<i32>} : memref<32x1024xf32, #tpu.memory_space<vmem>>, vector<1x16xf32>,
      %get3A_339 = arith.index_cast %scan3A_58 : i32 to index
      %get3A_340 = arith.constant 208 : index
      %get3A_341 = tpu.vector_load %arg9[%get3A_339, %get3A_340] {strides = array<i32>} : memref<32x1024xf32, #tpu.memory_space<vmem>>, vector<1x16xf32>,
      %get3A_342 = vector.shape_cast %get3A_341 : vector<1x16xf32> to vector<16xf32>
      %mul3A_343 = arith.mulf %get3A_342, %get3A_62 : vector<16xf32>
      %get3A_344 = arith.index_cast %scan3A_58 : i32 to index
      %get3A_345 = arith.constant 208 : index
      %get3A_346 = tpu.vector_load %arg10[%get3A_344, %get3A_345] {strides = array<i32>} : memref<32x1024xf32, #tpu.memory_space<vmem>>, vector<1x16xf32>,
      %get3A_347 = vector.shape_cast %get3A_346 : vector<1x16xf32> to vector<16xf32>
      %mul3A_348 = arith.mulf %get3A_347, %get3A_66 : vector<16xf32>
      %add3A_349 = arith.addf %mul3A_343, %mul3A_348 : vector<16xf32>
      %get3A_350 = arith.index_cast %scan3A_58 : i32 to index
      %get3A_351 = arith.constant 208 : index
      %get3A_352 = tpu.vector_load %arg11[%get3A_350, %get3A_351] {strides = array<i32>} : memref<32x1024xf32, #tpu.memory_space<vmem>>, vector<1x16xf32>,
      %get3A_353 = vector.shape_cast %get3A_352 : vector<1x16xf32> to vector<16xf32>
      %add3A_354 = arith.addf %add3A_349, %get3A_353 : vector<16xf32>
      %swap3A_355 = arith.index_cast %scan3A_58 : i32 to index
      %swap3A_356 = arith.constant 208 : index
      %swap3A_357 = tpu.vector_load %arg9[%swap3A_355, %swap3A_356] {strides = array<i32>} : memref<32x1024xf32, #tpu.memory_space<vmem>>, vector<1x16xf32>,
      %swap3A_358 = vector.shape_cast %swap3A_357 : vector<1x16xf32> to vector<16xf32>
      %swap3A_359 = vector.shape_cast %add3A_354 : vector<16xf32> to vector<1x16xf32>
      tpu.vector_store %arg9[%swap3A_355, %swap3A_356], %swap3A_359 {strides = array<i32>} : memref<32x1024xf32, #tpu.memory_space<vmem>>, vector<1x16xf32>,
      %get3A_360 = arith.index_cast %scan3A_58 : i32 to index
      %get3A_361 = arith.constant 224 : index
      %get3A_362 = tpu.vector_load %arg9[%get3A_360, %get3A_361] {strides = array<i32>} : memref<32x1024xf32, #tpu.memory_space<vmem>>, vector<1x16xf32>,
      %get3A_363 = vector.shape_cast %get3A_362 : vector<1x16xf32> to vector<16xf32>
      %mul3A_364 = arith.mulf %get3A_363, %get3A_62 : vector<16xf32>
      %get3A_365 = arith.index_cast %scan3A_58 : i32 to index
      %get3A_366 = arith.constant 224 : index
      %get3A_367 = tpu.vector_load %arg10[%get3A_365, %get3A_366] {strides = array<i32>} : memref<32x1024xf32, #tpu.memory_space<vmem>>, vector<1x16xf32>,
      %get3A_368 = vector.shape_cast %get3A_367 : vector<1x16xf32> to vector<16xf32>
      %mul3A_369 = arith.mulf %get3A_368, %get3A_66 : vector<16xf32>
      %add3A_370 = arith.addf %mul3A_364, %mul3A_369 : vector<16xf32>
      %get3A_371 = arith.index_cast %scan3A_58 : i32 to index
      %get3A_372 = arith.constant 224 : index
      %get3A_373 = tpu.vector_load %arg11[%get3A_371, %get3A_372] {strides = array<i32>} : memref<32x1024xf32, #tpu.memory_space<vmem>>, vector<1x16xf32>,
      %get3A_374 = vector.shape_cast %get3A_373 : vector<1x16xf32> to vector<16xf32>
      %add3A_375 = arith.addf %add3A_370, %get3A_374 : vector<16xf32>
      %swap3A_376 = arith.index_cast %scan3A_58 : i32 to index
      %swap3A_377 = arith.constant 224 : index
      %swap3A_378 = tpu.vector_load %arg9[%swap3A_376, %swap3A_377] {strides = array<i32>} : memref<32x1024xf32, #tpu.memory_space<vmem>>, vector<1x16xf32>,
      %swap3A_379 = vector.shape_cast %swap3A_378 : vector<1x16xf32> to vector<16xf32>
      %swap3A_380 = vector.shape_cast %add3A_375 : vector<16xf32> to vector<1x16xf32>
      tpu.vector_store %arg9[%swap3A_376, %swap3A_377], %swap3A_380 {strides = array<i32>} : memref<32x1024xf32, #tpu.memory_space<vmem>>, vector<1x16xf32>,
      %get3A_381 = arith.index_cast %scan3A_58 : i32 to index
      %get3A_382 = arith.constant 240 : index
      %get3A_383 = tpu.vector_load %arg9[%get3A_381, %get3A_382] {strides = array<i32>} : memref<32x1024xf32, #tpu.memory_space<vmem>>, vector<1x16xf32>,
      %get3A_384 = vector.shape_cast %get3A_383 : vector<1x16xf32> to vector<16xf32>
      %mul3A_385 = arith.mulf %get3A_384, %get3A_62 : vector<16xf32>
      %get3A_386 = arith.index_cast %scan3A_58 : i32 to index
      %get3A_387 = arith.constant 240 : index
      %get3A_388 = tpu.vector_load %arg10[%get3A_386, %get3A_387] {strides = array<i32>} : memref<32x1024xf32, #tpu.memory_space<vmem>>, vector<1x16xf32>,
      %get3A_389 = vector.shape_cast %get3A_388 : vector<1x16xf32> to vector<16xf32>
      %mul3A_390 = arith.mulf %get3A_389, %get3A_66 : vector<16xf32>
      %add3A_391 = arith.addf %mul3A_385, %mul3A_390 : vector<16xf32>
      %get3A_392 = arith.index_cast %scan3A_58 : i32 to index
      %get3A_393 = arith.constant 240 : index
      %get3A_394 = tpu.vector_load %arg11[%get3A_392, %get3A_393] {strides = array<i32>} : memref<32x1024xf32, #tpu.memory_space<vmem>>, vector<1x16xf32>,
      %get3A_395 = vector.shape_cast %get3A_394 : vector<1x16xf32> to vector<16xf32>
      %add3A_396 = arith.addf %add3A_391, %get3A_395 : vector<16xf32>
      %swap3A_397 = arith.index_cast %scan3A_58 : i32 to index
      %swap3A_398 = arith.constant 240 : index
      %swap3A_399 = tpu.vector_load %arg9[%swap3A_397, %swap3A_398] {strides = array<i32>} : memref<32x1024xf32, #tpu.memory_space<vmem>>, vector<1x16xf32>,
      %swap3A_400 = vector.shape_cast %swap3A_399 : vector<1x16xf32> to vector<16xf32>
      %swap3A_401 = vector.shape_cast %add3A_396 : vector<16xf32> to vector<1x16xf32>
      tpu.vector_store %arg9[%swap3A_397, %swap3A_398], %swap3A_401 {strides = array<i32>} : memref<32x1024xf32, #tpu.memory_space<vmem>>, vector<1x16xf32>,
      %get3A_402 = arith.index_cast %scan3A_58 : i32 to index
      %get3A_403 = arith.constant 256 : index
      %get3A_404 = tpu.vector_load %arg9[%get3A_402, %get3A_403] {strides = array<i32>} : memref<32x1024xf32, #tpu.memory_space<vmem>>, vector<1x16xf32>,
      %get3A_405 = vector.shape_cast %get3A_404 : vector<1x16xf32> to vector<16xf32>
      %mul3A_406 = arith.mulf %get3A_405, %get3A_62 : vector<16xf32>
      %get3A_407 = arith.index_cast %scan3A_58 : i32 to index
      %get3A_408 = arith.constant 256 : index
      %get3A_409 = tpu.vector_load %arg10[%get3A_407, %get3A_408] {strides = array<i32>} : memref<32x1024xf32, #tpu.memory_space<vmem>>, vector<1x16xf32>,
      %get3A_410 = vector.shape_cast %get3A_409 : vector<1x16xf32> to vector<16xf32>
      %mul3A_411 = arith.mulf %get3A_410, %get3A_66 : vector<16xf32>
      %add3A_412 = arith.addf %mul3A_406, %mul3A_411 : vector<16xf32>
      %get3A_413 = arith.index_cast %scan3A_58 : i32 to index
      %get3A_414 = arith.constant 256 : index
      %get3A_415 = tpu.vector_load %arg11[%get3A_413, %get3A_414] {strides = array<i32>} : memref<32x1024xf32, #tpu.memory_space<vmem>>, vector<1x16xf32>,
      %get3A_416 = vector.shape_cast %get3A_415 : vector<1x16xf32> to vector<16xf32>
      %add3A_417 = arith.addf %add3A_412, %get3A_416 : vector<16xf32>
      %swap3A_418 = arith.index_cast %scan3A_58 : i32 to index
      %swap3A_419 = arith.constant 256 : index
      %swap3A_420 = tpu.vector_load %arg9[%swap3A_418, %swap3A_419] {strides = array<i32>} : memref<32x1024xf32, #tpu.memory_space<vmem>>, vector<1x16xf32>,
      %swap3A_421 = vector.shape_cast %swap3A_420 : vector<1x16xf32> to vector<16xf32>
      %swap3A_422 = vector.shape_cast %add3A_417 : vector<16xf32> to vector<1x16xf32>
      tpu.vector_store %arg9[%swap3A_418, %swap3A_419], %swap3A_422 {strides = array<i32>} : memref<32x1024xf32, #tpu.memory_space<vmem>>, vector<1x16xf32>,
      %get3A_423 = arith.index_cast %scan3A_58 : i32 to index
      %get3A_424 = arith.constant 272 : index
      %get3A_425 = tpu.vector_load %arg9[%get3A_423, %get3A_424] {strides = array<i32>} : memref<32x1024xf32, #tpu.memory_space<vmem>>, vector<1x16xf32>,
      %get3A_426 = vector.shape_cast %get3A_425 : vector<1x16xf32> to vector<16xf32>
      %mul3A_427 = arith.mulf %get3A_426, %get3A_62 : vector<16xf32>
      %get3A_428 = arith.index_cast %scan3A_58 : i32 to index
      %get3A_429 = arith.constant 272 : index
      %get3A_430 = tpu.vector_load %arg10[%get3A_428, %get3A_429] {strides = array<i32>} : memref<32x1024xf32, #tpu.memory_space<vmem>>, vector<1x16xf32>,
      %get3A_431 = vector.shape_cast %get3A_430 : vector<1x16xf32> to vector<16xf32>
      %mul3A_432 = arith.mulf %get3A_431, %get3A_66 : vector<16xf32>
      %add3A_433 = arith.addf %mul3A_427, %mul3A_432 : vector<16xf32>
      %get3A_434 = arith.index_cast %scan3A_58 : i32 to index
      %get3A_435 = arith.constant 272 : index
      %get3A_436 = tpu.vector_load %arg11[%get3A_434, %get3A_435] {strides = array<i32>} : memref<32x1024xf32, #tpu.memory_space<vmem>>, vector<1x16xf32>,
      %get3A_437 = vector.shape_cast %get3A_436 : vector<1x16xf32> to vector<16xf32>
      %add3A_438 = arith.addf %add3A_433, %get3A_437 : vector<16xf32>
      %swap3A_439 = arith.index_cast %scan3A_58 : i32 to index
      %swap3A_440 = arith.constant 272 : index
      %swap3A_441 = tpu.vector_load %arg9[%swap3A_439, %swap3A_440] {strides = array<i32>} : memref<32x1024xf32, #tpu.memory_space<vmem>>, vector<1x16xf32>,
      %swap3A_442 = vector.shape_cast %swap3A_441 : vector<1x16xf32> to vector<16xf32>
      %swap3A_443 = vector.shape_cast %add3A_438 : vector<16xf32> to vector<1x16xf32>
      tpu.vector_store %arg9[%swap3A_439, %swap3A_440], %swap3A_443 {strides = array<i32>} : memref<32x1024xf32, #tpu.memory_space<vmem>>, vector<1x16xf32>,
      %get3A_444 = arith.index_cast %scan3A_58 : i32 to index
      %get3A_445 = arith.constant 288 : index
      %get3A_446 = tpu.vector_load %arg9[%get3A_444, %get3A_445] {strides = array<i32>} : memref<32x1024xf32, #tpu.memory_space<vmem>>, vector<1x16xf32>,
      %get3A_447 = vector.shape_cast %get3A_446 : vector<1x16xf32> to vector<16xf32>
      %mul3A_448 = arith.mulf %get3A_447, %get3A_62 : vector<16xf32>
      %get3A_449 = arith.index_cast %scan3A_58 : i32 to index
      %get3A_450 = arith.constant 288 : index
      %get3A_451 = tpu.vector_load %arg10[%get3A_449, %get3A_450] {strides = array<i32>} : memref<32x1024xf32, #tpu.memory_space<vmem>>, vector<1x16xf32>,
      %get3A_452 = vector.shape_cast %get3A_451 : vector<1x16xf32> to vector<16xf32>
      %mul3A_453 = arith.mulf %get3A_452, %get3A_66 : vector<16xf32>
      %add3A_454 = arith.addf %mul3A_448, %mul3A_453 : vector<16xf32>
      %get3A_455 = arith.index_cast %scan3A_58 : i32 to index
      %get3A_456 = arith.constant 288 : index
      %get3A_457 = tpu.vector_load %arg11[%get3A_455, %get3A_456] {strides = array<i32>} : memref<32x1024xf32, #tpu.memory_space<vmem>>, vector<1x16xf32>,
      %get3A_458 = vector.shape_cast %get3A_457 : vector<1x16xf32> to vector<16xf32>
      %add3A_459 = arith.addf %add3A_454, %get3A_458 : vector<16xf32>
      %swap3A_460 = arith.index_cast %scan3A_58 : i32 to index
      %swap3A_461 = arith.constant 288 : index
      %swap3A_462 = tpu.vector_load %arg9[%swap3A_460, %swap3A_461] {strides = array<i32>} : memref<32x1024xf32, #tpu.memory_space<vmem>>, vector<1x16xf32>,
      %swap3A_463 = vector.shape_cast %swap3A_462 : vector<1x16xf32> to vector<16xf32>
      %swap3A_464 = vector.shape_cast %add3A_459 : vector<16xf32> to vector<1x16xf32>
      tpu.vector_store %arg9[%swap3A_460, %swap3A_461], %swap3A_464 {strides = array<i32>} : memref<32x1024xf32, #tpu.memory_space<vmem>>, vector<1x16xf32>,
      %get3A_465 = arith.index_cast %scan3A_58 : i32 to index
      %get3A_466 = arith.constant 304 : index
      %get3A_467 = tpu.vector_load %arg9[%get3A_465, %get3A_466] {strides = array<i32>} : memref<32x1024xf32, #tpu.memory_space<vmem>>, vector<1x16xf32>,
      %get3A_468 = vector.shape_cast %get3A_467 : vector<1x16xf32> to vector<16xf32>
      %mul3A_469 = arith.mulf %get3A_468, %get3A_62 : vector<16xf32>
      %get3A_470 = arith.index_cast %scan3A_58 : i32 to index
      %get3A_471 = arith.constant 304 : index
      %get3A_472 = tpu.vector_load %arg10[%get3A_470, %get3A_471] {strides = array<i32>} : memref<32x1024xf32, #tpu.memory_space<vmem>>, vector<1x16xf32>,
      %get3A_473 = vector.shape_cast %get3A_472 : vector<1x16xf32> to vector<16xf32>
      %mul3A_474 = arith.mulf %get3A_473, %get3A_66 : vector<16xf32>
      %add3A_475 = arith.addf %mul3A_469, %mul3A_474 : vector<16xf32>
      %get3A_476 = arith.index_cast %scan3A_58 : i32 to index
      %get3A_477 = arith.constant 304 : index
      %get3A_478 = tpu.vector_load %arg11[%get3A_476, %get3A_477] {strides = array<i32>} : memref<32x1024xf32, #tpu.memory_space<vmem>>, vector<1x16xf32>,
      %get3A_479 = vector.shape_cast %get3A_478 : vector<1x16xf32> to vector<16xf32>
      %add3A_480 = arith.addf %add3A_475, %get3A_479 : vector<16xf32>
      %swap3A_481 = arith.index_cast %scan3A_58 : i32 to index
      %swap3A_482 = arith.constant 304 : index
      %swap3A_483 = tpu.vector_load %arg9[%swap3A_481, %swap3A_482] {strides = array<i32>} : memref<32x1024xf32, #tpu.memory_space<vmem>>, vector<1x16xf32>,
      %swap3A_484 = vector.shape_cast %swap3A_483 : vector<1x16xf32> to vector<16xf32>
      %swap3A_485 = vector.shape_cast %add3A_480 : vector<16xf32> to vector<1x16xf32>
      tpu.vector_store %arg9[%swap3A_481, %swap3A_482], %swap3A_485 {strides = array<i32>} : memref<32x1024xf32, #tpu.memory_space<vmem>>, vector<1x16xf32>,
      %get3A_486 = arith.index_cast %scan3A_58 : i32 to index
      %get3A_487 = arith.constant 320 : index
      %get3A_488 = tpu.vector_load %arg9[%get3A_486, %get3A_487] {strides = array<i32>} : memref<32x1024xf32, #tpu.memory_space<vmem>>, vector<1x16xf32>,
      %get3A_489 = vector.shape_cast %get3A_488 : vector<1x16xf32> to vector<16xf32>
      %mul3A_490 = arith.mulf %get3A_489, %get3A_62 : vector<16xf32>
      %get3A_491 = arith.index_cast %scan3A_58 : i32 to index
      %get3A_492 = arith.constant 320 : index
      %get3A_493 = tpu.vector_load %arg10[%get3A_491, %get3A_492] {strides = array<i32>} : memref<32x1024xf32, #tpu.memory_space<vmem>>, vector<1x16xf32>,
      %get3A_494 = vector.shape_cast %get3A_493 : vector<1x16xf32> to vector<16xf32>
      %mul3A_495 = arith.mulf %get3A_494, %get3A_66 : vector<16xf32>
      %add3A_496 = arith.addf %mul3A_490, %mul3A_495 : vector<16xf32>
      %get3A_497 = arith.index_cast %scan3A_58 : i32 to index
      %get3A_498 = arith.constant 320 : index
      %get3A_499 = tpu.vector_load %arg11[%get3A_497, %get3A_498] {strides = array<i32>} : memref<32x1024xf32, #tpu.memory_space<vmem>>, vector<1x16xf32>,
      %get3A_500 = vector.shape_cast %get3A_499 : vector<1x16xf32> to vector<16xf32>
      %add3A_501 = arith.addf %add3A_496, %get3A_500 : vector<16xf32>
      %swap3A_502 = arith.index_cast %scan3A_58 : i32 to index
      %swap3A_503 = arith.constant 320 : index
      %swap3A_504 = tpu.vector_load %arg9[%swap3A_502, %swap3A_503] {strides = array<i32>} : memref<32x1024xf32, #tpu.memory_space<vmem>>, vector<1x16xf32>,
      %swap3A_505 = vector.shape_cast %swap3A_504 : vector<1x16xf32> to vector<16xf32>
      %swap3A_506 = vector.shape_cast %add3A_501 : vector<16xf32> to vector<1x16xf32>
      tpu.vector_store %arg9[%swap3A_502, %swap3A_503], %swap3A_506 {strides = array<i32>} : memref<32x1024xf32, #tpu.memory_space<vmem>>, vector<1x16xf32>,
      %get3A_507 = arith.index_cast %scan3A_58 : i32 to index
      %get3A_508 = arith.constant 336 : index
      %get3A_509 = tpu.vector_load %arg9[%get3A_507, %get3A_508] {strides = array<i32>} : memref<32x1024xf32, #tpu.memory_space<vmem>>, vector<1x16xf32>,
      %get3A_510 = vector.shape_cast %get3A_509 : vector<1x16xf32> to vector<16xf32>
      %mul3A_511 = arith.mulf %get3A_510, %get3A_62 : vector<16xf32>
      %get3A_512 = arith.index_cast %scan3A_58 : i32 to index
      %get3A_513 = arith.constant 336 : index
      %get3A_514 = tpu.vector_load %arg10[%get3A_512, %get3A_513] {strides = array<i32>} : memref<32x1024xf32, #tpu.memory_space<vmem>>, vector<1x16xf32>,
      %get3A_515 = vector.shape_cast %get3A_514 : vector<1x16xf32> to vector<16xf32>
      %mul3A_516 = arith.mulf %get3A_515, %get3A_66 : vector<16xf32>
      %add3A_517 = arith.addf %mul3A_511, %mul3A_516 : vector<16xf32>
      %get3A_518 = arith.index_cast %scan3A_58 : i32 to index
      %get3A_519 = arith.constant 336 : index
      %get3A_520 = tpu.vector_load %arg11[%get3A_518, %get3A_519] {strides = array<i32>} : memref<32x1024xf32, #tpu.memory_space<vmem>>, vector<1x16xf32>,
      %get3A_521 = vector.shape_cast %get3A_520 : vector<1x16xf32> to vector<16xf32>
      %add3A_522 = arith.addf %add3A_517, %get3A_521 : vector<16xf32>
      %swap3A_523 = arith.index_cast %scan3A_58 : i32 to index
      %swap3A_524 = arith.constant 336 : index
      %swap3A_525 = tpu.vector_load %arg9[%swap3A_523, %swap3A_524] {strides = array<i32>} : memref<32x1024xf32, #tpu.memory_space<vmem>>, vector<1x16xf32>,
      %swap3A_526 = vector.shape_cast %swap3A_525 : vector<1x16xf32> to vector<16xf32>
      %swap3A_527 = vector.shape_cast %add3A_522 : vector<16xf32> to vector<1x16xf32>
      tpu.vector_store %arg9[%swap3A_523, %swap3A_524], %swap3A_527 {strides = array<i32>} : memref<32x1024xf32, #tpu.memory_space<vmem>>, vector<1x16xf32>,
      %get3A_528 = arith.index_cast %scan3A_58 : i32 to index
      %get3A_529 = arith.constant 352 : index
      %get3A_530 = tpu.vector_load %arg9[%get3A_528, %get3A_529] {strides = array<i32>} : memref<32x1024xf32, #tpu.memory_space<vmem>>, vector<1x16xf32>,
      %get3A_531 = vector.shape_cast %get3A_530 : vector<1x16xf32> to vector<16xf32>
      %mul3A_532 = arith.mulf %get3A_531, %get3A_62 : vector<16xf32>
      %get3A_533 = arith.index_cast %scan3A_58 : i32 to index
      %get3A_534 = arith.constant 352 : index
      %get3A_535 = tpu.vector_load %arg10[%get3A_533, %get3A_534] {strides = array<i32>} : memref<32x1024xf32, #tpu.memory_space<vmem>>, vector<1x16xf32>,
      %get3A_536 = vector.shape_cast %get3A_535 : vector<1x16xf32> to vector<16xf32>
      %mul3A_537 = arith.mulf %get3A_536, %get3A_66 : vector<16xf32>
      %add3A_538 = arith.addf %mul3A_532, %mul3A_537 : vector<16xf32>
      %get3A_539 = arith.index_cast %scan3A_58 : i32 to index
      %get3A_540 = arith.constant 352 : index
      %get3A_541 = tpu.vector_load %arg11[%get3A_539, %get3A_540] {strides = array<i32>} : memref<32x1024xf32, #tpu.memory_space<vmem>>, vector<1x16xf32>,
      %get3A_542 = vector.shape_cast %get3A_541 : vector<1x16xf32> to vector<16xf32>
      %add3A_543 = arith.addf %add3A_538, %get3A_542 : vector<16xf32>
      %swap3A_544 = arith.index_cast %scan3A_58 : i32 to index
      %swap3A_545 = arith.constant 352 : index
      %swap3A_546 = tpu.vector_load %arg9[%swap3A_544, %swap3A_545] {strides = array<i32>} : memref<32x1024xf32, #tpu.memory_space<vmem>>, vector<1x16xf32>,
      %swap3A_547 = vector.shape_cast %swap3A_546 : vector<1x16xf32> to vector<16xf32>
      %swap3A_548 = vector.shape_cast %add3A_543 : vector<16xf32> to vector<1x16xf32>
      tpu.vector_store %arg9[%swap3A_544, %swap3A_545], %swap3A_548 {strides = array<i32>} : memref<32x1024xf32, #tpu.memory_space<vmem>>, vector<1x16xf32>,
      %get3A_549 = arith.index_cast %scan3A_58 : i32 to index
      %get3A_550 = arith.constant 368 : index
      %get3A_551 = tpu.vector_load %arg9[%get3A_549, %get3A_550] {strides = array<i32>} : memref<32x1024xf32, #tpu.memory_space<vmem>>, vector<1x16xf32>,
      %get3A_552 = vector.shape_cast %get3A_551 : vector<1x16xf32> to vector<16xf32>
      %mul3A_553 = arith.mulf %get3A_552, %get3A_62 : vector<16xf32>
      %get3A_554 = arith.index_cast %scan3A_58 : i32 to index
      %get3A_555 = arith.constant 368 : index
      %get3A_556 = tpu.vector_load %arg10[%get3A_554, %get3A_555] {strides = array<i32>} : memref<32x1024xf32, #tpu.memory_space<vmem>>, vector<1x16xf32>,
      %get3A_557 = vector.shape_cast %get3A_556 : vector<1x16xf32> to vector<16xf32>
      %mul3A_558 = arith.mulf %get3A_557, %get3A_66 : vector<16xf32>
      %add3A_559 = arith.addf %mul3A_553, %mul3A_558 : vector<16xf32>
      %get3A_560 = arith.index_cast %scan3A_58 : i32 to index
      %get3A_561 = arith.constant 368 : index
      %get3A_562 = tpu.vector_load %arg11[%get3A_560, %get3A_561] {strides = array<i32>} : memref<32x1024xf32, #tpu.memory_space<vmem>>, vector<1x16xf32>,
      %get3A_563 = vector.shape_cast %get3A_562 : vector<1x16xf32> to vector<16xf32>
      %add3A_564 = arith.addf %add3A_559, %get3A_563 : vector<16xf32>
      %swap3A_565 = arith.index_cast %scan3A_58 : i32 to index
      %swap3A_566 = arith.constant 368 : index
      %swap3A_567 = tpu.vector_load %arg9[%swap3A_565, %swap3A_566] {strides = array<i32>} : memref<32x1024xf32, #tpu.memory_space<vmem>>, vector<1x16xf32>,
      %swap3A_568 = vector.shape_cast %swap3A_567 : vector<1x16xf32> to vector<16xf32>
      %swap3A_569 = vector.shape_cast %add3A_564 : vector<16xf32> to vector<1x16xf32>
      tpu.vector_store %arg9[%swap3A_565, %swap3A_566], %swap3A_569 {strides = array<i32>} : memref<32x1024xf32, #tpu.memory_space<vmem>>, vector<1x16xf32>,
      %get3A_570 = arith.index_cast %scan3A_58 : i32 to index
      %get3A_571 = arith.constant 384 : index
      %get3A_572 = tpu.vector_load %arg9[%get3A_570, %get3A_571] {strides = array<i32>} : memref<32x1024xf32, #tpu.memory_space<vmem>>, vector<1x16xf32>,
      %get3A_573 = vector.shape_cast %get3A_572 : vector<1x16xf32> to vector<16xf32>
      %mul3A_574 = arith.mulf %get3A_573, %get3A_62 : vector<16xf32>
      %get3A_575 = arith.index_cast %scan3A_58 : i32 to index
      %get3A_576 = arith.constant 384 : index
      %get3A_577 = tpu.vector_load %arg10[%get3A_575, %get3A_576] {strides = array<i32>} : memref<32x1024xf32, #tpu.memory_space<vmem>>, vector<1x16xf32>,
      %get3A_578 = vector.shape_cast %get3A_577 : vector<1x16xf32> to vector<16xf32>
      %mul3A_579 = arith.mulf %get3A_578, %get3A_66 : vector<16xf32>
      %add3A_580 = arith.addf %mul3A_574, %mul3A_579 : vector<16xf32>
      %get3A_581 = arith.index_cast %scan3A_58 : i32 to index
      %get3A_582 = arith.constant 384 : index
      %get3A_583 = tpu.vector_load %arg11[%get3A_581, %get3A_582] {strides = array<i32>} : memref<32x1024xf32, #tpu.memory_space<vmem>>, vector<1x16xf32>,
      %get3A_584 = vector.shape_cast %get3A_583 : vector<1x16xf32> to vector<16xf32>
      %add3A_585 = arith.addf %add3A_580, %get3A_584 : vector<16xf32>
      %swap3A_586 = arith.index_cast %scan3A_58 : i32 to index
      %swap3A_587 = arith.constant 384 : index
      %swap3A_588 = tpu.vector_load %arg9[%swap3A_586, %swap3A_587] {strides = array<i32>} : memref<32x1024xf32, #tpu.memory_space<vmem>>, vector<1x16xf32>,
      %swap3A_589 = vector.shape_cast %swap3A_588 : vector<1x16xf32> to vector<16xf32>
      %swap3A_590 = vector.shape_cast %add3A_585 : vector<16xf32> to vector<1x16xf32>
      tpu.vector_store %arg9[%swap3A_586, %swap3A_587], %swap3A_590 {strides = array<i32>} : memref<32x1024xf32, #tpu.memory_space<vmem>>, vector<1x16xf32>,
      %get3A_591 = arith.index_cast %scan3A_58 : i32 to index
      %get3A_592 = arith.constant 400 : index
      %get3A_593 = tpu.vector_load %arg9[%get3A_591, %get3A_592] {strides = array<i32>} : memref<32x1024xf32, #tpu.memory_space<vmem>>, vector<1x16xf32>,
      %get3A_594 = vector.shape_cast %get3A_593 : vector<1x16xf32> to vector<16xf32>
      %mul3A_595 = arith.mulf %get3A_594, %get3A_62 : vector<16xf32>
      %get3A_596 = arith.index_cast %scan3A_58 : i32 to index
      %get3A_597 = arith.constant 400 : index
      %get3A_598 = tpu.vector_load %arg10[%get3A_596, %get3A_597] {strides = array<i32>} : memref<32x1024xf32, #tpu.memory_space<vmem>>, vector<1x16xf32>,
      %get3A_599 = vector.shape_cast %get3A_598 : vector<1x16xf32> to vector<16xf32>
      %mul3A_600 = arith.mulf %get3A_599, %get3A_66 : vector<16xf32>
      %add3A_601 = arith.addf %mul3A_595, %mul3A_600 : vector<16xf32>
      %get3A_602 = arith.index_cast %scan3A_58 : i32 to index
      %get3A_603 = arith.constant 400 : index
      %get3A_604 = tpu.vector_load %arg11[%get3A_602, %get3A_603] {strides = array<i32>} : memref<32x1024xf32, #tpu.memory_space<vmem>>, vector<1x16xf32>,
      %get3A_605 = vector.shape_cast %get3A_604 : vector<1x16xf32> to vector<16xf32>
      %add3A_606 = arith.addf %add3A_601, %get3A_605 : vector<16xf32>
      %swap3A_607 = arith.index_cast %scan3A_58 : i32 to index
      %swap3A_608 = arith.constant 400 : index
      %swap3A_609 = tpu.vector_load %arg9[%swap3A_607, %swap3A_608] {strides = array<i32>} : memref<32x1024xf32, #tpu.memory_space<vmem>>, vector<1x16xf32>,
      %swap3A_610 = vector.shape_cast %swap3A_609 : vector<1x16xf32> to vector<16xf32>
      %swap3A_611 = vector.shape_cast %add3A_606 : vector<16xf32> to vector<1x16xf32>
      tpu.vector_store %arg9[%swap3A_607, %swap3A_608], %swap3A_611 {strides = array<i32>} : memref<32x1024xf32, #tpu.memory_space<vmem>>, vector<1x16xf32>,
      %get3A_612 = arith.index_cast %scan3A_58 : i32 to index
      %get3A_613 = arith.constant 416 : index
      %get3A_614 = tpu.vector_load %arg9[%get3A_612, %get3A_613] {strides = array<i32>} : memref<32x1024xf32, #tpu.memory_space<vmem>>, vector<1x16xf32>,
      %get3A_615 = vector.shape_cast %get3A_614 : vector<1x16xf32> to vector<16xf32>
      %mul3A_616 = arith.mulf %get3A_615, %get3A_62 : vector<16xf32>
      %get3A_617 = arith.index_cast %scan3A_58 : i32 to index
      %get3A_618 = arith.constant 416 : index
      %get3A_619 = tpu.vector_load %arg10[%get3A_617, %get3A_618] {strides = array<i32>} : memref<32x1024xf32, #tpu.memory_space<vmem>>, vector<1x16xf32>,
      %get3A_620 = vector.shape_cast %get3A_619 : vector<1x16xf32> to vector<16xf32>
      %mul3A_621 = arith.mulf %get3A_620, %get3A_66 : vector<16xf32>
      %add3A_622 = arith.addf %mul3A_616, %mul3A_621 : vector<16xf32>
      %get3A_623 = arith.index_cast %scan3A_58 : i32 to index
      %get3A_624 = arith.constant 416 : index
      %get3A_625 = tpu.vector_load %arg11[%get3A_623, %get3A_624] {strides = array<i32>} : memref<32x1024xf32, #tpu.memory_space<vmem>>, vector<1x16xf32>,
      %get3A_626 = vector.shape_cast %get3A_625 : vector<1x16xf32> to vector<16xf32>
      %add3A_627 = arith.addf %add3A_622, %get3A_626 : vector<16xf32>
      %swap3A_628 = arith.index_cast %scan3A_58 : i32 to index
      %swap3A_629 = arith.constant 416 : index
      %swap3A_630 = tpu.vector_load %arg9[%swap3A_628, %swap3A_629] {strides = array<i32>} : memref<32x1024xf32, #tpu.memory_space<vmem>>, vector<1x16xf32>,
      %swap3A_631 = vector.shape_cast %swap3A_630 : vector<1x16xf32> to vector<16xf32>
      %swap3A_632 = vector.shape_cast %add3A_627 : vector<16xf32> to vector<1x16xf32>
      tpu.vector_store %arg9[%swap3A_628, %swap3A_629], %swap3A_632 {strides = array<i32>} : memref<32x1024xf32, #tpu.memory_space<vmem>>, vector<1x16xf32>,
      %get3A_633 = arith.index_cast %scan3A_58 : i32 to index
      %get3A_634 = arith.constant 432 : index
      %get3A_635 = tpu.vector_load %arg9[%get3A_633, %get3A_634] {strides = array<i32>} : memref<32x1024xf32, #tpu.memory_space<vmem>>, vector<1x16xf32>,
      %get3A_636 = vector.shape_cast %get3A_635 : vector<1x16xf32> to vector<16xf32>
      %mul3A_637 = arith.mulf %get3A_636, %get3A_62 : vector<16xf32>
      %get3A_638 = arith.index_cast %scan3A_58 : i32 to index
      %get3A_639 = arith.constant 432 : index
      %get3A_640 = tpu.vector_load %arg10[%get3A_638, %get3A_639] {strides = array<i32>} : memref<32x1024xf32, #tpu.memory_space<vmem>>, vector<1x16xf32>,
      %get3A_641 = vector.shape_cast %get3A_640 : vector<1x16xf32> to vector<16xf32>
      %mul3A_642 = arith.mulf %get3A_641, %get3A_66 : vector<16xf32>
      %add3A_643 = arith.addf %mul3A_637, %mul3A_642 : vector<16xf32>
      %get3A_644 = arith.index_cast %scan3A_58 : i32 to index
      %get3A_645 = arith.constant 432 : index
      %get3A_646 = tpu.vector_load %arg11[%get3A_644, %get3A_645] {strides = array<i32>} : memref<32x1024xf32, #tpu.memory_space<vmem>>, vector<1x16xf32>,
      %get3A_647 = vector.shape_cast %get3A_646 : vector<1x16xf32> to vector<16xf32>
      %add3A_648 = arith.addf %add3A_643, %get3A_647 : vector<16xf32>
      %swap3A_649 = arith.index_cast %scan3A_58 : i32 to index
      %swap3A_650 = arith.constant 432 : index
      %swap3A_651 = tpu.vector_load %arg9[%swap3A_649, %swap3A_650] {strides = array<i32>} : memref<32x1024xf32, #tpu.memory_space<vmem>>, vector<1x16xf32>,
      %swap3A_652 = vector.shape_cast %swap3A_651 : vector<1x16xf32> to vector<16xf32>
      %swap3A_653 = vector.shape_cast %add3A_648 : vector<16xf32> to vector<1x16xf32>
      tpu.vector_store %arg9[%swap3A_649, %swap3A_650], %swap3A_653 {strides = array<i32>} : memref<32x1024xf32, #tpu.memory_space<vmem>>, vector<1x16xf32>,
      %get3A_654 = arith.index_cast %scan3A_58 : i32 to index
      %get3A_655 = arith.constant 448 : index
      %get3A_656 = tpu.vector_load %arg9[%get3A_654, %get3A_655] {strides = array<i32>} : memref<32x1024xf32, #tpu.memory_space<vmem>>, vector<1x16xf32>,
      %get3A_657 = vector.shape_cast %get3A_656 : vector<1x16xf32> to vector<16xf32>
      %mul3A_658 = arith.mulf %get3A_657, %get3A_62 : vector<16xf32>
      %get3A_659 = arith.index_cast %scan3A_58 : i32 to index
      %get3A_660 = arith.constant 448 : index
      %get3A_661 = tpu.vector_load %arg10[%get3A_659, %get3A_660] {strides = array<i32>} : memref<32x1024xf32, #tpu.memory_space<vmem>>, vector<1x16xf32>,
      %get3A_662 = vector.shape_cast %get3A_661 : vector<1x16xf32> to vector<16xf32>
      %mul3A_663 = arith.mulf %get3A_662, %get3A_66 : vector<16xf32>
      %add3A_664 = arith.addf %mul3A_658, %mul3A_663 : vector<16xf32>
      %get3A_665 = arith.index_cast %scan3A_58 : i32 to index
      %get3A_666 = arith.constant 448 : index
      %get3A_667 = tpu.vector_load %arg11[%get3A_665, %get3A_666] {strides = array<i32>} : memref<32x1024xf32, #tpu.memory_space<vmem>>, vector<1x16xf32>,
      %get3A_668 = vector.shape_cast %get3A_667 : vector<1x16xf32> to vector<16xf32>
      %add3A_669 = arith.addf %add3A_664, %get3A_668 : vector<16xf32>
      %swap3A_670 = arith.index_cast %scan3A_58 : i32 to index
      %swap3A_671 = arith.constant 448 : index
      %swap3A_672 = tpu.vector_load %arg9[%swap3A_670, %swap3A_671] {strides = array<i32>} : memref<32x1024xf32, #tpu.memory_space<vmem>>, vector<1x16xf32>,
      %swap3A_673 = vector.shape_cast %swap3A_672 : vector<1x16xf32> to vector<16xf32>
      %swap3A_674 = vector.shape_cast %add3A_669 : vector<16xf32> to vector<1x16xf32>
      tpu.vector_store %arg9[%swap3A_670, %swap3A_671], %swap3A_674 {strides = array<i32>} : memref<32x1024xf32, #tpu.memory_space<vmem>>, vector<1x16xf32>,
      %get3A_675 = arith.index_cast %scan3A_58 : i32 to index
      %get3A_676 = arith.constant 464 : index
      %get3A_677 = tpu.vector_load %arg9[%get3A_675, %get3A_676] {strides = array<i32>} : memref<32x1024xf32, #tpu.memory_space<vmem>>, vector<1x16xf32>,
      %get3A_678 = vector.shape_cast %get3A_677 : vector<1x16xf32> to vector<16xf32>
      %mul3A_679 = arith.mulf %get3A_678, %get3A_62 : vector<16xf32>
      %get3A_680 = arith.index_cast %scan3A_58 : i32 to index
      %get3A_681 = arith.constant 464 : index
      %get3A_682 = tpu.vector_load %arg10[%get3A_680, %get3A_681] {strides = array<i32>} : memref<32x1024xf32, #tpu.memory_space<vmem>>, vector<1x16xf32>,
      %get3A_683 = vector.shape_cast %get3A_682 : vector<1x16xf32> to vector<16xf32>
      %mul3A_684 = arith.mulf %get3A_683, %get3A_66 : vector<16xf32>
      %add3A_685 = arith.addf %mul3A_679, %mul3A_684 : vector<16xf32>
      %get3A_686 = arith.index_cast %scan3A_58 : i32 to index
      %get3A_687 = arith.constant 464 : index
      %get3A_688 = tpu.vector_load %arg11[%get3A_686, %get3A_687] {strides = array<i32>} : memref<32x1024xf32, #tpu.memory_space<vmem>>, vector<1x16xf32>,
      %get3A_689 = vector.shape_cast %get3A_688 : vector<1x16xf32> to vector<16xf32>
      %add3A_690 = arith.addf %add3A_685, %get3A_689 : vector<16xf32>
      %swap3A_691 = arith.index_cast %scan3A_58 : i32 to index
      %swap3A_692 = arith.constant 464 : index
      %swap3A_693 = tpu.vector_load %arg9[%swap3A_691, %swap3A_692] {strides = array<i32>} : memref<32x1024xf32, #tpu.memory_space<vmem>>, vector<1x16xf32>,
      %swap3A_694 = vector.shape_cast %swap3A_693 : vector<1x16xf32> to vector<16xf32>
      %swap3A_695 = vector.shape_cast %add3A_690 : vector<16xf32> to vector<1x16xf32>
      tpu.vector_store %arg9[%swap3A_691, %swap3A_692], %swap3A_695 {strides = array<i32>} : memref<32x1024xf32, #tpu.memory_space<vmem>>, vector<1x16xf32>,
      %get3A_696 = arith.index_cast %scan3A_58 : i32 to index
      %get3A_697 = arith.constant 480 : index
      %get3A_698 = tpu.vector_load %arg9[%get3A_696, %get3A_697] {strides = array<i32>} : memref<32x1024xf32, #tpu.memory_space<vmem>>, vector<1x16xf32>,
      %get3A_699 = vector.shape_cast %get3A_698 : vector<1x16xf32> to vector<16xf32>
      %mul3A_700 = arith.mulf %get3A_699, %get3A_62 : vector<16xf32>
      %get3A_701 = arith.index_cast %scan3A_58 : i32 to index
      %get3A_702 = arith.constant 480 : index
      %get3A_703 = tpu.vector_load %arg10[%get3A_701, %get3A_702] {strides = array<i32>} : memref<32x1024xf32, #tpu.memory_space<vmem>>, vector<1x16xf32>,
      %get3A_704 = vector.shape_cast %get3A_703 : vector<1x16xf32> to vector<16xf32>
      %mul3A_705 = arith.mulf %get3A_704, %get3A_66 : vector<16xf32>
      %add3A_706 = arith.addf %mul3A_700, %mul3A_705 : vector<16xf32>
      %get3A_707 = arith.index_cast %scan3A_58 : i32 to index
      %get3A_708 = arith.constant 480 : index
      %get3A_709 = tpu.vector_load %arg11[%get3A_707, %get3A_708] {strides = array<i32>} : memref<32x1024xf32, #tpu.memory_space<vmem>>, vector<1x16xf32>,
      %get3A_710 = vector.shape_cast %get3A_709 : vector<1x16xf32> to vector<16xf32>
      %add3A_711 = arith.addf %add3A_706, %get3A_710 : vector<16xf32>
      %swap3A_712 = arith.index_cast %scan3A_58 : i32 to index
      %swap3A_713 = arith.constant 480 : index
      %swap3A_714 = tpu.vector_load %arg9[%swap3A_712, %swap3A_713] {strides = array<i32>} : memref<32x1024xf32, #tpu.memory_space<vmem>>, vector<1x16xf32>,
      %swap3A_715 = vector.shape_cast %swap3A_714 : vector<1x16xf32> to vector<16xf32>
      %swap3A_716 = vector.shape_cast %add3A_711 : vector<16xf32> to vector<1x16xf32>
      tpu.vector_store %arg9[%swap3A_712, %swap3A_713], %swap3A_716 {strides = array<i32>} : memref<32x1024xf32, #tpu.memory_space<vmem>>, vector<1x16xf32>,
      %get3A_717 = arith.index_cast %scan3A_58 : i32 to index
      %get3A_718 = arith.constant 496 : index
      %get3A_719 = tpu.vector_load %arg9[%get3A_717, %get3A_718] {strides = array<i32>} : memref<32x1024xf32, #tpu.memory_space<vmem>>, vector<1x16xf32>,
      %get3A_720 = vector.shape_cast %get3A_719 : vector<1x16xf32> to vector<16xf32>
      %mul3A_721 = arith.mulf %get3A_720, %get3A_62 : vector<16xf32>
      %get3A_722 = arith.index_cast %scan3A_58 : i32 to index
      %get3A_723 = arith.constant 496 : index
      %get3A_724 = tpu.vector_load %arg10[%get3A_722, %get3A_723] {strides = array<i32>} : memref<32x1024xf32, #tpu.memory_space<vmem>>, vector<1x16xf32>,
      %get3A_725 = vector.shape_cast %get3A_724 : vector<1x16xf32> to vector<16xf32>
      %mul3A_726 = arith.mulf %get3A_725, %get3A_66 : vector<16xf32>
      %add3A_727 = arith.addf %mul3A_721, %mul3A_726 : vector<16xf32>
      %get3A_728 = arith.index_cast %scan3A_58 : i32 to index
      %get3A_729 = arith.constant 496 : index
      %get3A_730 = tpu.vector_load %arg11[%get3A_728, %get3A_729] {strides = array<i32>} : memref<32x1024xf32, #tpu.memory_space<vmem>>, vector<1x16xf32>,
      %get3A_731 = vector.shape_cast %get3A_730 : vector<1x16xf32> to vector<16xf32>
      %add3A_732 = arith.addf %add3A_727, %get3A_731 : vector<16xf32>
      %swap3A_733 = arith.index_cast %scan3A_58 : i32 to index
      %swap3A_734 = arith.constant 496 : index
      %swap3A_735 = tpu.vector_load %arg9[%swap3A_733, %swap3A_734] {strides = array<i32>} : memref<32x1024xf32, #tpu.memory_space<vmem>>, vector<1x16xf32>,
      %swap3A_736 = vector.shape_cast %swap3A_735 : vector<1x16xf32> to vector<16xf32>
      %swap3A_737 = vector.shape_cast %add3A_732 : vector<16xf32> to vector<1x16xf32>
      tpu.vector_store %arg9[%swap3A_733, %swap3A_734], %swap3A_737 {strides = array<i32>} : memref<32x1024xf32, #tpu.memory_space<vmem>>, vector<1x16xf32>,
      %get3A_738 = arith.index_cast %scan3A_58 : i32 to index
      %get3A_739 = arith.constant 512 : index
      %get3A_740 = tpu.vector_load %arg9[%get3A_738, %get3A_739] {strides = array<i32>} : memref<32x1024xf32, #tpu.memory_space<vmem>>, vector<1x16xf32>,
      %get3A_741 = vector.shape_cast %get3A_740 : vector<1x16xf32> to vector<16xf32>
      %mul3A_742 = arith.mulf %get3A_741, %get3A_62 : vector<16xf32>
      %get3A_743 = arith.index_cast %scan3A_58 : i32 to index
      %get3A_744 = arith.constant 512 : index
      %get3A_745 = tpu.vector_load %arg10[%get3A_743, %get3A_744] {strides = array<i32>} : memref<32x1024xf32, #tpu.memory_space<vmem>>, vector<1x16xf32>,
      %get3A_746 = vector.shape_cast %get3A_745 : vector<1x16xf32> to vector<16xf32>
      %mul3A_747 = arith.mulf %get3A_746, %get3A_66 : vector<16xf32>
      %add3A_748 = arith.addf %mul3A_742, %mul3A_747 : vector<16xf32>
      %get3A_749 = arith.index_cast %scan3A_58 : i32 to index
      %get3A_750 = arith.constant 512 : index
      %get3A_751 = tpu.vector_load %arg11[%get3A_749, %get3A_750] {strides = array<i32>} : memref<32x1024xf32, #tpu.memory_space<vmem>>, vector<1x16xf32>,
      %get3A_752 = vector.shape_cast %get3A_751 : vector<1x16xf32> to vector<16xf32>
      %add3A_753 = arith.addf %add3A_748, %get3A_752 : vector<16xf32>
      %swap3A_754 = arith.index_cast %scan3A_58 : i32 to index
      %swap3A_755 = arith.constant 512 : index
      %swap3A_756 = tpu.vector_load %arg9[%swap3A_754, %swap3A_755] {strides = array<i32>} : memref<32x1024xf32, #tpu.memory_space<vmem>>, vector<1x16xf32>,
      %swap3A_757 = vector.shape_cast %swap3A_756 : vector<1x16xf32> to vector<16xf32>
      %swap3A_758 = vector.shape_cast %add3A_753 : vector<16xf32> to vector<1x16xf32>
      tpu.vector_store %arg9[%swap3A_754, %swap3A_755], %swap3A_758 {strides = array<i32>} : memref<32x1024xf32, #tpu.memory_space<vmem>>, vector<1x16xf32>,
      %get3A_759 = arith.index_cast %scan3A_58 : i32 to index
      %get3A_760 = arith.constant 528 : index
      %get3A_761 = tpu.vector_load %arg9[%get3A_759, %get3A_760] {strides = array<i32>} : memref<32x1024xf32, #tpu.memory_space<vmem>>, vector<1x16xf32>,
      %get3A_762 = vector.shape_cast %get3A_761 : vector<1x16xf32> to vector<16xf32>
      %mul3A_763 = arith.mulf %get3A_762, %get3A_62 : vector<16xf32>
      %get3A_764 = arith.index_cast %scan3A_58 : i32 to index
      %get3A_765 = arith.constant 528 : index
      %get3A_766 = tpu.vector_load %arg10[%get3A_764, %get3A_765] {strides = array<i32>} : memref<32x1024xf32, #tpu.memory_space<vmem>>, vector<1x16xf32>,
      %get3A_767 = vector.shape_cast %get3A_766 : vector<1x16xf32> to vector<16xf32>
      %mul3A_768 = arith.mulf %get3A_767, %get3A_66 : vector<16xf32>
      %add3A_769 = arith.addf %mul3A_763, %mul3A_768 : vector<16xf32>
      %get3A_770 = arith.index_cast %scan3A_58 : i32 to index
      %get3A_771 = arith.constant 528 : index
      %get3A_772 = tpu.vector_load %arg11[%get3A_770, %get3A_771] {strides = array<i32>} : memref<32x1024xf32, #tpu.memory_space<vmem>>, vector<1x16xf32>,
      %get3A_773 = vector.shape_cast %get3A_772 : vector<1x16xf32> to vector<16xf32>
      %add3A_774 = arith.addf %add3A_769, %get3A_773 : vector<16xf32>
      %swap3A_775 = arith.index_cast %scan3A_58 : i32 to index
      %swap3A_776 = arith.constant 528 : index
      %swap3A_777 = tpu.vector_load %arg9[%swap3A_775, %swap3A_776] {strides = array<i32>} : memref<32x1024xf32, #tpu.memory_space<vmem>>, vector<1x16xf32>,
      %swap3A_778 = vector.shape_cast %swap3A_777 : vector<1x16xf32> to vector<16xf32>
      %swap3A_779 = vector.shape_cast %add3A_774 : vector<16xf32> to vector<1x16xf32>
      tpu.vector_store %arg9[%swap3A_775, %swap3A_776], %swap3A_779 {strides = array<i32>} : memref<32x1024xf32, #tpu.memory_space<vmem>>, vector<1x16xf32>,
      %get3A_780 = arith.index_cast %scan3A_58 : i32 to index
      %get3A_781 = arith.constant 544 : index
      %get3A_782 = tpu.vector_load %arg9[%get3A_780, %get3A_781] {strides = array<i32>} : memref<32x1024xf32, #tpu.memory_space<vmem>>, vector<1x16xf32>,
      %get3A_783 = vector.shape_cast %get3A_782 : vector<1x16xf32> to vector<16xf32>
      %mul3A_784 = arith.mulf %get3A_783, %get3A_62 : vector<16xf32>
      %get3A_785 = arith.index_cast %scan3A_58 : i32 to index
      %get3A_786 = arith.constant 544 : index
      %get3A_787 = tpu.vector_load %arg10[%get3A_785, %get3A_786] {strides = array<i32>} : memref<32x1024xf32, #tpu.memory_space<vmem>>, vector<1x16xf32>,
      %get3A_788 = vector.shape_cast %get3A_787 : vector<1x16xf32> to vector<16xf32>
      %mul3A_789 = arith.mulf %get3A_788, %get3A_66 : vector<16xf32>
      %add3A_790 = arith.addf %mul3A_784, %mul3A_789 : vector<16xf32>
      %get3A_791 = arith.index_cast %scan3A_58 : i32 to index
      %get3A_792 = arith.constant 544 : index
      %get3A_793 = tpu.vector_load %arg11[%get3A_791, %get3A_792] {strides = array<i32>} : memref<32x1024xf32, #tpu.memory_space<vmem>>, vector<1x16xf32>,
      %get3A_794 = vector.shape_cast %get3A_793 : vector<1x16xf32> to vector<16xf32>
      %add3A_795 = arith.addf %add3A_790, %get3A_794 : vector<16xf32>
      %swap3A_796 = arith.index_cast %scan3A_58 : i32 to index
      %swap3A_797 = arith.constant 544 : index
      %swap3A_798 = tpu.vector_load %arg9[%swap3A_796, %swap3A_797] {strides = array<i32>} : memref<32x1024xf32, #tpu.memory_space<vmem>>, vector<1x16xf32>,
      %swap3A_799 = vector.shape_cast %swap3A_798 : vector<1x16xf32> to vector<16xf32>
      %swap3A_800 = vector.shape_cast %add3A_795 : vector<16xf32> to vector<1x16xf32>
      tpu.vector_store %arg9[%swap3A_796, %swap3A_797], %swap3A_800 {strides = array<i32>} : memref<32x1024xf32, #tpu.memory_space<vmem>>, vector<1x16xf32>,
      %get3A_801 = arith.index_cast %scan3A_58 : i32 to index
      %get3A_802 = arith.constant 560 : index
      %get3A_803 = tpu.vector_load %arg9[%get3A_801, %get3A_802] {strides = array<i32>} : memref<32x1024xf32, #tpu.memory_space<vmem>>, vector<1x16xf32>,
      %get3A_804 = vector.shape_cast %get3A_803 : vector<1x16xf32> to vector<16xf32>
      %mul3A_805 = arith.mulf %get3A_804, %get3A_62 : vector<16xf32>
      %get3A_806 = arith.index_cast %scan3A_58 : i32 to index
      %get3A_807 = arith.constant 560 : index
      %get3A_808 = tpu.vector_load %arg10[%get3A_806, %get3A_807] {strides = array<i32>} : memref<32x1024xf32, #tpu.memory_space<vmem>>, vector<1x16xf32>,
      %get3A_809 = vector.shape_cast %get3A_808 : vector<1x16xf32> to vector<16xf32>
      %mul3A_810 = arith.mulf %get3A_809, %get3A_66 : vector<16xf32>
      %add3A_811 = arith.addf %mul3A_805, %mul3A_810 : vector<16xf32>
      %get3A_812 = arith.index_cast %scan3A_58 : i32 to index
      %get3A_813 = arith.constant 560 : index
      %get3A_814 = tpu.vector_load %arg11[%get3A_812, %get3A_813] {strides = array<i32>} : memref<32x1024xf32, #tpu.memory_space<vmem>>, vector<1x16xf32>,
      %get3A_815 = vector.shape_cast %get3A_814 : vector<1x16xf32> to vector<16xf32>
      %add3A_816 = arith.addf %add3A_811, %get3A_815 : vector<16xf32>
      %swap3A_817 = arith.index_cast %scan3A_58 : i32 to index
      %swap3A_818 = arith.constant 560 : index
      %swap3A_819 = tpu.vector_load %arg9[%swap3A_817, %swap3A_818] {strides = array<i32>} : memref<32x1024xf32, #tpu.memory_space<vmem>>, vector<1x16xf32>,
      %swap3A_820 = vector.shape_cast %swap3A_819 : vector<1x16xf32> to vector<16xf32>
      %swap3A_821 = vector.shape_cast %add3A_816 : vector<16xf32> to vector<1x16xf32>
      tpu.vector_store %arg9[%swap3A_817, %swap3A_818], %swap3A_821 {strides = array<i32>} : memref<32x1024xf32, #tpu.memory_space<vmem>>, vector<1x16xf32>,
      %get3A_822 = arith.index_cast %scan3A_58 : i32 to index
      %get3A_823 = arith.constant 576 : index
      %get3A_824 = tpu.vector_load %arg9[%get3A_822, %get3A_823] {strides = array<i32>} : memref<32x1024xf32, #tpu.memory_space<vmem>>, vector<1x16xf32>,
      %get3A_825 = vector.shape_cast %get3A_824 : vector<1x16xf32> to vector<16xf32>
      %mul3A_826 = arith.mulf %get3A_825, %get3A_62 : vector<16xf32>
      %get3A_827 = arith.index_cast %scan3A_58 : i32 to index
      %get3A_828 = arith.constant 576 : index
      %get3A_829 = tpu.vector_load %arg10[%get3A_827, %get3A_828] {strides = array<i32>} : memref<32x1024xf32, #tpu.memory_space<vmem>>, vector<1x16xf32>,
      %get3A_830 = vector.shape_cast %get3A_829 : vector<1x16xf32> to vector<16xf32>
      %mul3A_831 = arith.mulf %get3A_830, %get3A_66 : vector<16xf32>
      %add3A_832 = arith.addf %mul3A_826, %mul3A_831 : vector<16xf32>
      %get3A_833 = arith.index_cast %scan3A_58 : i32 to index
      %get3A_834 = arith.constant 576 : index
      %get3A_835 = tpu.vector_load %arg11[%get3A_833, %get3A_834] {strides = array<i32>} : memref<32x1024xf32, #tpu.memory_space<vmem>>, vector<1x16xf32>,
      %get3A_836 = vector.shape_cast %get3A_835 : vector<1x16xf32> to vector<16xf32>
      %add3A_837 = arith.addf %add3A_832, %get3A_836 : vector<16xf32>
      %swap3A_838 = arith.index_cast %scan3A_58 : i32 to index
      %swap3A_839 = arith.constant 576 : index
      %swap3A_840 = tpu.vector_load %arg9[%swap3A_838, %swap3A_839] {strides = array<i32>} : memref<32x1024xf32, #tpu.memory_space<vmem>>, vector<1x16xf32>,
      %swap3A_841 = vector.shape_cast %swap3A_840 : vector<1x16xf32> to vector<16xf32>
      %swap3A_842 = vector.shape_cast %add3A_837 : vector<16xf32> to vector<1x16xf32>
      tpu.vector_store %arg9[%swap3A_838, %swap3A_839], %swap3A_842 {strides = array<i32>} : memref<32x1024xf32, #tpu.memory_space<vmem>>, vector<1x16xf32>,
      %get3A_843 = arith.index_cast %scan3A_58 : i32 to index
      %get3A_844 = arith.constant 592 : index
      %get3A_845 = tpu.vector_load %arg9[%get3A_843, %get3A_844] {strides = array<i32>} : memref<32x1024xf32, #tpu.memory_space<vmem>>, vector<1x16xf32>,
      %get3A_846 = vector.shape_cast %get3A_845 : vector<1x16xf32> to vector<16xf32>
      %mul3A_847 = arith.mulf %get3A_846, %get3A_62 : vector<16xf32>
      %get3A_848 = arith.index_cast %scan3A_58 : i32 to index
      %get3A_849 = arith.constant 592 : index
      %get3A_850 = tpu.vector_load %arg10[%get3A_848, %get3A_849] {strides = array<i32>} : memref<32x1024xf32, #tpu.memory_space<vmem>>, vector<1x16xf32>,
      %get3A_851 = vector.shape_cast %get3A_850 : vector<1x16xf32> to vector<16xf32>
      %mul3A_852 = arith.mulf %get3A_851, %get3A_66 : vector<16xf32>
      %add3A_853 = arith.addf %mul3A_847, %mul3A_852 : vector<16xf32>
      %get3A_854 = arith.index_cast %scan3A_58 : i32 to index
      %get3A_855 = arith.constant 592 : index
      %get3A_856 = tpu.vector_load %arg11[%get3A_854, %get3A_855] {strides = array<i32>} : memref<32x1024xf32, #tpu.memory_space<vmem>>, vector<1x16xf32>,
      %get3A_857 = vector.shape_cast %get3A_856 : vector<1x16xf32> to vector<16xf32>
      %add3A_858 = arith.addf %add3A_853, %get3A_857 : vector<16xf32>
      %swap3A_859 = arith.index_cast %scan3A_58 : i32 to index
      %swap3A_860 = arith.constant 592 : index
      %swap3A_861 = tpu.vector_load %arg9[%swap3A_859, %swap3A_860] {strides = array<i32>} : memref<32x1024xf32, #tpu.memory_space<vmem>>, vector<1x16xf32>,
      %swap3A_862 = vector.shape_cast %swap3A_861 : vector<1x16xf32> to vector<16xf32>
      %swap3A_863 = vector.shape_cast %add3A_858 : vector<16xf32> to vector<1x16xf32>
      tpu.vector_store %arg9[%swap3A_859, %swap3A_860], %swap3A_863 {strides = array<i32>} : memref<32x1024xf32, #tpu.memory_space<vmem>>, vector<1x16xf32>,
      %get3A_864 = arith.index_cast %scan3A_58 : i32 to index
      %get3A_865 = arith.constant 608 : index
      %get3A_866 = tpu.vector_load %arg9[%get3A_864, %get3A_865] {strides = array<i32>} : memref<32x1024xf32, #tpu.memory_space<vmem>>, vector<1x16xf32>,
      %get3A_867 = vector.shape_cast %get3A_866 : vector<1x16xf32> to vector<16xf32>
      %mul3A_868 = arith.mulf %get3A_867, %get3A_62 : vector<16xf32>
      %get3A_869 = arith.index_cast %scan3A_58 : i32 to index
      %get3A_870 = arith.constant 608 : index
      %get3A_871 = tpu.vector_load %arg10[%get3A_869, %get3A_870] {strides = array<i32>} : memref<32x1024xf32, #tpu.memory_space<vmem>>, vector<1x16xf32>,
      %get3A_872 = vector.shape_cast %get3A_871 : vector<1x16xf32> to vector<16xf32>
      %mul3A_873 = arith.mulf %get3A_872, %get3A_66 : vector<16xf32>
      %add3A_874 = arith.addf %mul3A_868, %mul3A_873 : vector<16xf32>
      %get3A_875 = arith.index_cast %scan3A_58 : i32 to index
      %get3A_876 = arith.constant 608 : index
      %get3A_877 = tpu.vector_load %arg11[%get3A_875, %get3A_876] {strides = array<i32>} : memref<32x1024xf32, #tpu.memory_space<vmem>>, vector<1x16xf32>,
      %get3A_878 = vector.shape_cast %get3A_877 : vector<1x16xf32> to vector<16xf32>
      %add3A_879 = arith.addf %add3A_874, %get3A_878 : vector<16xf32>
      %swap3A_880 = arith.index_cast %scan3A_58 : i32 to index
      %swap3A_881 = arith.constant 608 : index
      %swap3A_882 = tpu.vector_load %arg9[%swap3A_880, %swap3A_881] {strides = array<i32>} : memref<32x1024xf32, #tpu.memory_space<vmem>>, vector<1x16xf32>,
      %swap3A_883 = vector.shape_cast %swap3A_882 : vector<1x16xf32> to vector<16xf32>
      %swap3A_884 = vector.shape_cast %add3A_879 : vector<16xf32> to vector<1x16xf32>
      tpu.vector_store %arg9[%swap3A_880, %swap3A_881], %swap3A_884 {strides = array<i32>} : memref<32x1024xf32, #tpu.memory_space<vmem>>, vector<1x16xf32>,
      %get3A_885 = arith.index_cast %scan3A_58 : i32 to index
      %get3A_886 = arith.constant 624 : index
      %get3A_887 = tpu.vector_load %arg9[%get3A_885, %get3A_886] {strides = array<i32>} : memref<32x1024xf32, #tpu.memory_space<vmem>>, vector<1x16xf32>,
      %get3A_888 = vector.shape_cast %get3A_887 : vector<1x16xf32> to vector<16xf32>
      %mul3A_889 = arith.mulf %get3A_888, %get3A_62 : vector<16xf32>
      %get3A_890 = arith.index_cast %scan3A_58 : i32 to index
      %get3A_891 = arith.constant 624 : index
      %get3A_892 = tpu.vector_load %arg10[%get3A_890, %get3A_891] {strides = array<i32>} : memref<32x1024xf32, #tpu.memory_space<vmem>>, vector<1x16xf32>,
      %get3A_893 = vector.shape_cast %get3A_892 : vector<1x16xf32> to vector<16xf32>
      %mul3A_894 = arith.mulf %get3A_893, %get3A_66 : vector<16xf32>
      %add3A_895 = arith.addf %mul3A_889, %mul3A_894 : vector<16xf32>
      %get3A_896 = arith.index_cast %scan3A_58 : i32 to index
      %get3A_897 = arith.constant 624 : index
      %get3A_898 = tpu.vector_load %arg11[%get3A_896, %get3A_897] {strides = array<i32>} : memref<32x1024xf32, #tpu.memory_space<vmem>>, vector<1x16xf32>,
      %get3A_899 = vector.shape_cast %get3A_898 : vector<1x16xf32> to vector<16xf32>
      %add3A_900 = arith.addf %add3A_895, %get3A_899 : vector<16xf32>
      %swap3A_901 = arith.index_cast %scan3A_58 : i32 to index
      %swap3A_902 = arith.constant 624 : index
      %swap3A_903 = tpu.vector_load %arg9[%swap3A_901, %swap3A_902] {strides = array<i32>} : memref<32x1024xf32, #tpu.memory_space<vmem>>, vector<1x16xf32>,
      %swap3A_904 = vector.shape_cast %swap3A_903 : vector<1x16xf32> to vector<16xf32>
      %swap3A_905 = vector.shape_cast %add3A_900 : vector<16xf32> to vector<1x16xf32>
      tpu.vector_store %arg9[%swap3A_901, %swap3A_902], %swap3A_905 {strides = array<i32>} : memref<32x1024xf32, #tpu.memory_space<vmem>>, vector<1x16xf32>,
      %get3A_906 = arith.index_cast %scan3A_58 : i32 to index
      %get3A_907 = arith.constant 640 : index
      %get3A_908 = tpu.vector_load %arg9[%get3A_906, %get3A_907] {strides = array<i32>} : memref<32x1024xf32, #tpu.memory_space<vmem>>, vector<1x16xf32>,
      %get3A_909 = vector.shape_cast %get3A_908 : vector<1x16xf32> to vector<16xf32>
      %mul3A_910 = arith.mulf %get3A_909, %get3A_62 : vector<16xf32>
      %get3A_911 = arith.index_cast %scan3A_58 : i32 to index
      %get3A_912 = arith.constant 640 : index
      %get3A_913 = tpu.vector_load %arg10[%get3A_911, %get3A_912] {strides = array<i32>} : memref<32x1024xf32, #tpu.memory_space<vmem>>, vector<1x16xf32>,
      %get3A_914 = vector.shape_cast %get3A_913 : vector<1x16xf32> to vector<16xf32>
      %mul3A_915 = arith.mulf %get3A_914, %get3A_66 : vector<16xf32>
      %add3A_916 = arith.addf %mul3A_910, %mul3A_915 : vector<16xf32>
      %get3A_917 = arith.index_cast %scan3A_58 : i32 to index
      %get3A_918 = arith.constant 640 : index
      %get3A_919 = tpu.vector_load %arg11[%get3A_917, %get3A_918] {strides = array<i32>} : memref<32x1024xf32, #tpu.memory_space<vmem>>, vector<1x16xf32>,
      %get3A_920 = vector.shape_cast %get3A_919 : vector<1x16xf32> to vector<16xf32>
      %add3A_921 = arith.addf %add3A_916, %get3A_920 : vector<16xf32>
      %swap3A_922 = arith.index_cast %scan3A_58 : i32 to index
      %swap3A_923 = arith.constant 640 : index
      %swap3A_924 = tpu.vector_load %arg9[%swap3A_922, %swap3A_923] {strides = array<i32>} : memref<32x1024xf32, #tpu.memory_space<vmem>>, vector<1x16xf32>,
      %swap3A_925 = vector.shape_cast %swap3A_924 : vector<1x16xf32> to vector<16xf32>
      %swap3A_926 = vector.shape_cast %add3A_921 : vector<16xf32> to vector<1x16xf32>
      tpu.vector_store %arg9[%swap3A_922, %swap3A_923], %swap3A_926 {strides = array<i32>} : memref<32x1024xf32, #tpu.memory_space<vmem>>, vector<1x16xf32>,
      %get3A_927 = arith.index_cast %scan3A_58 : i32 to index
      %get3A_928 = arith.constant 656 : index
      %get3A_929 = tpu.vector_load %arg9[%get3A_927, %get3A_928] {strides = array<i32>} : memref<32x1024xf32, #tpu.memory_space<vmem>>, vector<1x16xf32>,
      %get3A_930 = vector.shape_cast %get3A_929 : vector<1x16xf32> to vector<16xf32>
      %mul3A_931 = arith.mulf %get3A_930, %get3A_62 : vector<16xf32>
      %get3A_932 = arith.index_cast %scan3A_58 : i32 to index
      %get3A_933 = arith.constant 656 : index
      %get3A_934 = tpu.vector_load %arg10[%get3A_932, %get3A_933] {strides = array<i32>} : memref<32x1024xf32, #tpu.memory_space<vmem>>, vector<1x16xf32>,
      %get3A_935 = vector.shape_cast %get3A_934 : vector<1x16xf32> to vector<16xf32>
      %mul3A_936 = arith.mulf %get3A_935, %get3A_66 : vector<16xf32>
      %add3A_937 = arith.addf %mul3A_931, %mul3A_936 : vector<16xf32>
      %get3A_938 = arith.index_cast %scan3A_58 : i32 to index
      %get3A_939 = arith.constant 656 : index
      %get3A_940 = tpu.vector_load %arg11[%get3A_938, %get3A_939] {strides = array<i32>} : memref<32x1024xf32, #tpu.memory_space<vmem>>, vector<1x16xf32>,
      %get3A_941 = vector.shape_cast %get3A_940 : vector<1x16xf32> to vector<16xf32>
      %add3A_942 = arith.addf %add3A_937, %get3A_941 : vector<16xf32>
      %swap3A_943 = arith.index_cast %scan3A_58 : i32 to index
      %swap3A_944 = arith.constant 656 : index
      %swap3A_945 = tpu.vector_load %arg9[%swap3A_943, %swap3A_944] {strides = array<i32>} : memref<32x1024xf32, #tpu.memory_space<vmem>>, vector<1x16xf32>,
      %swap3A_946 = vector.shape_cast %swap3A_945 : vector<1x16xf32> to vector<16xf32>
      %swap3A_947 = vector.shape_cast %add3A_942 : vector<16xf32> to vector<1x16xf32>
      tpu.vector_store %arg9[%swap3A_943, %swap3A_944], %swap3A_947 {strides = array<i32>} : memref<32x1024xf32, #tpu.memory_space<vmem>>, vector<1x16xf32>,
      %get3A_948 = arith.index_cast %scan3A_58 : i32 to index
      %get3A_949 = arith.constant 672 : index
      %get3A_950 = tpu.vector_load %arg9[%get3A_948, %get3A_949] {strides = array<i32>} : memref<32x1024xf32, #tpu.memory_space<vmem>>, vector<1x16xf32>,
      %get3A_951 = vector.shape_cast %get3A_950 : vector<1x16xf32> to vector<16xf32>
      %mul3A_952 = arith.mulf %get3A_951, %get3A_62 : vector<16xf32>
      %get3A_953 = arith.index_cast %scan3A_58 : i32 to index
      %get3A_954 = arith.constant 672 : index
      %get3A_955 = tpu.vector_load %arg10[%get3A_953, %get3A_954] {strides = array<i32>} : memref<32x1024xf32, #tpu.memory_space<vmem>>, vector<1x16xf32>,
      %get3A_956 = vector.shape_cast %get3A_955 : vector<1x16xf32> to vector<16xf32>
      %mul3A_957 = arith.mulf %get3A_956, %get3A_66 : vector<16xf32>
      %add3A_958 = arith.addf %mul3A_952, %mul3A_957 : vector<16xf32>
      %get3A_959 = arith.index_cast %scan3A_58 : i32 to index
      %get3A_960 = arith.constant 672 : index
      %get3A_961 = tpu.vector_load %arg11[%get3A_959, %get3A_960] {strides = array<i32>} : memref<32x1024xf32, #tpu.memory_space<vmem>>, vector<1x16xf32>,
      %get3A_962 = vector.shape_cast %get3A_961 : vector<1x16xf32> to vector<16xf32>
      %add3A_963 = arith.addf %add3A_958, %get3A_962 : vector<16xf32>
      %swap3A_964 = arith.index_cast %scan3A_58 : i32 to index
      %swap3A_965 = arith.constant 672 : index
      %swap3A_966 = tpu.vector_load %arg9[%swap3A_964, %swap3A_965] {strides = array<i32>} : memref<32x1024xf32, #tpu.memory_space<vmem>>, vector<1x16xf32>,
      %swap3A_967 = vector.shape_cast %swap3A_966 : vector<1x16xf32> to vector<16xf32>
      %swap3A_968 = vector.shape_cast %add3A_963 : vector<16xf32> to vector<1x16xf32>
      tpu.vector_store %arg9[%swap3A_964, %swap3A_965], %swap3A_968 {strides = array<i32>} : memref<32x1024xf32, #tpu.memory_space<vmem>>, vector<1x16xf32>,
      %get3A_969 = arith.index_cast %scan3A_58 : i32 to index
      %get3A_970 = arith.constant 688 : index
      %get3A_971 = tpu.vector_load %arg9[%get3A_969, %get3A_970] {strides = array<i32>} : memref<32x1024xf32, #tpu.memory_space<vmem>>, vector<1x16xf32>,
      %get3A_972 = vector.shape_cast %get3A_971 : vector<1x16xf32> to vector<16xf32>
      %mul3A_973 = arith.mulf %get3A_972, %get3A_62 : vector<16xf32>
      %get3A_974 = arith.index_cast %scan3A_58 : i32 to index
      %get3A_975 = arith.constant 688 : index
      %get3A_976 = tpu.vector_load %arg10[%get3A_974, %get3A_975] {strides = array<i32>} : memref<32x1024xf32, #tpu.memory_space<vmem>>, vector<1x16xf32>,
      %get3A_977 = vector.shape_cast %get3A_976 : vector<1x16xf32> to vector<16xf32>
      %mul3A_978 = arith.mulf %get3A_977, %get3A_66 : vector<16xf32>
      %add3A_979 = arith.addf %mul3A_973, %mul3A_978 : vector<16xf32>
      %get3A_980 = arith.index_cast %scan3A_58 : i32 to index
      %get3A_981 = arith.constant 688 : index
      %get3A_982 = tpu.vector_load %arg11[%get3A_980, %get3A_981] {strides = array<i32>} : memref<32x1024xf32, #tpu.memory_space<vmem>>, vector<1x16xf32>,
      %get3A_983 = vector.shape_cast %get3A_982 : vector<1x16xf32> to vector<16xf32>
      %add3A_984 = arith.addf %add3A_979, %get3A_983 : vector<16xf32>
      %swap3A_985 = arith.index_cast %scan3A_58 : i32 to index
      %swap3A_986 = arith.constant 688 : index
      %swap3A_987 = tpu.vector_load %arg9[%swap3A_985, %swap3A_986] {strides = array<i32>} : memref<32x1024xf32, #tpu.memory_space<vmem>>, vector<1x16xf32>,
      %swap3A_988 = vector.shape_cast %swap3A_987 : vector<1x16xf32> to vector<16xf32>
      %swap3A_989 = vector.shape_cast %add3A_984 : vector<16xf32> to vector<1x16xf32>
      tpu.vector_store %arg9[%swap3A_985, %swap3A_986], %swap3A_989 {strides = array<i32>} : memref<32x1024xf32, #tpu.memory_space<vmem>>, vector<1x16xf32>,
      %get3A_990 = arith.index_cast %scan3A_58 : i32 to index
      %get3A_991 = arith.constant 704 : index
      %get3A_992 = tpu.vector_load %arg9[%get3A_990, %get3A_991] {strides = array<i32>} : memref<32x1024xf32, #tpu.memory_space<vmem>>, vector<1x16xf32>,
      %get3A_993 = vector.shape_cast %get3A_992 : vector<1x16xf32> to vector<16xf32>
      %mul3A_994 = arith.mulf %get3A_993, %get3A_62 : vector<16xf32>
      %get3A_995 = arith.index_cast %scan3A_58 : i32 to index
      %get3A_996 = arith.constant 704 : index
      %get3A_997 = tpu.vector_load %arg10[%get3A_995, %get3A_996] {strides = array<i32>} : memref<32x1024xf32, #tpu.memory_space<vmem>>, vector<1x16xf32>,
      %get3A_998 = vector.shape_cast %get3A_997 : vector<1x16xf32> to vector<16xf32>
      %mul3A_999 = arith.mulf %get3A_998, %get3A_66 : vector<16xf32>
      %add3A_1000 = arith.addf %mul3A_994, %mul3A_999 : vector<16xf32>
      %get3A_1001 = arith.index_cast %scan3A_58 : i32 to index
      %get3A_1002 = arith.constant 704 : index
      %get3A_1003 = tpu.vector_load %arg11[%get3A_1001, %get3A_1002] {strides = array<i32>} : memref<32x1024xf32, #tpu.memory_space<vmem>>, vector<1x16xf32>,
      %get3A_1004 = vector.shape_cast %get3A_1003 : vector<1x16xf32> to vector<16xf32>
      %add3A_1005 = arith.addf %add3A_1000, %get3A_1004 : vector<16xf32>
      %swap3A_1006 = arith.index_cast %scan3A_58 : i32 to index
      %swap3A_1007 = arith.constant 704 : index
      %swap3A_1008 = tpu.vector_load %arg9[%swap3A_1006, %swap3A_1007] {strides = array<i32>} : memref<32x1024xf32, #tpu.memory_space<vmem>>, vector<1x16xf32>,
      %swap3A_1009 = vector.shape_cast %swap3A_1008 : vector<1x16xf32> to vector<16xf32>
      %swap3A_1010 = vector.shape_cast %add3A_1005 : vector<16xf32> to vector<1x16xf32>
      tpu.vector_store %arg9[%swap3A_1006, %swap3A_1007], %swap3A_1010 {strides = array<i32>} : memref<32x1024xf32, #tpu.memory_space<vmem>>, vector<1x16xf32>,
      %get3A_1011 = arith.index_cast %scan3A_58 : i32 to index
      %get3A_1012 = arith.constant 720 : index
      %get3A_1013 = tpu.vector_load %arg9[%get3A_1011, %get3A_1012] {strides = array<i32>} : memref<32x1024xf32, #tpu.memory_space<vmem>>, vector<1x16xf32>,
      %get3A_1014 = vector.shape_cast %get3A_1013 : vector<1x16xf32> to vector<16xf32>
      %mul3A_1015 = arith.mulf %get3A_1014, %get3A_62 : vector<16xf32>
      %get3A_1016 = arith.index_cast %scan3A_58 : i32 to index
      %get3A_1017 = arith.constant 720 : index
      %get3A_1018 = tpu.vector_load %arg10[%get3A_1016, %get3A_1017] {strides = array<i32>} : memref<32x1024xf32, #tpu.memory_space<vmem>>, vector<1x16xf32>,
      %get3A_1019 = vector.shape_cast %get3A_1018 : vector<1x16xf32> to vector<16xf32>
      %mul3A_1020 = arith.mulf %get3A_1019, %get3A_66 : vector<16xf32>
      %add3A_1021 = arith.addf %mul3A_1015, %mul3A_1020 : vector<16xf32>
      %get3A_1022 = arith.index_cast %scan3A_58 : i32 to index
      %get3A_1023 = arith.constant 720 : index
      %get3A_1024 = tpu.vector_load %arg11[%get3A_1022, %get3A_1023] {strides = array<i32>} : memref<32x1024xf32, #tpu.memory_space<vmem>>, vector<1x16xf32>,
      %get3A_1025 = vector.shape_cast %get3A_1024 : vector<1x16xf32> to vector<16xf32>
      %add3A_1026 = arith.addf %add3A_1021, %get3A_1025 : vector<16xf32>
      %swap3A_1027 = arith.index_cast %scan3A_58 : i32 to index
      %swap3A_1028 = arith.constant 720 : index
      %swap3A_1029 = tpu.vector_load %arg9[%swap3A_1027, %swap3A_1028] {strides = array<i32>} : memref<32x1024xf32, #tpu.memory_space<vmem>>, vector<1x16xf32>,
      %swap3A_1030 = vector.shape_cast %swap3A_1029 : vector<1x16xf32> to vector<16xf32>
      %swap3A_1031 = vector.shape_cast %add3A_1026 : vector<16xf32> to vector<1x16xf32>
      tpu.vector_store %arg9[%swap3A_1027, %swap3A_1028], %swap3A_1031 {strides = array<i32>} : memref<32x1024xf32, #tpu.memory_space<vmem>>, vector<1x16xf32>,
      %get3A_1032 = arith.index_cast %scan3A_58 : i32 to index
      %get3A_1033 = arith.constant 736 : index
      %get3A_1034 = tpu.vector_load %arg9[%get3A_1032, %get3A_1033] {strides = array<i32>} : memref<32x1024xf32, #tpu.memory_space<vmem>>, vector<1x16xf32>,
      %get3A_1035 = vector.shape_cast %get3A_1034 : vector<1x16xf32> to vector<16xf32>
      %mul3A_1036 = arith.mulf %get3A_1035, %get3A_62 : vector<16xf32>
      %get3A_1037 = arith.index_cast %scan3A_58 : i32 to index
      %get3A_1038 = arith.constant 736 : index
      %get3A_1039 = tpu.vector_load %arg10[%get3A_1037, %get3A_1038] {strides = array<i32>} : memref<32x1024xf32, #tpu.memory_space<vmem>>, vector<1x16xf32>,
      %get3A_1040 = vector.shape_cast %get3A_1039 : vector<1x16xf32> to vector<16xf32>
      %mul3A_1041 = arith.mulf %get3A_1040, %get3A_66 : vector<16xf32>
      %add3A_1042 = arith.addf %mul3A_1036, %mul3A_1041 : vector<16xf32>
      %get3A_1043 = arith.index_cast %scan3A_58 : i32 to index
      %get3A_1044 = arith.constant 736 : index
      %get3A_1045 = tpu.vector_load %arg11[%get3A_1043, %get3A_1044] {strides = array<i32>} : memref<32x1024xf32, #tpu.memory_space<vmem>>, vector<1x16xf32>,
      %get3A_1046 = vector.shape_cast %get3A_1045 : vector<1x16xf32> to vector<16xf32>
      %add3A_1047 = arith.addf %add3A_1042, %get3A_1046 : vector<16xf32>
      %swap3A_1048 = arith.index_cast %scan3A_58 : i32 to index
      %swap3A_1049 = arith.constant 736 : index
      %swap3A_1050 = tpu.vector_load %arg9[%swap3A_1048, %swap3A_1049] {strides = array<i32>} : memref<32x1024xf32, #tpu.memory_space<vmem>>, vector<1x16xf32>,
      %swap3A_1051 = vector.shape_cast %swap3A_1050 : vector<1x16xf32> to vector<16xf32>
      %swap3A_1052 = vector.shape_cast %add3A_1047 : vector<16xf32> to vector<1x16xf32>
      tpu.vector_store %arg9[%swap3A_1048, %swap3A_1049], %swap3A_1052 {strides = array<i32>} : memref<32x1024xf32, #tpu.memory_space<vmem>>, vector<1x16xf32>,
      %get3A_1053 = arith.index_cast %scan3A_58 : i32 to index
      %get3A_1054 = arith.constant 752 : index
      %get3A_1055 = tpu.vector_load %arg9[%get3A_1053, %get3A_1054] {strides = array<i32>} : memref<32x1024xf32, #tpu.memory_space<vmem>>, vector<1x16xf32>,
      %get3A_1056 = vector.shape_cast %get3A_1055 : vector<1x16xf32> to vector<16xf32>
      %mul3A_1057 = arith.mulf %get3A_1056, %get3A_62 : vector<16xf32>
      %get3A_1058 = arith.index_cast %scan3A_58 : i32 to index
      %get3A_1059 = arith.constant 752 : index
      %get3A_1060 = tpu.vector_load %arg10[%get3A_1058, %get3A_1059] {strides = array<i32>} : memref<32x1024xf32, #tpu.memory_space<vmem>>, vector<1x16xf32>,
      %get3A_1061 = vector.shape_cast %get3A_1060 : vector<1x16xf32> to vector<16xf32>
      %mul3A_1062 = arith.mulf %get3A_1061, %get3A_66 : vector<16xf32>
      %add3A_1063 = arith.addf %mul3A_1057, %mul3A_1062 : vector<16xf32>
      %get3A_1064 = arith.index_cast %scan3A_58 : i32 to index
      %get3A_1065 = arith.constant 752 : index
      %get3A_1066 = tpu.vector_load %arg11[%get3A_1064, %get3A_1065] {strides = array<i32>} : memref<32x1024xf32, #tpu.memory_space<vmem>>, vector<1x16xf32>,
      %get3A_1067 = vector.shape_cast %get3A_1066 : vector<1x16xf32> to vector<16xf32>
      %add3A_1068 = arith.addf %add3A_1063, %get3A_1067 : vector<16xf32>
      %swap3A_1069 = arith.index_cast %scan3A_58 : i32 to index
      %swap3A_1070 = arith.constant 752 : index
      %swap3A_1071 = tpu.vector_load %arg9[%swap3A_1069, %swap3A_1070] {strides = array<i32>} : memref<32x1024xf32, #tpu.memory_space<vmem>>, vector<1x16xf32>,
      %swap3A_1072 = vector.shape_cast %swap3A_1071 : vector<1x16xf32> to vector<16xf32>
      %swap3A_1073 = vector.shape_cast %add3A_1068 : vector<16xf32> to vector<1x16xf32>
      tpu.vector_store %arg9[%swap3A_1069, %swap3A_1070], %swap3A_1073 {strides = array<i32>} : memref<32x1024xf32, #tpu.memory_space<vmem>>, vector<1x16xf32>,
      %get3A_1074 = arith.index_cast %scan3A_58 : i32 to index
      %get3A_1075 = arith.constant 768 : index
      %get3A_1076 = tpu.vector_load %arg9[%get3A_1074, %get3A_1075] {strides = array<i32>} : memref<32x1024xf32, #tpu.memory_space<vmem>>, vector<1x16xf32>,
      %get3A_1077 = vector.shape_cast %get3A_1076 : vector<1x16xf32> to vector<16xf32>
      %mul3A_1078 = arith.mulf %get3A_1077, %get3A_62 : vector<16xf32>
      %get3A_1079 = arith.index_cast %scan3A_58 : i32 to index
      %get3A_1080 = arith.constant 768 : index
      %get3A_1081 = tpu.vector_load %arg10[%get3A_1079, %get3A_1080] {strides = array<i32>} : memref<32x1024xf32, #tpu.memory_space<vmem>>, vector<1x16xf32>,
      %get3A_1082 = vector.shape_cast %get3A_1081 : vector<1x16xf32> to vector<16xf32>
      %mul3A_1083 = arith.mulf %get3A_1082, %get3A_66 : vector<16xf32>
      %add3A_1084 = arith.addf %mul3A_1078, %mul3A_1083 : vector<16xf32>
      %get3A_1085 = arith.index_cast %scan3A_58 : i32 to index
      %get3A_1086 = arith.constant 768 : index
      %get3A_1087 = tpu.vector_load %arg11[%get3A_1085, %get3A_1086] {strides = array<i32>} : memref<32x1024xf32, #tpu.memory_space<vmem>>, vector<1x16xf32>,
      %get3A_1088 = vector.shape_cast %get3A_1087 : vector<1x16xf32> to vector<16xf32>
      %add3A_1089 = arith.addf %add3A_1084, %get3A_1088 : vector<16xf32>
      %swap3A_1090 = arith.index_cast %scan3A_58 : i32 to index
      %swap3A_1091 = arith.constant 768 : index
      %swap3A_1092 = tpu.vector_load %arg9[%swap3A_1090, %swap3A_1091] {strides = array<i32>} : memref<32x1024xf32, #tpu.memory_space<vmem>>, vector<1x16xf32>,
      %swap3A_1093 = vector.shape_cast %swap3A_1092 : vector<1x16xf32> to vector<16xf32>
      %swap3A_1094 = vector.shape_cast %add3A_1089 : vector<16xf32> to vector<1x16xf32>
      tpu.vector_store %arg9[%swap3A_1090, %swap3A_1091], %swap3A_1094 {strides = array<i32>} : memref<32x1024xf32, #tpu.memory_space<vmem>>, vector<1x16xf32>,
      %get3A_1095 = arith.index_cast %scan3A_58 : i32 to index
      %get3A_1096 = arith.constant 784 : index
      %get3A_1097 = tpu.vector_load %arg9[%get3A_1095, %get3A_1096] {strides = array<i32>} : memref<32x1024xf32, #tpu.memory_space<vmem>>, vector<1x16xf32>,
      %get3A_1098 = vector.shape_cast %get3A_1097 : vector<1x16xf32> to vector<16xf32>
      %mul3A_1099 = arith.mulf %get3A_1098, %get3A_62 : vector<16xf32>
      %get3A_1100 = arith.index_cast %scan3A_58 : i32 to index
      %get3A_1101 = arith.constant 784 : index
      %get3A_1102 = tpu.vector_load %arg10[%get3A_1100, %get3A_1101] {strides = array<i32>} : memref<32x1024xf32, #tpu.memory_space<vmem>>, vector<1x16xf32>,
      %get3A_1103 = vector.shape_cast %get3A_1102 : vector<1x16xf32> to vector<16xf32>
      %mul3A_1104 = arith.mulf %get3A_1103, %get3A_66 : vector<16xf32>
      %add3A_1105 = arith.addf %mul3A_1099, %mul3A_1104 : vector<16xf32>
      %get3A_1106 = arith.index_cast %scan3A_58 : i32 to index
      %get3A_1107 = arith.constant 784 : index
      %get3A_1108 = tpu.vector_load %arg11[%get3A_1106, %get3A_1107] {strides = array<i32>} : memref<32x1024xf32, #tpu.memory_space<vmem>>, vector<1x16xf32>,
      %get3A_1109 = vector.shape_cast %get3A_1108 : vector<1x16xf32> to vector<16xf32>
      %add3A_1110 = arith.addf %add3A_1105, %get3A_1109 : vector<16xf32>
      %swap3A_1111 = arith.index_cast %scan3A_58 : i32 to index
      %swap3A_1112 = arith.constant 784 : index
      %swap3A_1113 = tpu.vector_load %arg9[%swap3A_1111, %swap3A_1112] {strides = array<i32>} : memref<32x1024xf32, #tpu.memory_space<vmem>>, vector<1x16xf32>,
      %swap3A_1114 = vector.shape_cast %swap3A_1113 : vector<1x16xf32> to vector<16xf32>
      %swap3A_1115 = vector.shape_cast %add3A_1110 : vector<16xf32> to vector<1x16xf32>
      tpu.vector_store %arg9[%swap3A_1111, %swap3A_1112], %swap3A_1115 {strides = array<i32>} : memref<32x1024xf32, #tpu.memory_space<vmem>>, vector<1x16xf32>,
      %get3A_1116 = arith.index_cast %scan3A_58 : i32 to index
      %get3A_1117 = arith.constant 800 : index
      %get3A_1118 = tpu.vector_load %arg9[%get3A_1116, %get3A_1117] {strides = array<i32>} : memref<32x1024xf32, #tpu.memory_space<vmem>>, vector<1x16xf32>,
      %get3A_1119 = vector.shape_cast %get3A_1118 : vector<1x16xf32> to vector<16xf32>
      %mul3A_1120 = arith.mulf %get3A_1119, %get3A_62 : vector<16xf32>
      %get3A_1121 = arith.index_cast %scan3A_58 : i32 to index
      %get3A_1122 = arith.constant 800 : index
      %get3A_1123 = tpu.vector_load %arg10[%get3A_1121, %get3A_1122] {strides = array<i32>} : memref<32x1024xf32, #tpu.memory_space<vmem>>, vector<1x16xf32>,
      %get3A_1124 = vector.shape_cast %get3A_1123 : vector<1x16xf32> to vector<16xf32>
      %mul3A_1125 = arith.mulf %get3A_1124, %get3A_66 : vector<16xf32>
      %add3A_1126 = arith.addf %mul3A_1120, %mul3A_1125 : vector<16xf32>
      %get3A_1127 = arith.index_cast %scan3A_58 : i32 to index
      %get3A_1128 = arith.constant 800 : index
      %get3A_1129 = tpu.vector_load %arg11[%get3A_1127, %get3A_1128] {strides = array<i32>} : memref<32x1024xf32, #tpu.memory_space<vmem>>, vector<1x16xf32>,
      %get3A_1130 = vector.shape_cast %get3A_1129 : vector<1x16xf32> to vector<16xf32>
      %add3A_1131 = arith.addf %add3A_1126, %get3A_1130 : vector<16xf32>
      %swap3A_1132 = arith.index_cast %scan3A_58 : i32 to index
      %swap3A_1133 = arith.constant 800 : index
      %swap3A_1134 = tpu.vector_load %arg9[%swap3A_1132, %swap3A_1133] {strides = array<i32>} : memref<32x1024xf32, #tpu.memory_space<vmem>>, vector<1x16xf32>,
      %swap3A_1135 = vector.shape_cast %swap3A_1134 : vector<1x16xf32> to vector<16xf32>
      %swap3A_1136 = vector.shape_cast %add3A_1131 : vector<16xf32> to vector<1x16xf32>
      tpu.vector_store %arg9[%swap3A_1132, %swap3A_1133], %swap3A_1136 {strides = array<i32>} : memref<32x1024xf32, #tpu.memory_space<vmem>>, vector<1x16xf32>,
      %get3A_1137 = arith.index_cast %scan3A_58 : i32 to index
      %get3A_1138 = arith.constant 816 : index
      %get3A_1139 = tpu.vector_load %arg9[%get3A_1137, %get3A_1138] {strides = array<i32>} : memref<32x1024xf32, #tpu.memory_space<vmem>>, vector<1x16xf32>,
      %get3A_1140 = vector.shape_cast %get3A_1139 : vector<1x16xf32> to vector<16xf32>
      %mul3A_1141 = arith.mulf %get3A_1140, %get3A_62 : vector<16xf32>
      %get3A_1142 = arith.index_cast %scan3A_58 : i32 to index
      %get3A_1143 = arith.constant 816 : index
      %get3A_1144 = tpu.vector_load %arg10[%get3A_1142, %get3A_1143] {strides = array<i32>} : memref<32x1024xf32, #tpu.memory_space<vmem>>, vector<1x16xf32>,
      %get3A_1145 = vector.shape_cast %get3A_1144 : vector<1x16xf32> to vector<16xf32>
      %mul3A_1146 = arith.mulf %get3A_1145, %get3A_66 : vector<16xf32>
      %add3A_1147 = arith.addf %mul3A_1141, %mul3A_1146 : vector<16xf32>
      %get3A_1148 = arith.index_cast %scan3A_58 : i32 to index
      %get3A_1149 = arith.constant 816 : index
      %get3A_1150 = tpu.vector_load %arg11[%get3A_1148, %get3A_1149] {strides = array<i32>} : memref<32x1024xf32, #tpu.memory_space<vmem>>, vector<1x16xf32>,
      %get3A_1151 = vector.shape_cast %get3A_1150 : vector<1x16xf32> to vector<16xf32>
      %add3A_1152 = arith.addf %add3A_1147, %get3A_1151 : vector<16xf32>
      %swap3A_1153 = arith.index_cast %scan3A_58 : i32 to index
      %swap3A_1154 = arith.constant 816 : index
      %swap3A_1155 = tpu.vector_load %arg9[%swap3A_1153, %swap3A_1154] {strides = array<i32>} : memref<32x1024xf32, #tpu.memory_space<vmem>>, vector<1x16xf32>,
      %swap3A_1156 = vector.shape_cast %swap3A_1155 : vector<1x16xf32> to vector<16xf32>
      %swap3A_1157 = vector.shape_cast %add3A_1152 : vector<16xf32> to vector<1x16xf32>
      tpu.vector_store %arg9[%swap3A_1153, %swap3A_1154], %swap3A_1157 {strides = array<i32>} : memref<32x1024xf32, #tpu.memory_space<vmem>>, vector<1x16xf32>,
      %get3A_1158 = arith.index_cast %scan3A_58 : i32 to index
      %get3A_1159 = arith.constant 832 : index
      %get3A_1160 = tpu.vector_load %arg9[%get3A_1158, %get3A_1159] {strides = array<i32>} : memref<32x1024xf32, #tpu.memory_space<vmem>>, vector<1x16xf32>,
      %get3A_1161 = vector.shape_cast %get3A_1160 : vector<1x16xf32> to vector<16xf32>
      %mul3A_1162 = arith.mulf %get3A_1161, %get3A_62 : vector<16xf32>
      %get3A_1163 = arith.index_cast %scan3A_58 : i32 to index
      %get3A_1164 = arith.constant 832 : index
      %get3A_1165 = tpu.vector_load %arg10[%get3A_1163, %get3A_1164] {strides = array<i32>} : memref<32x1024xf32, #tpu.memory_space<vmem>>, vector<1x16xf32>,
      %get3A_1166 = vector.shape_cast %get3A_1165 : vector<1x16xf32> to vector<16xf32>
      %mul3A_1167 = arith.mulf %get3A_1166, %get3A_66 : vector<16xf32>
      %add3A_1168 = arith.addf %mul3A_1162, %mul3A_1167 : vector<16xf32>
      %get3A_1169 = arith.index_cast %scan3A_58 : i32 to index
      %get3A_1170 = arith.constant 832 : index
      %get3A_1171 = tpu.vector_load %arg11[%get3A_1169, %get3A_1170] {strides = array<i32>} : memref<32x1024xf32, #tpu.memory_space<vmem>>, vector<1x16xf32>,
      %get3A_1172 = vector.shape_cast %get3A_1171 : vector<1x16xf32> to vector<16xf32>
      %add3A_1173 = arith.addf %add3A_1168, %get3A_1172 : vector<16xf32>
      %swap3A_1174 = arith.index_cast %scan3A_58 : i32 to index
      %swap3A_1175 = arith.constant 832 : index
      %swap3A_1176 = tpu.vector_load %arg9[%swap3A_1174, %swap3A_1175] {strides = array<i32>} : memref<32x1024xf32, #tpu.memory_space<vmem>>, vector<1x16xf32>,
      %swap3A_1177 = vector.shape_cast %swap3A_1176 : vector<1x16xf32> to vector<16xf32>
      %swap3A_1178 = vector.shape_cast %add3A_1173 : vector<16xf32> to vector<1x16xf32>
      tpu.vector_store %arg9[%swap3A_1174, %swap3A_1175], %swap3A_1178 {strides = array<i32>} : memref<32x1024xf32, #tpu.memory_space<vmem>>, vector<1x16xf32>,
      %get3A_1179 = arith.index_cast %scan3A_58 : i32 to index
      %get3A_1180 = arith.constant 848 : index
      %get3A_1181 = tpu.vector_load %arg9[%get3A_1179, %get3A_1180] {strides = array<i32>} : memref<32x1024xf32, #tpu.memory_space<vmem>>, vector<1x16xf32>,
      %get3A_1182 = vector.shape_cast %get3A_1181 : vector<1x16xf32> to vector<16xf32>
      %mul3A_1183 = arith.mulf %get3A_1182, %get3A_62 : vector<16xf32>
      %get3A_1184 = arith.index_cast %scan3A_58 : i32 to index
      %get3A_1185 = arith.constant 848 : index
      %get3A_1186 = tpu.vector_load %arg10[%get3A_1184, %get3A_1185] {strides = array<i32>} : memref<32x1024xf32, #tpu.memory_space<vmem>>, vector<1x16xf32>,
      %get3A_1187 = vector.shape_cast %get3A_1186 : vector<1x16xf32> to vector<16xf32>
      %mul3A_1188 = arith.mulf %get3A_1187, %get3A_66 : vector<16xf32>
      %add3A_1189 = arith.addf %mul3A_1183, %mul3A_1188 : vector<16xf32>
      %get3A_1190 = arith.index_cast %scan3A_58 : i32 to index
      %get3A_1191 = arith.constant 848 : index
      %get3A_1192 = tpu.vector_load %arg11[%get3A_1190, %get3A_1191] {strides = array<i32>} : memref<32x1024xf32, #tpu.memory_space<vmem>>, vector<1x16xf32>,
      %get3A_1193 = vector.shape_cast %get3A_1192 : vector<1x16xf32> to vector<16xf32>
      %add3A_1194 = arith.addf %add3A_1189, %get3A_1193 : vector<16xf32>
      %swap3A_1195 = arith.index_cast %scan3A_58 : i32 to index
      %swap3A_1196 = arith.constant 848 : index
      %swap3A_1197 = tpu.vector_load %arg9[%swap3A_1195, %swap3A_1196] {strides = array<i32>} : memref<32x1024xf32, #tpu.memory_space<vmem>>, vector<1x16xf32>,
      %swap3A_1198 = vector.shape_cast %swap3A_1197 : vector<1x16xf32> to vector<16xf32>
      %swap3A_1199 = vector.shape_cast %add3A_1194 : vector<16xf32> to vector<1x16xf32>
      tpu.vector_store %arg9[%swap3A_1195, %swap3A_1196], %swap3A_1199 {strides = array<i32>} : memref<32x1024xf32, #tpu.memory_space<vmem>>, vector<1x16xf32>,
      %get3A_1200 = arith.index_cast %scan3A_58 : i32 to index
      %get3A_1201 = arith.constant 864 : index
      %get3A_1202 = tpu.vector_load %arg9[%get3A_1200, %get3A_1201] {strides = array<i32>} : memref<32x1024xf32, #tpu.memory_space<vmem>>, vector<1x16xf32>,
      %get3A_1203 = vector.shape_cast %get3A_1202 : vector<1x16xf32> to vector<16xf32>
      %mul3A_1204 = arith.mulf %get3A_1203, %get3A_62 : vector<16xf32>
      %get3A_1205 = arith.index_cast %scan3A_58 : i32 to index
      %get3A_1206 = arith.constant 864 : index
      %get3A_1207 = tpu.vector_load %arg10[%get3A_1205, %get3A_1206] {strides = array<i32>} : memref<32x1024xf32, #tpu.memory_space<vmem>>, vector<1x16xf32>,
      %get3A_1208 = vector.shape_cast %get3A_1207 : vector<1x16xf32> to vector<16xf32>
      %mul3A_1209 = arith.mulf %get3A_1208, %get3A_66 : vector<16xf32>
      %add3A_1210 = arith.addf %mul3A_1204, %mul3A_1209 : vector<16xf32>
      %get3A_1211 = arith.index_cast %scan3A_58 : i32 to index
      %get3A_1212 = arith.constant 864 : index
      %get3A_1213 = tpu.vector_load %arg11[%get3A_1211, %get3A_1212] {strides = array<i32>} : memref<32x1024xf32, #tpu.memory_space<vmem>>, vector<1x16xf32>,
      %get3A_1214 = vector.shape_cast %get3A_1213 : vector<1x16xf32> to vector<16xf32>
      %add3A_1215 = arith.addf %add3A_1210, %get3A_1214 : vector<16xf32>
      %swap3A_1216 = arith.index_cast %scan3A_58 : i32 to index
      %swap3A_1217 = arith.constant 864 : index
      %swap3A_1218 = tpu.vector_load %arg9[%swap3A_1216, %swap3A_1217] {strides = array<i32>} : memref<32x1024xf32, #tpu.memory_space<vmem>>, vector<1x16xf32>,
      %swap3A_1219 = vector.shape_cast %swap3A_1218 : vector<1x16xf32> to vector<16xf32>
      %swap3A_1220 = vector.shape_cast %add3A_1215 : vector<16xf32> to vector<1x16xf32>
      tpu.vector_store %arg9[%swap3A_1216, %swap3A_1217], %swap3A_1220 {strides = array<i32>} : memref<32x1024xf32, #tpu.memory_space<vmem>>, vector<1x16xf32>,
      %get3A_1221 = arith.index_cast %scan3A_58 : i32 to index
      %get3A_1222 = arith.constant 880 : index
      %get3A_1223 = tpu.vector_load %arg9[%get3A_1221, %get3A_1222] {strides = array<i32>} : memref<32x1024xf32, #tpu.memory_space<vmem>>, vector<1x16xf32>,
      %get3A_1224 = vector.shape_cast %get3A_1223 : vector<1x16xf32> to vector<16xf32>
      %mul3A_1225 = arith.mulf %get3A_1224, %get3A_62 : vector<16xf32>
      %get3A_1226 = arith.index_cast %scan3A_58 : i32 to index
      %get3A_1227 = arith.constant 880 : index
      %get3A_1228 = tpu.vector_load %arg10[%get3A_1226, %get3A_1227] {strides = array<i32>} : memref<32x1024xf32, #tpu.memory_space<vmem>>, vector<1x16xf32>,
      %get3A_1229 = vector.shape_cast %get3A_1228 : vector<1x16xf32> to vector<16xf32>
      %mul3A_1230 = arith.mulf %get3A_1229, %get3A_66 : vector<16xf32>
      %add3A_1231 = arith.addf %mul3A_1225, %mul3A_1230 : vector<16xf32>
      %get3A_1232 = arith.index_cast %scan3A_58 : i32 to index
      %get3A_1233 = arith.constant 880 : index
      %get3A_1234 = tpu.vector_load %arg11[%get3A_1232, %get3A_1233] {strides = array<i32>} : memref<32x1024xf32, #tpu.memory_space<vmem>>, vector<1x16xf32>,
      %get3A_1235 = vector.shape_cast %get3A_1234 : vector<1x16xf32> to vector<16xf32>
      %add3A_1236 = arith.addf %add3A_1231, %get3A_1235 : vector<16xf32>
      %swap3A_1237 = arith.index_cast %scan3A_58 : i32 to index
      %swap3A_1238 = arith.constant 880 : index
      %swap3A_1239 = tpu.vector_load %arg9[%swap3A_1237, %swap3A_1238] {strides = array<i32>} : memref<32x1024xf32, #tpu.memory_space<vmem>>, vector<1x16xf32>,
      %swap3A_1240 = vector.shape_cast %swap3A_1239 : vector<1x16xf32> to vector<16xf32>
      %swap3A_1241 = vector.shape_cast %add3A_1236 : vector<16xf32> to vector<1x16xf32>
      tpu.vector_store %arg9[%swap3A_1237, %swap3A_1238], %swap3A_1241 {strides = array<i32>} : memref<32x1024xf32, #tpu.memory_space<vmem>>, vector<1x16xf32>,
      %get3A_1242 = arith.index_cast %scan3A_58 : i32 to index
      %get3A_1243 = arith.constant 896 : index
      %get3A_1244 = tpu.vector_load %arg9[%get3A_1242, %get3A_1243] {strides = array<i32>} : memref<32x1024xf32, #tpu.memory_space<vmem>>, vector<1x16xf32>,
      %get3A_1245 = vector.shape_cast %get3A_1244 : vector<1x16xf32> to vector<16xf32>
      %mul3A_1246 = arith.mulf %get3A_1245, %get3A_62 : vector<16xf32>
      %get3A_1247 = arith.index_cast %scan3A_58 : i32 to index
      %get3A_1248 = arith.constant 896 : index
      %get3A_1249 = tpu.vector_load %arg10[%get3A_1247, %get3A_1248] {strides = array<i32>} : memref<32x1024xf32, #tpu.memory_space<vmem>>, vector<1x16xf32>,
      %get3A_1250 = vector.shape_cast %get3A_1249 : vector<1x16xf32> to vector<16xf32>
      %mul3A_1251 = arith.mulf %get3A_1250, %get3A_66 : vector<16xf32>
      %add3A_1252 = arith.addf %mul3A_1246, %mul3A_1251 : vector<16xf32>
      %get3A_1253 = arith.index_cast %scan3A_58 : i32 to index
      %get3A_1254 = arith.constant 896 : index
      %get3A_1255 = tpu.vector_load %arg11[%get3A_1253, %get3A_1254] {strides = array<i32>} : memref<32x1024xf32, #tpu.memory_space<vmem>>, vector<1x16xf32>,
      %get3A_1256 = vector.shape_cast %get3A_1255 : vector<1x16xf32> to vector<16xf32>
      %add3A_1257 = arith.addf %add3A_1252, %get3A_1256 : vector<16xf32>
      %swap3A_1258 = arith.index_cast %scan3A_58 : i32 to index
      %swap3A_1259 = arith.constant 896 : index
      %swap3A_1260 = tpu.vector_load %arg9[%swap3A_1258, %swap3A_1259] {strides = array<i32>} : memref<32x1024xf32, #tpu.memory_space<vmem>>, vector<1x16xf32>,
      %swap3A_1261 = vector.shape_cast %swap3A_1260 : vector<1x16xf32> to vector<16xf32>
      %swap3A_1262 = vector.shape_cast %add3A_1257 : vector<16xf32> to vector<1x16xf32>
      tpu.vector_store %arg9[%swap3A_1258, %swap3A_1259], %swap3A_1262 {strides = array<i32>} : memref<32x1024xf32, #tpu.memory_space<vmem>>, vector<1x16xf32>,
      %get3A_1263 = arith.index_cast %scan3A_58 : i32 to index
      %get3A_1264 = arith.constant 912 : index
      %get3A_1265 = tpu.vector_load %arg9[%get3A_1263, %get3A_1264] {strides = array<i32>} : memref<32x1024xf32, #tpu.memory_space<vmem>>, vector<1x16xf32>,
      %get3A_1266 = vector.shape_cast %get3A_1265 : vector<1x16xf32> to vector<16xf32>
      %mul3A_1267 = arith.mulf %get3A_1266, %get3A_62 : vector<16xf32>
      %get3A_1268 = arith.index_cast %scan3A_58 : i32 to index
      %get3A_1269 = arith.constant 912 : index
      %get3A_1270 = tpu.vector_load %arg10[%get3A_1268, %get3A_1269] {strides = array<i32>} : memref<32x1024xf32, #tpu.memory_space<vmem>>, vector<1x16xf32>,
      %get3A_1271 = vector.shape_cast %get3A_1270 : vector<1x16xf32> to vector<16xf32>
      %mul3A_1272 = arith.mulf %get3A_1271, %get3A_66 : vector<16xf32>
      %add3A_1273 = arith.addf %mul3A_1267, %mul3A_1272 : vector<16xf32>
      %get3A_1274 = arith.index_cast %scan3A_58 : i32 to index
      %get3A_1275 = arith.constant 912 : index
      %get3A_1276 = tpu.vector_load %arg11[%get3A_1274, %get3A_1275] {strides = array<i32>} : memref<32x1024xf32, #tpu.memory_space<vmem>>, vector<1x16xf32>,
      %get3A_1277 = vector.shape_cast %get3A_1276 : vector<1x16xf32> to vector<16xf32>
      %add3A_1278 = arith.addf %add3A_1273, %get3A_1277 : vector<16xf32>
      %swap3A_1279 = arith.index_cast %scan3A_58 : i32 to index
      %swap3A_1280 = arith.constant 912 : index
      %swap3A_1281 = tpu.vector_load %arg9[%swap3A_1279, %swap3A_1280] {strides = array<i32>} : memref<32x1024xf32, #tpu.memory_space<vmem>>, vector<1x16xf32>,
      %swap3A_1282 = vector.shape_cast %swap3A_1281 : vector<1x16xf32> to vector<16xf32>
      %swap3A_1283 = vector.shape_cast %add3A_1278 : vector<16xf32> to vector<1x16xf32>
      tpu.vector_store %arg9[%swap3A_1279, %swap3A_1280], %swap3A_1283 {strides = array<i32>} : memref<32x1024xf32, #tpu.memory_space<vmem>>, vector<1x16xf32>,
      %get3A_1284 = arith.index_cast %scan3A_58 : i32 to index
      %get3A_1285 = arith.constant 928 : index
      %get3A_1286 = tpu.vector_load %arg9[%get3A_1284, %get3A_1285] {strides = array<i32>} : memref<32x1024xf32, #tpu.memory_space<vmem>>, vector<1x16xf32>,
      %get3A_1287 = vector.shape_cast %get3A_1286 : vector<1x16xf32> to vector<16xf32>
      %mul3A_1288 = arith.mulf %get3A_1287, %get3A_62 : vector<16xf32>
      %get3A_1289 = arith.index_cast %scan3A_58 : i32 to index
      %get3A_1290 = arith.constant 928 : index
      %get3A_1291 = tpu.vector_load %arg10[%get3A_1289, %get3A_1290] {strides = array<i32>} : memref<32x1024xf32, #tpu.memory_space<vmem>>, vector<1x16xf32>,
      %get3A_1292 = vector.shape_cast %get3A_1291 : vector<1x16xf32> to vector<16xf32>
      %mul3A_1293 = arith.mulf %get3A_1292, %get3A_66 : vector<16xf32>
      %add3A_1294 = arith.addf %mul3A_1288, %mul3A_1293 : vector<16xf32>
      %get3A_1295 = arith.index_cast %scan3A_58 : i32 to index
      %get3A_1296 = arith.constant 928 : index
      %get3A_1297 = tpu.vector_load %arg11[%get3A_1295, %get3A_1296] {strides = array<i32>} : memref<32x1024xf32, #tpu.memory_space<vmem>>, vector<1x16xf32>,
      %get3A_1298 = vector.shape_cast %get3A_1297 : vector<1x16xf32> to vector<16xf32>
      %add3A_1299 = arith.addf %add3A_1294, %get3A_1298 : vector<16xf32>
      %swap3A_1300 = arith.index_cast %scan3A_58 : i32 to index
      %swap3A_1301 = arith.constant 928 : index
      %swap3A_1302 = tpu.vector_load %arg9[%swap3A_1300, %swap3A_1301] {strides = array<i32>} : memref<32x1024xf32, #tpu.memory_space<vmem>>, vector<1x16xf32>,
      %swap3A_1303 = vector.shape_cast %swap3A_1302 : vector<1x16xf32> to vector<16xf32>
      %swap3A_1304 = vector.shape_cast %add3A_1299 : vector<16xf32> to vector<1x16xf32>
      tpu.vector_store %arg9[%swap3A_1300, %swap3A_1301], %swap3A_1304 {strides = array<i32>} : memref<32x1024xf32, #tpu.memory_space<vmem>>, vector<1x16xf32>,
      %get3A_1305 = arith.index_cast %scan3A_58 : i32 to index
      %get3A_1306 = arith.constant 944 : index
      %get3A_1307 = tpu.vector_load %arg9[%get3A_1305, %get3A_1306] {strides = array<i32>} : memref<32x1024xf32, #tpu.memory_space<vmem>>, vector<1x16xf32>,
      %get3A_1308 = vector.shape_cast %get3A_1307 : vector<1x16xf32> to vector<16xf32>
      %mul3A_1309 = arith.mulf %get3A_1308, %get3A_62 : vector<16xf32>
      %get3A_1310 = arith.index_cast %scan3A_58 : i32 to index
      %get3A_1311 = arith.constant 944 : index
      %get3A_1312 = tpu.vector_load %arg10[%get3A_1310, %get3A_1311] {strides = array<i32>} : memref<32x1024xf32, #tpu.memory_space<vmem>>, vector<1x16xf32>,
      %get3A_1313 = vector.shape_cast %get3A_1312 : vector<1x16xf32> to vector<16xf32>
      %mul3A_1314 = arith.mulf %get3A_1313, %get3A_66 : vector<16xf32>
      %add3A_1315 = arith.addf %mul3A_1309, %mul3A_1314 : vector<16xf32>
      %get3A_1316 = arith.index_cast %scan3A_58 : i32 to index
      %get3A_1317 = arith.constant 944 : index
      %get3A_1318 = tpu.vector_load %arg11[%get3A_1316, %get3A_1317] {strides = array<i32>} : memref<32x1024xf32, #tpu.memory_space<vmem>>, vector<1x16xf32>,
      %get3A_1319 = vector.shape_cast %get3A_1318 : vector<1x16xf32> to vector<16xf32>
      %add3A_1320 = arith.addf %add3A_1315, %get3A_1319 : vector<16xf32>
      %swap3A_1321 = arith.index_cast %scan3A_58 : i32 to index
      %swap3A_1322 = arith.constant 944 : index
      %swap3A_1323 = tpu.vector_load %arg9[%swap3A_1321, %swap3A_1322] {strides = array<i32>} : memref<32x1024xf32, #tpu.memory_space<vmem>>, vector<1x16xf32>,
      %swap3A_1324 = vector.shape_cast %swap3A_1323 : vector<1x16xf32> to vector<16xf32>
      %swap3A_1325 = vector.shape_cast %add3A_1320 : vector<16xf32> to vector<1x16xf32>
      tpu.vector_store %arg9[%swap3A_1321, %swap3A_1322], %swap3A_1325 {strides = array<i32>} : memref<32x1024xf32, #tpu.memory_space<vmem>>, vector<1x16xf32>,
      %get3A_1326 = arith.index_cast %scan3A_58 : i32 to index
      %get3A_1327 = arith.constant 960 : index
      %get3A_1328 = tpu.vector_load %arg9[%get3A_1326, %get3A_1327] {strides = array<i32>} : memref<32x1024xf32, #tpu.memory_space<vmem>>, vector<1x16xf32>,
      %get3A_1329 = vector.shape_cast %get3A_1328 : vector<1x16xf32> to vector<16xf32>
      %mul3A_1330 = arith.mulf %get3A_1329, %get3A_62 : vector<16xf32>
      %get3A_1331 = arith.index_cast %scan3A_58 : i32 to index
      %get3A_1332 = arith.constant 960 : index
      %get3A_1333 = tpu.vector_load %arg10[%get3A_1331, %get3A_1332] {strides = array<i32>} : memref<32x1024xf32, #tpu.memory_space<vmem>>, vector<1x16xf32>,
      %get3A_1334 = vector.shape_cast %get3A_1333 : vector<1x16xf32> to vector<16xf32>
      %mul3A_1335 = arith.mulf %get3A_1334, %get3A_66 : vector<16xf32>
      %add3A_1336 = arith.addf %mul3A_1330, %mul3A_1335 : vector<16xf32>
      %get3A_1337 = arith.index_cast %scan3A_58 : i32 to index
      %get3A_1338 = arith.constant 960 : index
      %get3A_1339 = tpu.vector_load %arg11[%get3A_1337, %get3A_1338] {strides = array<i32>} : memref<32x1024xf32, #tpu.memory_space<vmem>>, vector<1x16xf32>,
      %get3A_1340 = vector.shape_cast %get3A_1339 : vector<1x16xf32> to vector<16xf32>
      %add3A_1341 = arith.addf %add3A_1336, %get3A_1340 : vector<16xf32>
      %swap3A_1342 = arith.index_cast %scan3A_58 : i32 to index
      %swap3A_1343 = arith.constant 960 : index
      %swap3A_1344 = tpu.vector_load %arg9[%swap3A_1342, %swap3A_1343] {strides = array<i32>} : memref<32x1024xf32, #tpu.memory_space<vmem>>, vector<1x16xf32>,
      %swap3A_1345 = vector.shape_cast %swap3A_1344 : vector<1x16xf32> to vector<16xf32>
      %swap3A_1346 = vector.shape_cast %add3A_1341 : vector<16xf32> to vector<1x16xf32>
      tpu.vector_store %arg9[%swap3A_1342, %swap3A_1343], %swap3A_1346 {strides = array<i32>} : memref<32x1024xf32, #tpu.memory_space<vmem>>, vector<1x16xf32>,
      %get3A_1347 = arith.index_cast %scan3A_58 : i32 to index
      %get3A_1348 = arith.constant 976 : index
      %get3A_1349 = tpu.vector_load %arg9[%get3A_1347, %get3A_1348] {strides = array<i32>} : memref<32x1024xf32, #tpu.memory_space<vmem>>, vector<1x16xf32>,
      %get3A_1350 = vector.shape_cast %get3A_1349 : vector<1x16xf32> to vector<16xf32>
      %mul3A_1351 = arith.mulf %get3A_1350, %get3A_62 : vector<16xf32>
      %get3A_1352 = arith.index_cast %scan3A_58 : i32 to index
      %get3A_1353 = arith.constant 976 : index
      %get3A_1354 = tpu.vector_load %arg10[%get3A_1352, %get3A_1353] {strides = array<i32>} : memref<32x1024xf32, #tpu.memory_space<vmem>>, vector<1x16xf32>,
      %get3A_1355 = vector.shape_cast %get3A_1354 : vector<1x16xf32> to vector<16xf32>
      %mul3A_1356 = arith.mulf %get3A_1355, %get3A_66 : vector<16xf32>
      %add3A_1357 = arith.addf %mul3A_1351, %mul3A_1356 : vector<16xf32>
      %get3A_1358 = arith.index_cast %scan3A_58 : i32 to index
      %get3A_1359 = arith.constant 976 : index
      %get3A_1360 = tpu.vector_load %arg11[%get3A_1358, %get3A_1359] {strides = array<i32>} : memref<32x1024xf32, #tpu.memory_space<vmem>>, vector<1x16xf32>,
      %get3A_1361 = vector.shape_cast %get3A_1360 : vector<1x16xf32> to vector<16xf32>
      %add3A_1362 = arith.addf %add3A_1357, %get3A_1361 : vector<16xf32>
      %swap3A_1363 = arith.index_cast %scan3A_58 : i32 to index
      %swap3A_1364 = arith.constant 976 : index
      %swap3A_1365 = tpu.vector_load %arg9[%swap3A_1363, %swap3A_1364] {strides = array<i32>} : memref<32x1024xf32, #tpu.memory_space<vmem>>, vector<1x16xf32>,
      %swap3A_1366 = vector.shape_cast %swap3A_1365 : vector<1x16xf32> to vector<16xf32>
      %swap3A_1367 = vector.shape_cast %add3A_1362 : vector<16xf32> to vector<1x16xf32>
      tpu.vector_store %arg9[%swap3A_1363, %swap3A_1364], %swap3A_1367 {strides = array<i32>} : memref<32x1024xf32, #tpu.memory_space<vmem>>, vector<1x16xf32>,
      %get3A_1368 = arith.index_cast %scan3A_58 : i32 to index
      %get3A_1369 = arith.constant 992 : index
      %get3A_1370 = tpu.vector_load %arg9[%get3A_1368, %get3A_1369] {strides = array<i32>} : memref<32x1024xf32, #tpu.memory_space<vmem>>, vector<1x16xf32>,
      %get3A_1371 = vector.shape_cast %get3A_1370 : vector<1x16xf32> to vector<16xf32>
      %mul3A_1372 = arith.mulf %get3A_1371, %get3A_62 : vector<16xf32>
      %get3A_1373 = arith.index_cast %scan3A_58 : i32 to index
      %get3A_1374 = arith.constant 992 : index
      %get3A_1375 = tpu.vector_load %arg10[%get3A_1373, %get3A_1374] {strides = array<i32>} : memref<32x1024xf32, #tpu.memory_space<vmem>>, vector<1x16xf32>,
      %get3A_1376 = vector.shape_cast %get3A_1375 : vector<1x16xf32> to vector<16xf32>
      %mul3A_1377 = arith.mulf %get3A_1376, %get3A_66 : vector<16xf32>
      %add3A_1378 = arith.addf %mul3A_1372, %mul3A_1377 : vector<16xf32>
      %get3A_1379 = arith.index_cast %scan3A_58 : i32 to index
      %get3A_1380 = arith.constant 992 : index
      %get3A_1381 = tpu.vector_load %arg11[%get3A_1379, %get3A_1380] {strides = array<i32>} : memref<32x1024xf32, #tpu.memory_space<vmem>>, vector<1x16xf32>,
      %get3A_1382 = vector.shape_cast %get3A_1381 : vector<1x16xf32> to vector<16xf32>
      %add3A_1383 = arith.addf %add3A_1378, %get3A_1382 : vector<16xf32>
      %swap3A_1384 = arith.index_cast %scan3A_58 : i32 to index
      %swap3A_1385 = arith.constant 992 : index
      %swap3A_1386 = tpu.vector_load %arg9[%swap3A_1384, %swap3A_1385] {strides = array<i32>} : memref<32x1024xf32, #tpu.memory_space<vmem>>, vector<1x16xf32>,
      %swap3A_1387 = vector.shape_cast %swap3A_1386 : vector<1x16xf32> to vector<16xf32>
      %swap3A_1388 = vector.shape_cast %add3A_1383 : vector<16xf32> to vector<1x16xf32>
      tpu.vector_store %arg9[%swap3A_1384, %swap3A_1385], %swap3A_1388 {strides = array<i32>} : memref<32x1024xf32, #tpu.memory_space<vmem>>, vector<1x16xf32>,
      %get3A_1389 = arith.index_cast %scan3A_58 : i32 to index
      %get3A_1390 = arith.constant 1008 : index
      %get3A_1391 = tpu.vector_load %arg9[%get3A_1389, %get3A_1390] {strides = array<i32>} : memref<32x1024xf32, #tpu.memory_space<vmem>>, vector<1x16xf32>,
      %get3A_1392 = vector.shape_cast %get3A_1391 : vector<1x16xf32> to vector<16xf32>
      %mul3A_1393 = arith.mulf %get3A_1392, %get3A_62 : vector<16xf32>
      %get3A_1394 = arith.index_cast %scan3A_58 : i32 to index
      %get3A_1395 = arith.constant 1008 : index
      %get3A_1396 = tpu.vector_load %arg10[%get3A_1394, %get3A_1395] {strides = array<i32>} : memref<32x1024xf32, #tpu.memory_space<vmem>>, vector<1x16xf32>,
      %get3A_1397 = vector.shape_cast %get3A_1396 : vector<1x16xf32> to vector<16xf32>
      %mul3A_1398 = arith.mulf %get3A_1397, %get3A_66 : vector<16xf32>
      %add3A_1399 = arith.addf %mul3A_1393, %mul3A_1398 : vector<16xf32>
      %get3A_1400 = arith.index_cast %scan3A_58 : i32 to index
      %get3A_1401 = arith.constant 1008 : index
      %get3A_1402 = tpu.vector_load %arg11[%get3A_1400, %get3A_1401] {strides = array<i32>} : memref<32x1024xf32, #tpu.memory_space<vmem>>, vector<1x16xf32>,
      %get3A_1403 = vector.shape_cast %get3A_1402 : vector<1x16xf32> to vector<16xf32>
      %add3A_1404 = arith.addf %add3A_1399, %get3A_1403 : vector<16xf32>
      %swap3A_1405 = arith.index_cast %scan3A_58 : i32 to index
      %swap3A_1406 = arith.constant 1008 : index
      %swap3A_1407 = tpu.vector_load %arg9[%swap3A_1405, %swap3A_1406] {strides = array<i32>} : memref<32x1024xf32, #tpu.memory_space<vmem>>, vector<1x16xf32>,
      %swap3A_1408 = vector.shape_cast %swap3A_1407 : vector<1x16xf32> to vector<16xf32>
      %swap3A_1409 = vector.shape_cast %add3A_1404 : vector<16xf32> to vector<1x16xf32>
      tpu.vector_store %arg9[%swap3A_1405, %swap3A_1406], %swap3A_1409 {strides = array<i32>} : memref<32x1024xf32, #tpu.memory_space<vmem>>, vector<1x16xf32>,
      %scan3A_1410 = arith.constant 0 : i32
      scf.yield %scan3A_1410 : i32
    }
    %scan3A_28 = arith.constant 32 : i32
    "tpu.region"() ({
      %run_scoped3A = tpu.sem_alloc : memref<!tpu.dma_semaphore, #tpu.memory_space<semaphore_mem>>
      %dma_start3A_58 = arith.constant 0 : i32
      %dma_start3A_59 = tpu.memref_slice %arg8[%add3A_4, %dma_start3A_58] : memref<2048x1024xf32, #tpu.memory_space<hbm>> -> memref<32x1024xf32, #tpu.memory_space<hbm>>
      %dma_start3A_60 = arith.constant 0 : i32
      %dma_start3A_61 = tpu.memref_slice %arg8[%add3A_4, %dma_start3A_60] : memref<2048x1024xf32, #tpu.memory_space<hbm>> -> memref<32x1024xf32, #tpu.memory_space<hbm>>
      tpu.enqueue_dma source(%arg9 : memref<32x1024xf32, #tpu.memory_space<vmem>>) target(%dma_start3A_61 : memref<32x1024xf32, #tpu.memory_space<hbm>>) target_semaphore(%run_scoped3A : memref<!tpu.dma_semaphore, #tpu.memory_space<semaphore_mem>>)
      %dma_wait3A_62 = arith.constant 0 : i32
      %dma_wait3A_63 = tpu.memref_slice %arg8[%add3A_4, %dma_wait3A_62] : memref<2048x1024xf32, #tpu.memory_space<hbm>> -> memref<32x1024xf32, #tpu.memory_space<hbm>>
      %dma_wait3A_64 = arith.constant 0 : i32
      %dma_wait3A_65 = tpu.memref_slice %arg8[%add3A_4, %dma_wait3A_64] : memref<2048x1024xf32, #tpu.memory_space<hbm>> -> memref<32x1024xf32, #tpu.memory_space<hbm>>
      tpu.wait_dma2 semaphore(%run_scoped3A : memref<!tpu.dma_semaphore, #tpu.memory_space<semaphore_mem>>) src(%arg9 : memref<32x1024xf32, #tpu.memory_space<vmem>>) dst(%dma_wait3A_65 : memref<32x1024xf32, #tpu.memory_space<hbm>>)
      tpu.yield
    }) : () -> ()
    %add3A_29 = arith.constant 32 : i32
    %add3A_30 = arith.addi %mul3A_2, %add3A_29 : i32
    "tpu.region"() ({
      %run_scoped3A = tpu.sem_alloc : memref<!tpu.dma_semaphore, #tpu.memory_space<semaphore_mem>>
      %dma_start3A_58 = tpu.memref_slice %arg4[%add3A_30] : memref<2048xi32, #tpu.memory_space<hbm>> -> memref<32xi32, #tpu.memory_space<hbm>>
      %dma_start3A_59 = tpu.memref_slice %arg4[%add3A_30] : memref<2048xi32, #tpu.memory_space<hbm>> -> memref<32xi32, #tpu.memory_space<hbm>>
      tpu.enqueue_dma source(%dma_start3A_59 : memref<32xi32, #tpu.memory_space<hbm>>) target(%arg14 : memref<32xi32, #tpu.memory_space<vmem>>) target_semaphore(%run_scoped3A : memref<!tpu.dma_semaphore, #tpu.memory_space<semaphore_mem>>)
      %dma_wait3A_60 = tpu.memref_slice %arg4[%add3A_30] : memref<2048xi32, #tpu.memory_space<hbm>> -> memref<32xi32, #tpu.memory_space<hbm>>
      %dma_wait3A_61 = tpu.memref_slice %arg4[%add3A_30] : memref<2048xi32, #tpu.memory_space<hbm>> -> memref<32xi32, #tpu.memory_space<hbm>>
      tpu.wait_dma2 semaphore(%run_scoped3A : memref<!tpu.dma_semaphore, #tpu.memory_space<semaphore_mem>>) src(%dma_wait3A_61 : memref<32xi32, #tpu.memory_space<hbm>>) dst(%arg14 : memref<32xi32, #tpu.memory_space<vmem>>)
      tpu.yield
    }) : () -> ()
    "tpu.region"() ({
      %run_scoped3A = tpu.sem_alloc : memref<!tpu.dma_semaphore, #tpu.memory_space<semaphore_mem>>
      %dma_start3A_58 = tpu.memref_slice %arg5[%add3A_30] : memref<2048xi32, #tpu.memory_space<hbm>> -> memref<32xi32, #tpu.memory_space<hbm>>
      %dma_start3A_59 = tpu.memref_slice %arg5[%add3A_30] : memref<2048xi32, #tpu.memory_space<hbm>> -> memref<32xi32, #tpu.memory_space<hbm>>
      tpu.enqueue_dma source(%dma_start3A_59 : memref<32xi32, #tpu.memory_space<hbm>>) target(%arg15 : memref<32xi32, #tpu.memory_space<vmem>>) target_semaphore(%run_scoped3A : memref<!tpu.dma_semaphore, #tpu.memory_space<semaphore_mem>>)
      %dma_wait3A_60 = tpu.memref_slice %arg5[%add3A_30] : memref<2048xi32, #tpu.memory_space<hbm>> -> memref<32xi32, #tpu.memory_space<hbm>>
      %dma_wait3A_61 = tpu.memref_slice %arg5[%add3A_30] : memref<2048xi32, #tpu.memory_space<hbm>> -> memref<32xi32, #tpu.memory_space<hbm>>
      tpu.wait_dma2 semaphore(%run_scoped3A : memref<!tpu.dma_semaphore, #tpu.memory_space<semaphore_mem>>) src(%dma_wait3A_61 : memref<32xi32, #tpu.memory_space<hbm>>) dst(%arg15 : memref<32xi32, #tpu.memory_space<vmem>>)
      tpu.yield
    }) : () -> ()
    "tpu.region"() ({
      %run_scoped3A = tpu.sem_alloc : memref<!tpu.dma_semaphore, #tpu.memory_space<semaphore_mem>>
      %dma_start3A_58 = arith.constant 0 : i32
      %dma_start3A_59 = tpu.memref_slice %arg6[%add3A_30, %dma_start3A_58] : memref<2048x128xf32, #tpu.memory_space<hbm>> -> memref<32x128xf32, #tpu.memory_space<hbm>>
      %dma_start3A_60 = arith.constant 0 : i32
      %dma_start3A_61 = tpu.memref_slice %arg6[%add3A_30, %dma_start3A_60] : memref<2048x128xf32, #tpu.memory_space<hbm>> -> memref<32x128xf32, #tpu.memory_space<hbm>>
      tpu.enqueue_dma source(%dma_start3A_61 : memref<32x128xf32, #tpu.memory_space<hbm>>) target(%arg12 : memref<32x128xf32, #tpu.memory_space<vmem>>) target_semaphore(%run_scoped3A : memref<!tpu.dma_semaphore, #tpu.memory_space<semaphore_mem>>)
      %dma_wait3A_62 = arith.constant 0 : i32
      %dma_wait3A_63 = tpu.memref_slice %arg6[%add3A_30, %dma_wait3A_62] : memref<2048x128xf32, #tpu.memory_space<hbm>> -> memref<32x128xf32, #tpu.memory_space<hbm>>
      %dma_wait3A_64 = arith.constant 0 : i32
      %dma_wait3A_65 = tpu.memref_slice %arg6[%add3A_30, %dma_wait3A_64] : memref<2048x128xf32, #tpu.memory_space<hbm>> -> memref<32x128xf32, #tpu.memory_space<hbm>>
      tpu.wait_dma2 semaphore(%run_scoped3A : memref<!tpu.dma_semaphore, #tpu.memory_space<semaphore_mem>>) src(%dma_wait3A_65 : memref<32x128xf32, #tpu.memory_space<hbm>>) dst(%arg12 : memref<32x128xf32, #tpu.memory_space<vmem>>)
      tpu.yield
    }) : () -> ()
    "tpu.region"() ({
      %run_scoped3A = tpu.sem_alloc : memref<!tpu.dma_semaphore, #tpu.memory_space<semaphore_mem>>
      %dma_start3A_58 = arith.constant 0 : i32
      %dma_start3A_59 = tpu.memref_slice %arg7[%add3A_30, %dma_start3A_58] : memref<2048x128xf32, #tpu.memory_space<hbm>> -> memref<32x128xf32, #tpu.memory_space<hbm>>
      %dma_start3A_60 = arith.constant 0 : i32
      %dma_start3A_61 = tpu.memref_slice %arg7[%add3A_30, %dma_start3A_60] : memref<2048x128xf32, #tpu.memory_space<hbm>> -> memref<32x128xf32, #tpu.memory_space<hbm>>
      tpu.enqueue_dma source(%dma_start3A_61 : memref<32x128xf32, #tpu.memory_space<hbm>>) target(%arg13 : memref<32x128xf32, #tpu.memory_space<vmem>>) target_semaphore(%run_scoped3A : memref<!tpu.dma_semaphore, #tpu.memory_space<semaphore_mem>>)
      %dma_wait3A_62 = arith.constant 0 : i32
      %dma_wait3A_63 = tpu.memref_slice %arg7[%add3A_30, %dma_wait3A_62] : memref<2048x128xf32, #tpu.memory_space<hbm>> -> memref<32x128xf32, #tpu.memory_space<hbm>>
      %dma_wait3A_64 = arith.constant 0 : i32
      %dma_wait3A_65 = tpu.memref_slice %arg7[%add3A_30, %dma_wait3A_64] : memref<2048x128xf32, #tpu.memory_space<hbm>> -> memref<32x128xf32, #tpu.memory_space<hbm>>
      tpu.wait_dma2 semaphore(%run_scoped3A : memref<!tpu.dma_semaphore, #tpu.memory_space<semaphore_mem>>) src(%dma_wait3A_65 : memref<32x128xf32, #tpu.memory_space<hbm>>) dst(%arg13 : memref<32x128xf32, #tpu.memory_space<vmem>>)
      tpu.yield
    }) : () -> ()
    %dma_start3A_31 = arith.constant 0 : i32
    %dma_start3A_32 = arith.constant 0 : i32
    %dma_start3A_33 = tpu.memref_slice %arg2[%dma_start3A_31, %dma_start3A_32] : memref<6144x1024xf32, #tpu.memory_space<hbm>> -> memref<6144x1024xf32, #tpu.memory_space<hbm>>
    tpu.enqueue_indirect_dma source(%dma_start3A_33 : memref<6144x1024xf32, #tpu.memory_space<hbm>>) target(%arg9 : memref<32x1024xf32, #tpu.memory_space<vmem>>) offsets(%arg14 : memref<32xi32, #tpu.memory_space<vmem>>) semaphore(%arg16 : memref<!tpu.dma_semaphore, #tpu.memory_space<semaphore_mem>>)
    %dma_start3A_34 = arith.constant 0 : i32
    %dma_start3A_35 = arith.constant 0 : i32
    %dma_start3A_36 = tpu.memref_slice %arg2[%dma_start3A_34, %dma_start3A_35] : memref<6144x1024xf32, #tpu.memory_space<hbm>> -> memref<6144x1024xf32, #tpu.memory_space<hbm>>
    tpu.enqueue_indirect_dma source(%dma_start3A_36 : memref<6144x1024xf32, #tpu.memory_space<hbm>>) target(%arg10 : memref<32x1024xf32, #tpu.memory_space<vmem>>) offsets(%arg15 : memref<32xi32, #tpu.memory_space<vmem>>) semaphore(%arg16 : memref<!tpu.dma_semaphore, #tpu.memory_space<semaphore_mem>>)
    %dma_start3A_37 = arith.constant 0 : i32
    %dma_start3A_38 = tpu.memref_slice %arg3[%add3A_30, %dma_start3A_37] : memref<2048x1024xf32, #tpu.memory_space<hbm>> -> memref<32x1024xf32, #tpu.memory_space<hbm>>
    %dma_start3A_39 = arith.constant 0 : i32
    %dma_start3A_40 = tpu.memref_slice %arg3[%add3A_30, %dma_start3A_39] : memref<2048x1024xf32, #tpu.memory_space<hbm>> -> memref<32x1024xf32, #tpu.memory_space<hbm>>
    tpu.enqueue_dma source(%dma_start3A_40 : memref<32x1024xf32, #tpu.memory_space<hbm>>) target(%arg11 : memref<32x1024xf32, #tpu.memory_space<vmem>>) target_semaphore(%arg16 : memref<!tpu.dma_semaphore, #tpu.memory_space<semaphore_mem>>)
    %dma_wait3A_41 = arith.constant 0 : i32
    %dma_wait3A_42 = arith.constant 0 : i32
    %dma_wait3A_43 = tpu.memref_slice %arg2[%dma_wait3A_41, %dma_wait3A_42] : memref<6144x1024xf32, #tpu.memory_space<hbm>> -> memref<6144x1024xf32, #tpu.memory_space<hbm>>
    tpu.wait_indirect_dma semaphore(%arg16 : memref<!tpu.dma_semaphore, #tpu.memory_space<semaphore_mem>>) src(%dma_wait3A_43 : memref<6144x1024xf32, #tpu.memory_space<hbm>>) dst(%arg9 : memref<32x1024xf32, #tpu.memory_space<vmem>>)
    %dma_wait3A_44 = arith.constant 0 : i32
    %dma_wait3A_45 = arith.constant 0 : i32
    %dma_wait3A_46 = tpu.memref_slice %arg2[%dma_wait3A_44, %dma_wait3A_45] : memref<6144x1024xf32, #tpu.memory_space<hbm>> -> memref<6144x1024xf32, #tpu.memory_space<hbm>>
    tpu.wait_indirect_dma semaphore(%arg16 : memref<!tpu.dma_semaphore, #tpu.memory_space<semaphore_mem>>) src(%dma_wait3A_46 : memref<6144x1024xf32, #tpu.memory_space<hbm>>) dst(%arg10 : memref<32x1024xf32, #tpu.memory_space<vmem>>)
    %dma_wait3A_47 = arith.constant 0 : i32
    %dma_wait3A_48 = tpu.memref_slice %arg3[%add3A_30, %dma_wait3A_47] : memref<2048x1024xf32, #tpu.memory_space<hbm>> -> memref<32x1024xf32, #tpu.memory_space<hbm>>
    %dma_wait3A_49 = arith.constant 0 : i32
    %dma_wait3A_50 = tpu.memref_slice %arg3[%add3A_30, %dma_wait3A_49] : memref<2048x1024xf32, #tpu.memory_space<hbm>> -> memref<32x1024xf32, #tpu.memory_space<hbm>>
    tpu.wait_dma2 semaphore(%arg16 : memref<!tpu.dma_semaphore, #tpu.memory_space<semaphore_mem>>) src(%dma_wait3A_50 : memref<32x1024xf32, #tpu.memory_space<hbm>>) dst(%arg11 : memref<32x1024xf32, #tpu.memory_space<vmem>>)
    %scan3A_51 = arith.constant 0 : i32
    %scan3A_52 = arith.constant 0 : i32
    %scan3A_53 = arith.constant 32 : i32
    %scan3A_54 = arith.addi %scan3A_52, %scan3A_53 : i32
    %scan3A_55 = arith.constant 1 : i32
    %scan3A_56 = scf.for %scan3A_58 = %scan3A_52 to %scan3A_54 step %scan3A_55 iter_args(%scan3A_59 = %scan3A_51) -> (i32)  : i32 {
      %get3A = arith.index_cast %scan3A_58 : i32 to index
      %get3A_60 = arith.constant 0 : index
      %get3A_61 = tpu.vector_load %arg12[%get3A, %get3A_60] {strides = array<i32>} : memref<32x128xf32, #tpu.memory_space<vmem>>, vector<1x16xf32>,
      %get3A_62 = vector.shape_cast %get3A_61 : vector<1x16xf32> to vector<16xf32>
      %get3A_63 = arith.index_cast %scan3A_58 : i32 to index
      %get3A_64 = arith.constant 0 : index
      %get3A_65 = tpu.vector_load %arg13[%get3A_63, %get3A_64] {strides = array<i32>} : memref<32x128xf32, #tpu.memory_space<vmem>>, vector<1x16xf32>,
      %get3A_66 = vector.shape_cast %get3A_65 : vector<1x16xf32> to vector<16xf32>
      %get3A_67 = arith.index_cast %scan3A_58 : i32 to index
      %get3A_68 = arith.constant 0 : index
      %get3A_69 = tpu.vector_load %arg9[%get3A_67, %get3A_68] {strides = array<i32>} : memref<32x1024xf32, #tpu.memory_space<vmem>>, vector<1x16xf32>,
      %get3A_70 = vector.shape_cast %get3A_69 : vector<1x16xf32> to vector<16xf32>
      %mul3A_71 = arith.mulf %get3A_70, %get3A_62 : vector<16xf32>
      %get3A_72 = arith.index_cast %scan3A_58 : i32 to index
      %get3A_73 = arith.constant 0 : index
      %get3A_74 = tpu.vector_load %arg10[%get3A_72, %get3A_73] {strides = array<i32>} : memref<32x1024xf32, #tpu.memory_space<vmem>>, vector<1x16xf32>,
      %get3A_75 = vector.shape_cast %get3A_74 : vector<1x16xf32> to vector<16xf32>
      %mul3A_76 = arith.mulf %get3A_75, %get3A_66 : vector<16xf32>
      %add3A_77 = arith.addf %mul3A_71, %mul3A_76 : vector<16xf32>
      %get3A_78 = arith.index_cast %scan3A_58 : i32 to index
      %get3A_79 = arith.constant 0 : index
      %get3A_80 = tpu.vector_load %arg11[%get3A_78, %get3A_79] {strides = array<i32>} : memref<32x1024xf32, #tpu.memory_space<vmem>>, vector<1x16xf32>,
      %get3A_81 = vector.shape_cast %get3A_80 : vector<1x16xf32> to vector<16xf32>
      %add3A_82 = arith.addf %add3A_77, %get3A_81 : vector<16xf32>
      %swap3A = arith.index_cast %scan3A_58 : i32 to index
      %swap3A_83 = arith.constant 0 : index
      %swap3A_84 = tpu.vector_load %arg9[%swap3A, %swap3A_83] {strides = array<i32>} : memref<32x1024xf32, #tpu.memory_space<vmem>>, vector<1x16xf32>,
      %swap3A_85 = vector.shape_cast %swap3A_84 : vector<1x16xf32> to vector<16xf32>
      %swap3A_86 = vector.shape_cast %add3A_82 : vector<16xf32> to vector<1x16xf32>
      tpu.vector_store %arg9[%swap3A, %swap3A_83], %swap3A_86 {strides = array<i32>} : memref<32x1024xf32, #tpu.memory_space<vmem>>, vector<1x16xf32>,
      %get3A_87 = arith.index_cast %scan3A_58 : i32 to index
      %get3A_88 = arith.constant 16 : index
      %get3A_89 = tpu.vector_load %arg9[%get3A_87, %get3A_88] {strides = array<i32>} : memref<32x1024xf32, #tpu.memory_space<vmem>>, vector<1x16xf32>,
      %get3A_90 = vector.shape_cast %get3A_89 : vector<1x16xf32> to vector<16xf32>
      %mul3A_91 = arith.mulf %get3A_90, %get3A_62 : vector<16xf32>
      %get3A_92 = arith.index_cast %scan3A_58 : i32 to index
      %get3A_93 = arith.constant 16 : index
      %get3A_94 = tpu.vector_load %arg10[%get3A_92, %get3A_93] {strides = array<i32>} : memref<32x1024xf32, #tpu.memory_space<vmem>>, vector<1x16xf32>,
      %get3A_95 = vector.shape_cast %get3A_94 : vector<1x16xf32> to vector<16xf32>
      %mul3A_96 = arith.mulf %get3A_95, %get3A_66 : vector<16xf32>
      %add3A_97 = arith.addf %mul3A_91, %mul3A_96 : vector<16xf32>
      %get3A_98 = arith.index_cast %scan3A_58 : i32 to index
      %get3A_99 = arith.constant 16 : index
      %get3A_100 = tpu.vector_load %arg11[%get3A_98, %get3A_99] {strides = array<i32>} : memref<32x1024xf32, #tpu.memory_space<vmem>>, vector<1x16xf32>,
      %get3A_101 = vector.shape_cast %get3A_100 : vector<1x16xf32> to vector<16xf32>
      %add3A_102 = arith.addf %add3A_97, %get3A_101 : vector<16xf32>
      %swap3A_103 = arith.index_cast %scan3A_58 : i32 to index
      %swap3A_104 = arith.constant 16 : index
      %swap3A_105 = tpu.vector_load %arg9[%swap3A_103, %swap3A_104] {strides = array<i32>} : memref<32x1024xf32, #tpu.memory_space<vmem>>, vector<1x16xf32>,
      %swap3A_106 = vector.shape_cast %swap3A_105 : vector<1x16xf32> to vector<16xf32>
      %swap3A_107 = vector.shape_cast %add3A_102 : vector<16xf32> to vector<1x16xf32>
      tpu.vector_store %arg9[%swap3A_103, %swap3A_104], %swap3A_107 {strides = array<i32>} : memref<32x1024xf32, #tpu.memory_space<vmem>>, vector<1x16xf32>,
      %get3A_108 = arith.index_cast %scan3A_58 : i32 to index
      %get3A_109 = arith.constant 32 : index
      %get3A_110 = tpu.vector_load %arg9[%get3A_108, %get3A_109] {strides = array<i32>} : memref<32x1024xf32, #tpu.memory_space<vmem>>, vector<1x16xf32>,
      %get3A_111 = vector.shape_cast %get3A_110 : vector<1x16xf32> to vector<16xf32>
      %mul3A_112 = arith.mulf %get3A_111, %get3A_62 : vector<16xf32>
      %get3A_113 = arith.index_cast %scan3A_58 : i32 to index
      %get3A_114 = arith.constant 32 : index
      %get3A_115 = tpu.vector_load %arg10[%get3A_113, %get3A_114] {strides = array<i32>} : memref<32x1024xf32, #tpu.memory_space<vmem>>, vector<1x16xf32>,
      %get3A_116 = vector.shape_cast %get3A_115 : vector<1x16xf32> to vector<16xf32>
      %mul3A_117 = arith.mulf %get3A_116, %get3A_66 : vector<16xf32>
      %add3A_118 = arith.addf %mul3A_112, %mul3A_117 : vector<16xf32>
      %get3A_119 = arith.index_cast %scan3A_58 : i32 to index
      %get3A_120 = arith.constant 32 : index
      %get3A_121 = tpu.vector_load %arg11[%get3A_119, %get3A_120] {strides = array<i32>} : memref<32x1024xf32, #tpu.memory_space<vmem>>, vector<1x16xf32>,
      %get3A_122 = vector.shape_cast %get3A_121 : vector<1x16xf32> to vector<16xf32>
      %add3A_123 = arith.addf %add3A_118, %get3A_122 : vector<16xf32>
      %swap3A_124 = arith.index_cast %scan3A_58 : i32 to index
      %swap3A_125 = arith.constant 32 : index
      %swap3A_126 = tpu.vector_load %arg9[%swap3A_124, %swap3A_125] {strides = array<i32>} : memref<32x1024xf32, #tpu.memory_space<vmem>>, vector<1x16xf32>,
      %swap3A_127 = vector.shape_cast %swap3A_126 : vector<1x16xf32> to vector<16xf32>
      %swap3A_128 = vector.shape_cast %add3A_123 : vector<16xf32> to vector<1x16xf32>
      tpu.vector_store %arg9[%swap3A_124, %swap3A_125], %swap3A_128 {strides = array<i32>} : memref<32x1024xf32, #tpu.memory_space<vmem>>, vector<1x16xf32>,
      %get3A_129 = arith.index_cast %scan3A_58 : i32 to index
      %get3A_130 = arith.constant 48 : index
      %get3A_131 = tpu.vector_load %arg9[%get3A_129, %get3A_130] {strides = array<i32>} : memref<32x1024xf32, #tpu.memory_space<vmem>>, vector<1x16xf32>,
      %get3A_132 = vector.shape_cast %get3A_131 : vector<1x16xf32> to vector<16xf32>
      %mul3A_133 = arith.mulf %get3A_132, %get3A_62 : vector<16xf32>
      %get3A_134 = arith.index_cast %scan3A_58 : i32 to index
      %get3A_135 = arith.constant 48 : index
      %get3A_136 = tpu.vector_load %arg10[%get3A_134, %get3A_135] {strides = array<i32>} : memref<32x1024xf32, #tpu.memory_space<vmem>>, vector<1x16xf32>,
      %get3A_137 = vector.shape_cast %get3A_136 : vector<1x16xf32> to vector<16xf32>
      %mul3A_138 = arith.mulf %get3A_137, %get3A_66 : vector<16xf32>
      %add3A_139 = arith.addf %mul3A_133, %mul3A_138 : vector<16xf32>
      %get3A_140 = arith.index_cast %scan3A_58 : i32 to index
      %get3A_141 = arith.constant 48 : index
      %get3A_142 = tpu.vector_load %arg11[%get3A_140, %get3A_141] {strides = array<i32>} : memref<32x1024xf32, #tpu.memory_space<vmem>>, vector<1x16xf32>,
      %get3A_143 = vector.shape_cast %get3A_142 : vector<1x16xf32> to vector<16xf32>
      %add3A_144 = arith.addf %add3A_139, %get3A_143 : vector<16xf32>
      %swap3A_145 = arith.index_cast %scan3A_58 : i32 to index
      %swap3A_146 = arith.constant 48 : index
      %swap3A_147 = tpu.vector_load %arg9[%swap3A_145, %swap3A_146] {strides = array<i32>} : memref<32x1024xf32, #tpu.memory_space<vmem>>, vector<1x16xf32>,
      %swap3A_148 = vector.shape_cast %swap3A_147 : vector<1x16xf32> to vector<16xf32>
      %swap3A_149 = vector.shape_cast %add3A_144 : vector<16xf32> to vector<1x16xf32>
      tpu.vector_store %arg9[%swap3A_145, %swap3A_146], %swap3A_149 {strides = array<i32>} : memref<32x1024xf32, #tpu.memory_space<vmem>>, vector<1x16xf32>,
      %get3A_150 = arith.index_cast %scan3A_58 : i32 to index
      %get3A_151 = arith.constant 64 : index
      %get3A_152 = tpu.vector_load %arg9[%get3A_150, %get3A_151] {strides = array<i32>} : memref<32x1024xf32, #tpu.memory_space<vmem>>, vector<1x16xf32>,
      %get3A_153 = vector.shape_cast %get3A_152 : vector<1x16xf32> to vector<16xf32>
      %mul3A_154 = arith.mulf %get3A_153, %get3A_62 : vector<16xf32>
      %get3A_155 = arith.index_cast %scan3A_58 : i32 to index
      %get3A_156 = arith.constant 64 : index
      %get3A_157 = tpu.vector_load %arg10[%get3A_155, %get3A_156] {strides = array<i32>} : memref<32x1024xf32, #tpu.memory_space<vmem>>, vector<1x16xf32>,
      %get3A_158 = vector.shape_cast %get3A_157 : vector<1x16xf32> to vector<16xf32>
      %mul3A_159 = arith.mulf %get3A_158, %get3A_66 : vector<16xf32>
      %add3A_160 = arith.addf %mul3A_154, %mul3A_159 : vector<16xf32>
      %get3A_161 = arith.index_cast %scan3A_58 : i32 to index
      %get3A_162 = arith.constant 64 : index
      %get3A_163 = tpu.vector_load %arg11[%get3A_161, %get3A_162] {strides = array<i32>} : memref<32x1024xf32, #tpu.memory_space<vmem>>, vector<1x16xf32>,
      %get3A_164 = vector.shape_cast %get3A_163 : vector<1x16xf32> to vector<16xf32>
      %add3A_165 = arith.addf %add3A_160, %get3A_164 : vector<16xf32>
      %swap3A_166 = arith.index_cast %scan3A_58 : i32 to index
      %swap3A_167 = arith.constant 64 : index
      %swap3A_168 = tpu.vector_load %arg9[%swap3A_166, %swap3A_167] {strides = array<i32>} : memref<32x1024xf32, #tpu.memory_space<vmem>>, vector<1x16xf32>,
      %swap3A_169 = vector.shape_cast %swap3A_168 : vector<1x16xf32> to vector<16xf32>
      %swap3A_170 = vector.shape_cast %add3A_165 : vector<16xf32> to vector<1x16xf32>
      tpu.vector_store %arg9[%swap3A_166, %swap3A_167], %swap3A_170 {strides = array<i32>} : memref<32x1024xf32, #tpu.memory_space<vmem>>, vector<1x16xf32>,
      %get3A_171 = arith.index_cast %scan3A_58 : i32 to index
      %get3A_172 = arith.constant 80 : index
      %get3A_173 = tpu.vector_load %arg9[%get3A_171, %get3A_172] {strides = array<i32>} : memref<32x1024xf32, #tpu.memory_space<vmem>>, vector<1x16xf32>,
      %get3A_174 = vector.shape_cast %get3A_173 : vector<1x16xf32> to vector<16xf32>
      %mul3A_175 = arith.mulf %get3A_174, %get3A_62 : vector<16xf32>
      %get3A_176 = arith.index_cast %scan3A_58 : i32 to index
      %get3A_177 = arith.constant 80 : index
      %get3A_178 = tpu.vector_load %arg10[%get3A_176, %get3A_177] {strides = array<i32>} : memref<32x1024xf32, #tpu.memory_space<vmem>>, vector<1x16xf32>,
      %get3A_179 = vector.shape_cast %get3A_178 : vector<1x16xf32> to vector<16xf32>
      %mul3A_180 = arith.mulf %get3A_179, %get3A_66 : vector<16xf32>
      %add3A_181 = arith.addf %mul3A_175, %mul3A_180 : vector<16xf32>
      %get3A_182 = arith.index_cast %scan3A_58 : i32 to index
      %get3A_183 = arith.constant 80 : index
      %get3A_184 = tpu.vector_load %arg11[%get3A_182, %get3A_183] {strides = array<i32>} : memref<32x1024xf32, #tpu.memory_space<vmem>>, vector<1x16xf32>,
      %get3A_185 = vector.shape_cast %get3A_184 : vector<1x16xf32> to vector<16xf32>
      %add3A_186 = arith.addf %add3A_181, %get3A_185 : vector<16xf32>
      %swap3A_187 = arith.index_cast %scan3A_58 : i32 to index
      %swap3A_188 = arith.constant 80 : index
      %swap3A_189 = tpu.vector_load %arg9[%swap3A_187, %swap3A_188] {strides = array<i32>} : memref<32x1024xf32, #tpu.memory_space<vmem>>, vector<1x16xf32>,
      %swap3A_190 = vector.shape_cast %swap3A_189 : vector<1x16xf32> to vector<16xf32>
      %swap3A_191 = vector.shape_cast %add3A_186 : vector<16xf32> to vector<1x16xf32>
      tpu.vector_store %arg9[%swap3A_187, %swap3A_188], %swap3A_191 {strides = array<i32>} : memref<32x1024xf32, #tpu.memory_space<vmem>>, vector<1x16xf32>,
      %get3A_192 = arith.index_cast %scan3A_58 : i32 to index
      %get3A_193 = arith.constant 96 : index
      %get3A_194 = tpu.vector_load %arg9[%get3A_192, %get3A_193] {strides = array<i32>} : memref<32x1024xf32, #tpu.memory_space<vmem>>, vector<1x16xf32>,
      %get3A_195 = vector.shape_cast %get3A_194 : vector<1x16xf32> to vector<16xf32>
      %mul3A_196 = arith.mulf %get3A_195, %get3A_62 : vector<16xf32>
      %get3A_197 = arith.index_cast %scan3A_58 : i32 to index
      %get3A_198 = arith.constant 96 : index
      %get3A_199 = tpu.vector_load %arg10[%get3A_197, %get3A_198] {strides = array<i32>} : memref<32x1024xf32, #tpu.memory_space<vmem>>, vector<1x16xf32>,
      %get3A_200 = vector.shape_cast %get3A_199 : vector<1x16xf32> to vector<16xf32>
      %mul3A_201 = arith.mulf %get3A_200, %get3A_66 : vector<16xf32>
      %add3A_202 = arith.addf %mul3A_196, %mul3A_201 : vector<16xf32>
      %get3A_203 = arith.index_cast %scan3A_58 : i32 to index
      %get3A_204 = arith.constant 96 : index
      %get3A_205 = tpu.vector_load %arg11[%get3A_203, %get3A_204] {strides = array<i32>} : memref<32x1024xf32, #tpu.memory_space<vmem>>, vector<1x16xf32>,
      %get3A_206 = vector.shape_cast %get3A_205 : vector<1x16xf32> to vector<16xf32>
      %add3A_207 = arith.addf %add3A_202, %get3A_206 : vector<16xf32>
      %swap3A_208 = arith.index_cast %scan3A_58 : i32 to index
      %swap3A_209 = arith.constant 96 : index
      %swap3A_210 = tpu.vector_load %arg9[%swap3A_208, %swap3A_209] {strides = array<i32>} : memref<32x1024xf32, #tpu.memory_space<vmem>>, vector<1x16xf32>,
      %swap3A_211 = vector.shape_cast %swap3A_210 : vector<1x16xf32> to vector<16xf32>
      %swap3A_212 = vector.shape_cast %add3A_207 : vector<16xf32> to vector<1x16xf32>
      tpu.vector_store %arg9[%swap3A_208, %swap3A_209], %swap3A_212 {strides = array<i32>} : memref<32x1024xf32, #tpu.memory_space<vmem>>, vector<1x16xf32>,
      %get3A_213 = arith.index_cast %scan3A_58 : i32 to index
      %get3A_214 = arith.constant 112 : index
      %get3A_215 = tpu.vector_load %arg9[%get3A_213, %get3A_214] {strides = array<i32>} : memref<32x1024xf32, #tpu.memory_space<vmem>>, vector<1x16xf32>,
      %get3A_216 = vector.shape_cast %get3A_215 : vector<1x16xf32> to vector<16xf32>
      %mul3A_217 = arith.mulf %get3A_216, %get3A_62 : vector<16xf32>
      %get3A_218 = arith.index_cast %scan3A_58 : i32 to index
      %get3A_219 = arith.constant 112 : index
      %get3A_220 = tpu.vector_load %arg10[%get3A_218, %get3A_219] {strides = array<i32>} : memref<32x1024xf32, #tpu.memory_space<vmem>>, vector<1x16xf32>,
      %get3A_221 = vector.shape_cast %get3A_220 : vector<1x16xf32> to vector<16xf32>
      %mul3A_222 = arith.mulf %get3A_221, %get3A_66 : vector<16xf32>
      %add3A_223 = arith.addf %mul3A_217, %mul3A_222 : vector<16xf32>
      %get3A_224 = arith.index_cast %scan3A_58 : i32 to index
      %get3A_225 = arith.constant 112 : index
      %get3A_226 = tpu.vector_load %arg11[%get3A_224, %get3A_225] {strides = array<i32>} : memref<32x1024xf32, #tpu.memory_space<vmem>>, vector<1x16xf32>,
      %get3A_227 = vector.shape_cast %get3A_226 : vector<1x16xf32> to vector<16xf32>
      %add3A_228 = arith.addf %add3A_223, %get3A_227 : vector<16xf32>
      %swap3A_229 = arith.index_cast %scan3A_58 : i32 to index
      %swap3A_230 = arith.constant 112 : index
      %swap3A_231 = tpu.vector_load %arg9[%swap3A_229, %swap3A_230] {strides = array<i32>} : memref<32x1024xf32, #tpu.memory_space<vmem>>, vector<1x16xf32>,
      %swap3A_232 = vector.shape_cast %swap3A_231 : vector<1x16xf32> to vector<16xf32>
      %swap3A_233 = vector.shape_cast %add3A_228 : vector<16xf32> to vector<1x16xf32>
      tpu.vector_store %arg9[%swap3A_229, %swap3A_230], %swap3A_233 {strides = array<i32>} : memref<32x1024xf32, #tpu.memory_space<vmem>>, vector<1x16xf32>,
      %get3A_234 = arith.index_cast %scan3A_58 : i32 to index
      %get3A_235 = arith.constant 128 : index
      %get3A_236 = tpu.vector_load %arg9[%get3A_234, %get3A_235] {strides = array<i32>} : memref<32x1024xf32, #tpu.memory_space<vmem>>, vector<1x16xf32>,
      %get3A_237 = vector.shape_cast %get3A_236 : vector<1x16xf32> to vector<16xf32>
      %mul3A_238 = arith.mulf %get3A_237, %get3A_62 : vector<16xf32>
      %get3A_239 = arith.index_cast %scan3A_58 : i32 to index
      %get3A_240 = arith.constant 128 : index
      %get3A_241 = tpu.vector_load %arg10[%get3A_239, %get3A_240] {strides = array<i32>} : memref<32x1024xf32, #tpu.memory_space<vmem>>, vector<1x16xf32>,
      %get3A_242 = vector.shape_cast %get3A_241 : vector<1x16xf32> to vector<16xf32>
      %mul3A_243 = arith.mulf %get3A_242, %get3A_66 : vector<16xf32>
      %add3A_244 = arith.addf %mul3A_238, %mul3A_243 : vector<16xf32>
      %get3A_245 = arith.index_cast %scan3A_58 : i32 to index
      %get3A_246 = arith.constant 128 : index
      %get3A_247 = tpu.vector_load %arg11[%get3A_245, %get3A_246] {strides = array<i32>} : memref<32x1024xf32, #tpu.memory_space<vmem>>, vector<1x16xf32>,
      %get3A_248 = vector.shape_cast %get3A_247 : vector<1x16xf32> to vector<16xf32>
      %add3A_249 = arith.addf %add3A_244, %get3A_248 : vector<16xf32>
      %swap3A_250 = arith.index_cast %scan3A_58 : i32 to index
      %swap3A_251 = arith.constant 128 : index
      %swap3A_252 = tpu.vector_load %arg9[%swap3A_250, %swap3A_251] {strides = array<i32>} : memref<32x1024xf32, #tpu.memory_space<vmem>>, vector<1x16xf32>,
      %swap3A_253 = vector.shape_cast %swap3A_252 : vector<1x16xf32> to vector<16xf32>
      %swap3A_254 = vector.shape_cast %add3A_249 : vector<16xf32> to vector<1x16xf32>
      tpu.vector_store %arg9[%swap3A_250, %swap3A_251], %swap3A_254 {strides = array<i32>} : memref<32x1024xf32, #tpu.memory_space<vmem>>, vector<1x16xf32>,
      %get3A_255 = arith.index_cast %scan3A_58 : i32 to index
      %get3A_256 = arith.constant 144 : index
      %get3A_257 = tpu.vector_load %arg9[%get3A_255, %get3A_256] {strides = array<i32>} : memref<32x1024xf32, #tpu.memory_space<vmem>>, vector<1x16xf32>,
      %get3A_258 = vector.shape_cast %get3A_257 : vector<1x16xf32> to vector<16xf32>
      %mul3A_259 = arith.mulf %get3A_258, %get3A_62 : vector<16xf32>
      %get3A_260 = arith.index_cast %scan3A_58 : i32 to index
      %get3A_261 = arith.constant 144 : index
      %get3A_262 = tpu.vector_load %arg10[%get3A_260, %get3A_261] {strides = array<i32>} : memref<32x1024xf32, #tpu.memory_space<vmem>>, vector<1x16xf32>,
      %get3A_263 = vector.shape_cast %get3A_262 : vector<1x16xf32> to vector<16xf32>
      %mul3A_264 = arith.mulf %get3A_263, %get3A_66 : vector<16xf32>
      %add3A_265 = arith.addf %mul3A_259, %mul3A_264 : vector<16xf32>
      %get3A_266 = arith.index_cast %scan3A_58 : i32 to index
      %get3A_267 = arith.constant 144 : index
      %get3A_268 = tpu.vector_load %arg11[%get3A_266, %get3A_267] {strides = array<i32>} : memref<32x1024xf32, #tpu.memory_space<vmem>>, vector<1x16xf32>,
      %get3A_269 = vector.shape_cast %get3A_268 : vector<1x16xf32> to vector<16xf32>
      %add3A_270 = arith.addf %add3A_265, %get3A_269 : vector<16xf32>
      %swap3A_271 = arith.index_cast %scan3A_58 : i32 to index
      %swap3A_272 = arith.constant 144 : index
      %swap3A_273 = tpu.vector_load %arg9[%swap3A_271, %swap3A_272] {strides = array<i32>} : memref<32x1024xf32, #tpu.memory_space<vmem>>, vector<1x16xf32>,
      %swap3A_274 = vector.shape_cast %swap3A_273 : vector<1x16xf32> to vector<16xf32>
      %swap3A_275 = vector.shape_cast %add3A_270 : vector<16xf32> to vector<1x16xf32>
      tpu.vector_store %arg9[%swap3A_271, %swap3A_272], %swap3A_275 {strides = array<i32>} : memref<32x1024xf32, #tpu.memory_space<vmem>>, vector<1x16xf32>,
      %get3A_276 = arith.index_cast %scan3A_58 : i32 to index
      %get3A_277 = arith.constant 160 : index
      %get3A_278 = tpu.vector_load %arg9[%get3A_276, %get3A_277] {strides = array<i32>} : memref<32x1024xf32, #tpu.memory_space<vmem>>, vector<1x16xf32>,
      %get3A_279 = vector.shape_cast %get3A_278 : vector<1x16xf32> to vector<16xf32>
      %mul3A_280 = arith.mulf %get3A_279, %get3A_62 : vector<16xf32>
      %get3A_281 = arith.index_cast %scan3A_58 : i32 to index
      %get3A_282 = arith.constant 160 : index
      %get3A_283 = tpu.vector_load %arg10[%get3A_281, %get3A_282] {strides = array<i32>} : memref<32x1024xf32, #tpu.memory_space<vmem>>, vector<1x16xf32>,
      %get3A_284 = vector.shape_cast %get3A_283 : vector<1x16xf32> to vector<16xf32>
      %mul3A_285 = arith.mulf %get3A_284, %get3A_66 : vector<16xf32>
      %add3A_286 = arith.addf %mul3A_280, %mul3A_285 : vector<16xf32>
      %get3A_287 = arith.index_cast %scan3A_58 : i32 to index
      %get3A_288 = arith.constant 160 : index
      %get3A_289 = tpu.vector_load %arg11[%get3A_287, %get3A_288] {strides = array<i32>} : memref<32x1024xf32, #tpu.memory_space<vmem>>, vector<1x16xf32>,
      %get3A_290 = vector.shape_cast %get3A_289 : vector<1x16xf32> to vector<16xf32>
      %add3A_291 = arith.addf %add3A_286, %get3A_290 : vector<16xf32>
      %swap3A_292 = arith.index_cast %scan3A_58 : i32 to index
      %swap3A_293 = arith.constant 160 : index
      %swap3A_294 = tpu.vector_load %arg9[%swap3A_292, %swap3A_293] {strides = array<i32>} : memref<32x1024xf32, #tpu.memory_space<vmem>>, vector<1x16xf32>,
      %swap3A_295 = vector.shape_cast %swap3A_294 : vector<1x16xf32> to vector<16xf32>
      %swap3A_296 = vector.shape_cast %add3A_291 : vector<16xf32> to vector<1x16xf32>
      tpu.vector_store %arg9[%swap3A_292, %swap3A_293], %swap3A_296 {strides = array<i32>} : memref<32x1024xf32, #tpu.memory_space<vmem>>, vector<1x16xf32>,
      %get3A_297 = arith.index_cast %scan3A_58 : i32 to index
      %get3A_298 = arith.constant 176 : index
      %get3A_299 = tpu.vector_load %arg9[%get3A_297, %get3A_298] {strides = array<i32>} : memref<32x1024xf32, #tpu.memory_space<vmem>>, vector<1x16xf32>,
      %get3A_300 = vector.shape_cast %get3A_299 : vector<1x16xf32> to vector<16xf32>
      %mul3A_301 = arith.mulf %get3A_300, %get3A_62 : vector<16xf32>
      %get3A_302 = arith.index_cast %scan3A_58 : i32 to index
      %get3A_303 = arith.constant 176 : index
      %get3A_304 = tpu.vector_load %arg10[%get3A_302, %get3A_303] {strides = array<i32>} : memref<32x1024xf32, #tpu.memory_space<vmem>>, vector<1x16xf32>,
      %get3A_305 = vector.shape_cast %get3A_304 : vector<1x16xf32> to vector<16xf32>
      %mul3A_306 = arith.mulf %get3A_305, %get3A_66 : vector<16xf32>
      %add3A_307 = arith.addf %mul3A_301, %mul3A_306 : vector<16xf32>
      %get3A_308 = arith.index_cast %scan3A_58 : i32 to index
      %get3A_309 = arith.constant 176 : index
      %get3A_310 = tpu.vector_load %arg11[%get3A_308, %get3A_309] {strides = array<i32>} : memref<32x1024xf32, #tpu.memory_space<vmem>>, vector<1x16xf32>,
      %get3A_311 = vector.shape_cast %get3A_310 : vector<1x16xf32> to vector<16xf32>
      %add3A_312 = arith.addf %add3A_307, %get3A_311 : vector<16xf32>
      %swap3A_313 = arith.index_cast %scan3A_58 : i32 to index
      %swap3A_314 = arith.constant 176 : index
      %swap3A_315 = tpu.vector_load %arg9[%swap3A_313, %swap3A_314] {strides = array<i32>} : memref<32x1024xf32, #tpu.memory_space<vmem>>, vector<1x16xf32>,
      %swap3A_316 = vector.shape_cast %swap3A_315 : vector<1x16xf32> to vector<16xf32>
      %swap3A_317 = vector.shape_cast %add3A_312 : vector<16xf32> to vector<1x16xf32>
      tpu.vector_store %arg9[%swap3A_313, %swap3A_314], %swap3A_317 {strides = array<i32>} : memref<32x1024xf32, #tpu.memory_space<vmem>>, vector<1x16xf32>,
      %get3A_318 = arith.index_cast %scan3A_58 : i32 to index
      %get3A_319 = arith.constant 192 : index
      %get3A_320 = tpu.vector_load %arg9[%get3A_318, %get3A_319] {strides = array<i32>} : memref<32x1024xf32, #tpu.memory_space<vmem>>, vector<1x16xf32>,
      %get3A_321 = vector.shape_cast %get3A_320 : vector<1x16xf32> to vector<16xf32>
      %mul3A_322 = arith.mulf %get3A_321, %get3A_62 : vector<16xf32>
      %get3A_323 = arith.index_cast %scan3A_58 : i32 to index
      %get3A_324 = arith.constant 192 : index
      %get3A_325 = tpu.vector_load %arg10[%get3A_323, %get3A_324] {strides = array<i32>} : memref<32x1024xf32, #tpu.memory_space<vmem>>, vector<1x16xf32>,
      %get3A_326 = vector.shape_cast %get3A_325 : vector<1x16xf32> to vector<16xf32>
      %mul3A_327 = arith.mulf %get3A_326, %get3A_66 : vector<16xf32>
      %add3A_328 = arith.addf %mul3A_322, %mul3A_327 : vector<16xf32>
      %get3A_329 = arith.index_cast %scan3A_58 : i32 to index
      %get3A_330 = arith.constant 192 : index
      %get3A_331 = tpu.vector_load %arg11[%get3A_329, %get3A_330] {strides = array<i32>} : memref<32x1024xf32, #tpu.memory_space<vmem>>, vector<1x16xf32>,
      %get3A_332 = vector.shape_cast %get3A_331 : vector<1x16xf32> to vector<16xf32>
      %add3A_333 = arith.addf %add3A_328, %get3A_332 : vector<16xf32>
      %swap3A_334 = arith.index_cast %scan3A_58 : i32 to index
      %swap3A_335 = arith.constant 192 : index
      %swap3A_336 = tpu.vector_load %arg9[%swap3A_334, %swap3A_335] {strides = array<i32>} : memref<32x1024xf32, #tpu.memory_space<vmem>>, vector<1x16xf32>,
      %swap3A_337 = vector.shape_cast %swap3A_336 : vector<1x16xf32> to vector<16xf32>
      %swap3A_338 = vector.shape_cast %add3A_333 : vector<16xf32> to vector<1x16xf32>
      tpu.vector_store %arg9[%swap3A_334, %swap3A_335], %swap3A_338 {strides = array<i32>} : memref<32x1024xf32, #tpu.memory_space<vmem>>, vector<1x16xf32>,
      %get3A_339 = arith.index_cast %scan3A_58 : i32 to index
      %get3A_340 = arith.constant 208 : index
      %get3A_341 = tpu.vector_load %arg9[%get3A_339, %get3A_340] {strides = array<i32>} : memref<32x1024xf32, #tpu.memory_space<vmem>>, vector<1x16xf32>,
      %get3A_342 = vector.shape_cast %get3A_341 : vector<1x16xf32> to vector<16xf32>
      %mul3A_343 = arith.mulf %get3A_342, %get3A_62 : vector<16xf32>
      %get3A_344 = arith.index_cast %scan3A_58 : i32 to index
      %get3A_345 = arith.constant 208 : index
      %get3A_346 = tpu.vector_load %arg10[%get3A_344, %get3A_345] {strides = array<i32>} : memref<32x1024xf32, #tpu.memory_space<vmem>>, vector<1x16xf32>,
      %get3A_347 = vector.shape_cast %get3A_346 : vector<1x16xf32> to vector<16xf32>
      %mul3A_348 = arith.mulf %get3A_347, %get3A_66 : vector<16xf32>
      %add3A_349 = arith.addf %mul3A_343, %mul3A_348 : vector<16xf32>
      %get3A_350 = arith.index_cast %scan3A_58 : i32 to index
      %get3A_351 = arith.constant 208 : index
      %get3A_352 = tpu.vector_load %arg11[%get3A_350, %get3A_351] {strides = array<i32>} : memref<32x1024xf32, #tpu.memory_space<vmem>>, vector<1x16xf32>,
      %get3A_353 = vector.shape_cast %get3A_352 : vector<1x16xf32> to vector<16xf32>
      %add3A_354 = arith.addf %add3A_349, %get3A_353 : vector<16xf32>
      %swap3A_355 = arith.index_cast %scan3A_58 : i32 to index
      %swap3A_356 = arith.constant 208 : index
      %swap3A_357 = tpu.vector_load %arg9[%swap3A_355, %swap3A_356] {strides = array<i32>} : memref<32x1024xf32, #tpu.memory_space<vmem>>, vector<1x16xf32>,
      %swap3A_358 = vector.shape_cast %swap3A_357 : vector<1x16xf32> to vector<16xf32>
      %swap3A_359 = vector.shape_cast %add3A_354 : vector<16xf32> to vector<1x16xf32>
      tpu.vector_store %arg9[%swap3A_355, %swap3A_356], %swap3A_359 {strides = array<i32>} : memref<32x1024xf32, #tpu.memory_space<vmem>>, vector<1x16xf32>,
      %get3A_360 = arith.index_cast %scan3A_58 : i32 to index
      %get3A_361 = arith.constant 224 : index
      %get3A_362 = tpu.vector_load %arg9[%get3A_360, %get3A_361] {strides = array<i32>} : memref<32x1024xf32, #tpu.memory_space<vmem>>, vector<1x16xf32>,
      %get3A_363 = vector.shape_cast %get3A_362 : vector<1x16xf32> to vector<16xf32>
      %mul3A_364 = arith.mulf %get3A_363, %get3A_62 : vector<16xf32>
      %get3A_365 = arith.index_cast %scan3A_58 : i32 to index
      %get3A_366 = arith.constant 224 : index
      %get3A_367 = tpu.vector_load %arg10[%get3A_365, %get3A_366] {strides = array<i32>} : memref<32x1024xf32, #tpu.memory_space<vmem>>, vector<1x16xf32>,
      %get3A_368 = vector.shape_cast %get3A_367 : vector<1x16xf32> to vector<16xf32>
      %mul3A_369 = arith.mulf %get3A_368, %get3A_66 : vector<16xf32>
      %add3A_370 = arith.addf %mul3A_364, %mul3A_369 : vector<16xf32>
      %get3A_371 = arith.index_cast %scan3A_58 : i32 to index
      %get3A_372 = arith.constant 224 : index
      %get3A_373 = tpu.vector_load %arg11[%get3A_371, %get3A_372] {strides = array<i32>} : memref<32x1024xf32, #tpu.memory_space<vmem>>, vector<1x16xf32>,
      %get3A_374 = vector.shape_cast %get3A_373 : vector<1x16xf32> to vector<16xf32>
      %add3A_375 = arith.addf %add3A_370, %get3A_374 : vector<16xf32>
      %swap3A_376 = arith.index_cast %scan3A_58 : i32 to index
      %swap3A_377 = arith.constant 224 : index
      %swap3A_378 = tpu.vector_load %arg9[%swap3A_376, %swap3A_377] {strides = array<i32>} : memref<32x1024xf32, #tpu.memory_space<vmem>>, vector<1x16xf32>,
      %swap3A_379 = vector.shape_cast %swap3A_378 : vector<1x16xf32> to vector<16xf32>
      %swap3A_380 = vector.shape_cast %add3A_375 : vector<16xf32> to vector<1x16xf32>
      tpu.vector_store %arg9[%swap3A_376, %swap3A_377], %swap3A_380 {strides = array<i32>} : memref<32x1024xf32, #tpu.memory_space<vmem>>, vector<1x16xf32>,
      %get3A_381 = arith.index_cast %scan3A_58 : i32 to index
      %get3A_382 = arith.constant 240 : index
      %get3A_383 = tpu.vector_load %arg9[%get3A_381, %get3A_382] {strides = array<i32>} : memref<32x1024xf32, #tpu.memory_space<vmem>>, vector<1x16xf32>,
      %get3A_384 = vector.shape_cast %get3A_383 : vector<1x16xf32> to vector<16xf32>
      %mul3A_385 = arith.mulf %get3A_384, %get3A_62 : vector<16xf32>
      %get3A_386 = arith.index_cast %scan3A_58 : i32 to index
      %get3A_387 = arith.constant 240 : index
      %get3A_388 = tpu.vector_load %arg10[%get3A_386, %get3A_387] {strides = array<i32>} : memref<32x1024xf32, #tpu.memory_space<vmem>>, vector<1x16xf32>,
      %get3A_389 = vector.shape_cast %get3A_388 : vector<1x16xf32> to vector<16xf32>
      %mul3A_390 = arith.mulf %get3A_389, %get3A_66 : vector<16xf32>
      %add3A_391 = arith.addf %mul3A_385, %mul3A_390 : vector<16xf32>
      %get3A_392 = arith.index_cast %scan3A_58 : i32 to index
      %get3A_393 = arith.constant 240 : index
      %get3A_394 = tpu.vector_load %arg11[%get3A_392, %get3A_393] {strides = array<i32>} : memref<32x1024xf32, #tpu.memory_space<vmem>>, vector<1x16xf32>,
      %get3A_395 = vector.shape_cast %get3A_394 : vector<1x16xf32> to vector<16xf32>
      %add3A_396 = arith.addf %add3A_391, %get3A_395 : vector<16xf32>
      %swap3A_397 = arith.index_cast %scan3A_58 : i32 to index
      %swap3A_398 = arith.constant 240 : index
      %swap3A_399 = tpu.vector_load %arg9[%swap3A_397, %swap3A_398] {strides = array<i32>} : memref<32x1024xf32, #tpu.memory_space<vmem>>, vector<1x16xf32>,
      %swap3A_400 = vector.shape_cast %swap3A_399 : vector<1x16xf32> to vector<16xf32>
      %swap3A_401 = vector.shape_cast %add3A_396 : vector<16xf32> to vector<1x16xf32>
      tpu.vector_store %arg9[%swap3A_397, %swap3A_398], %swap3A_401 {strides = array<i32>} : memref<32x1024xf32, #tpu.memory_space<vmem>>, vector<1x16xf32>,
      %get3A_402 = arith.index_cast %scan3A_58 : i32 to index
      %get3A_403 = arith.constant 256 : index
      %get3A_404 = tpu.vector_load %arg9[%get3A_402, %get3A_403] {strides = array<i32>} : memref<32x1024xf32, #tpu.memory_space<vmem>>, vector<1x16xf32>,
      %get3A_405 = vector.shape_cast %get3A_404 : vector<1x16xf32> to vector<16xf32>
      %mul3A_406 = arith.mulf %get3A_405, %get3A_62 : vector<16xf32>
      %get3A_407 = arith.index_cast %scan3A_58 : i32 to index
      %get3A_408 = arith.constant 256 : index
      %get3A_409 = tpu.vector_load %arg10[%get3A_407, %get3A_408] {strides = array<i32>} : memref<32x1024xf32, #tpu.memory_space<vmem>>, vector<1x16xf32>,
      %get3A_410 = vector.shape_cast %get3A_409 : vector<1x16xf32> to vector<16xf32>
      %mul3A_411 = arith.mulf %get3A_410, %get3A_66 : vector<16xf32>
      %add3A_412 = arith.addf %mul3A_406, %mul3A_411 : vector<16xf32>
      %get3A_413 = arith.index_cast %scan3A_58 : i32 to index
      %get3A_414 = arith.constant 256 : index
      %get3A_415 = tpu.vector_load %arg11[%get3A_413, %get3A_414] {strides = array<i32>} : memref<32x1024xf32, #tpu.memory_space<vmem>>, vector<1x16xf32>,
      %get3A_416 = vector.shape_cast %get3A_415 : vector<1x16xf32> to vector<16xf32>
      %add3A_417 = arith.addf %add3A_412, %get3A_416 : vector<16xf32>
      %swap3A_418 = arith.index_cast %scan3A_58 : i32 to index
      %swap3A_419 = arith.constant 256 : index
      %swap3A_420 = tpu.vector_load %arg9[%swap3A_418, %swap3A_419] {strides = array<i32>} : memref<32x1024xf32, #tpu.memory_space<vmem>>, vector<1x16xf32>,
      %swap3A_421 = vector.shape_cast %swap3A_420 : vector<1x16xf32> to vector<16xf32>
      %swap3A_422 = vector.shape_cast %add3A_417 : vector<16xf32> to vector<1x16xf32>
      tpu.vector_store %arg9[%swap3A_418, %swap3A_419], %swap3A_422 {strides = array<i32>} : memref<32x1024xf32, #tpu.memory_space<vmem>>, vector<1x16xf32>,
      %get3A_423 = arith.index_cast %scan3A_58 : i32 to index
      %get3A_424 = arith.constant 272 : index
      %get3A_425 = tpu.vector_load %arg9[%get3A_423, %get3A_424] {strides = array<i32>} : memref<32x1024xf32, #tpu.memory_space<vmem>>, vector<1x16xf32>,
      %get3A_426 = vector.shape_cast %get3A_425 : vector<1x16xf32> to vector<16xf32>
      %mul3A_427 = arith.mulf %get3A_426, %get3A_62 : vector<16xf32>
      %get3A_428 = arith.index_cast %scan3A_58 : i32 to index
      %get3A_429 = arith.constant 272 : index
      %get3A_430 = tpu.vector_load %arg10[%get3A_428, %get3A_429] {strides = array<i32>} : memref<32x1024xf32, #tpu.memory_space<vmem>>, vector<1x16xf32>,
      %get3A_431 = vector.shape_cast %get3A_430 : vector<1x16xf32> to vector<16xf32>
      %mul3A_432 = arith.mulf %get3A_431, %get3A_66 : vector<16xf32>
      %add3A_433 = arith.addf %mul3A_427, %mul3A_432 : vector<16xf32>
      %get3A_434 = arith.index_cast %scan3A_58 : i32 to index
      %get3A_435 = arith.constant 272 : index
      %get3A_436 = tpu.vector_load %arg11[%get3A_434, %get3A_435] {strides = array<i32>} : memref<32x1024xf32, #tpu.memory_space<vmem>>, vector<1x16xf32>,
      %get3A_437 = vector.shape_cast %get3A_436 : vector<1x16xf32> to vector<16xf32>
      %add3A_438 = arith.addf %add3A_433, %get3A_437 : vector<16xf32>
      %swap3A_439 = arith.index_cast %scan3A_58 : i32 to index
      %swap3A_440 = arith.constant 272 : index
      %swap3A_441 = tpu.vector_load %arg9[%swap3A_439, %swap3A_440] {strides = array<i32>} : memref<32x1024xf32, #tpu.memory_space<vmem>>, vector<1x16xf32>,
      %swap3A_442 = vector.shape_cast %swap3A_441 : vector<1x16xf32> to vector<16xf32>
      %swap3A_443 = vector.shape_cast %add3A_438 : vector<16xf32> to vector<1x16xf32>
      tpu.vector_store %arg9[%swap3A_439, %swap3A_440], %swap3A_443 {strides = array<i32>} : memref<32x1024xf32, #tpu.memory_space<vmem>>, vector<1x16xf32>,
      %get3A_444 = arith.index_cast %scan3A_58 : i32 to index
      %get3A_445 = arith.constant 288 : index
      %get3A_446 = tpu.vector_load %arg9[%get3A_444, %get3A_445] {strides = array<i32>} : memref<32x1024xf32, #tpu.memory_space<vmem>>, vector<1x16xf32>,
      %get3A_447 = vector.shape_cast %get3A_446 : vector<1x16xf32> to vector<16xf32>
      %mul3A_448 = arith.mulf %get3A_447, %get3A_62 : vector<16xf32>
      %get3A_449 = arith.index_cast %scan3A_58 : i32 to index
      %get3A_450 = arith.constant 288 : index
      %get3A_451 = tpu.vector_load %arg10[%get3A_449, %get3A_450] {strides = array<i32>} : memref<32x1024xf32, #tpu.memory_space<vmem>>, vector<1x16xf32>,
      %get3A_452 = vector.shape_cast %get3A_451 : vector<1x16xf32> to vector<16xf32>
      %mul3A_453 = arith.mulf %get3A_452, %get3A_66 : vector<16xf32>
      %add3A_454 = arith.addf %mul3A_448, %mul3A_453 : vector<16xf32>
      %get3A_455 = arith.index_cast %scan3A_58 : i32 to index
      %get3A_456 = arith.constant 288 : index
      %get3A_457 = tpu.vector_load %arg11[%get3A_455, %get3A_456] {strides = array<i32>} : memref<32x1024xf32, #tpu.memory_space<vmem>>, vector<1x16xf32>,
      %get3A_458 = vector.shape_cast %get3A_457 : vector<1x16xf32> to vector<16xf32>
      %add3A_459 = arith.addf %add3A_454, %get3A_458 : vector<16xf32>
      %swap3A_460 = arith.index_cast %scan3A_58 : i32 to index
      %swap3A_461 = arith.constant 288 : index
      %swap3A_462 = tpu.vector_load %arg9[%swap3A_460, %swap3A_461] {strides = array<i32>} : memref<32x1024xf32, #tpu.memory_space<vmem>>, vector<1x16xf32>,
      %swap3A_463 = vector.shape_cast %swap3A_462 : vector<1x16xf32> to vector<16xf32>
      %swap3A_464 = vector.shape_cast %add3A_459 : vector<16xf32> to vector<1x16xf32>
      tpu.vector_store %arg9[%swap3A_460, %swap3A_461], %swap3A_464 {strides = array<i32>} : memref<32x1024xf32, #tpu.memory_space<vmem>>, vector<1x16xf32>,
      %get3A_465 = arith.index_cast %scan3A_58 : i32 to index
      %get3A_466 = arith.constant 304 : index
      %get3A_467 = tpu.vector_load %arg9[%get3A_465, %get3A_466] {strides = array<i32>} : memref<32x1024xf32, #tpu.memory_space<vmem>>, vector<1x16xf32>,
      %get3A_468 = vector.shape_cast %get3A_467 : vector<1x16xf32> to vector<16xf32>
      %mul3A_469 = arith.mulf %get3A_468, %get3A_62 : vector<16xf32>
      %get3A_470 = arith.index_cast %scan3A_58 : i32 to index
      %get3A_471 = arith.constant 304 : index
      %get3A_472 = tpu.vector_load %arg10[%get3A_470, %get3A_471] {strides = array<i32>} : memref<32x1024xf32, #tpu.memory_space<vmem>>, vector<1x16xf32>,
      %get3A_473 = vector.shape_cast %get3A_472 : vector<1x16xf32> to vector<16xf32>
      %mul3A_474 = arith.mulf %get3A_473, %get3A_66 : vector<16xf32>
      %add3A_475 = arith.addf %mul3A_469, %mul3A_474 : vector<16xf32>
      %get3A_476 = arith.index_cast %scan3A_58 : i32 to index
      %get3A_477 = arith.constant 304 : index
      %get3A_478 = tpu.vector_load %arg11[%get3A_476, %get3A_477] {strides = array<i32>} : memref<32x1024xf32, #tpu.memory_space<vmem>>, vector<1x16xf32>,
      %get3A_479 = vector.shape_cast %get3A_478 : vector<1x16xf32> to vector<16xf32>
      %add3A_480 = arith.addf %add3A_475, %get3A_479 : vector<16xf32>
      %swap3A_481 = arith.index_cast %scan3A_58 : i32 to index
      %swap3A_482 = arith.constant 304 : index
      %swap3A_483 = tpu.vector_load %arg9[%swap3A_481, %swap3A_482] {strides = array<i32>} : memref<32x1024xf32, #tpu.memory_space<vmem>>, vector<1x16xf32>,
      %swap3A_484 = vector.shape_cast %swap3A_483 : vector<1x16xf32> to vector<16xf32>
      %swap3A_485 = vector.shape_cast %add3A_480 : vector<16xf32> to vector<1x16xf32>
      tpu.vector_store %arg9[%swap3A_481, %swap3A_482], %swap3A_485 {strides = array<i32>} : memref<32x1024xf32, #tpu.memory_space<vmem>>, vector<1x16xf32>,
      %get3A_486 = arith.index_cast %scan3A_58 : i32 to index
      %get3A_487 = arith.constant 320 : index
      %get3A_488 = tpu.vector_load %arg9[%get3A_486, %get3A_487] {strides = array<i32>} : memref<32x1024xf32, #tpu.memory_space<vmem>>, vector<1x16xf32>,
      %get3A_489 = vector.shape_cast %get3A_488 : vector<1x16xf32> to vector<16xf32>
      %mul3A_490 = arith.mulf %get3A_489, %get3A_62 : vector<16xf32>
      %get3A_491 = arith.index_cast %scan3A_58 : i32 to index
      %get3A_492 = arith.constant 320 : index
      %get3A_493 = tpu.vector_load %arg10[%get3A_491, %get3A_492] {strides = array<i32>} : memref<32x1024xf32, #tpu.memory_space<vmem>>, vector<1x16xf32>,
      %get3A_494 = vector.shape_cast %get3A_493 : vector<1x16xf32> to vector<16xf32>
      %mul3A_495 = arith.mulf %get3A_494, %get3A_66 : vector<16xf32>
      %add3A_496 = arith.addf %mul3A_490, %mul3A_495 : vector<16xf32>
      %get3A_497 = arith.index_cast %scan3A_58 : i32 to index
      %get3A_498 = arith.constant 320 : index
      %get3A_499 = tpu.vector_load %arg11[%get3A_497, %get3A_498] {strides = array<i32>} : memref<32x1024xf32, #tpu.memory_space<vmem>>, vector<1x16xf32>,
      %get3A_500 = vector.shape_cast %get3A_499 : vector<1x16xf32> to vector<16xf32>
      %add3A_501 = arith.addf %add3A_496, %get3A_500 : vector<16xf32>
      %swap3A_502 = arith.index_cast %scan3A_58 : i32 to index
      %swap3A_503 = arith.constant 320 : index
      %swap3A_504 = tpu.vector_load %arg9[%swap3A_502, %swap3A_503] {strides = array<i32>} : memref<32x1024xf32, #tpu.memory_space<vmem>>, vector<1x16xf32>,
      %swap3A_505 = vector.shape_cast %swap3A_504 : vector<1x16xf32> to vector<16xf32>
      %swap3A_506 = vector.shape_cast %add3A_501 : vector<16xf32> to vector<1x16xf32>
      tpu.vector_store %arg9[%swap3A_502, %swap3A_503], %swap3A_506 {strides = array<i32>} : memref<32x1024xf32, #tpu.memory_space<vmem>>, vector<1x16xf32>,
      %get3A_507 = arith.index_cast %scan3A_58 : i32 to index
      %get3A_508 = arith.constant 336 : index
      %get3A_509 = tpu.vector_load %arg9[%get3A_507, %get3A_508] {strides = array<i32>} : memref<32x1024xf32, #tpu.memory_space<vmem>>, vector<1x16xf32>,
      %get3A_510 = vector.shape_cast %get3A_509 : vector<1x16xf32> to vector<16xf32>
      %mul3A_511 = arith.mulf %get3A_510, %get3A_62 : vector<16xf32>
      %get3A_512 = arith.index_cast %scan3A_58 : i32 to index
      %get3A_513 = arith.constant 336 : index
      %get3A_514 = tpu.vector_load %arg10[%get3A_512, %get3A_513] {strides = array<i32>} : memref<32x1024xf32, #tpu.memory_space<vmem>>, vector<1x16xf32>,
      %get3A_515 = vector.shape_cast %get3A_514 : vector<1x16xf32> to vector<16xf32>
      %mul3A_516 = arith.mulf %get3A_515, %get3A_66 : vector<16xf32>
      %add3A_517 = arith.addf %mul3A_511, %mul3A_516 : vector<16xf32>
      %get3A_518 = arith.index_cast %scan3A_58 : i32 to index
      %get3A_519 = arith.constant 336 : index
      %get3A_520 = tpu.vector_load %arg11[%get3A_518, %get3A_519] {strides = array<i32>} : memref<32x1024xf32, #tpu.memory_space<vmem>>, vector<1x16xf32>,
      %get3A_521 = vector.shape_cast %get3A_520 : vector<1x16xf32> to vector<16xf32>
      %add3A_522 = arith.addf %add3A_517, %get3A_521 : vector<16xf32>
      %swap3A_523 = arith.index_cast %scan3A_58 : i32 to index
      %swap3A_524 = arith.constant 336 : index
      %swap3A_525 = tpu.vector_load %arg9[%swap3A_523, %swap3A_524] {strides = array<i32>} : memref<32x1024xf32, #tpu.memory_space<vmem>>, vector<1x16xf32>,
      %swap3A_526 = vector.shape_cast %swap3A_525 : vector<1x16xf32> to vector<16xf32>
      %swap3A_527 = vector.shape_cast %add3A_522 : vector<16xf32> to vector<1x16xf32>
      tpu.vector_store %arg9[%swap3A_523, %swap3A_524], %swap3A_527 {strides = array<i32>} : memref<32x1024xf32, #tpu.memory_space<vmem>>, vector<1x16xf32>,
      %get3A_528 = arith.index_cast %scan3A_58 : i32 to index
      %get3A_529 = arith.constant 352 : index
      %get3A_530 = tpu.vector_load %arg9[%get3A_528, %get3A_529] {strides = array<i32>} : memref<32x1024xf32, #tpu.memory_space<vmem>>, vector<1x16xf32>,
      %get3A_531 = vector.shape_cast %get3A_530 : vector<1x16xf32> to vector<16xf32>
      %mul3A_532 = arith.mulf %get3A_531, %get3A_62 : vector<16xf32>
      %get3A_533 = arith.index_cast %scan3A_58 : i32 to index
      %get3A_534 = arith.constant 352 : index
      %get3A_535 = tpu.vector_load %arg10[%get3A_533, %get3A_534] {strides = array<i32>} : memref<32x1024xf32, #tpu.memory_space<vmem>>, vector<1x16xf32>,
      %get3A_536 = vector.shape_cast %get3A_535 : vector<1x16xf32> to vector<16xf32>
      %mul3A_537 = arith.mulf %get3A_536, %get3A_66 : vector<16xf32>
      %add3A_538 = arith.addf %mul3A_532, %mul3A_537 : vector<16xf32>
      %get3A_539 = arith.index_cast %scan3A_58 : i32 to index
      %get3A_540 = arith.constant 352 : index
      %get3A_541 = tpu.vector_load %arg11[%get3A_539, %get3A_540] {strides = array<i32>} : memref<32x1024xf32, #tpu.memory_space<vmem>>, vector<1x16xf32>,
      %get3A_542 = vector.shape_cast %get3A_541 : vector<1x16xf32> to vector<16xf32>
      %add3A_543 = arith.addf %add3A_538, %get3A_542 : vector<16xf32>
      %swap3A_544 = arith.index_cast %scan3A_58 : i32 to index
      %swap3A_545 = arith.constant 352 : index
      %swap3A_546 = tpu.vector_load %arg9[%swap3A_544, %swap3A_545] {strides = array<i32>} : memref<32x1024xf32, #tpu.memory_space<vmem>>, vector<1x16xf32>,
      %swap3A_547 = vector.shape_cast %swap3A_546 : vector<1x16xf32> to vector<16xf32>
      %swap3A_548 = vector.shape_cast %add3A_543 : vector<16xf32> to vector<1x16xf32>
      tpu.vector_store %arg9[%swap3A_544, %swap3A_545], %swap3A_548 {strides = array<i32>} : memref<32x1024xf32, #tpu.memory_space<vmem>>, vector<1x16xf32>,
      %get3A_549 = arith.index_cast %scan3A_58 : i32 to index
      %get3A_550 = arith.constant 368 : index
      %get3A_551 = tpu.vector_load %arg9[%get3A_549, %get3A_550] {strides = array<i32>} : memref<32x1024xf32, #tpu.memory_space<vmem>>, vector<1x16xf32>,
      %get3A_552 = vector.shape_cast %get3A_551 : vector<1x16xf32> to vector<16xf32>
      %mul3A_553 = arith.mulf %get3A_552, %get3A_62 : vector<16xf32>
      %get3A_554 = arith.index_cast %scan3A_58 : i32 to index
      %get3A_555 = arith.constant 368 : index
      %get3A_556 = tpu.vector_load %arg10[%get3A_554, %get3A_555] {strides = array<i32>} : memref<32x1024xf32, #tpu.memory_space<vmem>>, vector<1x16xf32>,
      %get3A_557 = vector.shape_cast %get3A_556 : vector<1x16xf32> to vector<16xf32>
      %mul3A_558 = arith.mulf %get3A_557, %get3A_66 : vector<16xf32>
      %add3A_559 = arith.addf %mul3A_553, %mul3A_558 : vector<16xf32>
      %get3A_560 = arith.index_cast %scan3A_58 : i32 to index
      %get3A_561 = arith.constant 368 : index
      %get3A_562 = tpu.vector_load %arg11[%get3A_560, %get3A_561] {strides = array<i32>} : memref<32x1024xf32, #tpu.memory_space<vmem>>, vector<1x16xf32>,
      %get3A_563 = vector.shape_cast %get3A_562 : vector<1x16xf32> to vector<16xf32>
      %add3A_564 = arith.addf %add3A_559, %get3A_563 : vector<16xf32>
      %swap3A_565 = arith.index_cast %scan3A_58 : i32 to index
      %swap3A_566 = arith.constant 368 : index
      %swap3A_567 = tpu.vector_load %arg9[%swap3A_565, %swap3A_566] {strides = array<i32>} : memref<32x1024xf32, #tpu.memory_space<vmem>>, vector<1x16xf32>,
      %swap3A_568 = vector.shape_cast %swap3A_567 : vector<1x16xf32> to vector<16xf32>
      %swap3A_569 = vector.shape_cast %add3A_564 : vector<16xf32> to vector<1x16xf32>
      tpu.vector_store %arg9[%swap3A_565, %swap3A_566], %swap3A_569 {strides = array<i32>} : memref<32x1024xf32, #tpu.memory_space<vmem>>, vector<1x16xf32>,
      %get3A_570 = arith.index_cast %scan3A_58 : i32 to index
      %get3A_571 = arith.constant 384 : index
      %get3A_572 = tpu.vector_load %arg9[%get3A_570, %get3A_571] {strides = array<i32>} : memref<32x1024xf32, #tpu.memory_space<vmem>>, vector<1x16xf32>,
      %get3A_573 = vector.shape_cast %get3A_572 : vector<1x16xf32> to vector<16xf32>
      %mul3A_574 = arith.mulf %get3A_573, %get3A_62 : vector<16xf32>
      %get3A_575 = arith.index_cast %scan3A_58 : i32 to index
      %get3A_576 = arith.constant 384 : index
      %get3A_577 = tpu.vector_load %arg10[%get3A_575, %get3A_576] {strides = array<i32>} : memref<32x1024xf32, #tpu.memory_space<vmem>>, vector<1x16xf32>,
      %get3A_578 = vector.shape_cast %get3A_577 : vector<1x16xf32> to vector<16xf32>
      %mul3A_579 = arith.mulf %get3A_578, %get3A_66 : vector<16xf32>
      %add3A_580 = arith.addf %mul3A_574, %mul3A_579 : vector<16xf32>
      %get3A_581 = arith.index_cast %scan3A_58 : i32 to index
      %get3A_582 = arith.constant 384 : index
      %get3A_583 = tpu.vector_load %arg11[%get3A_581, %get3A_582] {strides = array<i32>} : memref<32x1024xf32, #tpu.memory_space<vmem>>, vector<1x16xf32>,
      %get3A_584 = vector.shape_cast %get3A_583 : vector<1x16xf32> to vector<16xf32>
      %add3A_585 = arith.addf %add3A_580, %get3A_584 : vector<16xf32>
      %swap3A_586 = arith.index_cast %scan3A_58 : i32 to index
      %swap3A_587 = arith.constant 384 : index
      %swap3A_588 = tpu.vector_load %arg9[%swap3A_586, %swap3A_587] {strides = array<i32>} : memref<32x1024xf32, #tpu.memory_space<vmem>>, vector<1x16xf32>,
      %swap3A_589 = vector.shape_cast %swap3A_588 : vector<1x16xf32> to vector<16xf32>
      %swap3A_590 = vector.shape_cast %add3A_585 : vector<16xf32> to vector<1x16xf32>
      tpu.vector_store %arg9[%swap3A_586, %swap3A_587], %swap3A_590 {strides = array<i32>} : memref<32x1024xf32, #tpu.memory_space<vmem>>, vector<1x16xf32>,
      %get3A_591 = arith.index_cast %scan3A_58 : i32 to index
      %get3A_592 = arith.constant 400 : index
      %get3A_593 = tpu.vector_load %arg9[%get3A_591, %get3A_592] {strides = array<i32>} : memref<32x1024xf32, #tpu.memory_space<vmem>>, vector<1x16xf32>,
      %get3A_594 = vector.shape_cast %get3A_593 : vector<1x16xf32> to vector<16xf32>
      %mul3A_595 = arith.mulf %get3A_594, %get3A_62 : vector<16xf32>
      %get3A_596 = arith.index_cast %scan3A_58 : i32 to index
      %get3A_597 = arith.constant 400 : index
      %get3A_598 = tpu.vector_load %arg10[%get3A_596, %get3A_597] {strides = array<i32>} : memref<32x1024xf32, #tpu.memory_space<vmem>>, vector<1x16xf32>,
      %get3A_599 = vector.shape_cast %get3A_598 : vector<1x16xf32> to vector<16xf32>
      %mul3A_600 = arith.mulf %get3A_599, %get3A_66 : vector<16xf32>
      %add3A_601 = arith.addf %mul3A_595, %mul3A_600 : vector<16xf32>
      %get3A_602 = arith.index_cast %scan3A_58 : i32 to index
      %get3A_603 = arith.constant 400 : index
      %get3A_604 = tpu.vector_load %arg11[%get3A_602, %get3A_603] {strides = array<i32>} : memref<32x1024xf32, #tpu.memory_space<vmem>>, vector<1x16xf32>,
      %get3A_605 = vector.shape_cast %get3A_604 : vector<1x16xf32> to vector<16xf32>
      %add3A_606 = arith.addf %add3A_601, %get3A_605 : vector<16xf32>
      %swap3A_607 = arith.index_cast %scan3A_58 : i32 to index
      %swap3A_608 = arith.constant 400 : index
      %swap3A_609 = tpu.vector_load %arg9[%swap3A_607, %swap3A_608] {strides = array<i32>} : memref<32x1024xf32, #tpu.memory_space<vmem>>, vector<1x16xf32>,
      %swap3A_610 = vector.shape_cast %swap3A_609 : vector<1x16xf32> to vector<16xf32>
      %swap3A_611 = vector.shape_cast %add3A_606 : vector<16xf32> to vector<1x16xf32>
      tpu.vector_store %arg9[%swap3A_607, %swap3A_608], %swap3A_611 {strides = array<i32>} : memref<32x1024xf32, #tpu.memory_space<vmem>>, vector<1x16xf32>,
      %get3A_612 = arith.index_cast %scan3A_58 : i32 to index
      %get3A_613 = arith.constant 416 : index
      %get3A_614 = tpu.vector_load %arg9[%get3A_612, %get3A_613] {strides = array<i32>} : memref<32x1024xf32, #tpu.memory_space<vmem>>, vector<1x16xf32>,
      %get3A_615 = vector.shape_cast %get3A_614 : vector<1x16xf32> to vector<16xf32>
      %mul3A_616 = arith.mulf %get3A_615, %get3A_62 : vector<16xf32>
      %get3A_617 = arith.index_cast %scan3A_58 : i32 to index
      %get3A_618 = arith.constant 416 : index
      %get3A_619 = tpu.vector_load %arg10[%get3A_617, %get3A_618] {strides = array<i32>} : memref<32x1024xf32, #tpu.memory_space<vmem>>, vector<1x16xf32>,
      %get3A_620 = vector.shape_cast %get3A_619 : vector<1x16xf32> to vector<16xf32>
      %mul3A_621 = arith.mulf %get3A_620, %get3A_66 : vector<16xf32>
      %add3A_622 = arith.addf %mul3A_616, %mul3A_621 : vector<16xf32>
      %get3A_623 = arith.index_cast %scan3A_58 : i32 to index
      %get3A_624 = arith.constant 416 : index
      %get3A_625 = tpu.vector_load %arg11[%get3A_623, %get3A_624] {strides = array<i32>} : memref<32x1024xf32, #tpu.memory_space<vmem>>, vector<1x16xf32>,
      %get3A_626 = vector.shape_cast %get3A_625 : vector<1x16xf32> to vector<16xf32>
      %add3A_627 = arith.addf %add3A_622, %get3A_626 : vector<16xf32>
      %swap3A_628 = arith.index_cast %scan3A_58 : i32 to index
      %swap3A_629 = arith.constant 416 : index
      %swap3A_630 = tpu.vector_load %arg9[%swap3A_628, %swap3A_629] {strides = array<i32>} : memref<32x1024xf32, #tpu.memory_space<vmem>>, vector<1x16xf32>,
      %swap3A_631 = vector.shape_cast %swap3A_630 : vector<1x16xf32> to vector<16xf32>
      %swap3A_632 = vector.shape_cast %add3A_627 : vector<16xf32> to vector<1x16xf32>
      tpu.vector_store %arg9[%swap3A_628, %swap3A_629], %swap3A_632 {strides = array<i32>} : memref<32x1024xf32, #tpu.memory_space<vmem>>, vector<1x16xf32>,
      %get3A_633 = arith.index_cast %scan3A_58 : i32 to index
      %get3A_634 = arith.constant 432 : index
      %get3A_635 = tpu.vector_load %arg9[%get3A_633, %get3A_634] {strides = array<i32>} : memref<32x1024xf32, #tpu.memory_space<vmem>>, vector<1x16xf32>,
      %get3A_636 = vector.shape_cast %get3A_635 : vector<1x16xf32> to vector<16xf32>
      %mul3A_637 = arith.mulf %get3A_636, %get3A_62 : vector<16xf32>
      %get3A_638 = arith.index_cast %scan3A_58 : i32 to index
      %get3A_639 = arith.constant 432 : index
      %get3A_640 = tpu.vector_load %arg10[%get3A_638, %get3A_639] {strides = array<i32>} : memref<32x1024xf32, #tpu.memory_space<vmem>>, vector<1x16xf32>,
      %get3A_641 = vector.shape_cast %get3A_640 : vector<1x16xf32> to vector<16xf32>
      %mul3A_642 = arith.mulf %get3A_641, %get3A_66 : vector<16xf32>
      %add3A_643 = arith.addf %mul3A_637, %mul3A_642 : vector<16xf32>
      %get3A_644 = arith.index_cast %scan3A_58 : i32 to index
      %get3A_645 = arith.constant 432 : index
      %get3A_646 = tpu.vector_load %arg11[%get3A_644, %get3A_645] {strides = array<i32>} : memref<32x1024xf32, #tpu.memory_space<vmem>>, vector<1x16xf32>,
      %get3A_647 = vector.shape_cast %get3A_646 : vector<1x16xf32> to vector<16xf32>
      %add3A_648 = arith.addf %add3A_643, %get3A_647 : vector<16xf32>
      %swap3A_649 = arith.index_cast %scan3A_58 : i32 to index
      %swap3A_650 = arith.constant 432 : index
      %swap3A_651 = tpu.vector_load %arg9[%swap3A_649, %swap3A_650] {strides = array<i32>} : memref<32x1024xf32, #tpu.memory_space<vmem>>, vector<1x16xf32>,
      %swap3A_652 = vector.shape_cast %swap3A_651 : vector<1x16xf32> to vector<16xf32>
      %swap3A_653 = vector.shape_cast %add3A_648 : vector<16xf32> to vector<1x16xf32>
      tpu.vector_store %arg9[%swap3A_649, %swap3A_650], %swap3A_653 {strides = array<i32>} : memref<32x1024xf32, #tpu.memory_space<vmem>>, vector<1x16xf32>,
      %get3A_654 = arith.index_cast %scan3A_58 : i32 to index
      %get3A_655 = arith.constant 448 : index
      %get3A_656 = tpu.vector_load %arg9[%get3A_654, %get3A_655] {strides = array<i32>} : memref<32x1024xf32, #tpu.memory_space<vmem>>, vector<1x16xf32>,
      %get3A_657 = vector.shape_cast %get3A_656 : vector<1x16xf32> to vector<16xf32>
      %mul3A_658 = arith.mulf %get3A_657, %get3A_62 : vector<16xf32>
      %get3A_659 = arith.index_cast %scan3A_58 : i32 to index
      %get3A_660 = arith.constant 448 : index
      %get3A_661 = tpu.vector_load %arg10[%get3A_659, %get3A_660] {strides = array<i32>} : memref<32x1024xf32, #tpu.memory_space<vmem>>, vector<1x16xf32>,
      %get3A_662 = vector.shape_cast %get3A_661 : vector<1x16xf32> to vector<16xf32>
      %mul3A_663 = arith.mulf %get3A_662, %get3A_66 : vector<16xf32>
      %add3A_664 = arith.addf %mul3A_658, %mul3A_663 : vector<16xf32>
      %get3A_665 = arith.index_cast %scan3A_58 : i32 to index
      %get3A_666 = arith.constant 448 : index
      %get3A_667 = tpu.vector_load %arg11[%get3A_665, %get3A_666] {strides = array<i32>} : memref<32x1024xf32, #tpu.memory_space<vmem>>, vector<1x16xf32>,
      %get3A_668 = vector.shape_cast %get3A_667 : vector<1x16xf32> to vector<16xf32>
      %add3A_669 = arith.addf %add3A_664, %get3A_668 : vector<16xf32>
      %swap3A_670 = arith.index_cast %scan3A_58 : i32 to index
      %swap3A_671 = arith.constant 448 : index
      %swap3A_672 = tpu.vector_load %arg9[%swap3A_670, %swap3A_671] {strides = array<i32>} : memref<32x1024xf32, #tpu.memory_space<vmem>>, vector<1x16xf32>,
      %swap3A_673 = vector.shape_cast %swap3A_672 : vector<1x16xf32> to vector<16xf32>
      %swap3A_674 = vector.shape_cast %add3A_669 : vector<16xf32> to vector<1x16xf32>
      tpu.vector_store %arg9[%swap3A_670, %swap3A_671], %swap3A_674 {strides = array<i32>} : memref<32x1024xf32, #tpu.memory_space<vmem>>, vector<1x16xf32>,
      %get3A_675 = arith.index_cast %scan3A_58 : i32 to index
      %get3A_676 = arith.constant 464 : index
      %get3A_677 = tpu.vector_load %arg9[%get3A_675, %get3A_676] {strides = array<i32>} : memref<32x1024xf32, #tpu.memory_space<vmem>>, vector<1x16xf32>,
      %get3A_678 = vector.shape_cast %get3A_677 : vector<1x16xf32> to vector<16xf32>
      %mul3A_679 = arith.mulf %get3A_678, %get3A_62 : vector<16xf32>
      %get3A_680 = arith.index_cast %scan3A_58 : i32 to index
      %get3A_681 = arith.constant 464 : index
      %get3A_682 = tpu.vector_load %arg10[%get3A_680, %get3A_681] {strides = array<i32>} : memref<32x1024xf32, #tpu.memory_space<vmem>>, vector<1x16xf32>,
      %get3A_683 = vector.shape_cast %get3A_682 : vector<1x16xf32> to vector<16xf32>
      %mul3A_684 = arith.mulf %get3A_683, %get3A_66 : vector<16xf32>
      %add3A_685 = arith.addf %mul3A_679, %mul3A_684 : vector<16xf32>
      %get3A_686 = arith.index_cast %scan3A_58 : i32 to index
      %get3A_687 = arith.constant 464 : index
      %get3A_688 = tpu.vector_load %arg11[%get3A_686, %get3A_687] {strides = array<i32>} : memref<32x1024xf32, #tpu.memory_space<vmem>>, vector<1x16xf32>,
      %get3A_689 = vector.shape_cast %get3A_688 : vector<1x16xf32> to vector<16xf32>
      %add3A_690 = arith.addf %add3A_685, %get3A_689 : vector<16xf32>
      %swap3A_691 = arith.index_cast %scan3A_58 : i32 to index
      %swap3A_692 = arith.constant 464 : index
      %swap3A_693 = tpu.vector_load %arg9[%swap3A_691, %swap3A_692] {strides = array<i32>} : memref<32x1024xf32, #tpu.memory_space<vmem>>, vector<1x16xf32>,
      %swap3A_694 = vector.shape_cast %swap3A_693 : vector<1x16xf32> to vector<16xf32>
      %swap3A_695 = vector.shape_cast %add3A_690 : vector<16xf32> to vector<1x16xf32>
      tpu.vector_store %arg9[%swap3A_691, %swap3A_692], %swap3A_695 {strides = array<i32>} : memref<32x1024xf32, #tpu.memory_space<vmem>>, vector<1x16xf32>,
      %get3A_696 = arith.index_cast %scan3A_58 : i32 to index
      %get3A_697 = arith.constant 480 : index
      %get3A_698 = tpu.vector_load %arg9[%get3A_696, %get3A_697] {strides = array<i32>} : memref<32x1024xf32, #tpu.memory_space<vmem>>, vector<1x16xf32>,
      %get3A_699 = vector.shape_cast %get3A_698 : vector<1x16xf32> to vector<16xf32>
      %mul3A_700 = arith.mulf %get3A_699, %get3A_62 : vector<16xf32>
      %get3A_701 = arith.index_cast %scan3A_58 : i32 to index
      %get3A_702 = arith.constant 480 : index
      %get3A_703 = tpu.vector_load %arg10[%get3A_701, %get3A_702] {strides = array<i32>} : memref<32x1024xf32, #tpu.memory_space<vmem>>, vector<1x16xf32>,
      %get3A_704 = vector.shape_cast %get3A_703 : vector<1x16xf32> to vector<16xf32>
      %mul3A_705 = arith.mulf %get3A_704, %get3A_66 : vector<16xf32>
      %add3A_706 = arith.addf %mul3A_700, %mul3A_705 : vector<16xf32>
      %get3A_707 = arith.index_cast %scan3A_58 : i32 to index
      %get3A_708 = arith.constant 480 : index
      %get3A_709 = tpu.vector_load %arg11[%get3A_707, %get3A_708] {strides = array<i32>} : memref<32x1024xf32, #tpu.memory_space<vmem>>, vector<1x16xf32>,
      %get3A_710 = vector.shape_cast %get3A_709 : vector<1x16xf32> to vector<16xf32>
      %add3A_711 = arith.addf %add3A_706, %get3A_710 : vector<16xf32>
      %swap3A_712 = arith.index_cast %scan3A_58 : i32 to index
      %swap3A_713 = arith.constant 480 : index
      %swap3A_714 = tpu.vector_load %arg9[%swap3A_712, %swap3A_713] {strides = array<i32>} : memref<32x1024xf32, #tpu.memory_space<vmem>>, vector<1x16xf32>,
      %swap3A_715 = vector.shape_cast %swap3A_714 : vector<1x16xf32> to vector<16xf32>
      %swap3A_716 = vector.shape_cast %add3A_711 : vector<16xf32> to vector<1x16xf32>
      tpu.vector_store %arg9[%swap3A_712, %swap3A_713], %swap3A_716 {strides = array<i32>} : memref<32x1024xf32, #tpu.memory_space<vmem>>, vector<1x16xf32>,
      %get3A_717 = arith.index_cast %scan3A_58 : i32 to index
      %get3A_718 = arith.constant 496 : index
      %get3A_719 = tpu.vector_load %arg9[%get3A_717, %get3A_718] {strides = array<i32>} : memref<32x1024xf32, #tpu.memory_space<vmem>>, vector<1x16xf32>,
      %get3A_720 = vector.shape_cast %get3A_719 : vector<1x16xf32> to vector<16xf32>
      %mul3A_721 = arith.mulf %get3A_720, %get3A_62 : vector<16xf32>
      %get3A_722 = arith.index_cast %scan3A_58 : i32 to index
      %get3A_723 = arith.constant 496 : index
      %get3A_724 = tpu.vector_load %arg10[%get3A_722, %get3A_723] {strides = array<i32>} : memref<32x1024xf32, #tpu.memory_space<vmem>>, vector<1x16xf32>,
      %get3A_725 = vector.shape_cast %get3A_724 : vector<1x16xf32> to vector<16xf32>
      %mul3A_726 = arith.mulf %get3A_725, %get3A_66 : vector<16xf32>
      %add3A_727 = arith.addf %mul3A_721, %mul3A_726 : vector<16xf32>
      %get3A_728 = arith.index_cast %scan3A_58 : i32 to index
      %get3A_729 = arith.constant 496 : index
      %get3A_730 = tpu.vector_load %arg11[%get3A_728, %get3A_729] {strides = array<i32>} : memref<32x1024xf32, #tpu.memory_space<vmem>>, vector<1x16xf32>,
      %get3A_731 = vector.shape_cast %get3A_730 : vector<1x16xf32> to vector<16xf32>
      %add3A_732 = arith.addf %add3A_727, %get3A_731 : vector<16xf32>
      %swap3A_733 = arith.index_cast %scan3A_58 : i32 to index
      %swap3A_734 = arith.constant 496 : index
      %swap3A_735 = tpu.vector_load %arg9[%swap3A_733, %swap3A_734] {strides = array<i32>} : memref<32x1024xf32, #tpu.memory_space<vmem>>, vector<1x16xf32>,
      %swap3A_736 = vector.shape_cast %swap3A_735 : vector<1x16xf32> to vector<16xf32>
      %swap3A_737 = vector.shape_cast %add3A_732 : vector<16xf32> to vector<1x16xf32>
      tpu.vector_store %arg9[%swap3A_733, %swap3A_734], %swap3A_737 {strides = array<i32>} : memref<32x1024xf32, #tpu.memory_space<vmem>>, vector<1x16xf32>,
      %get3A_738 = arith.index_cast %scan3A_58 : i32 to index
      %get3A_739 = arith.constant 512 : index
      %get3A_740 = tpu.vector_load %arg9[%get3A_738, %get3A_739] {strides = array<i32>} : memref<32x1024xf32, #tpu.memory_space<vmem>>, vector<1x16xf32>,
      %get3A_741 = vector.shape_cast %get3A_740 : vector<1x16xf32> to vector<16xf32>
      %mul3A_742 = arith.mulf %get3A_741, %get3A_62 : vector<16xf32>
      %get3A_743 = arith.index_cast %scan3A_58 : i32 to index
      %get3A_744 = arith.constant 512 : index
      %get3A_745 = tpu.vector_load %arg10[%get3A_743, %get3A_744] {strides = array<i32>} : memref<32x1024xf32, #tpu.memory_space<vmem>>, vector<1x16xf32>,
      %get3A_746 = vector.shape_cast %get3A_745 : vector<1x16xf32> to vector<16xf32>
      %mul3A_747 = arith.mulf %get3A_746, %get3A_66 : vector<16xf32>
      %add3A_748 = arith.addf %mul3A_742, %mul3A_747 : vector<16xf32>
      %get3A_749 = arith.index_cast %scan3A_58 : i32 to index
      %get3A_750 = arith.constant 512 : index
      %get3A_751 = tpu.vector_load %arg11[%get3A_749, %get3A_750] {strides = array<i32>} : memref<32x1024xf32, #tpu.memory_space<vmem>>, vector<1x16xf32>,
      %get3A_752 = vector.shape_cast %get3A_751 : vector<1x16xf32> to vector<16xf32>
      %add3A_753 = arith.addf %add3A_748, %get3A_752 : vector<16xf32>
      %swap3A_754 = arith.index_cast %scan3A_58 : i32 to index
      %swap3A_755 = arith.constant 512 : index
      %swap3A_756 = tpu.vector_load %arg9[%swap3A_754, %swap3A_755] {strides = array<i32>} : memref<32x1024xf32, #tpu.memory_space<vmem>>, vector<1x16xf32>,
      %swap3A_757 = vector.shape_cast %swap3A_756 : vector<1x16xf32> to vector<16xf32>
      %swap3A_758 = vector.shape_cast %add3A_753 : vector<16xf32> to vector<1x16xf32>
      tpu.vector_store %arg9[%swap3A_754, %swap3A_755], %swap3A_758 {strides = array<i32>} : memref<32x1024xf32, #tpu.memory_space<vmem>>, vector<1x16xf32>,
      %get3A_759 = arith.index_cast %scan3A_58 : i32 to index
      %get3A_760 = arith.constant 528 : index
      %get3A_761 = tpu.vector_load %arg9[%get3A_759, %get3A_760] {strides = array<i32>} : memref<32x1024xf32, #tpu.memory_space<vmem>>, vector<1x16xf32>,
      %get3A_762 = vector.shape_cast %get3A_761 : vector<1x16xf32> to vector<16xf32>
      %mul3A_763 = arith.mulf %get3A_762, %get3A_62 : vector<16xf32>
      %get3A_764 = arith.index_cast %scan3A_58 : i32 to index
      %get3A_765 = arith.constant 528 : index
      %get3A_766 = tpu.vector_load %arg10[%get3A_764, %get3A_765] {strides = array<i32>} : memref<32x1024xf32, #tpu.memory_space<vmem>>, vector<1x16xf32>,
      %get3A_767 = vector.shape_cast %get3A_766 : vector<1x16xf32> to vector<16xf32>
      %mul3A_768 = arith.mulf %get3A_767, %get3A_66 : vector<16xf32>
      %add3A_769 = arith.addf %mul3A_763, %mul3A_768 : vector<16xf32>
      %get3A_770 = arith.index_cast %scan3A_58 : i32 to index
      %get3A_771 = arith.constant 528 : index
      %get3A_772 = tpu.vector_load %arg11[%get3A_770, %get3A_771] {strides = array<i32>} : memref<32x1024xf32, #tpu.memory_space<vmem>>, vector<1x16xf32>,
      %get3A_773 = vector.shape_cast %get3A_772 : vector<1x16xf32> to vector<16xf32>
      %add3A_774 = arith.addf %add3A_769, %get3A_773 : vector<16xf32>
      %swap3A_775 = arith.index_cast %scan3A_58 : i32 to index
      %swap3A_776 = arith.constant 528 : index
      %swap3A_777 = tpu.vector_load %arg9[%swap3A_775, %swap3A_776] {strides = array<i32>} : memref<32x1024xf32, #tpu.memory_space<vmem>>, vector<1x16xf32>,
      %swap3A_778 = vector.shape_cast %swap3A_777 : vector<1x16xf32> to vector<16xf32>
      %swap3A_779 = vector.shape_cast %add3A_774 : vector<16xf32> to vector<1x16xf32>
      tpu.vector_store %arg9[%swap3A_775, %swap3A_776], %swap3A_779 {strides = array<i32>} : memref<32x1024xf32, #tpu.memory_space<vmem>>, vector<1x16xf32>,
      %get3A_780 = arith.index_cast %scan3A_58 : i32 to index
      %get3A_781 = arith.constant 544 : index
      %get3A_782 = tpu.vector_load %arg9[%get3A_780, %get3A_781] {strides = array<i32>} : memref<32x1024xf32, #tpu.memory_space<vmem>>, vector<1x16xf32>,
      %get3A_783 = vector.shape_cast %get3A_782 : vector<1x16xf32> to vector<16xf32>
      %mul3A_784 = arith.mulf %get3A_783, %get3A_62 : vector<16xf32>
      %get3A_785 = arith.index_cast %scan3A_58 : i32 to index
      %get3A_786 = arith.constant 544 : index
      %get3A_787 = tpu.vector_load %arg10[%get3A_785, %get3A_786] {strides = array<i32>} : memref<32x1024xf32, #tpu.memory_space<vmem>>, vector<1x16xf32>,
      %get3A_788 = vector.shape_cast %get3A_787 : vector<1x16xf32> to vector<16xf32>
      %mul3A_789 = arith.mulf %get3A_788, %get3A_66 : vector<16xf32>
      %add3A_790 = arith.addf %mul3A_784, %mul3A_789 : vector<16xf32>
      %get3A_791 = arith.index_cast %scan3A_58 : i32 to index
      %get3A_792 = arith.constant 544 : index
      %get3A_793 = tpu.vector_load %arg11[%get3A_791, %get3A_792] {strides = array<i32>} : memref<32x1024xf32, #tpu.memory_space<vmem>>, vector<1x16xf32>,
      %get3A_794 = vector.shape_cast %get3A_793 : vector<1x16xf32> to vector<16xf32>
      %add3A_795 = arith.addf %add3A_790, %get3A_794 : vector<16xf32>
      %swap3A_796 = arith.index_cast %scan3A_58 : i32 to index
      %swap3A_797 = arith.constant 544 : index
      %swap3A_798 = tpu.vector_load %arg9[%swap3A_796, %swap3A_797] {strides = array<i32>} : memref<32x1024xf32, #tpu.memory_space<vmem>>, vector<1x16xf32>,
      %swap3A_799 = vector.shape_cast %swap3A_798 : vector<1x16xf32> to vector<16xf32>
      %swap3A_800 = vector.shape_cast %add3A_795 : vector<16xf32> to vector<1x16xf32>
      tpu.vector_store %arg9[%swap3A_796, %swap3A_797], %swap3A_800 {strides = array<i32>} : memref<32x1024xf32, #tpu.memory_space<vmem>>, vector<1x16xf32>,
      %get3A_801 = arith.index_cast %scan3A_58 : i32 to index
      %get3A_802 = arith.constant 560 : index
      %get3A_803 = tpu.vector_load %arg9[%get3A_801, %get3A_802] {strides = array<i32>} : memref<32x1024xf32, #tpu.memory_space<vmem>>, vector<1x16xf32>,
      %get3A_804 = vector.shape_cast %get3A_803 : vector<1x16xf32> to vector<16xf32>
      %mul3A_805 = arith.mulf %get3A_804, %get3A_62 : vector<16xf32>
      %get3A_806 = arith.index_cast %scan3A_58 : i32 to index
      %get3A_807 = arith.constant 560 : index
      %get3A_808 = tpu.vector_load %arg10[%get3A_806, %get3A_807] {strides = array<i32>} : memref<32x1024xf32, #tpu.memory_space<vmem>>, vector<1x16xf32>,
      %get3A_809 = vector.shape_cast %get3A_808 : vector<1x16xf32> to vector<16xf32>
      %mul3A_810 = arith.mulf %get3A_809, %get3A_66 : vector<16xf32>
      %add3A_811 = arith.addf %mul3A_805, %mul3A_810 : vector<16xf32>
      %get3A_812 = arith.index_cast %scan3A_58 : i32 to index
      %get3A_813 = arith.constant 560 : index
      %get3A_814 = tpu.vector_load %arg11[%get3A_812, %get3A_813] {strides = array<i32>} : memref<32x1024xf32, #tpu.memory_space<vmem>>, vector<1x16xf32>,
      %get3A_815 = vector.shape_cast %get3A_814 : vector<1x16xf32> to vector<16xf32>
      %add3A_816 = arith.addf %add3A_811, %get3A_815 : vector<16xf32>
      %swap3A_817 = arith.index_cast %scan3A_58 : i32 to index
      %swap3A_818 = arith.constant 560 : index
      %swap3A_819 = tpu.vector_load %arg9[%swap3A_817, %swap3A_818] {strides = array<i32>} : memref<32x1024xf32, #tpu.memory_space<vmem>>, vector<1x16xf32>,
      %swap3A_820 = vector.shape_cast %swap3A_819 : vector<1x16xf32> to vector<16xf32>
      %swap3A_821 = vector.shape_cast %add3A_816 : vector<16xf32> to vector<1x16xf32>
      tpu.vector_store %arg9[%swap3A_817, %swap3A_818], %swap3A_821 {strides = array<i32>} : memref<32x1024xf32, #tpu.memory_space<vmem>>, vector<1x16xf32>,
      %get3A_822 = arith.index_cast %scan3A_58 : i32 to index
      %get3A_823 = arith.constant 576 : index
      %get3A_824 = tpu.vector_load %arg9[%get3A_822, %get3A_823] {strides = array<i32>} : memref<32x1024xf32, #tpu.memory_space<vmem>>, vector<1x16xf32>,
      %get3A_825 = vector.shape_cast %get3A_824 : vector<1x16xf32> to vector<16xf32>
      %mul3A_826 = arith.mulf %get3A_825, %get3A_62 : vector<16xf32>
      %get3A_827 = arith.index_cast %scan3A_58 : i32 to index
      %get3A_828 = arith.constant 576 : index
      %get3A_829 = tpu.vector_load %arg10[%get3A_827, %get3A_828] {strides = array<i32>} : memref<32x1024xf32, #tpu.memory_space<vmem>>, vector<1x16xf32>,
      %get3A_830 = vector.shape_cast %get3A_829 : vector<1x16xf32> to vector<16xf32>
      %mul3A_831 = arith.mulf %get3A_830, %get3A_66 : vector<16xf32>
      %add3A_832 = arith.addf %mul3A_826, %mul3A_831 : vector<16xf32>
      %get3A_833 = arith.index_cast %scan3A_58 : i32 to index
      %get3A_834 = arith.constant 576 : index
      %get3A_835 = tpu.vector_load %arg11[%get3A_833, %get3A_834] {strides = array<i32>} : memref<32x1024xf32, #tpu.memory_space<vmem>>, vector<1x16xf32>,
      %get3A_836 = vector.shape_cast %get3A_835 : vector<1x16xf32> to vector<16xf32>
      %add3A_837 = arith.addf %add3A_832, %get3A_836 : vector<16xf32>
      %swap3A_838 = arith.index_cast %scan3A_58 : i32 to index
      %swap3A_839 = arith.constant 576 : index
      %swap3A_840 = tpu.vector_load %arg9[%swap3A_838, %swap3A_839] {strides = array<i32>} : memref<32x1024xf32, #tpu.memory_space<vmem>>, vector<1x16xf32>,
      %swap3A_841 = vector.shape_cast %swap3A_840 : vector<1x16xf32> to vector<16xf32>
      %swap3A_842 = vector.shape_cast %add3A_837 : vector<16xf32> to vector<1x16xf32>
      tpu.vector_store %arg9[%swap3A_838, %swap3A_839], %swap3A_842 {strides = array<i32>} : memref<32x1024xf32, #tpu.memory_space<vmem>>, vector<1x16xf32>,
      %get3A_843 = arith.index_cast %scan3A_58 : i32 to index
      %get3A_844 = arith.constant 592 : index
      %get3A_845 = tpu.vector_load %arg9[%get3A_843, %get3A_844] {strides = array<i32>} : memref<32x1024xf32, #tpu.memory_space<vmem>>, vector<1x16xf32>,
      %get3A_846 = vector.shape_cast %get3A_845 : vector<1x16xf32> to vector<16xf32>
      %mul3A_847 = arith.mulf %get3A_846, %get3A_62 : vector<16xf32>
      %get3A_848 = arith.index_cast %scan3A_58 : i32 to index
      %get3A_849 = arith.constant 592 : index
      %get3A_850 = tpu.vector_load %arg10[%get3A_848, %get3A_849] {strides = array<i32>} : memref<32x1024xf32, #tpu.memory_space<vmem>>, vector<1x16xf32>,
      %get3A_851 = vector.shape_cast %get3A_850 : vector<1x16xf32> to vector<16xf32>
      %mul3A_852 = arith.mulf %get3A_851, %get3A_66 : vector<16xf32>
      %add3A_853 = arith.addf %mul3A_847, %mul3A_852 : vector<16xf32>
      %get3A_854 = arith.index_cast %scan3A_58 : i32 to index
      %get3A_855 = arith.constant 592 : index
      %get3A_856 = tpu.vector_load %arg11[%get3A_854, %get3A_855] {strides = array<i32>} : memref<32x1024xf32, #tpu.memory_space<vmem>>, vector<1x16xf32>,
      %get3A_857 = vector.shape_cast %get3A_856 : vector<1x16xf32> to vector<16xf32>
      %add3A_858 = arith.addf %add3A_853, %get3A_857 : vector<16xf32>
      %swap3A_859 = arith.index_cast %scan3A_58 : i32 to index
      %swap3A_860 = arith.constant 592 : index
      %swap3A_861 = tpu.vector_load %arg9[%swap3A_859, %swap3A_860] {strides = array<i32>} : memref<32x1024xf32, #tpu.memory_space<vmem>>, vector<1x16xf32>,
      %swap3A_862 = vector.shape_cast %swap3A_861 : vector<1x16xf32> to vector<16xf32>
      %swap3A_863 = vector.shape_cast %add3A_858 : vector<16xf32> to vector<1x16xf32>
      tpu.vector_store %arg9[%swap3A_859, %swap3A_860], %swap3A_863 {strides = array<i32>} : memref<32x1024xf32, #tpu.memory_space<vmem>>, vector<1x16xf32>,
      %get3A_864 = arith.index_cast %scan3A_58 : i32 to index
      %get3A_865 = arith.constant 608 : index
      %get3A_866 = tpu.vector_load %arg9[%get3A_864, %get3A_865] {strides = array<i32>} : memref<32x1024xf32, #tpu.memory_space<vmem>>, vector<1x16xf32>,
      %get3A_867 = vector.shape_cast %get3A_866 : vector<1x16xf32> to vector<16xf32>
      %mul3A_868 = arith.mulf %get3A_867, %get3A_62 : vector<16xf32>
      %get3A_869 = arith.index_cast %scan3A_58 : i32 to index
      %get3A_870 = arith.constant 608 : index
      %get3A_871 = tpu.vector_load %arg10[%get3A_869, %get3A_870] {strides = array<i32>} : memref<32x1024xf32, #tpu.memory_space<vmem>>, vector<1x16xf32>,
      %get3A_872 = vector.shape_cast %get3A_871 : vector<1x16xf32> to vector<16xf32>
      %mul3A_873 = arith.mulf %get3A_872, %get3A_66 : vector<16xf32>
      %add3A_874 = arith.addf %mul3A_868, %mul3A_873 : vector<16xf32>
      %get3A_875 = arith.index_cast %scan3A_58 : i32 to index
      %get3A_876 = arith.constant 608 : index
      %get3A_877 = tpu.vector_load %arg11[%get3A_875, %get3A_876] {strides = array<i32>} : memref<32x1024xf32, #tpu.memory_space<vmem>>, vector<1x16xf32>,
      %get3A_878 = vector.shape_cast %get3A_877 : vector<1x16xf32> to vector<16xf32>
      %add3A_879 = arith.addf %add3A_874, %get3A_878 : vector<16xf32>
      %swap3A_880 = arith.index_cast %scan3A_58 : i32 to index
      %swap3A_881 = arith.constant 608 : index
      %swap3A_882 = tpu.vector_load %arg9[%swap3A_880, %swap3A_881] {strides = array<i32>} : memref<32x1024xf32, #tpu.memory_space<vmem>>, vector<1x16xf32>,
      %swap3A_883 = vector.shape_cast %swap3A_882 : vector<1x16xf32> to vector<16xf32>
      %swap3A_884 = vector.shape_cast %add3A_879 : vector<16xf32> to vector<1x16xf32>
      tpu.vector_store %arg9[%swap3A_880, %swap3A_881], %swap3A_884 {strides = array<i32>} : memref<32x1024xf32, #tpu.memory_space<vmem>>, vector<1x16xf32>,
      %get3A_885 = arith.index_cast %scan3A_58 : i32 to index
      %get3A_886 = arith.constant 624 : index
      %get3A_887 = tpu.vector_load %arg9[%get3A_885, %get3A_886] {strides = array<i32>} : memref<32x1024xf32, #tpu.memory_space<vmem>>, vector<1x16xf32>,
      %get3A_888 = vector.shape_cast %get3A_887 : vector<1x16xf32> to vector<16xf32>
      %mul3A_889 = arith.mulf %get3A_888, %get3A_62 : vector<16xf32>
      %get3A_890 = arith.index_cast %scan3A_58 : i32 to index
      %get3A_891 = arith.constant 624 : index
      %get3A_892 = tpu.vector_load %arg10[%get3A_890, %get3A_891] {strides = array<i32>} : memref<32x1024xf32, #tpu.memory_space<vmem>>, vector<1x16xf32>,
      %get3A_893 = vector.shape_cast %get3A_892 : vector<1x16xf32> to vector<16xf32>
      %mul3A_894 = arith.mulf %get3A_893, %get3A_66 : vector<16xf32>
      %add3A_895 = arith.addf %mul3A_889, %mul3A_894 : vector<16xf32>
      %get3A_896 = arith.index_cast %scan3A_58 : i32 to index
      %get3A_897 = arith.constant 624 : index
      %get3A_898 = tpu.vector_load %arg11[%get3A_896, %get3A_897] {strides = array<i32>} : memref<32x1024xf32, #tpu.memory_space<vmem>>, vector<1x16xf32>,
      %get3A_899 = vector.shape_cast %get3A_898 : vector<1x16xf32> to vector<16xf32>
      %add3A_900 = arith.addf %add3A_895, %get3A_899 : vector<16xf32>
      %swap3A_901 = arith.index_cast %scan3A_58 : i32 to index
      %swap3A_902 = arith.constant 624 : index
      %swap3A_903 = tpu.vector_load %arg9[%swap3A_901, %swap3A_902] {strides = array<i32>} : memref<32x1024xf32, #tpu.memory_space<vmem>>, vector<1x16xf32>,
      %swap3A_904 = vector.shape_cast %swap3A_903 : vector<1x16xf32> to vector<16xf32>
      %swap3A_905 = vector.shape_cast %add3A_900 : vector<16xf32> to vector<1x16xf32>
      tpu.vector_store %arg9[%swap3A_901, %swap3A_902], %swap3A_905 {strides = array<i32>} : memref<32x1024xf32, #tpu.memory_space<vmem>>, vector<1x16xf32>,
      %get3A_906 = arith.index_cast %scan3A_58 : i32 to index
      %get3A_907 = arith.constant 640 : index
      %get3A_908 = tpu.vector_load %arg9[%get3A_906, %get3A_907] {strides = array<i32>} : memref<32x1024xf32, #tpu.memory_space<vmem>>, vector<1x16xf32>,
      %get3A_909 = vector.shape_cast %get3A_908 : vector<1x16xf32> to vector<16xf32>
      %mul3A_910 = arith.mulf %get3A_909, %get3A_62 : vector<16xf32>
      %get3A_911 = arith.index_cast %scan3A_58 : i32 to index
      %get3A_912 = arith.constant 640 : index
      %get3A_913 = tpu.vector_load %arg10[%get3A_911, %get3A_912] {strides = array<i32>} : memref<32x1024xf32, #tpu.memory_space<vmem>>, vector<1x16xf32>,
      %get3A_914 = vector.shape_cast %get3A_913 : vector<1x16xf32> to vector<16xf32>
      %mul3A_915 = arith.mulf %get3A_914, %get3A_66 : vector<16xf32>
      %add3A_916 = arith.addf %mul3A_910, %mul3A_915 : vector<16xf32>
      %get3A_917 = arith.index_cast %scan3A_58 : i32 to index
      %get3A_918 = arith.constant 640 : index
      %get3A_919 = tpu.vector_load %arg11[%get3A_917, %get3A_918] {strides = array<i32>} : memref<32x1024xf32, #tpu.memory_space<vmem>>, vector<1x16xf32>,
      %get3A_920 = vector.shape_cast %get3A_919 : vector<1x16xf32> to vector<16xf32>
      %add3A_921 = arith.addf %add3A_916, %get3A_920 : vector<16xf32>
      %swap3A_922 = arith.index_cast %scan3A_58 : i32 to index
      %swap3A_923 = arith.constant 640 : index
      %swap3A_924 = tpu.vector_load %arg9[%swap3A_922, %swap3A_923] {strides = array<i32>} : memref<32x1024xf32, #tpu.memory_space<vmem>>, vector<1x16xf32>,
      %swap3A_925 = vector.shape_cast %swap3A_924 : vector<1x16xf32> to vector<16xf32>
      %swap3A_926 = vector.shape_cast %add3A_921 : vector<16xf32> to vector<1x16xf32>
      tpu.vector_store %arg9[%swap3A_922, %swap3A_923], %swap3A_926 {strides = array<i32>} : memref<32x1024xf32, #tpu.memory_space<vmem>>, vector<1x16xf32>,
      %get3A_927 = arith.index_cast %scan3A_58 : i32 to index
      %get3A_928 = arith.constant 656 : index
      %get3A_929 = tpu.vector_load %arg9[%get3A_927, %get3A_928] {strides = array<i32>} : memref<32x1024xf32, #tpu.memory_space<vmem>>, vector<1x16xf32>,
      %get3A_930 = vector.shape_cast %get3A_929 : vector<1x16xf32> to vector<16xf32>
      %mul3A_931 = arith.mulf %get3A_930, %get3A_62 : vector<16xf32>
      %get3A_932 = arith.index_cast %scan3A_58 : i32 to index
      %get3A_933 = arith.constant 656 : index
      %get3A_934 = tpu.vector_load %arg10[%get3A_932, %get3A_933] {strides = array<i32>} : memref<32x1024xf32, #tpu.memory_space<vmem>>, vector<1x16xf32>,
      %get3A_935 = vector.shape_cast %get3A_934 : vector<1x16xf32> to vector<16xf32>
      %mul3A_936 = arith.mulf %get3A_935, %get3A_66 : vector<16xf32>
      %add3A_937 = arith.addf %mul3A_931, %mul3A_936 : vector<16xf32>
      %get3A_938 = arith.index_cast %scan3A_58 : i32 to index
      %get3A_939 = arith.constant 656 : index
      %get3A_940 = tpu.vector_load %arg11[%get3A_938, %get3A_939] {strides = array<i32>} : memref<32x1024xf32, #tpu.memory_space<vmem>>, vector<1x16xf32>,
      %get3A_941 = vector.shape_cast %get3A_940 : vector<1x16xf32> to vector<16xf32>
      %add3A_942 = arith.addf %add3A_937, %get3A_941 : vector<16xf32>
      %swap3A_943 = arith.index_cast %scan3A_58 : i32 to index
      %swap3A_944 = arith.constant 656 : index
      %swap3A_945 = tpu.vector_load %arg9[%swap3A_943, %swap3A_944] {strides = array<i32>} : memref<32x1024xf32, #tpu.memory_space<vmem>>, vector<1x16xf32>,
      %swap3A_946 = vector.shape_cast %swap3A_945 : vector<1x16xf32> to vector<16xf32>
      %swap3A_947 = vector.shape_cast %add3A_942 : vector<16xf32> to vector<1x16xf32>
      tpu.vector_store %arg9[%swap3A_943, %swap3A_944], %swap3A_947 {strides = array<i32>} : memref<32x1024xf32, #tpu.memory_space<vmem>>, vector<1x16xf32>,
      %get3A_948 = arith.index_cast %scan3A_58 : i32 to index
      %get3A_949 = arith.constant 672 : index
      %get3A_950 = tpu.vector_load %arg9[%get3A_948, %get3A_949] {strides = array<i32>} : memref<32x1024xf32, #tpu.memory_space<vmem>>, vector<1x16xf32>,
      %get3A_951 = vector.shape_cast %get3A_950 : vector<1x16xf32> to vector<16xf32>
      %mul3A_952 = arith.mulf %get3A_951, %get3A_62 : vector<16xf32>
      %get3A_953 = arith.index_cast %scan3A_58 : i32 to index
      %get3A_954 = arith.constant 672 : index
      %get3A_955 = tpu.vector_load %arg10[%get3A_953, %get3A_954] {strides = array<i32>} : memref<32x1024xf32, #tpu.memory_space<vmem>>, vector<1x16xf32>,
      %get3A_956 = vector.shape_cast %get3A_955 : vector<1x16xf32> to vector<16xf32>
      %mul3A_957 = arith.mulf %get3A_956, %get3A_66 : vector<16xf32>
      %add3A_958 = arith.addf %mul3A_952, %mul3A_957 : vector<16xf32>
      %get3A_959 = arith.index_cast %scan3A_58 : i32 to index
      %get3A_960 = arith.constant 672 : index
      %get3A_961 = tpu.vector_load %arg11[%get3A_959, %get3A_960] {strides = array<i32>} : memref<32x1024xf32, #tpu.memory_space<vmem>>, vector<1x16xf32>,
      %get3A_962 = vector.shape_cast %get3A_961 : vector<1x16xf32> to vector<16xf32>
      %add3A_963 = arith.addf %add3A_958, %get3A_962 : vector<16xf32>
      %swap3A_964 = arith.index_cast %scan3A_58 : i32 to index
      %swap3A_965 = arith.constant 672 : index
      %swap3A_966 = tpu.vector_load %arg9[%swap3A_964, %swap3A_965] {strides = array<i32>} : memref<32x1024xf32, #tpu.memory_space<vmem>>, vector<1x16xf32>,
      %swap3A_967 = vector.shape_cast %swap3A_966 : vector<1x16xf32> to vector<16xf32>
      %swap3A_968 = vector.shape_cast %add3A_963 : vector<16xf32> to vector<1x16xf32>
      tpu.vector_store %arg9[%swap3A_964, %swap3A_965], %swap3A_968 {strides = array<i32>} : memref<32x1024xf32, #tpu.memory_space<vmem>>, vector<1x16xf32>,
      %get3A_969 = arith.index_cast %scan3A_58 : i32 to index
      %get3A_970 = arith.constant 688 : index
      %get3A_971 = tpu.vector_load %arg9[%get3A_969, %get3A_970] {strides = array<i32>} : memref<32x1024xf32, #tpu.memory_space<vmem>>, vector<1x16xf32>,
      %get3A_972 = vector.shape_cast %get3A_971 : vector<1x16xf32> to vector<16xf32>
      %mul3A_973 = arith.mulf %get3A_972, %get3A_62 : vector<16xf32>
      %get3A_974 = arith.index_cast %scan3A_58 : i32 to index
      %get3A_975 = arith.constant 688 : index
      %get3A_976 = tpu.vector_load %arg10[%get3A_974, %get3A_975] {strides = array<i32>} : memref<32x1024xf32, #tpu.memory_space<vmem>>, vector<1x16xf32>,
      %get3A_977 = vector.shape_cast %get3A_976 : vector<1x16xf32> to vector<16xf32>
      %mul3A_978 = arith.mulf %get3A_977, %get3A_66 : vector<16xf32>
      %add3A_979 = arith.addf %mul3A_973, %mul3A_978 : vector<16xf32>
      %get3A_980 = arith.index_cast %scan3A_58 : i32 to index
      %get3A_981 = arith.constant 688 : index
      %get3A_982 = tpu.vector_load %arg11[%get3A_980, %get3A_981] {strides = array<i32>} : memref<32x1024xf32, #tpu.memory_space<vmem>>, vector<1x16xf32>,
      %get3A_983 = vector.shape_cast %get3A_982 : vector<1x16xf32> to vector<16xf32>
      %add3A_984 = arith.addf %add3A_979, %get3A_983 : vector<16xf32>
      %swap3A_985 = arith.index_cast %scan3A_58 : i32 to index
      %swap3A_986 = arith.constant 688 : index
      %swap3A_987 = tpu.vector_load %arg9[%swap3A_985, %swap3A_986] {strides = array<i32>} : memref<32x1024xf32, #tpu.memory_space<vmem>>, vector<1x16xf32>,
      %swap3A_988 = vector.shape_cast %swap3A_987 : vector<1x16xf32> to vector<16xf32>
      %swap3A_989 = vector.shape_cast %add3A_984 : vector<16xf32> to vector<1x16xf32>
      tpu.vector_store %arg9[%swap3A_985, %swap3A_986], %swap3A_989 {strides = array<i32>} : memref<32x1024xf32, #tpu.memory_space<vmem>>, vector<1x16xf32>,
      %get3A_990 = arith.index_cast %scan3A_58 : i32 to index
      %get3A_991 = arith.constant 704 : index
      %get3A_992 = tpu.vector_load %arg9[%get3A_990, %get3A_991] {strides = array<i32>} : memref<32x1024xf32, #tpu.memory_space<vmem>>, vector<1x16xf32>,
      %get3A_993 = vector.shape_cast %get3A_992 : vector<1x16xf32> to vector<16xf32>
      %mul3A_994 = arith.mulf %get3A_993, %get3A_62 : vector<16xf32>
      %get3A_995 = arith.index_cast %scan3A_58 : i32 to index
      %get3A_996 = arith.constant 704 : index
      %get3A_997 = tpu.vector_load %arg10[%get3A_995, %get3A_996] {strides = array<i32>} : memref<32x1024xf32, #tpu.memory_space<vmem>>, vector<1x16xf32>,
      %get3A_998 = vector.shape_cast %get3A_997 : vector<1x16xf32> to vector<16xf32>
      %mul3A_999 = arith.mulf %get3A_998, %get3A_66 : vector<16xf32>
      %add3A_1000 = arith.addf %mul3A_994, %mul3A_999 : vector<16xf32>
      %get3A_1001 = arith.index_cast %scan3A_58 : i32 to index
      %get3A_1002 = arith.constant 704 : index
      %get3A_1003 = tpu.vector_load %arg11[%get3A_1001, %get3A_1002] {strides = array<i32>} : memref<32x1024xf32, #tpu.memory_space<vmem>>, vector<1x16xf32>,
      %get3A_1004 = vector.shape_cast %get3A_1003 : vector<1x16xf32> to vector<16xf32>
      %add3A_1005 = arith.addf %add3A_1000, %get3A_1004 : vector<16xf32>
      %swap3A_1006 = arith.index_cast %scan3A_58 : i32 to index
      %swap3A_1007 = arith.constant 704 : index
      %swap3A_1008 = tpu.vector_load %arg9[%swap3A_1006, %swap3A_1007] {strides = array<i32>} : memref<32x1024xf32, #tpu.memory_space<vmem>>, vector<1x16xf32>,
      %swap3A_1009 = vector.shape_cast %swap3A_1008 : vector<1x16xf32> to vector<16xf32>
      %swap3A_1010 = vector.shape_cast %add3A_1005 : vector<16xf32> to vector<1x16xf32>
      tpu.vector_store %arg9[%swap3A_1006, %swap3A_1007], %swap3A_1010 {strides = array<i32>} : memref<32x1024xf32, #tpu.memory_space<vmem>>, vector<1x16xf32>,
      %get3A_1011 = arith.index_cast %scan3A_58 : i32 to index
      %get3A_1012 = arith.constant 720 : index
      %get3A_1013 = tpu.vector_load %arg9[%get3A_1011, %get3A_1012] {strides = array<i32>} : memref<32x1024xf32, #tpu.memory_space<vmem>>, vector<1x16xf32>,
      %get3A_1014 = vector.shape_cast %get3A_1013 : vector<1x16xf32> to vector<16xf32>
      %mul3A_1015 = arith.mulf %get3A_1014, %get3A_62 : vector<16xf32>
      %get3A_1016 = arith.index_cast %scan3A_58 : i32 to index
      %get3A_1017 = arith.constant 720 : index
      %get3A_1018 = tpu.vector_load %arg10[%get3A_1016, %get3A_1017] {strides = array<i32>} : memref<32x1024xf32, #tpu.memory_space<vmem>>, vector<1x16xf32>,
      %get3A_1019 = vector.shape_cast %get3A_1018 : vector<1x16xf32> to vector<16xf32>
      %mul3A_1020 = arith.mulf %get3A_1019, %get3A_66 : vector<16xf32>
      %add3A_1021 = arith.addf %mul3A_1015, %mul3A_1020 : vector<16xf32>
      %get3A_1022 = arith.index_cast %scan3A_58 : i32 to index
      %get3A_1023 = arith.constant 720 : index
      %get3A_1024 = tpu.vector_load %arg11[%get3A_1022, %get3A_1023] {strides = array<i32>} : memref<32x1024xf32, #tpu.memory_space<vmem>>, vector<1x16xf32>,
      %get3A_1025 = vector.shape_cast %get3A_1024 : vector<1x16xf32> to vector<16xf32>
      %add3A_1026 = arith.addf %add3A_1021, %get3A_1025 : vector<16xf32>
      %swap3A_1027 = arith.index_cast %scan3A_58 : i32 to index
      %swap3A_1028 = arith.constant 720 : index
      %swap3A_1029 = tpu.vector_load %arg9[%swap3A_1027, %swap3A_1028] {strides = array<i32>} : memref<32x1024xf32, #tpu.memory_space<vmem>>, vector<1x16xf32>,
      %swap3A_1030 = vector.shape_cast %swap3A_1029 : vector<1x16xf32> to vector<16xf32>
      %swap3A_1031 = vector.shape_cast %add3A_1026 : vector<16xf32> to vector<1x16xf32>
      tpu.vector_store %arg9[%swap3A_1027, %swap3A_1028], %swap3A_1031 {strides = array<i32>} : memref<32x1024xf32, #tpu.memory_space<vmem>>, vector<1x16xf32>,
      %get3A_1032 = arith.index_cast %scan3A_58 : i32 to index
      %get3A_1033 = arith.constant 736 : index
      %get3A_1034 = tpu.vector_load %arg9[%get3A_1032, %get3A_1033] {strides = array<i32>} : memref<32x1024xf32, #tpu.memory_space<vmem>>, vector<1x16xf32>,
      %get3A_1035 = vector.shape_cast %get3A_1034 : vector<1x16xf32> to vector<16xf32>
      %mul3A_1036 = arith.mulf %get3A_1035, %get3A_62 : vector<16xf32>
      %get3A_1037 = arith.index_cast %scan3A_58 : i32 to index
      %get3A_1038 = arith.constant 736 : index
      %get3A_1039 = tpu.vector_load %arg10[%get3A_1037, %get3A_1038] {strides = array<i32>} : memref<32x1024xf32, #tpu.memory_space<vmem>>, vector<1x16xf32>,
      %get3A_1040 = vector.shape_cast %get3A_1039 : vector<1x16xf32> to vector<16xf32>
      %mul3A_1041 = arith.mulf %get3A_1040, %get3A_66 : vector<16xf32>
      %add3A_1042 = arith.addf %mul3A_1036, %mul3A_1041 : vector<16xf32>
      %get3A_1043 = arith.index_cast %scan3A_58 : i32 to index
      %get3A_1044 = arith.constant 736 : index
      %get3A_1045 = tpu.vector_load %arg11[%get3A_1043, %get3A_1044] {strides = array<i32>} : memref<32x1024xf32, #tpu.memory_space<vmem>>, vector<1x16xf32>,
      %get3A_1046 = vector.shape_cast %get3A_1045 : vector<1x16xf32> to vector<16xf32>
      %add3A_1047 = arith.addf %add3A_1042, %get3A_1046 : vector<16xf32>
      %swap3A_1048 = arith.index_cast %scan3A_58 : i32 to index
      %swap3A_1049 = arith.constant 736 : index
      %swap3A_1050 = tpu.vector_load %arg9[%swap3A_1048, %swap3A_1049] {strides = array<i32>} : memref<32x1024xf32, #tpu.memory_space<vmem>>, vector<1x16xf32>,
      %swap3A_1051 = vector.shape_cast %swap3A_1050 : vector<1x16xf32> to vector<16xf32>
      %swap3A_1052 = vector.shape_cast %add3A_1047 : vector<16xf32> to vector<1x16xf32>
      tpu.vector_store %arg9[%swap3A_1048, %swap3A_1049], %swap3A_1052 {strides = array<i32>} : memref<32x1024xf32, #tpu.memory_space<vmem>>, vector<1x16xf32>,
      %get3A_1053 = arith.index_cast %scan3A_58 : i32 to index
      %get3A_1054 = arith.constant 752 : index
      %get3A_1055 = tpu.vector_load %arg9[%get3A_1053, %get3A_1054] {strides = array<i32>} : memref<32x1024xf32, #tpu.memory_space<vmem>>, vector<1x16xf32>,
      %get3A_1056 = vector.shape_cast %get3A_1055 : vector<1x16xf32> to vector<16xf32>
      %mul3A_1057 = arith.mulf %get3A_1056, %get3A_62 : vector<16xf32>
      %get3A_1058 = arith.index_cast %scan3A_58 : i32 to index
      %get3A_1059 = arith.constant 752 : index
      %get3A_1060 = tpu.vector_load %arg10[%get3A_1058, %get3A_1059] {strides = array<i32>} : memref<32x1024xf32, #tpu.memory_space<vmem>>, vector<1x16xf32>,
      %get3A_1061 = vector.shape_cast %get3A_1060 : vector<1x16xf32> to vector<16xf32>
      %mul3A_1062 = arith.mulf %get3A_1061, %get3A_66 : vector<16xf32>
      %add3A_1063 = arith.addf %mul3A_1057, %mul3A_1062 : vector<16xf32>
      %get3A_1064 = arith.index_cast %scan3A_58 : i32 to index
      %get3A_1065 = arith.constant 752 : index
      %get3A_1066 = tpu.vector_load %arg11[%get3A_1064, %get3A_1065] {strides = array<i32>} : memref<32x1024xf32, #tpu.memory_space<vmem>>, vector<1x16xf32>,
      %get3A_1067 = vector.shape_cast %get3A_1066 : vector<1x16xf32> to vector<16xf32>
      %add3A_1068 = arith.addf %add3A_1063, %get3A_1067 : vector<16xf32>
      %swap3A_1069 = arith.index_cast %scan3A_58 : i32 to index
      %swap3A_1070 = arith.constant 752 : index
      %swap3A_1071 = tpu.vector_load %arg9[%swap3A_1069, %swap3A_1070] {strides = array<i32>} : memref<32x1024xf32, #tpu.memory_space<vmem>>, vector<1x16xf32>,
      %swap3A_1072 = vector.shape_cast %swap3A_1071 : vector<1x16xf32> to vector<16xf32>
      %swap3A_1073 = vector.shape_cast %add3A_1068 : vector<16xf32> to vector<1x16xf32>
      tpu.vector_store %arg9[%swap3A_1069, %swap3A_1070], %swap3A_1073 {strides = array<i32>} : memref<32x1024xf32, #tpu.memory_space<vmem>>, vector<1x16xf32>,
      %get3A_1074 = arith.index_cast %scan3A_58 : i32 to index
      %get3A_1075 = arith.constant 768 : index
      %get3A_1076 = tpu.vector_load %arg9[%get3A_1074, %get3A_1075] {strides = array<i32>} : memref<32x1024xf32, #tpu.memory_space<vmem>>, vector<1x16xf32>,
      %get3A_1077 = vector.shape_cast %get3A_1076 : vector<1x16xf32> to vector<16xf32>
      %mul3A_1078 = arith.mulf %get3A_1077, %get3A_62 : vector<16xf32>
      %get3A_1079 = arith.index_cast %scan3A_58 : i32 to index
      %get3A_1080 = arith.constant 768 : index
      %get3A_1081 = tpu.vector_load %arg10[%get3A_1079, %get3A_1080] {strides = array<i32>} : memref<32x1024xf32, #tpu.memory_space<vmem>>, vector<1x16xf32>,
      %get3A_1082 = vector.shape_cast %get3A_1081 : vector<1x16xf32> to vector<16xf32>
      %mul3A_1083 = arith.mulf %get3A_1082, %get3A_66 : vector<16xf32>
      %add3A_1084 = arith.addf %mul3A_1078, %mul3A_1083 : vector<16xf32>
      %get3A_1085 = arith.index_cast %scan3A_58 : i32 to index
      %get3A_1086 = arith.constant 768 : index
      %get3A_1087 = tpu.vector_load %arg11[%get3A_1085, %get3A_1086] {strides = array<i32>} : memref<32x1024xf32, #tpu.memory_space<vmem>>, vector<1x16xf32>,
      %get3A_1088 = vector.shape_cast %get3A_1087 : vector<1x16xf32> to vector<16xf32>
      %add3A_1089 = arith.addf %add3A_1084, %get3A_1088 : vector<16xf32>
      %swap3A_1090 = arith.index_cast %scan3A_58 : i32 to index
      %swap3A_1091 = arith.constant 768 : index
      %swap3A_1092 = tpu.vector_load %arg9[%swap3A_1090, %swap3A_1091] {strides = array<i32>} : memref<32x1024xf32, #tpu.memory_space<vmem>>, vector<1x16xf32>,
      %swap3A_1093 = vector.shape_cast %swap3A_1092 : vector<1x16xf32> to vector<16xf32>
      %swap3A_1094 = vector.shape_cast %add3A_1089 : vector<16xf32> to vector<1x16xf32>
      tpu.vector_store %arg9[%swap3A_1090, %swap3A_1091], %swap3A_1094 {strides = array<i32>} : memref<32x1024xf32, #tpu.memory_space<vmem>>, vector<1x16xf32>,
      %get3A_1095 = arith.index_cast %scan3A_58 : i32 to index
      %get3A_1096 = arith.constant 784 : index
      %get3A_1097 = tpu.vector_load %arg9[%get3A_1095, %get3A_1096] {strides = array<i32>} : memref<32x1024xf32, #tpu.memory_space<vmem>>, vector<1x16xf32>,
      %get3A_1098 = vector.shape_cast %get3A_1097 : vector<1x16xf32> to vector<16xf32>
      %mul3A_1099 = arith.mulf %get3A_1098, %get3A_62 : vector<16xf32>
      %get3A_1100 = arith.index_cast %scan3A_58 : i32 to index
      %get3A_1101 = arith.constant 784 : index
      %get3A_1102 = tpu.vector_load %arg10[%get3A_1100, %get3A_1101] {strides = array<i32>} : memref<32x1024xf32, #tpu.memory_space<vmem>>, vector<1x16xf32>,
      %get3A_1103 = vector.shape_cast %get3A_1102 : vector<1x16xf32> to vector<16xf32>
      %mul3A_1104 = arith.mulf %get3A_1103, %get3A_66 : vector<16xf32>
      %add3A_1105 = arith.addf %mul3A_1099, %mul3A_1104 : vector<16xf32>
      %get3A_1106 = arith.index_cast %scan3A_58 : i32 to index
      %get3A_1107 = arith.constant 784 : index
      %get3A_1108 = tpu.vector_load %arg11[%get3A_1106, %get3A_1107] {strides = array<i32>} : memref<32x1024xf32, #tpu.memory_space<vmem>>, vector<1x16xf32>,
      %get3A_1109 = vector.shape_cast %get3A_1108 : vector<1x16xf32> to vector<16xf32>
      %add3A_1110 = arith.addf %add3A_1105, %get3A_1109 : vector<16xf32>
      %swap3A_1111 = arith.index_cast %scan3A_58 : i32 to index
      %swap3A_1112 = arith.constant 784 : index
      %swap3A_1113 = tpu.vector_load %arg9[%swap3A_1111, %swap3A_1112] {strides = array<i32>} : memref<32x1024xf32, #tpu.memory_space<vmem>>, vector<1x16xf32>,
      %swap3A_1114 = vector.shape_cast %swap3A_1113 : vector<1x16xf32> to vector<16xf32>
      %swap3A_1115 = vector.shape_cast %add3A_1110 : vector<16xf32> to vector<1x16xf32>
      tpu.vector_store %arg9[%swap3A_1111, %swap3A_1112], %swap3A_1115 {strides = array<i32>} : memref<32x1024xf32, #tpu.memory_space<vmem>>, vector<1x16xf32>,
      %get3A_1116 = arith.index_cast %scan3A_58 : i32 to index
      %get3A_1117 = arith.constant 800 : index
      %get3A_1118 = tpu.vector_load %arg9[%get3A_1116, %get3A_1117] {strides = array<i32>} : memref<32x1024xf32, #tpu.memory_space<vmem>>, vector<1x16xf32>,
      %get3A_1119 = vector.shape_cast %get3A_1118 : vector<1x16xf32> to vector<16xf32>
      %mul3A_1120 = arith.mulf %get3A_1119, %get3A_62 : vector<16xf32>
      %get3A_1121 = arith.index_cast %scan3A_58 : i32 to index
      %get3A_1122 = arith.constant 800 : index
      %get3A_1123 = tpu.vector_load %arg10[%get3A_1121, %get3A_1122] {strides = array<i32>} : memref<32x1024xf32, #tpu.memory_space<vmem>>, vector<1x16xf32>,
      %get3A_1124 = vector.shape_cast %get3A_1123 : vector<1x16xf32> to vector<16xf32>
      %mul3A_1125 = arith.mulf %get3A_1124, %get3A_66 : vector<16xf32>
      %add3A_1126 = arith.addf %mul3A_1120, %mul3A_1125 : vector<16xf32>
      %get3A_1127 = arith.index_cast %scan3A_58 : i32 to index
      %get3A_1128 = arith.constant 800 : index
      %get3A_1129 = tpu.vector_load %arg11[%get3A_1127, %get3A_1128] {strides = array<i32>} : memref<32x1024xf32, #tpu.memory_space<vmem>>, vector<1x16xf32>,
      %get3A_1130 = vector.shape_cast %get3A_1129 : vector<1x16xf32> to vector<16xf32>
      %add3A_1131 = arith.addf %add3A_1126, %get3A_1130 : vector<16xf32>
      %swap3A_1132 = arith.index_cast %scan3A_58 : i32 to index
      %swap3A_1133 = arith.constant 800 : index
      %swap3A_1134 = tpu.vector_load %arg9[%swap3A_1132, %swap3A_1133] {strides = array<i32>} : memref<32x1024xf32, #tpu.memory_space<vmem>>, vector<1x16xf32>,
      %swap3A_1135 = vector.shape_cast %swap3A_1134 : vector<1x16xf32> to vector<16xf32>
      %swap3A_1136 = vector.shape_cast %add3A_1131 : vector<16xf32> to vector<1x16xf32>
      tpu.vector_store %arg9[%swap3A_1132, %swap3A_1133], %swap3A_1136 {strides = array<i32>} : memref<32x1024xf32, #tpu.memory_space<vmem>>, vector<1x16xf32>,
      %get3A_1137 = arith.index_cast %scan3A_58 : i32 to index
      %get3A_1138 = arith.constant 816 : index
      %get3A_1139 = tpu.vector_load %arg9[%get3A_1137, %get3A_1138] {strides = array<i32>} : memref<32x1024xf32, #tpu.memory_space<vmem>>, vector<1x16xf32>,
      %get3A_1140 = vector.shape_cast %get3A_1139 : vector<1x16xf32> to vector<16xf32>
      %mul3A_1141 = arith.mulf %get3A_1140, %get3A_62 : vector<16xf32>
      %get3A_1142 = arith.index_cast %scan3A_58 : i32 to index
      %get3A_1143 = arith.constant 816 : index
      %get3A_1144 = tpu.vector_load %arg10[%get3A_1142, %get3A_1143] {strides = array<i32>} : memref<32x1024xf32, #tpu.memory_space<vmem>>, vector<1x16xf32>,
      %get3A_1145 = vector.shape_cast %get3A_1144 : vector<1x16xf32> to vector<16xf32>
      %mul3A_1146 = arith.mulf %get3A_1145, %get3A_66 : vector<16xf32>
      %add3A_1147 = arith.addf %mul3A_1141, %mul3A_1146 : vector<16xf32>
      %get3A_1148 = arith.index_cast %scan3A_58 : i32 to index
      %get3A_1149 = arith.constant 816 : index
      %get3A_1150 = tpu.vector_load %arg11[%get3A_1148, %get3A_1149] {strides = array<i32>} : memref<32x1024xf32, #tpu.memory_space<vmem>>, vector<1x16xf32>,
      %get3A_1151 = vector.shape_cast %get3A_1150 : vector<1x16xf32> to vector<16xf32>
      %add3A_1152 = arith.addf %add3A_1147, %get3A_1151 : vector<16xf32>
      %swap3A_1153 = arith.index_cast %scan3A_58 : i32 to index
      %swap3A_1154 = arith.constant 816 : index
      %swap3A_1155 = tpu.vector_load %arg9[%swap3A_1153, %swap3A_1154] {strides = array<i32>} : memref<32x1024xf32, #tpu.memory_space<vmem>>, vector<1x16xf32>,
      %swap3A_1156 = vector.shape_cast %swap3A_1155 : vector<1x16xf32> to vector<16xf32>
      %swap3A_1157 = vector.shape_cast %add3A_1152 : vector<16xf32> to vector<1x16xf32>
      tpu.vector_store %arg9[%swap3A_1153, %swap3A_1154], %swap3A_1157 {strides = array<i32>} : memref<32x1024xf32, #tpu.memory_space<vmem>>, vector<1x16xf32>,
      %get3A_1158 = arith.index_cast %scan3A_58 : i32 to index
      %get3A_1159 = arith.constant 832 : index
      %get3A_1160 = tpu.vector_load %arg9[%get3A_1158, %get3A_1159] {strides = array<i32>} : memref<32x1024xf32, #tpu.memory_space<vmem>>, vector<1x16xf32>,
      %get3A_1161 = vector.shape_cast %get3A_1160 : vector<1x16xf32> to vector<16xf32>
      %mul3A_1162 = arith.mulf %get3A_1161, %get3A_62 : vector<16xf32>
      %get3A_1163 = arith.index_cast %scan3A_58 : i32 to index
      %get3A_1164 = arith.constant 832 : index
      %get3A_1165 = tpu.vector_load %arg10[%get3A_1163, %get3A_1164] {strides = array<i32>} : memref<32x1024xf32, #tpu.memory_space<vmem>>, vector<1x16xf32>,
      %get3A_1166 = vector.shape_cast %get3A_1165 : vector<1x16xf32> to vector<16xf32>
      %mul3A_1167 = arith.mulf %get3A_1166, %get3A_66 : vector<16xf32>
      %add3A_1168 = arith.addf %mul3A_1162, %mul3A_1167 : vector<16xf32>
      %get3A_1169 = arith.index_cast %scan3A_58 : i32 to index
      %get3A_1170 = arith.constant 832 : index
      %get3A_1171 = tpu.vector_load %arg11[%get3A_1169, %get3A_1170] {strides = array<i32>} : memref<32x1024xf32, #tpu.memory_space<vmem>>, vector<1x16xf32>,
      %get3A_1172 = vector.shape_cast %get3A_1171 : vector<1x16xf32> to vector<16xf32>
      %add3A_1173 = arith.addf %add3A_1168, %get3A_1172 : vector<16xf32>
      %swap3A_1174 = arith.index_cast %scan3A_58 : i32 to index
      %swap3A_1175 = arith.constant 832 : index
      %swap3A_1176 = tpu.vector_load %arg9[%swap3A_1174, %swap3A_1175] {strides = array<i32>} : memref<32x1024xf32, #tpu.memory_space<vmem>>, vector<1x16xf32>,
      %swap3A_1177 = vector.shape_cast %swap3A_1176 : vector<1x16xf32> to vector<16xf32>
      %swap3A_1178 = vector.shape_cast %add3A_1173 : vector<16xf32> to vector<1x16xf32>
      tpu.vector_store %arg9[%swap3A_1174, %swap3A_1175], %swap3A_1178 {strides = array<i32>} : memref<32x1024xf32, #tpu.memory_space<vmem>>, vector<1x16xf32>,
      %get3A_1179 = arith.index_cast %scan3A_58 : i32 to index
      %get3A_1180 = arith.constant 848 : index
      %get3A_1181 = tpu.vector_load %arg9[%get3A_1179, %get3A_1180] {strides = array<i32>} : memref<32x1024xf32, #tpu.memory_space<vmem>>, vector<1x16xf32>,
      %get3A_1182 = vector.shape_cast %get3A_1181 : vector<1x16xf32> to vector<16xf32>
      %mul3A_1183 = arith.mulf %get3A_1182, %get3A_62 : vector<16xf32>
      %get3A_1184 = arith.index_cast %scan3A_58 : i32 to index
      %get3A_1185 = arith.constant 848 : index
      %get3A_1186 = tpu.vector_load %arg10[%get3A_1184, %get3A_1185] {strides = array<i32>} : memref<32x1024xf32, #tpu.memory_space<vmem>>, vector<1x16xf32>,
      %get3A_1187 = vector.shape_cast %get3A_1186 : vector<1x16xf32> to vector<16xf32>
      %mul3A_1188 = arith.mulf %get3A_1187, %get3A_66 : vector<16xf32>
      %add3A_1189 = arith.addf %mul3A_1183, %mul3A_1188 : vector<16xf32>
      %get3A_1190 = arith.index_cast %scan3A_58 : i32 to index
      %get3A_1191 = arith.constant 848 : index
      %get3A_1192 = tpu.vector_load %arg11[%get3A_1190, %get3A_1191] {strides = array<i32>} : memref<32x1024xf32, #tpu.memory_space<vmem>>, vector<1x16xf32>,
      %get3A_1193 = vector.shape_cast %get3A_1192 : vector<1x16xf32> to vector<16xf32>
      %add3A_1194 = arith.addf %add3A_1189, %get3A_1193 : vector<16xf32>
      %swap3A_1195 = arith.index_cast %scan3A_58 : i32 to index
      %swap3A_1196 = arith.constant 848 : index
      %swap3A_1197 = tpu.vector_load %arg9[%swap3A_1195, %swap3A_1196] {strides = array<i32>} : memref<32x1024xf32, #tpu.memory_space<vmem>>, vector<1x16xf32>,
      %swap3A_1198 = vector.shape_cast %swap3A_1197 : vector<1x16xf32> to vector<16xf32>
      %swap3A_1199 = vector.shape_cast %add3A_1194 : vector<16xf32> to vector<1x16xf32>
      tpu.vector_store %arg9[%swap3A_1195, %swap3A_1196], %swap3A_1199 {strides = array<i32>} : memref<32x1024xf32, #tpu.memory_space<vmem>>, vector<1x16xf32>,
      %get3A_1200 = arith.index_cast %scan3A_58 : i32 to index
      %get3A_1201 = arith.constant 864 : index
      %get3A_1202 = tpu.vector_load %arg9[%get3A_1200, %get3A_1201] {strides = array<i32>} : memref<32x1024xf32, #tpu.memory_space<vmem>>, vector<1x16xf32>,
      %get3A_1203 = vector.shape_cast %get3A_1202 : vector<1x16xf32> to vector<16xf32>
      %mul3A_1204 = arith.mulf %get3A_1203, %get3A_62 : vector<16xf32>
      %get3A_1205 = arith.index_cast %scan3A_58 : i32 to index
      %get3A_1206 = arith.constant 864 : index
      %get3A_1207 = tpu.vector_load %arg10[%get3A_1205, %get3A_1206] {strides = array<i32>} : memref<32x1024xf32, #tpu.memory_space<vmem>>, vector<1x16xf32>,
      %get3A_1208 = vector.shape_cast %get3A_1207 : vector<1x16xf32> to vector<16xf32>
      %mul3A_1209 = arith.mulf %get3A_1208, %get3A_66 : vector<16xf32>
      %add3A_1210 = arith.addf %mul3A_1204, %mul3A_1209 : vector<16xf32>
      %get3A_1211 = arith.index_cast %scan3A_58 : i32 to index
      %get3A_1212 = arith.constant 864 : index
      %get3A_1213 = tpu.vector_load %arg11[%get3A_1211, %get3A_1212] {strides = array<i32>} : memref<32x1024xf32, #tpu.memory_space<vmem>>, vector<1x16xf32>,
      %get3A_1214 = vector.shape_cast %get3A_1213 : vector<1x16xf32> to vector<16xf32>
      %add3A_1215 = arith.addf %add3A_1210, %get3A_1214 : vector<16xf32>
      %swap3A_1216 = arith.index_cast %scan3A_58 : i32 to index
      %swap3A_1217 = arith.constant 864 : index
      %swap3A_1218 = tpu.vector_load %arg9[%swap3A_1216, %swap3A_1217] {strides = array<i32>} : memref<32x1024xf32, #tpu.memory_space<vmem>>, vector<1x16xf32>,
      %swap3A_1219 = vector.shape_cast %swap3A_1218 : vector<1x16xf32> to vector<16xf32>
      %swap3A_1220 = vector.shape_cast %add3A_1215 : vector<16xf32> to vector<1x16xf32>
      tpu.vector_store %arg9[%swap3A_1216, %swap3A_1217], %swap3A_1220 {strides = array<i32>} : memref<32x1024xf32, #tpu.memory_space<vmem>>, vector<1x16xf32>,
      %get3A_1221 = arith.index_cast %scan3A_58 : i32 to index
      %get3A_1222 = arith.constant 880 : index
      %get3A_1223 = tpu.vector_load %arg9[%get3A_1221, %get3A_1222] {strides = array<i32>} : memref<32x1024xf32, #tpu.memory_space<vmem>>, vector<1x16xf32>,
      %get3A_1224 = vector.shape_cast %get3A_1223 : vector<1x16xf32> to vector<16xf32>
      %mul3A_1225 = arith.mulf %get3A_1224, %get3A_62 : vector<16xf32>
      %get3A_1226 = arith.index_cast %scan3A_58 : i32 to index
      %get3A_1227 = arith.constant 880 : index
      %get3A_1228 = tpu.vector_load %arg10[%get3A_1226, %get3A_1227] {strides = array<i32>} : memref<32x1024xf32, #tpu.memory_space<vmem>>, vector<1x16xf32>,
      %get3A_1229 = vector.shape_cast %get3A_1228 : vector<1x16xf32> to vector<16xf32>
      %mul3A_1230 = arith.mulf %get3A_1229, %get3A_66 : vector<16xf32>
      %add3A_1231 = arith.addf %mul3A_1225, %mul3A_1230 : vector<16xf32>
      %get3A_1232 = arith.index_cast %scan3A_58 : i32 to index
      %get3A_1233 = arith.constant 880 : index
      %get3A_1234 = tpu.vector_load %arg11[%get3A_1232, %get3A_1233] {strides = array<i32>} : memref<32x1024xf32, #tpu.memory_space<vmem>>, vector<1x16xf32>,
      %get3A_1235 = vector.shape_cast %get3A_1234 : vector<1x16xf32> to vector<16xf32>
      %add3A_1236 = arith.addf %add3A_1231, %get3A_1235 : vector<16xf32>
      %swap3A_1237 = arith.index_cast %scan3A_58 : i32 to index
      %swap3A_1238 = arith.constant 880 : index
      %swap3A_1239 = tpu.vector_load %arg9[%swap3A_1237, %swap3A_1238] {strides = array<i32>} : memref<32x1024xf32, #tpu.memory_space<vmem>>, vector<1x16xf32>,
      %swap3A_1240 = vector.shape_cast %swap3A_1239 : vector<1x16xf32> to vector<16xf32>
      %swap3A_1241 = vector.shape_cast %add3A_1236 : vector<16xf32> to vector<1x16xf32>
      tpu.vector_store %arg9[%swap3A_1237, %swap3A_1238], %swap3A_1241 {strides = array<i32>} : memref<32x1024xf32, #tpu.memory_space<vmem>>, vector<1x16xf32>,
      %get3A_1242 = arith.index_cast %scan3A_58 : i32 to index
      %get3A_1243 = arith.constant 896 : index
      %get3A_1244 = tpu.vector_load %arg9[%get3A_1242, %get3A_1243] {strides = array<i32>} : memref<32x1024xf32, #tpu.memory_space<vmem>>, vector<1x16xf32>,
      %get3A_1245 = vector.shape_cast %get3A_1244 : vector<1x16xf32> to vector<16xf32>
      %mul3A_1246 = arith.mulf %get3A_1245, %get3A_62 : vector<16xf32>
      %get3A_1247 = arith.index_cast %scan3A_58 : i32 to index
      %get3A_1248 = arith.constant 896 : index
      %get3A_1249 = tpu.vector_load %arg10[%get3A_1247, %get3A_1248] {strides = array<i32>} : memref<32x1024xf32, #tpu.memory_space<vmem>>, vector<1x16xf32>,
      %get3A_1250 = vector.shape_cast %get3A_1249 : vector<1x16xf32> to vector<16xf32>
      %mul3A_1251 = arith.mulf %get3A_1250, %get3A_66 : vector<16xf32>
      %add3A_1252 = arith.addf %mul3A_1246, %mul3A_1251 : vector<16xf32>
      %get3A_1253 = arith.index_cast %scan3A_58 : i32 to index
      %get3A_1254 = arith.constant 896 : index
      %get3A_1255 = tpu.vector_load %arg11[%get3A_1253, %get3A_1254] {strides = array<i32>} : memref<32x1024xf32, #tpu.memory_space<vmem>>, vector<1x16xf32>,
      %get3A_1256 = vector.shape_cast %get3A_1255 : vector<1x16xf32> to vector<16xf32>
      %add3A_1257 = arith.addf %add3A_1252, %get3A_1256 : vector<16xf32>
      %swap3A_1258 = arith.index_cast %scan3A_58 : i32 to index
      %swap3A_1259 = arith.constant 896 : index
      %swap3A_1260 = tpu.vector_load %arg9[%swap3A_1258, %swap3A_1259] {strides = array<i32>} : memref<32x1024xf32, #tpu.memory_space<vmem>>, vector<1x16xf32>,
      %swap3A_1261 = vector.shape_cast %swap3A_1260 : vector<1x16xf32> to vector<16xf32>
      %swap3A_1262 = vector.shape_cast %add3A_1257 : vector<16xf32> to vector<1x16xf32>
      tpu.vector_store %arg9[%swap3A_1258, %swap3A_1259], %swap3A_1262 {strides = array<i32>} : memref<32x1024xf32, #tpu.memory_space<vmem>>, vector<1x16xf32>,
      %get3A_1263 = arith.index_cast %scan3A_58 : i32 to index
      %get3A_1264 = arith.constant 912 : index
      %get3A_1265 = tpu.vector_load %arg9[%get3A_1263, %get3A_1264] {strides = array<i32>} : memref<32x1024xf32, #tpu.memory_space<vmem>>, vector<1x16xf32>,
      %get3A_1266 = vector.shape_cast %get3A_1265 : vector<1x16xf32> to vector<16xf32>
      %mul3A_1267 = arith.mulf %get3A_1266, %get3A_62 : vector<16xf32>
      %get3A_1268 = arith.index_cast %scan3A_58 : i32 to index
      %get3A_1269 = arith.constant 912 : index
      %get3A_1270 = tpu.vector_load %arg10[%get3A_1268, %get3A_1269] {strides = array<i32>} : memref<32x1024xf32, #tpu.memory_space<vmem>>, vector<1x16xf32>,
      %get3A_1271 = vector.shape_cast %get3A_1270 : vector<1x16xf32> to vector<16xf32>
      %mul3A_1272 = arith.mulf %get3A_1271, %get3A_66 : vector<16xf32>
      %add3A_1273 = arith.addf %mul3A_1267, %mul3A_1272 : vector<16xf32>
      %get3A_1274 = arith.index_cast %scan3A_58 : i32 to index
      %get3A_1275 = arith.constant 912 : index
      %get3A_1276 = tpu.vector_load %arg11[%get3A_1274, %get3A_1275] {strides = array<i32>} : memref<32x1024xf32, #tpu.memory_space<vmem>>, vector<1x16xf32>,
      %get3A_1277 = vector.shape_cast %get3A_1276 : vector<1x16xf32> to vector<16xf32>
      %add3A_1278 = arith.addf %add3A_1273, %get3A_1277 : vector<16xf32>
      %swap3A_1279 = arith.index_cast %scan3A_58 : i32 to index
      %swap3A_1280 = arith.constant 912 : index
      %swap3A_1281 = tpu.vector_load %arg9[%swap3A_1279, %swap3A_1280] {strides = array<i32>} : memref<32x1024xf32, #tpu.memory_space<vmem>>, vector<1x16xf32>,
      %swap3A_1282 = vector.shape_cast %swap3A_1281 : vector<1x16xf32> to vector<16xf32>
      %swap3A_1283 = vector.shape_cast %add3A_1278 : vector<16xf32> to vector<1x16xf32>
      tpu.vector_store %arg9[%swap3A_1279, %swap3A_1280], %swap3A_1283 {strides = array<i32>} : memref<32x1024xf32, #tpu.memory_space<vmem>>, vector<1x16xf32>,
      %get3A_1284 = arith.index_cast %scan3A_58 : i32 to index
      %get3A_1285 = arith.constant 928 : index
      %get3A_1286 = tpu.vector_load %arg9[%get3A_1284, %get3A_1285] {strides = array<i32>} : memref<32x1024xf32, #tpu.memory_space<vmem>>, vector<1x16xf32>,
      %get3A_1287 = vector.shape_cast %get3A_1286 : vector<1x16xf32> to vector<16xf32>
      %mul3A_1288 = arith.mulf %get3A_1287, %get3A_62 : vector<16xf32>
      %get3A_1289 = arith.index_cast %scan3A_58 : i32 to index
      %get3A_1290 = arith.constant 928 : index
      %get3A_1291 = tpu.vector_load %arg10[%get3A_1289, %get3A_1290] {strides = array<i32>} : memref<32x1024xf32, #tpu.memory_space<vmem>>, vector<1x16xf32>,
      %get3A_1292 = vector.shape_cast %get3A_1291 : vector<1x16xf32> to vector<16xf32>
      %mul3A_1293 = arith.mulf %get3A_1292, %get3A_66 : vector<16xf32>
      %add3A_1294 = arith.addf %mul3A_1288, %mul3A_1293 : vector<16xf32>
      %get3A_1295 = arith.index_cast %scan3A_58 : i32 to index
      %get3A_1296 = arith.constant 928 : index
      %get3A_1297 = tpu.vector_load %arg11[%get3A_1295, %get3A_1296] {strides = array<i32>} : memref<32x1024xf32, #tpu.memory_space<vmem>>, vector<1x16xf32>,
      %get3A_1298 = vector.shape_cast %get3A_1297 : vector<1x16xf32> to vector<16xf32>
      %add3A_1299 = arith.addf %add3A_1294, %get3A_1298 : vector<16xf32>
      %swap3A_1300 = arith.index_cast %scan3A_58 : i32 to index
      %swap3A_1301 = arith.constant 928 : index
      %swap3A_1302 = tpu.vector_load %arg9[%swap3A_1300, %swap3A_1301] {strides = array<i32>} : memref<32x1024xf32, #tpu.memory_space<vmem>>, vector<1x16xf32>,
      %swap3A_1303 = vector.shape_cast %swap3A_1302 : vector<1x16xf32> to vector<16xf32>
      %swap3A_1304 = vector.shape_cast %add3A_1299 : vector<16xf32> to vector<1x16xf32>
      tpu.vector_store %arg9[%swap3A_1300, %swap3A_1301], %swap3A_1304 {strides = array<i32>} : memref<32x1024xf32, #tpu.memory_space<vmem>>, vector<1x16xf32>,
      %get3A_1305 = arith.index_cast %scan3A_58 : i32 to index
      %get3A_1306 = arith.constant 944 : index
      %get3A_1307 = tpu.vector_load %arg9[%get3A_1305, %get3A_1306] {strides = array<i32>} : memref<32x1024xf32, #tpu.memory_space<vmem>>, vector<1x16xf32>,
      %get3A_1308 = vector.shape_cast %get3A_1307 : vector<1x16xf32> to vector<16xf32>
      %mul3A_1309 = arith.mulf %get3A_1308, %get3A_62 : vector<16xf32>
      %get3A_1310 = arith.index_cast %scan3A_58 : i32 to index
      %get3A_1311 = arith.constant 944 : index
      %get3A_1312 = tpu.vector_load %arg10[%get3A_1310, %get3A_1311] {strides = array<i32>} : memref<32x1024xf32, #tpu.memory_space<vmem>>, vector<1x16xf32>,
      %get3A_1313 = vector.shape_cast %get3A_1312 : vector<1x16xf32> to vector<16xf32>
      %mul3A_1314 = arith.mulf %get3A_1313, %get3A_66 : vector<16xf32>
      %add3A_1315 = arith.addf %mul3A_1309, %mul3A_1314 : vector<16xf32>
      %get3A_1316 = arith.index_cast %scan3A_58 : i32 to index
      %get3A_1317 = arith.constant 944 : index
      %get3A_1318 = tpu.vector_load %arg11[%get3A_1316, %get3A_1317] {strides = array<i32>} : memref<32x1024xf32, #tpu.memory_space<vmem>>, vector<1x16xf32>,
      %get3A_1319 = vector.shape_cast %get3A_1318 : vector<1x16xf32> to vector<16xf32>
      %add3A_1320 = arith.addf %add3A_1315, %get3A_1319 : vector<16xf32>
      %swap3A_1321 = arith.index_cast %scan3A_58 : i32 to index
      %swap3A_1322 = arith.constant 944 : index
      %swap3A_1323 = tpu.vector_load %arg9[%swap3A_1321, %swap3A_1322] {strides = array<i32>} : memref<32x1024xf32, #tpu.memory_space<vmem>>, vector<1x16xf32>,
      %swap3A_1324 = vector.shape_cast %swap3A_1323 : vector<1x16xf32> to vector<16xf32>
      %swap3A_1325 = vector.shape_cast %add3A_1320 : vector<16xf32> to vector<1x16xf32>
      tpu.vector_store %arg9[%swap3A_1321, %swap3A_1322], %swap3A_1325 {strides = array<i32>} : memref<32x1024xf32, #tpu.memory_space<vmem>>, vector<1x16xf32>,
      %get3A_1326 = arith.index_cast %scan3A_58 : i32 to index
      %get3A_1327 = arith.constant 960 : index
      %get3A_1328 = tpu.vector_load %arg9[%get3A_1326, %get3A_1327] {strides = array<i32>} : memref<32x1024xf32, #tpu.memory_space<vmem>>, vector<1x16xf32>,
      %get3A_1329 = vector.shape_cast %get3A_1328 : vector<1x16xf32> to vector<16xf32>
      %mul3A_1330 = arith.mulf %get3A_1329, %get3A_62 : vector<16xf32>
      %get3A_1331 = arith.index_cast %scan3A_58 : i32 to index
      %get3A_1332 = arith.constant 960 : index
      %get3A_1333 = tpu.vector_load %arg10[%get3A_1331, %get3A_1332] {strides = array<i32>} : memref<32x1024xf32, #tpu.memory_space<vmem>>, vector<1x16xf32>,
      %get3A_1334 = vector.shape_cast %get3A_1333 : vector<1x16xf32> to vector<16xf32>
      %mul3A_1335 = arith.mulf %get3A_1334, %get3A_66 : vector<16xf32>
      %add3A_1336 = arith.addf %mul3A_1330, %mul3A_1335 : vector<16xf32>
      %get3A_1337 = arith.index_cast %scan3A_58 : i32 to index
      %get3A_1338 = arith.constant 960 : index
      %get3A_1339 = tpu.vector_load %arg11[%get3A_1337, %get3A_1338] {strides = array<i32>} : memref<32x1024xf32, #tpu.memory_space<vmem>>, vector<1x16xf32>,
      %get3A_1340 = vector.shape_cast %get3A_1339 : vector<1x16xf32> to vector<16xf32>
      %add3A_1341 = arith.addf %add3A_1336, %get3A_1340 : vector<16xf32>
      %swap3A_1342 = arith.index_cast %scan3A_58 : i32 to index
      %swap3A_1343 = arith.constant 960 : index
      %swap3A_1344 = tpu.vector_load %arg9[%swap3A_1342, %swap3A_1343] {strides = array<i32>} : memref<32x1024xf32, #tpu.memory_space<vmem>>, vector<1x16xf32>,
      %swap3A_1345 = vector.shape_cast %swap3A_1344 : vector<1x16xf32> to vector<16xf32>
      %swap3A_1346 = vector.shape_cast %add3A_1341 : vector<16xf32> to vector<1x16xf32>
      tpu.vector_store %arg9[%swap3A_1342, %swap3A_1343], %swap3A_1346 {strides = array<i32>} : memref<32x1024xf32, #tpu.memory_space<vmem>>, vector<1x16xf32>,
      %get3A_1347 = arith.index_cast %scan3A_58 : i32 to index
      %get3A_1348 = arith.constant 976 : index
      %get3A_1349 = tpu.vector_load %arg9[%get3A_1347, %get3A_1348] {strides = array<i32>} : memref<32x1024xf32, #tpu.memory_space<vmem>>, vector<1x16xf32>,
      %get3A_1350 = vector.shape_cast %get3A_1349 : vector<1x16xf32> to vector<16xf32>
      %mul3A_1351 = arith.mulf %get3A_1350, %get3A_62 : vector<16xf32>
      %get3A_1352 = arith.index_cast %scan3A_58 : i32 to index
      %get3A_1353 = arith.constant 976 : index
      %get3A_1354 = tpu.vector_load %arg10[%get3A_1352, %get3A_1353] {strides = array<i32>} : memref<32x1024xf32, #tpu.memory_space<vmem>>, vector<1x16xf32>,
      %get3A_1355 = vector.shape_cast %get3A_1354 : vector<1x16xf32> to vector<16xf32>
      %mul3A_1356 = arith.mulf %get3A_1355, %get3A_66 : vector<16xf32>
      %add3A_1357 = arith.addf %mul3A_1351, %mul3A_1356 : vector<16xf32>
      %get3A_1358 = arith.index_cast %scan3A_58 : i32 to index
      %get3A_1359 = arith.constant 976 : index
      %get3A_1360 = tpu.vector_load %arg11[%get3A_1358, %get3A_1359] {strides = array<i32>} : memref<32x1024xf32, #tpu.memory_space<vmem>>, vector<1x16xf32>,
      %get3A_1361 = vector.shape_cast %get3A_1360 : vector<1x16xf32> to vector<16xf32>
      %add3A_1362 = arith.addf %add3A_1357, %get3A_1361 : vector<16xf32>
      %swap3A_1363 = arith.index_cast %scan3A_58 : i32 to index
      %swap3A_1364 = arith.constant 976 : index
      %swap3A_1365 = tpu.vector_load %arg9[%swap3A_1363, %swap3A_1364] {strides = array<i32>} : memref<32x1024xf32, #tpu.memory_space<vmem>>, vector<1x16xf32>,
      %swap3A_1366 = vector.shape_cast %swap3A_1365 : vector<1x16xf32> to vector<16xf32>
      %swap3A_1367 = vector.shape_cast %add3A_1362 : vector<16xf32> to vector<1x16xf32>
      tpu.vector_store %arg9[%swap3A_1363, %swap3A_1364], %swap3A_1367 {strides = array<i32>} : memref<32x1024xf32, #tpu.memory_space<vmem>>, vector<1x16xf32>,
      %get3A_1368 = arith.index_cast %scan3A_58 : i32 to index
      %get3A_1369 = arith.constant 992 : index
      %get3A_1370 = tpu.vector_load %arg9[%get3A_1368, %get3A_1369] {strides = array<i32>} : memref<32x1024xf32, #tpu.memory_space<vmem>>, vector<1x16xf32>,
      %get3A_1371 = vector.shape_cast %get3A_1370 : vector<1x16xf32> to vector<16xf32>
      %mul3A_1372 = arith.mulf %get3A_1371, %get3A_62 : vector<16xf32>
      %get3A_1373 = arith.index_cast %scan3A_58 : i32 to index
      %get3A_1374 = arith.constant 992 : index
      %get3A_1375 = tpu.vector_load %arg10[%get3A_1373, %get3A_1374] {strides = array<i32>} : memref<32x1024xf32, #tpu.memory_space<vmem>>, vector<1x16xf32>,
      %get3A_1376 = vector.shape_cast %get3A_1375 : vector<1x16xf32> to vector<16xf32>
      %mul3A_1377 = arith.mulf %get3A_1376, %get3A_66 : vector<16xf32>
      %add3A_1378 = arith.addf %mul3A_1372, %mul3A_1377 : vector<16xf32>
      %get3A_1379 = arith.index_cast %scan3A_58 : i32 to index
      %get3A_1380 = arith.constant 992 : index
      %get3A_1381 = tpu.vector_load %arg11[%get3A_1379, %get3A_1380] {strides = array<i32>} : memref<32x1024xf32, #tpu.memory_space<vmem>>, vector<1x16xf32>,
      %get3A_1382 = vector.shape_cast %get3A_1381 : vector<1x16xf32> to vector<16xf32>
      %add3A_1383 = arith.addf %add3A_1378, %get3A_1382 : vector<16xf32>
      %swap3A_1384 = arith.index_cast %scan3A_58 : i32 to index
      %swap3A_1385 = arith.constant 992 : index
      %swap3A_1386 = tpu.vector_load %arg9[%swap3A_1384, %swap3A_1385] {strides = array<i32>} : memref<32x1024xf32, #tpu.memory_space<vmem>>, vector<1x16xf32>,
      %swap3A_1387 = vector.shape_cast %swap3A_1386 : vector<1x16xf32> to vector<16xf32>
      %swap3A_1388 = vector.shape_cast %add3A_1383 : vector<16xf32> to vector<1x16xf32>
      tpu.vector_store %arg9[%swap3A_1384, %swap3A_1385], %swap3A_1388 {strides = array<i32>} : memref<32x1024xf32, #tpu.memory_space<vmem>>, vector<1x16xf32>,
      %get3A_1389 = arith.index_cast %scan3A_58 : i32 to index
      %get3A_1390 = arith.constant 1008 : index
      %get3A_1391 = tpu.vector_load %arg9[%get3A_1389, %get3A_1390] {strides = array<i32>} : memref<32x1024xf32, #tpu.memory_space<vmem>>, vector<1x16xf32>,
      %get3A_1392 = vector.shape_cast %get3A_1391 : vector<1x16xf32> to vector<16xf32>
      %mul3A_1393 = arith.mulf %get3A_1392, %get3A_62 : vector<16xf32>
      %get3A_1394 = arith.index_cast %scan3A_58 : i32 to index
      %get3A_1395 = arith.constant 1008 : index
      %get3A_1396 = tpu.vector_load %arg10[%get3A_1394, %get3A_1395] {strides = array<i32>} : memref<32x1024xf32, #tpu.memory_space<vmem>>, vector<1x16xf32>,
      %get3A_1397 = vector.shape_cast %get3A_1396 : vector<1x16xf32> to vector<16xf32>
      %mul3A_1398 = arith.mulf %get3A_1397, %get3A_66 : vector<16xf32>
      %add3A_1399 = arith.addf %mul3A_1393, %mul3A_1398 : vector<16xf32>
      %get3A_1400 = arith.index_cast %scan3A_58 : i32 to index
      %get3A_1401 = arith.constant 1008 : index
      %get3A_1402 = tpu.vector_load %arg11[%get3A_1400, %get3A_1401] {strides = array<i32>} : memref<32x1024xf32, #tpu.memory_space<vmem>>, vector<1x16xf32>,
      %get3A_1403 = vector.shape_cast %get3A_1402 : vector<1x16xf32> to vector<16xf32>
      %add3A_1404 = arith.addf %add3A_1399, %get3A_1403 : vector<16xf32>
      %swap3A_1405 = arith.index_cast %scan3A_58 : i32 to index
      %swap3A_1406 = arith.constant 1008 : index
      %swap3A_1407 = tpu.vector_load %arg9[%swap3A_1405, %swap3A_1406] {strides = array<i32>} : memref<32x1024xf32, #tpu.memory_space<vmem>>, vector<1x16xf32>,
      %swap3A_1408 = vector.shape_cast %swap3A_1407 : vector<1x16xf32> to vector<16xf32>
      %swap3A_1409 = vector.shape_cast %add3A_1404 : vector<16xf32> to vector<1x16xf32>
      tpu.vector_store %arg9[%swap3A_1405, %swap3A_1406], %swap3A_1409 {strides = array<i32>} : memref<32x1024xf32, #tpu.memory_space<vmem>>, vector<1x16xf32>,
      %scan3A_1410 = arith.constant 0 : i32
      scf.yield %scan3A_1410 : i32
    }
    %scan3A_57 = arith.constant 32 : i32
    "tpu.region"() ({
      %run_scoped3A = tpu.sem_alloc : memref<!tpu.dma_semaphore, #tpu.memory_space<semaphore_mem>>
      %dma_start3A_58 = arith.constant 0 : i32
      %dma_start3A_59 = tpu.memref_slice %arg8[%add3A_30, %dma_start3A_58] : memref<2048x1024xf32, #tpu.memory_space<hbm>> -> memref<32x1024xf32, #tpu.memory_space<hbm>>
      %dma_start3A_60 = arith.constant 0 : i32
      %dma_start3A_61 = tpu.memref_slice %arg8[%add3A_30, %dma_start3A_60] : memref<2048x1024xf32, #tpu.memory_space<hbm>> -> memref<32x1024xf32, #tpu.memory_space<hbm>>
      tpu.enqueue_dma source(%arg9 : memref<32x1024xf32, #tpu.memory_space<vmem>>) target(%dma_start3A_61 : memref<32x1024xf32, #tpu.memory_space<hbm>>) target_semaphore(%run_scoped3A : memref<!tpu.dma_semaphore, #tpu.memory_space<semaphore_mem>>)
      %dma_wait3A_62 = arith.constant 0 : i32
      %dma_wait3A_63 = tpu.memref_slice %arg8[%add3A_30, %dma_wait3A_62] : memref<2048x1024xf32, #tpu.memory_space<hbm>> -> memref<32x1024xf32, #tpu.memory_space<hbm>>
      %dma_wait3A_64 = arith.constant 0 : i32
      %dma_wait3A_65 = tpu.memref_slice %arg8[%add3A_30, %dma_wait3A_64] : memref<2048x1024xf32, #tpu.memory_space<hbm>> -> memref<32x1024xf32, #tpu.memory_space<hbm>>
      tpu.wait_dma2 semaphore(%run_scoped3A : memref<!tpu.dma_semaphore, #tpu.memory_space<semaphore_mem>>) src(%arg9 : memref<32x1024xf32, #tpu.memory_space<vmem>>) dst(%dma_wait3A_65 : memref<32x1024xf32, #tpu.memory_space<hbm>>)
      tpu.yield
    }) : () -> ()
    return
  }
}

#map = affine_map<(d0, d1) -> (0, 0)>
#map1 = affine_map<(d0, d1) -> (0)>
module attributes {stable_mosaic.version = 14 : i64} {
  func.func @_sc_scatter_body(%arg0: i32, %arg1: i32, %arg2: memref<2048x1024xf32, #tpu.memory_space<hbm>>, %arg3: memref<2048xi32, #tpu.memory_space<hbm>>, %arg4: memref<2048xi32, #tpu.memory_space<hbm>>, %arg5: memref<6144x1024xf32, #tpu.memory_space<hbm>>, %arg6: memref<64x1024xf32, #tpu.memory_space<vmem>>, %arg7: memref<64xi32, #tpu.memory_space<vmem>>, %arg8: memref<64xi32, #tpu.memory_space<vmem>>, %arg9: memref<!tpu.dma_semaphore, #tpu.memory_space<semaphore_mem>>) attributes {dimension_semantics = [#tpu.dimension_semantics<core_parallel>, #tpu.dimension_semantics<subcore_parallel>], iteration_bounds = array<i64: 2, 16>, scalar_prefetch = 0 : i64, scratch_operands = 4 : i64, tpu.core_type = #tpu.core_type<sc_vector_subcore>, window_params = [{transform_indices = #map}, {transform_indices = #map1}, {transform_indices = #map1}, {transform_indices = #map}]} {
    %mul3A = arith.constant 2 : i32
    %mul3A_0 = arith.muli %arg1, %mul3A : i32
    %add3A = arith.addi %mul3A_0, %arg0 : i32
    %mul3A_1 = arith.constant 64 : i32
    %mul3A_2 = arith.muli %add3A, %mul3A_1 : i32
    "tpu.region"() ({
      %run_scoped3A = tpu.sem_alloc : memref<!tpu.dma_semaphore, #tpu.memory_space<semaphore_mem>>
      %dma_start3A_13 = arith.constant 0 : i32
      %dma_start3A_14 = tpu.memref_slice %arg2[%mul3A_2, %dma_start3A_13] : memref<2048x1024xf32, #tpu.memory_space<hbm>> -> memref<64x1024xf32, #tpu.memory_space<hbm>>
      %dma_start3A_15 = arith.constant 0 : i32
      %dma_start3A_16 = tpu.memref_slice %arg2[%mul3A_2, %dma_start3A_15] : memref<2048x1024xf32, #tpu.memory_space<hbm>> -> memref<64x1024xf32, #tpu.memory_space<hbm>>
      tpu.enqueue_dma source(%dma_start3A_16 : memref<64x1024xf32, #tpu.memory_space<hbm>>) target(%arg6 : memref<64x1024xf32, #tpu.memory_space<vmem>>) target_semaphore(%run_scoped3A : memref<!tpu.dma_semaphore, #tpu.memory_space<semaphore_mem>>)
      %dma_wait3A_17 = arith.constant 0 : i32
      %dma_wait3A_18 = tpu.memref_slice %arg2[%mul3A_2, %dma_wait3A_17] : memref<2048x1024xf32, #tpu.memory_space<hbm>> -> memref<64x1024xf32, #tpu.memory_space<hbm>>
      %dma_wait3A_19 = arith.constant 0 : i32
      %dma_wait3A_20 = tpu.memref_slice %arg2[%mul3A_2, %dma_wait3A_19] : memref<2048x1024xf32, #tpu.memory_space<hbm>> -> memref<64x1024xf32, #tpu.memory_space<hbm>>
      tpu.wait_dma2 semaphore(%run_scoped3A : memref<!tpu.dma_semaphore, #tpu.memory_space<semaphore_mem>>) src(%dma_wait3A_20 : memref<64x1024xf32, #tpu.memory_space<hbm>>) dst(%arg6 : memref<64x1024xf32, #tpu.memory_space<vmem>>)
      tpu.yield
    }) : () -> ()
    "tpu.region"() ({
      %run_scoped3A = tpu.sem_alloc : memref<!tpu.dma_semaphore, #tpu.memory_space<semaphore_mem>>
      %dma_start3A_13 = tpu.memref_slice %arg3[%mul3A_2] : memref<2048xi32, #tpu.memory_space<hbm>> -> memref<64xi32, #tpu.memory_space<hbm>>
      %dma_start3A_14 = tpu.memref_slice %arg3[%mul3A_2] : memref<2048xi32, #tpu.memory_space<hbm>> -> memref<64xi32, #tpu.memory_space<hbm>>
      tpu.enqueue_dma source(%dma_start3A_14 : memref<64xi32, #tpu.memory_space<hbm>>) target(%arg7 : memref<64xi32, #tpu.memory_space<vmem>>) target_semaphore(%run_scoped3A : memref<!tpu.dma_semaphore, #tpu.memory_space<semaphore_mem>>)
      %dma_wait3A_15 = tpu.memref_slice %arg3[%mul3A_2] : memref<2048xi32, #tpu.memory_space<hbm>> -> memref<64xi32, #tpu.memory_space<hbm>>
      %dma_wait3A_16 = tpu.memref_slice %arg3[%mul3A_2] : memref<2048xi32, #tpu.memory_space<hbm>> -> memref<64xi32, #tpu.memory_space<hbm>>
      tpu.wait_dma2 semaphore(%run_scoped3A : memref<!tpu.dma_semaphore, #tpu.memory_space<semaphore_mem>>) src(%dma_wait3A_16 : memref<64xi32, #tpu.memory_space<hbm>>) dst(%arg7 : memref<64xi32, #tpu.memory_space<vmem>>)
      tpu.yield
    }) : () -> ()
    "tpu.region"() ({
      %run_scoped3A = tpu.sem_alloc : memref<!tpu.dma_semaphore, #tpu.memory_space<semaphore_mem>>
      %dma_start3A_13 = tpu.memref_slice %arg4[%mul3A_2] : memref<2048xi32, #tpu.memory_space<hbm>> -> memref<64xi32, #tpu.memory_space<hbm>>
      %dma_start3A_14 = tpu.memref_slice %arg4[%mul3A_2] : memref<2048xi32, #tpu.memory_space<hbm>> -> memref<64xi32, #tpu.memory_space<hbm>>
      tpu.enqueue_dma source(%dma_start3A_14 : memref<64xi32, #tpu.memory_space<hbm>>) target(%arg8 : memref<64xi32, #tpu.memory_space<vmem>>) target_semaphore(%run_scoped3A : memref<!tpu.dma_semaphore, #tpu.memory_space<semaphore_mem>>)
      %dma_wait3A_15 = tpu.memref_slice %arg4[%mul3A_2] : memref<2048xi32, #tpu.memory_space<hbm>> -> memref<64xi32, #tpu.memory_space<hbm>>
      %dma_wait3A_16 = tpu.memref_slice %arg4[%mul3A_2] : memref<2048xi32, #tpu.memory_space<hbm>> -> memref<64xi32, #tpu.memory_space<hbm>>
      tpu.wait_dma2 semaphore(%run_scoped3A : memref<!tpu.dma_semaphore, #tpu.memory_space<semaphore_mem>>) src(%dma_wait3A_16 : memref<64xi32, #tpu.memory_space<hbm>>) dst(%arg8 : memref<64xi32, #tpu.memory_space<vmem>>)
      tpu.yield
    }) : () -> ()
    %dma_start3A = arith.constant 0 : i32
    %dma_start3A_3 = arith.constant 0 : i32
    %dma_start3A_4 = tpu.memref_slice %arg5[%dma_start3A, %dma_start3A_3] : memref<6144x1024xf32, #tpu.memory_space<hbm>> -> memref<6144x1024xf32, #tpu.memory_space<hbm>>
    tpu.enqueue_indirect_dma source(%arg6 : memref<64x1024xf32, #tpu.memory_space<vmem>>) target(%dma_start3A_4 : memref<6144x1024xf32, #tpu.memory_space<hbm>>) offsets(%arg7 : memref<64xi32, #tpu.memory_space<vmem>>) semaphore(%arg9 : memref<!tpu.dma_semaphore, #tpu.memory_space<semaphore_mem>>)
    %dma_start3A_5 = arith.constant 0 : i32
    %dma_start3A_6 = arith.constant 0 : i32
    %dma_start3A_7 = tpu.memref_slice %arg5[%dma_start3A_5, %dma_start3A_6] : memref<6144x1024xf32, #tpu.memory_space<hbm>> -> memref<6144x1024xf32, #tpu.memory_space<hbm>>
    tpu.enqueue_indirect_dma source(%arg6 : memref<64x1024xf32, #tpu.memory_space<vmem>>) target(%dma_start3A_7 : memref<6144x1024xf32, #tpu.memory_space<hbm>>) offsets(%arg8 : memref<64xi32, #tpu.memory_space<vmem>>) semaphore(%arg9 : memref<!tpu.dma_semaphore, #tpu.memory_space<semaphore_mem>>)
    %dma_wait3A = arith.constant 0 : i32
    %dma_wait3A_8 = arith.constant 0 : i32
    %dma_wait3A_9 = tpu.memref_slice %arg5[%dma_wait3A, %dma_wait3A_8] : memref<6144x1024xf32, #tpu.memory_space<hbm>> -> memref<6144x1024xf32, #tpu.memory_space<hbm>>
    tpu.wait_indirect_dma semaphore(%arg9 : memref<!tpu.dma_semaphore, #tpu.memory_space<semaphore_mem>>) src(%arg6 : memref<64x1024xf32, #tpu.memory_space<vmem>>) dst(%dma_wait3A_9 : memref<6144x1024xf32, #tpu.memory_space<hbm>>)
    %dma_wait3A_10 = arith.constant 0 : i32
    %dma_wait3A_11 = arith.constant 0 : i32
    %dma_wait3A_12 = tpu.memref_slice %arg5[%dma_wait3A_10, %dma_wait3A_11] : memref<6144x1024xf32, #tpu.memory_space<hbm>> -> memref<6144x1024xf32, #tpu.memory_space<hbm>>
    tpu.wait_indirect_dma semaphore(%arg9 : memref<!tpu.dma_semaphore, #tpu.memory_space<semaphore_mem>>) src(%arg6 : memref<64x1024xf32, #tpu.memory_space<vmem>>) dst(%dma_wait3A_12 : memref<6144x1024xf32, #tpu.memory_space<hbm>>)
    return
  }
}

module attributes {stable_mosaic.version = 14 : i64} {
  func.func @_dispatch_body(%arg0: i32, %arg1: memref<2048x1024xf32, #tpu.memory_space<vmem>>, %arg2: memref<1024x128xf32, #tpu.memory_space<vmem>>, %arg3: memref<2048x1xi32, #tpu.memory_space<vmem>>, %arg4: memref<2048x1xi32, #tpu.memory_space<vmem>>, %arg5: memref<2048x128xf32, #tpu.memory_space<vmem>>, %arg6: memref<2048x128xf32, #tpu.memory_space<vmem>>, %arg7: memref<1x128xi32, #tpu.memory_space<vmem>>, %arg8: memref<2048x128xf32, #tpu.memory_space<vmem>>, %arg9: memref<2048x128xf32, #tpu.memory_space<vmem>>) attributes {dimension_semantics = [#tpu.dimension_semantics<arbitrary>], iteration_bounds = array<i64: 1>, scalar_prefetch = 0 : i64, scratch_operands = 2 : i64, tpu.core_type = #tpu.core_type<tc>, window_params = [{pipeline_mode = #tpu.pipeline_mode<synchronous>, transform_indices = @transform_0, window_bounds = array<i64: 2048, 1024>}, {pipeline_mode = #tpu.pipeline_mode<synchronous>, transform_indices = @transform_1, window_bounds = array<i64: 1024, 128>}, {pipeline_mode = #tpu.pipeline_mode<synchronous>, transform_indices = @transform_2, window_bounds = array<i64: 2048, 1>}, {pipeline_mode = #tpu.pipeline_mode<synchronous>, transform_indices = @transform_3, window_bounds = array<i64: 2048, 1>}, {pipeline_mode = #tpu.pipeline_mode<synchronous>, transform_indices = @transform_4, window_bounds = array<i64: 2048, 128>}, {pipeline_mode = #tpu.pipeline_mode<synchronous>, transform_indices = @transform_5, window_bounds = array<i64: 2048, 128>}, {pipeline_mode = #tpu.pipeline_mode<synchronous>, transform_indices = @transform_6, window_bounds = array<i64: 1, 128>}]} {
    %get3A = arith.constant 0 : index
    %get3A_0 = arith.constant 0 : index
    %get3A_1 = vector.load %arg1[%get3A, %get3A_0] : memref<2048x1024xf32, #tpu.memory_space<vmem>>, vector<2048x1024xf32>
    %get3A_2 = arith.constant 0 : index
    %get3A_3 = arith.constant 0 : index
    %get3A_4 = vector.load %arg2[%get3A_2, %get3A_3] : memref<1024x128xf32, #tpu.memory_space<vmem>>, vector<1024x128xf32>
    %dot_general3A = arith.constant dense<0.000000e+00> : vector<2048x128xf32>
    %dot_general3A_5 = tpu.matmul %get3A_1, %get3A_4, %dot_general3A {dimension_numbers = #tpu.dot_dimension_numbers<[1], [0], [0], [1], [0, 0, 1, 1], [], []>, transpose_lhs_hint = false} : vector<2048x1024xf32>, vector<1024x128xf32>, vector<2048x128xf32> -> vector<2048x128xf32>
    %iota3A = tpu.iota {dimensions = array<i32: 1>} : vector<2048x128xi32>
    %lt3A = arith.constant 8 : i32
    %lt3A_6 = vector.broadcast %lt3A : i32 to vector<2048x128xi32>
    %lt3A_7 = arith.cmpi slt, %iota3A, %lt3A_6 : vector<2048x128xi32>
    %jit3A = arith.constant -1.000000e+30 : f32
    %broadcast_in_dim3A = vector.broadcast %jit3A : f32 to vector<2048x128xf32>
    %select_n3A = arith.select %lt3A_7, %dot_general3A_5, %broadcast_in_dim3A : vector<2048x128xi1>, vector<2048x128xf32>
    %reduce_max3A = arith.constant dense<0xFF800000> : vector<2048xf32>
    %reduce_max3A_8 = vector.multi_reduction <maximumf>, %select_n3A, %reduce_max3A [1] : vector<2048x128xf32> to vector<2048xf32>
    %broadcast_in_dim3A_9 = vector.shape_cast %reduce_max3A_8 : vector<2048xf32> to vector<2048x1xf32>
    %sub3A = vector.broadcast %broadcast_in_dim3A_9 : vector<2048x1xf32> to vector<2048x128xf32>
    %sub3A_10 = arith.subf %select_n3A, %sub3A : vector<2048x128xf32>
    %exp3A = math.exp %sub3A_10 : vector<2048x128xf32>
    %jit3A_11 = arith.constant 0.000000e+00 : f32
    %broadcast_in_dim3A_12 = vector.broadcast %jit3A_11 : f32 to vector<2048x128xf32>
    %select_n3A_13 = arith.select %lt3A_7, %exp3A, %broadcast_in_dim3A_12 : vector<2048x128xi1>, vector<2048x128xf32>
    %reduce_sum3A = arith.constant dense<0.000000e+00> : vector<2048xf32>
    %reduce_sum3A_14 = vector.multi_reduction <add>, %select_n3A_13, %reduce_sum3A [1] : vector<2048x128xf32> to vector<2048xf32>
    %broadcast_in_dim3A_15 = vector.shape_cast %reduce_sum3A_14 : vector<2048xf32> to vector<2048x1xf32>
    %div3A = vector.broadcast %broadcast_in_dim3A_15 : vector<2048x1xf32> to vector<2048x128xf32>
    %div3A_16 = arith.divf %select_n3A_13, %div3A : vector<2048x128xf32>
    %argmax3A = tpu.reduce_index %div3A_16 {axis = 1 : i32, kind = #tpu.reduction_kind<arg_max>} : vector<2048x128xf32> -> vector<2048xi32>
    %broadcast_in_dim3A_17 = vector.shape_cast %argmax3A : vector<2048xi32> to vector<2048x1xi32>
    %eq3A = vector.broadcast %broadcast_in_dim3A_17 : vector<2048x1xi32> to vector<2048x128xi32>
    %eq3A_18 = arith.cmpi eq, %iota3A, %eq3A : vector<2048x128xi32>
    %jit3A_19 = arith.constant 0.000000e+00 : f32
    %broadcast_in_dim3A_20 = vector.broadcast %jit3A_19 : f32 to vector<2048x128xf32>
    %select_n3A_21 = arith.select %eq3A_18, %div3A_16, %broadcast_in_dim3A_20 : vector<2048x128xi1>, vector<2048x128xf32>
    %reduce_sum3A_22 = arith.constant dense<0.000000e+00> : vector<2048xf32>
    %reduce_sum3A_23 = vector.multi_reduction <add>, %select_n3A_21, %reduce_sum3A_22 [1] : vector<2048x128xf32> to vector<2048xf32>
    %broadcast_in_dim3A_24 = vector.shape_cast %reduce_sum3A_23 : vector<2048xf32> to vector<2048x1xf32>
    %jit3A_25 = arith.constant -1.000000e+00 : f32
    %broadcast_in_dim3A_26 = vector.broadcast %jit3A_25 : f32 to vector<2048x128xf32>
    %select_n3A_27 = arith.select %eq3A_18, %broadcast_in_dim3A_26, %div3A_16 : vector<2048x128xi1>, vector<2048x128xf32>
    %argmax3A_28 = tpu.reduce_index %select_n3A_27 {axis = 1 : i32, kind = #tpu.reduction_kind<arg_max>} : vector<2048x128xf32> -> vector<2048xi32>
    %broadcast_in_dim3A_29 = vector.shape_cast %argmax3A_28 : vector<2048xi32> to vector<2048x1xi32>
    %eq3A_30 = vector.broadcast %broadcast_in_dim3A_29 : vector<2048x1xi32> to vector<2048x128xi32>
    %eq3A_31 = arith.cmpi eq, %iota3A, %eq3A_30 : vector<2048x128xi32>
    %jit3A_32 = arith.constant 0.000000e+00 : f32
    %broadcast_in_dim3A_33 = vector.broadcast %jit3A_32 : f32 to vector<2048x128xf32>
    %select_n3A_34 = arith.select %eq3A_31, %div3A_16, %broadcast_in_dim3A_33 : vector<2048x128xi1>, vector<2048x128xf32>
    %reduce_sum3A_35 = arith.constant dense<0.000000e+00> : vector<2048xf32>
    %reduce_sum3A_36 = vector.multi_reduction <add>, %select_n3A_34, %reduce_sum3A_35 [1] : vector<2048x128xf32> to vector<2048xf32>
    %broadcast_in_dim3A_37 = vector.shape_cast %reduce_sum3A_36 : vector<2048xf32> to vector<2048x1xf32>
    %add3A = arith.addf %broadcast_in_dim3A_24, %broadcast_in_dim3A_37 : vector<2048x1xf32>
    %div3A_38 = arith.divf %broadcast_in_dim3A_24, %add3A : vector<2048x1xf32>
    %broadcast_in_dim3A_39 = vector.shape_cast %div3A_38 : vector<2048x1xf32> to vector<2048x1xf32>
    %broadcast_in_dim3A_40 = vector.broadcast %broadcast_in_dim3A_39 : vector<2048x1xf32> to vector<2048x128xf32>
    %swap3A = arith.constant 0 : index
    %swap3A_41 = arith.constant 0 : index
    %swap3A_42 = vector.load %arg5[%swap3A, %swap3A_41] : memref<2048x128xf32, #tpu.memory_space<vmem>>, vector<2048x128xf32>
    tpu.vector_store %arg5[%swap3A, %swap3A_41], %broadcast_in_dim3A_40 {strides = array<i32>} : memref<2048x128xf32, #tpu.memory_space<vmem>>, vector<2048x128xf32>,
    %div3A_43 = arith.divf %broadcast_in_dim3A_37, %add3A : vector<2048x1xf32>
    %broadcast_in_dim3A_44 = vector.shape_cast %div3A_43 : vector<2048x1xf32> to vector<2048x1xf32>
    %broadcast_in_dim3A_45 = vector.broadcast %broadcast_in_dim3A_44 : vector<2048x1xf32> to vector<2048x128xf32>
    %swap3A_46 = arith.constant 0 : index
    %swap3A_47 = arith.constant 0 : index
    %swap3A_48 = vector.load %arg6[%swap3A_46, %swap3A_47] : memref<2048x128xf32, #tpu.memory_space<vmem>>, vector<2048x128xf32>
    tpu.vector_store %arg6[%swap3A_46, %swap3A_47], %broadcast_in_dim3A_45 {strides = array<i32>} : memref<2048x128xf32, #tpu.memory_space<vmem>>, vector<2048x128xf32>,
    %jit3A_49 = arith.constant 1.000000e+00 : f32
    %jit3A_50 = arith.constant 0.000000e+00 : f32
    %broadcast_in_dim3A_51 = vector.broadcast %jit3A_49 : f32 to vector<2048x128xf32>
    %broadcast_in_dim3A_52 = vector.broadcast %jit3A_50 : f32 to vector<2048x128xf32>
    %select_n3A_53 = arith.select %eq3A_18, %broadcast_in_dim3A_51, %broadcast_in_dim3A_52 : vector<2048x128xi1>, vector<2048x128xf32>
    %jit3A_54 = arith.constant 1.000000e+00 : f32
    %jit3A_55 = arith.constant 0.000000e+00 : f32
    %broadcast_in_dim3A_56 = vector.broadcast %jit3A_54 : f32 to vector<2048x128xf32>
    %broadcast_in_dim3A_57 = vector.broadcast %jit3A_55 : f32 to vector<2048x128xf32>
    %select_n3A_58 = arith.select %eq3A_31, %broadcast_in_dim3A_56, %broadcast_in_dim3A_57 : vector<2048x128xi1>, vector<2048x128xf32>
    %add3A_59 = arith.addf %select_n3A_53, %select_n3A_58 : vector<2048x128xf32>
    %swap3A_60 = arith.constant 0 : index
    %swap3A_61 = arith.constant 0 : index
    %swap3A_62 = vector.load %arg9[%swap3A_60, %swap3A_61] : memref<2048x128xf32, #tpu.memory_space<vmem>>, vector<2048x128xf32>
    tpu.vector_store %arg9[%swap3A_60, %swap3A_61], %add3A_59 {strides = array<i32>} : memref<2048x128xf32, #tpu.memory_space<vmem>>, vector<2048x128xf32>,
    %iota3A_63 = tpu.iota {dimensions = array<i32: 0>} : vector<128x128xi32>
    %iota3A_64 = tpu.iota {dimensions = array<i32: 1>} : vector<128x128xi32>
    %gt3A = arith.cmpi sgt, %iota3A_63, %iota3A_64 : vector<128x128xi32>
    %jit3A_65 = arith.constant 1.000000e+00 : f32
    %jit3A_66 = arith.constant 0.000000e+00 : f32
    %broadcast_in_dim3A_67 = vector.broadcast %jit3A_65 : f32 to vector<128x128xf32>
    %broadcast_in_dim3A_68 = vector.broadcast %jit3A_66 : f32 to vector<128x128xf32>
    %select_n3A_69 = arith.select %gt3A, %broadcast_in_dim3A_67, %broadcast_in_dim3A_68 : vector<128x128xi1>, vector<128x128xf32>
    %convert_element_type3A = arith.truncf %select_n3A_69 : vector<128x128xf32> to vector<128x128xbf16>
    %broadcast_in_dim3A_70 = arith.constant 0.000000e+00 : f32
    %broadcast_in_dim3A_71 = vector.broadcast %broadcast_in_dim3A_70 : f32 to vector<1x128xf32>
    %scan3A = arith.constant 0 : i32
    %scan3A_72 = arith.constant 16 : i32
    %scan3A_73 = arith.addi %scan3A, %scan3A_72 : i32
    %scan3A_74 = arith.constant 1 : i32
    %scan3A_75 = scf.for %scan3A_409 = %scan3A to %scan3A_73 step %scan3A_74 iter_args(%scan3A_410 = %broadcast_in_dim3A_71) -> (vector<1x128xf32>)  : i32 {
      %mul3A_411 = arith.constant 128 : i32
      %mul3A_412 = arith.muli %scan3A_409, %mul3A_411 : i32
      %get3A_413 = arith.index_cast %mul3A_412 : i32 to index
      %get3A_414 = arith.constant 0 : index
      %get3A_415 = vector.load %arg9[%get3A_413, %get3A_414] : memref<2048x128xf32, #tpu.memory_space<vmem>>, vector<128x128xf32>
      %convert_element_type3A_416 = arith.truncf %get3A_415 : vector<128x128xf32> to vector<128x128xbf16>
      %dot_general3A_417 = arith.constant dense<0.000000e+00> : vector<128x128xf32>
      %dot_general3A_418 = tpu.matmul %convert_element_type3A, %convert_element_type3A_416, %dot_general3A_417 {dimension_numbers = #tpu.dot_dimension_numbers<[1], [0], [0], [1], [0, 0, 1, 1], [], []>, transpose_lhs_hint = false} : vector<128x128xbf16>, vector<128x128xbf16>, vector<128x128xf32> -> vector<128x128xf32>
      %add3A_419 = vector.broadcast %scan3A_410 : vector<1x128xf32> to vector<128x128xf32>
      %add3A_420 = arith.addf %dot_general3A_418, %add3A_419 : vector<128x128xf32>
      %mul3A_421 = arith.constant 128 : i32
      %mul3A_422 = arith.muli %scan3A_409, %mul3A_421 : i32
      %swap3A_423 = arith.index_cast %mul3A_422 : i32 to index
      %swap3A_424 = arith.constant 0 : index
      %swap3A_425 = vector.load %arg8[%swap3A_423, %swap3A_424] : memref<2048x128xf32, #tpu.memory_space<vmem>>, vector<128x128xf32>
      tpu.vector_store %arg8[%swap3A_423, %swap3A_424], %add3A_420 {strides = array<i32>} : memref<2048x128xf32, #tpu.memory_space<vmem>>, vector<128x128xf32>,
      %reduce_sum3A_426 = arith.constant dense<0.000000e+00> : vector<128xf32>
      %reduce_sum3A_427 = vector.multi_reduction <add>, %get3A_415, %reduce_sum3A_426 [0] : vector<128x128xf32> to vector<128xf32>
      %broadcast_in_dim3A_428 = vector.shape_cast %reduce_sum3A_427 : vector<128xf32> to vector<1x128xf32>
      %add3A_429 = arith.addf %scan3A_410, %broadcast_in_dim3A_428 : vector<1x128xf32>
      scf.yield %add3A_429 : vector<1x128xf32>
    }
    %scan3A_76 = arith.constant 16 : i32
    %convert_element_type3A_77 = arith.fptosi %scan3A_75 : vector<1x128xf32> to vector<1x128xi32>
    %add3A_78 = arith.constant 255 : i32
    %add3A_79 = vector.broadcast %add3A_78 : i32 to vector<1x128xi32>
    %add3A_80 = arith.addi %convert_element_type3A_77, %add3A_79 : vector<1x128xi32>
    %jit3A_81 = arith.constant 256 : i32
    %div3A_82 = vector.broadcast %jit3A_81 : i32 to vector<1x128xi32>
    %div3A_83 = arith.divsi %add3A_80, %div3A_82 : vector<1x128xi32>
    %sign3A = arith.constant 0 : i32
    %sign3A_84 = vector.broadcast %sign3A : i32 to vector<1x128xi32>
    %sign3A_85 = arith.cmpi sgt, %add3A_80, %sign3A_84 : vector<1x128xi32>
    %sign3A_86 = arith.extui %sign3A_85 : vector<1x128xi1> to vector<1x128xi32>
    %sign3A_87 = arith.constant 0 : i32
    %sign3A_88 = vector.broadcast %sign3A_87 : i32 to vector<1x128xi32>
    %sign3A_89 = arith.cmpi slt, %add3A_80, %sign3A_88 : vector<1x128xi32>
    %sign3A_90 = arith.extui %sign3A_89 : vector<1x128xi1> to vector<1x128xi32>
    %sign3A_91 = arith.subi %sign3A_86, %sign3A_90 : vector<1x128xi32>
    %sign3A_92 = arith.constant 0 : i32
    %sign3A_93 = arith.cmpi sgt, %jit3A_81, %sign3A_92 : i32
    %sign3A_94 = arith.extui %sign3A_93 : i1 to i32
    %sign3A_95 = arith.constant 0 : i32
    %sign3A_96 = arith.cmpi slt, %jit3A_81, %sign3A_95 : i32
    %sign3A_97 = arith.extui %sign3A_96 : i1 to i32
    %sign3A_98 = arith.subi %sign3A_94, %sign3A_97 : i32
    %ne3A = vector.broadcast %sign3A_98 : i32 to vector<1x128xi32>
    %ne3A_99 = arith.cmpi ne, %sign3A_91, %ne3A : vector<1x128xi32>
    %rem3A = vector.broadcast %jit3A_81 : i32 to vector<1x128xi32>
    %rem3A_100 = arith.remsi %add3A_80, %rem3A : vector<1x128xi32>
    %ne3A_101 = arith.constant 0 : i32
    %ne3A_102 = vector.broadcast %ne3A_101 : i32 to vector<1x128xi32>
    %ne3A_103 = arith.cmpi ne, %rem3A_100, %ne3A_102 : vector<1x128xi32>
    %and3A = arith.andi %ne3A_99, %ne3A_103 : vector<1x128xi1>
    %sub3A_104 = arith.constant 1 : i32
    %sub3A_105 = vector.broadcast %sub3A_104 : i32 to vector<1x128xi32>
    %sub3A_106 = arith.subi %div3A_83, %sub3A_105 : vector<1x128xi32>
    %select_n3A_107 = arith.select %and3A, %sub3A_106, %div3A_83 : vector<1x128xi1>, vector<1x128xi32>
    %mul3A = arith.constant 256 : i32
    %mul3A_108 = vector.broadcast %mul3A : i32 to vector<1x128xi32>
    %mul3A_109 = arith.muli %select_n3A_107, %mul3A_108 : vector<1x128xi32>
    %convert_element_type3A_110 = arith.sitofp %mul3A_109 : vector<1x128xi32> to vector<1x128xf32>
    %slice3A = vector.extract_strided_slice %iota3A {offsets = [0, 0], sizes = [1, 128], strides = [1, 1]} : vector<2048x128xi32> to vector<1x128xi32>
    %broadcast_in_dim3A_111 = arith.constant 0.000000e+00 : f32
    %broadcast_in_dim3A_112 = vector.broadcast %broadcast_in_dim3A_111 : f32 to vector<1x128xf32>
    %eq3A_113 = arith.constant 0 : i32
    %eq3A_114 = vector.broadcast %eq3A_113 : i32 to vector<1x128xi32>
    %eq3A_115 = arith.cmpi eq, %slice3A, %eq3A_114 : vector<1x128xi32>
    %jit3A_116 = arith.constant 0.000000e+00 : f32
    %broadcast_in_dim3A_117 = vector.broadcast %jit3A_116 : f32 to vector<1x128xf32>
    %select_n3A_118 = arith.select %eq3A_115, %convert_element_type3A_110, %broadcast_in_dim3A_117 : vector<1x128xi1>, vector<1x128xf32>
    %reduce_sum3A_119 = arith.constant dense<0.000000e+00> : vector<1xf32>
    %reduce_sum3A_120 = vector.multi_reduction <add>, %select_n3A_118, %reduce_sum3A_119 [1] : vector<1x128xf32> to vector<1xf32>
    %broadcast_in_dim3A_121 = vector.shape_cast %reduce_sum3A_120 : vector<1xf32> to vector<1x1xf32>
    %gt3A_122 = arith.constant 0 : i32
    %gt3A_123 = vector.broadcast %gt3A_122 : i32 to vector<1x128xi32>
    %gt3A_124 = arith.cmpi sgt, %slice3A, %gt3A_123 : vector<1x128xi32>
    %jit3A_125 = arith.constant 0.000000e+00 : f32
    %broadcast_in_dim3A_126 = vector.shape_cast %broadcast_in_dim3A_121 : vector<1x1xf32> to vector<1x1xf32>
    %broadcast_in_dim3A_127 = vector.broadcast %broadcast_in_dim3A_126 : vector<1x1xf32> to vector<1x128xf32>
    %broadcast_in_dim3A_128 = vector.broadcast %jit3A_125 : f32 to vector<1x128xf32>
    %select_n3A_129 = arith.select %gt3A_124, %broadcast_in_dim3A_127, %broadcast_in_dim3A_128 : vector<1x128xi1>, vector<1x128xf32>
    %add3A_130 = arith.addf %broadcast_in_dim3A_112, %select_n3A_129 : vector<1x128xf32>
    %eq3A_131 = arith.constant 1 : i32
    %eq3A_132 = vector.broadcast %eq3A_131 : i32 to vector<1x128xi32>
    %eq3A_133 = arith.cmpi eq, %slice3A, %eq3A_132 : vector<1x128xi32>
    %jit3A_134 = arith.constant 0.000000e+00 : f32
    %broadcast_in_dim3A_135 = vector.broadcast %jit3A_134 : f32 to vector<1x128xf32>
    %select_n3A_136 = arith.select %eq3A_133, %convert_element_type3A_110, %broadcast_in_dim3A_135 : vector<1x128xi1>, vector<1x128xf32>
    %reduce_sum3A_137 = arith.constant dense<0.000000e+00> : vector<1xf32>
    %reduce_sum3A_138 = vector.multi_reduction <add>, %select_n3A_136, %reduce_sum3A_137 [1] : vector<1x128xf32> to vector<1xf32>
    %broadcast_in_dim3A_139 = vector.shape_cast %reduce_sum3A_138 : vector<1xf32> to vector<1x1xf32>
    %gt3A_140 = arith.constant 1 : i32
    %gt3A_141 = vector.broadcast %gt3A_140 : i32 to vector<1x128xi32>
    %gt3A_142 = arith.cmpi sgt, %slice3A, %gt3A_141 : vector<1x128xi32>
    %jit3A_143 = arith.constant 0.000000e+00 : f32
    %broadcast_in_dim3A_144 = vector.shape_cast %broadcast_in_dim3A_139 : vector<1x1xf32> to vector<1x1xf32>
    %broadcast_in_dim3A_145 = vector.broadcast %broadcast_in_dim3A_144 : vector<1x1xf32> to vector<1x128xf32>
    %broadcast_in_dim3A_146 = vector.broadcast %jit3A_143 : f32 to vector<1x128xf32>
    %select_n3A_147 = arith.select %gt3A_142, %broadcast_in_dim3A_145, %broadcast_in_dim3A_146 : vector<1x128xi1>, vector<1x128xf32>
    %add3A_148 = arith.addf %add3A_130, %select_n3A_147 : vector<1x128xf32>
    %eq3A_149 = arith.constant 2 : i32
    %eq3A_150 = vector.broadcast %eq3A_149 : i32 to vector<1x128xi32>
    %eq3A_151 = arith.cmpi eq, %slice3A, %eq3A_150 : vector<1x128xi32>
    %jit3A_152 = arith.constant 0.000000e+00 : f32
    %broadcast_in_dim3A_153 = vector.broadcast %jit3A_152 : f32 to vector<1x128xf32>
    %select_n3A_154 = arith.select %eq3A_151, %convert_element_type3A_110, %broadcast_in_dim3A_153 : vector<1x128xi1>, vector<1x128xf32>
    %reduce_sum3A_155 = arith.constant dense<0.000000e+00> : vector<1xf32>
    %reduce_sum3A_156 = vector.multi_reduction <add>, %select_n3A_154, %reduce_sum3A_155 [1] : vector<1x128xf32> to vector<1xf32>
    %broadcast_in_dim3A_157 = vector.shape_cast %reduce_sum3A_156 : vector<1xf32> to vector<1x1xf32>
    %gt3A_158 = arith.constant 2 : i32
    %gt3A_159 = vector.broadcast %gt3A_158 : i32 to vector<1x128xi32>
    %gt3A_160 = arith.cmpi sgt, %slice3A, %gt3A_159 : vector<1x128xi32>
    %jit3A_161 = arith.constant 0.000000e+00 : f32
    %broadcast_in_dim3A_162 = vector.shape_cast %broadcast_in_dim3A_157 : vector<1x1xf32> to vector<1x1xf32>
    %broadcast_in_dim3A_163 = vector.broadcast %broadcast_in_dim3A_162 : vector<1x1xf32> to vector<1x128xf32>
    %broadcast_in_dim3A_164 = vector.broadcast %jit3A_161 : f32 to vector<1x128xf32>
    %select_n3A_165 = arith.select %gt3A_160, %broadcast_in_dim3A_163, %broadcast_in_dim3A_164 : vector<1x128xi1>, vector<1x128xf32>
    %add3A_166 = arith.addf %add3A_148, %select_n3A_165 : vector<1x128xf32>
    %eq3A_167 = arith.constant 3 : i32
    %eq3A_168 = vector.broadcast %eq3A_167 : i32 to vector<1x128xi32>
    %eq3A_169 = arith.cmpi eq, %slice3A, %eq3A_168 : vector<1x128xi32>
    %jit3A_170 = arith.constant 0.000000e+00 : f32
    %broadcast_in_dim3A_171 = vector.broadcast %jit3A_170 : f32 to vector<1x128xf32>
    %select_n3A_172 = arith.select %eq3A_169, %convert_element_type3A_110, %broadcast_in_dim3A_171 : vector<1x128xi1>, vector<1x128xf32>
    %reduce_sum3A_173 = arith.constant dense<0.000000e+00> : vector<1xf32>
    %reduce_sum3A_174 = vector.multi_reduction <add>, %select_n3A_172, %reduce_sum3A_173 [1] : vector<1x128xf32> to vector<1xf32>
    %broadcast_in_dim3A_175 = vector.shape_cast %reduce_sum3A_174 : vector<1xf32> to vector<1x1xf32>
    %gt3A_176 = arith.constant 3 : i32
    %gt3A_177 = vector.broadcast %gt3A_176 : i32 to vector<1x128xi32>
    %gt3A_178 = arith.cmpi sgt, %slice3A, %gt3A_177 : vector<1x128xi32>
    %jit3A_179 = arith.constant 0.000000e+00 : f32
    %broadcast_in_dim3A_180 = vector.shape_cast %broadcast_in_dim3A_175 : vector<1x1xf32> to vector<1x1xf32>
    %broadcast_in_dim3A_181 = vector.broadcast %broadcast_in_dim3A_180 : vector<1x1xf32> to vector<1x128xf32>
    %broadcast_in_dim3A_182 = vector.broadcast %jit3A_179 : f32 to vector<1x128xf32>
    %select_n3A_183 = arith.select %gt3A_178, %broadcast_in_dim3A_181, %broadcast_in_dim3A_182 : vector<1x128xi1>, vector<1x128xf32>
    %add3A_184 = arith.addf %add3A_166, %select_n3A_183 : vector<1x128xf32>
    %eq3A_185 = arith.constant 4 : i32
    %eq3A_186 = vector.broadcast %eq3A_185 : i32 to vector<1x128xi32>
    %eq3A_187 = arith.cmpi eq, %slice3A, %eq3A_186 : vector<1x128xi32>
    %jit3A_188 = arith.constant 0.000000e+00 : f32
    %broadcast_in_dim3A_189 = vector.broadcast %jit3A_188 : f32 to vector<1x128xf32>
    %select_n3A_190 = arith.select %eq3A_187, %convert_element_type3A_110, %broadcast_in_dim3A_189 : vector<1x128xi1>, vector<1x128xf32>
    %reduce_sum3A_191 = arith.constant dense<0.000000e+00> : vector<1xf32>
    %reduce_sum3A_192 = vector.multi_reduction <add>, %select_n3A_190, %reduce_sum3A_191 [1] : vector<1x128xf32> to vector<1xf32>
    %broadcast_in_dim3A_193 = vector.shape_cast %reduce_sum3A_192 : vector<1xf32> to vector<1x1xf32>
    %gt3A_194 = arith.constant 4 : i32
    %gt3A_195 = vector.broadcast %gt3A_194 : i32 to vector<1x128xi32>
    %gt3A_196 = arith.cmpi sgt, %slice3A, %gt3A_195 : vector<1x128xi32>
    %jit3A_197 = arith.constant 0.000000e+00 : f32
    %broadcast_in_dim3A_198 = vector.shape_cast %broadcast_in_dim3A_193 : vector<1x1xf32> to vector<1x1xf32>
    %broadcast_in_dim3A_199 = vector.broadcast %broadcast_in_dim3A_198 : vector<1x1xf32> to vector<1x128xf32>
    %broadcast_in_dim3A_200 = vector.broadcast %jit3A_197 : f32 to vector<1x128xf32>
    %select_n3A_201 = arith.select %gt3A_196, %broadcast_in_dim3A_199, %broadcast_in_dim3A_200 : vector<1x128xi1>, vector<1x128xf32>
    %add3A_202 = arith.addf %add3A_184, %select_n3A_201 : vector<1x128xf32>
    %eq3A_203 = arith.constant 5 : i32
    %eq3A_204 = vector.broadcast %eq3A_203 : i32 to vector<1x128xi32>
    %eq3A_205 = arith.cmpi eq, %slice3A, %eq3A_204 : vector<1x128xi32>
    %jit3A_206 = arith.constant 0.000000e+00 : f32
    %broadcast_in_dim3A_207 = vector.broadcast %jit3A_206 : f32 to vector<1x128xf32>
    %select_n3A_208 = arith.select %eq3A_205, %convert_element_type3A_110, %broadcast_in_dim3A_207 : vector<1x128xi1>, vector<1x128xf32>
    %reduce_sum3A_209 = arith.constant dense<0.000000e+00> : vector<1xf32>
    %reduce_sum3A_210 = vector.multi_reduction <add>, %select_n3A_208, %reduce_sum3A_209 [1] : vector<1x128xf32> to vector<1xf32>
    %broadcast_in_dim3A_211 = vector.shape_cast %reduce_sum3A_210 : vector<1xf32> to vector<1x1xf32>
    %gt3A_212 = arith.constant 5 : i32
    %gt3A_213 = vector.broadcast %gt3A_212 : i32 to vector<1x128xi32>
    %gt3A_214 = arith.cmpi sgt, %slice3A, %gt3A_213 : vector<1x128xi32>
    %jit3A_215 = arith.constant 0.000000e+00 : f32
    %broadcast_in_dim3A_216 = vector.shape_cast %broadcast_in_dim3A_211 : vector<1x1xf32> to vector<1x1xf32>
    %broadcast_in_dim3A_217 = vector.broadcast %broadcast_in_dim3A_216 : vector<1x1xf32> to vector<1x128xf32>
    %broadcast_in_dim3A_218 = vector.broadcast %jit3A_215 : f32 to vector<1x128xf32>
    %select_n3A_219 = arith.select %gt3A_214, %broadcast_in_dim3A_217, %broadcast_in_dim3A_218 : vector<1x128xi1>, vector<1x128xf32>
    %add3A_220 = arith.addf %add3A_202, %select_n3A_219 : vector<1x128xf32>
    %eq3A_221 = arith.constant 6 : i32
    %eq3A_222 = vector.broadcast %eq3A_221 : i32 to vector<1x128xi32>
    %eq3A_223 = arith.cmpi eq, %slice3A, %eq3A_222 : vector<1x128xi32>
    %jit3A_224 = arith.constant 0.000000e+00 : f32
    %broadcast_in_dim3A_225 = vector.broadcast %jit3A_224 : f32 to vector<1x128xf32>
    %select_n3A_226 = arith.select %eq3A_223, %convert_element_type3A_110, %broadcast_in_dim3A_225 : vector<1x128xi1>, vector<1x128xf32>
    %reduce_sum3A_227 = arith.constant dense<0.000000e+00> : vector<1xf32>
    %reduce_sum3A_228 = vector.multi_reduction <add>, %select_n3A_226, %reduce_sum3A_227 [1] : vector<1x128xf32> to vector<1xf32>
    %broadcast_in_dim3A_229 = vector.shape_cast %reduce_sum3A_228 : vector<1xf32> to vector<1x1xf32>
    %gt3A_230 = arith.constant 6 : i32
    %gt3A_231 = vector.broadcast %gt3A_230 : i32 to vector<1x128xi32>
    %gt3A_232 = arith.cmpi sgt, %slice3A, %gt3A_231 : vector<1x128xi32>
    %jit3A_233 = arith.constant 0.000000e+00 : f32
    %broadcast_in_dim3A_234 = vector.shape_cast %broadcast_in_dim3A_229 : vector<1x1xf32> to vector<1x1xf32>
    %broadcast_in_dim3A_235 = vector.broadcast %broadcast_in_dim3A_234 : vector<1x1xf32> to vector<1x128xf32>
    %broadcast_in_dim3A_236 = vector.broadcast %jit3A_233 : f32 to vector<1x128xf32>
    %select_n3A_237 = arith.select %gt3A_232, %broadcast_in_dim3A_235, %broadcast_in_dim3A_236 : vector<1x128xi1>, vector<1x128xf32>
    %add3A_238 = arith.addf %add3A_220, %select_n3A_237 : vector<1x128xf32>
    %get3A_239 = arith.constant 0 : index
    %get3A_240 = arith.constant 0 : index
    %get3A_241 = vector.load %arg8[%get3A_239, %get3A_240] : memref<2048x128xf32, #tpu.memory_space<vmem>>, vector<2048x128xf32>
    %add3A_242 = vector.broadcast %add3A_238 : vector<1x128xf32> to vector<2048x128xf32>
    %add3A_243 = arith.addf %get3A_241, %add3A_242 : vector<2048x128xf32>
    %jit3A_244 = arith.constant 0.000000e+00 : f32
    %broadcast_in_dim3A_245 = vector.broadcast %jit3A_244 : f32 to vector<2048x128xf32>
    %select_n3A_246 = arith.select %eq3A_18, %add3A_243, %broadcast_in_dim3A_245 : vector<2048x128xi1>, vector<2048x128xf32>
    %reduce_sum3A_247 = arith.constant dense<0.000000e+00> : vector<2048xf32>
    %reduce_sum3A_248 = vector.multi_reduction <add>, %select_n3A_246, %reduce_sum3A_247 [1] : vector<2048x128xf32> to vector<2048xf32>
    %broadcast_in_dim3A_249 = vector.shape_cast %reduce_sum3A_248 : vector<2048xf32> to vector<2048x1xf32>
    %convert_element_type3A_250 = arith.fptosi %broadcast_in_dim3A_249 : vector<2048x1xf32> to vector<2048x1xi32>
    %swap3A_251 = arith.constant 0 : index
    %swap3A_252 = arith.constant 0 : index
    %swap3A_253 = vector.load %arg3[%swap3A_251, %swap3A_252] : memref<2048x1xi32, #tpu.memory_space<vmem>>, vector<2048x1xi32>
    tpu.vector_store %arg3[%swap3A_251, %swap3A_252], %convert_element_type3A_250 {strides = array<i32>} : memref<2048x1xi32, #tpu.memory_space<vmem>>, vector<2048x1xi32>,
    %jit3A_254 = arith.constant 0.000000e+00 : f32
    %broadcast_in_dim3A_255 = vector.broadcast %jit3A_254 : f32 to vector<2048x128xf32>
    %select_n3A_256 = arith.select %eq3A_31, %add3A_243, %broadcast_in_dim3A_255 : vector<2048x128xi1>, vector<2048x128xf32>
    %reduce_sum3A_257 = arith.constant dense<0.000000e+00> : vector<2048xf32>
    %reduce_sum3A_258 = vector.multi_reduction <add>, %select_n3A_256, %reduce_sum3A_257 [1] : vector<2048x128xf32> to vector<2048xf32>
    %broadcast_in_dim3A_259 = vector.shape_cast %reduce_sum3A_258 : vector<2048xf32> to vector<2048x1xf32>
    %convert_element_type3A_260 = arith.fptosi %broadcast_in_dim3A_259 : vector<2048x1xf32> to vector<2048x1xi32>
    %swap3A_261 = arith.constant 0 : index
    %swap3A_262 = arith.constant 0 : index
    %swap3A_263 = vector.load %arg4[%swap3A_261, %swap3A_262] : memref<2048x1xi32, #tpu.memory_space<vmem>>, vector<2048x1xi32>
    tpu.vector_store %arg4[%swap3A_261, %swap3A_262], %convert_element_type3A_260 {strides = array<i32>} : memref<2048x1xi32, #tpu.memory_space<vmem>>, vector<2048x1xi32>,
    %mul3A_264 = arith.constant 256 : i32
    %mul3A_265 = vector.broadcast %mul3A_264 : i32 to vector<1x128xi32>
    %mul3A_266 = arith.muli %slice3A, %mul3A_265 : vector<1x128xi32>
    %convert_element_type3A_267 = arith.sitofp %mul3A_266 : vector<1x128xi32> to vector<1x128xf32>
    %broadcast_in_dim3A_268 = arith.constant 0 : i32
    %broadcast_in_dim3A_269 = vector.broadcast %broadcast_in_dim3A_268 : i32 to vector<1x128xi32>
    %le3A = arith.constant 0 : i32
    %le3A_270 = vector.broadcast %le3A : i32 to vector<1x128xi32>
    %le3A_271 = arith.cmpi sle, %slice3A, %le3A_270 : vector<1x128xi32>
    %jit3A_272 = arith.constant 0.000000e+00 : f32
    %broadcast_in_dim3A_273 = vector.broadcast %jit3A_272 : f32 to vector<1x128xf32>
    %select_n3A_274 = arith.select %le3A_271, %convert_element_type3A_110, %broadcast_in_dim3A_273 : vector<1x128xi1>, vector<1x128xf32>
    %reduce_sum3A_275 = arith.constant dense<0.000000e+00> : vector<1xf32>
    %reduce_sum3A_276 = vector.multi_reduction <add>, %select_n3A_274, %reduce_sum3A_275 [1] : vector<1x128xf32> to vector<1xf32>
    %broadcast_in_dim3A_277 = vector.shape_cast %reduce_sum3A_276 : vector<1xf32> to vector<1x1xf32>
    %ge3A = vector.broadcast %broadcast_in_dim3A_277 : vector<1x1xf32> to vector<1x128xf32>
    %ge3A_278 = arith.cmpf oge, %convert_element_type3A_267, %ge3A : vector<1x128xf32>
    %jit3A_279 = arith.constant 1 : i32
    %jit3A_280 = arith.constant 0 : i32
    %broadcast_in_dim3A_281 = vector.broadcast %jit3A_279 : i32 to vector<1x128xi32>
    %broadcast_in_dim3A_282 = vector.broadcast %jit3A_280 : i32 to vector<1x128xi32>
    %select_n3A_283 = arith.select %ge3A_278, %broadcast_in_dim3A_281, %broadcast_in_dim3A_282 : vector<1x128xi1>, vector<1x128xi32>
    %add3A_284 = arith.addi %broadcast_in_dim3A_269, %select_n3A_283 : vector<1x128xi32>
    %le3A_285 = arith.constant 1 : i32
    %le3A_286 = vector.broadcast %le3A_285 : i32 to vector<1x128xi32>
    %le3A_287 = arith.cmpi sle, %slice3A, %le3A_286 : vector<1x128xi32>
    %jit3A_288 = arith.constant 0.000000e+00 : f32
    %broadcast_in_dim3A_289 = vector.broadcast %jit3A_288 : f32 to vector<1x128xf32>
    %select_n3A_290 = arith.select %le3A_287, %convert_element_type3A_110, %broadcast_in_dim3A_289 : vector<1x128xi1>, vector<1x128xf32>
    %reduce_sum3A_291 = arith.constant dense<0.000000e+00> : vector<1xf32>
    %reduce_sum3A_292 = vector.multi_reduction <add>, %select_n3A_290, %reduce_sum3A_291 [1] : vector<1x128xf32> to vector<1xf32>
    %broadcast_in_dim3A_293 = vector.shape_cast %reduce_sum3A_292 : vector<1xf32> to vector<1x1xf32>
    %ge3A_294 = vector.broadcast %broadcast_in_dim3A_293 : vector<1x1xf32> to vector<1x128xf32>
    %ge3A_295 = arith.cmpf oge, %convert_element_type3A_267, %ge3A_294 : vector<1x128xf32>
    %jit3A_296 = arith.constant 1 : i32
    %jit3A_297 = arith.constant 0 : i32
    %broadcast_in_dim3A_298 = vector.broadcast %jit3A_296 : i32 to vector<1x128xi32>
    %broadcast_in_dim3A_299 = vector.broadcast %jit3A_297 : i32 to vector<1x128xi32>
    %select_n3A_300 = arith.select %ge3A_295, %broadcast_in_dim3A_298, %broadcast_in_dim3A_299 : vector<1x128xi1>, vector<1x128xi32>
    %add3A_301 = arith.addi %add3A_284, %select_n3A_300 : vector<1x128xi32>
    %le3A_302 = arith.constant 2 : i32
    %le3A_303 = vector.broadcast %le3A_302 : i32 to vector<1x128xi32>
    %le3A_304 = arith.cmpi sle, %slice3A, %le3A_303 : vector<1x128xi32>
    %jit3A_305 = arith.constant 0.000000e+00 : f32
    %broadcast_in_dim3A_306 = vector.broadcast %jit3A_305 : f32 to vector<1x128xf32>
    %select_n3A_307 = arith.select %le3A_304, %convert_element_type3A_110, %broadcast_in_dim3A_306 : vector<1x128xi1>, vector<1x128xf32>
    %reduce_sum3A_308 = arith.constant dense<0.000000e+00> : vector<1xf32>
    %reduce_sum3A_309 = vector.multi_reduction <add>, %select_n3A_307, %reduce_sum3A_308 [1] : vector<1x128xf32> to vector<1xf32>
    %broadcast_in_dim3A_310 = vector.shape_cast %reduce_sum3A_309 : vector<1xf32> to vector<1x1xf32>
    %ge3A_311 = vector.broadcast %broadcast_in_dim3A_310 : vector<1x1xf32> to vector<1x128xf32>
    %ge3A_312 = arith.cmpf oge, %convert_element_type3A_267, %ge3A_311 : vector<1x128xf32>
    %jit3A_313 = arith.constant 1 : i32
    %jit3A_314 = arith.constant 0 : i32
    %broadcast_in_dim3A_315 = vector.broadcast %jit3A_313 : i32 to vector<1x128xi32>
    %broadcast_in_dim3A_316 = vector.broadcast %jit3A_314 : i32 to vector<1x128xi32>
    %select_n3A_317 = arith.select %ge3A_312, %broadcast_in_dim3A_315, %broadcast_in_dim3A_316 : vector<1x128xi1>, vector<1x128xi32>
    %add3A_318 = arith.addi %add3A_301, %select_n3A_317 : vector<1x128xi32>
    %le3A_319 = arith.constant 3 : i32
    %le3A_320 = vector.broadcast %le3A_319 : i32 to vector<1x128xi32>
    %le3A_321 = arith.cmpi sle, %slice3A, %le3A_320 : vector<1x128xi32>
    %jit3A_322 = arith.constant 0.000000e+00 : f32
    %broadcast_in_dim3A_323 = vector.broadcast %jit3A_322 : f32 to vector<1x128xf32>
    %select_n3A_324 = arith.select %le3A_321, %convert_element_type3A_110, %broadcast_in_dim3A_323 : vector<1x128xi1>, vector<1x128xf32>
    %reduce_sum3A_325 = arith.constant dense<0.000000e+00> : vector<1xf32>
    %reduce_sum3A_326 = vector.multi_reduction <add>, %select_n3A_324, %reduce_sum3A_325 [1] : vector<1x128xf32> to vector<1xf32>
    %broadcast_in_dim3A_327 = vector.shape_cast %reduce_sum3A_326 : vector<1xf32> to vector<1x1xf32>
    %ge3A_328 = vector.broadcast %broadcast_in_dim3A_327 : vector<1x1xf32> to vector<1x128xf32>
    %ge3A_329 = arith.cmpf oge, %convert_element_type3A_267, %ge3A_328 : vector<1x128xf32>
    %jit3A_330 = arith.constant 1 : i32
    %jit3A_331 = arith.constant 0 : i32
    %broadcast_in_dim3A_332 = vector.broadcast %jit3A_330 : i32 to vector<1x128xi32>
    %broadcast_in_dim3A_333 = vector.broadcast %jit3A_331 : i32 to vector<1x128xi32>
    %select_n3A_334 = arith.select %ge3A_329, %broadcast_in_dim3A_332, %broadcast_in_dim3A_333 : vector<1x128xi1>, vector<1x128xi32>
    %add3A_335 = arith.addi %add3A_318, %select_n3A_334 : vector<1x128xi32>
    %le3A_336 = arith.constant 4 : i32
    %le3A_337 = vector.broadcast %le3A_336 : i32 to vector<1x128xi32>
    %le3A_338 = arith.cmpi sle, %slice3A, %le3A_337 : vector<1x128xi32>
    %jit3A_339 = arith.constant 0.000000e+00 : f32
    %broadcast_in_dim3A_340 = vector.broadcast %jit3A_339 : f32 to vector<1x128xf32>
    %select_n3A_341 = arith.select %le3A_338, %convert_element_type3A_110, %broadcast_in_dim3A_340 : vector<1x128xi1>, vector<1x128xf32>
    %reduce_sum3A_342 = arith.constant dense<0.000000e+00> : vector<1xf32>
    %reduce_sum3A_343 = vector.multi_reduction <add>, %select_n3A_341, %reduce_sum3A_342 [1] : vector<1x128xf32> to vector<1xf32>
    %broadcast_in_dim3A_344 = vector.shape_cast %reduce_sum3A_343 : vector<1xf32> to vector<1x1xf32>
    %ge3A_345 = vector.broadcast %broadcast_in_dim3A_344 : vector<1x1xf32> to vector<1x128xf32>
    %ge3A_346 = arith.cmpf oge, %convert_element_type3A_267, %ge3A_345 : vector<1x128xf32>
    %jit3A_347 = arith.constant 1 : i32
    %jit3A_348 = arith.constant 0 : i32
    %broadcast_in_dim3A_349 = vector.broadcast %jit3A_347 : i32 to vector<1x128xi32>
    %broadcast_in_dim3A_350 = vector.broadcast %jit3A_348 : i32 to vector<1x128xi32>
    %select_n3A_351 = arith.select %ge3A_346, %broadcast_in_dim3A_349, %broadcast_in_dim3A_350 : vector<1x128xi1>, vector<1x128xi32>
    %add3A_352 = arith.addi %add3A_335, %select_n3A_351 : vector<1x128xi32>
    %le3A_353 = arith.constant 5 : i32
    %le3A_354 = vector.broadcast %le3A_353 : i32 to vector<1x128xi32>
    %le3A_355 = arith.cmpi sle, %slice3A, %le3A_354 : vector<1x128xi32>
    %jit3A_356 = arith.constant 0.000000e+00 : f32
    %broadcast_in_dim3A_357 = vector.broadcast %jit3A_356 : f32 to vector<1x128xf32>
    %select_n3A_358 = arith.select %le3A_355, %convert_element_type3A_110, %broadcast_in_dim3A_357 : vector<1x128xi1>, vector<1x128xf32>
    %reduce_sum3A_359 = arith.constant dense<0.000000e+00> : vector<1xf32>
    %reduce_sum3A_360 = vector.multi_reduction <add>, %select_n3A_358, %reduce_sum3A_359 [1] : vector<1x128xf32> to vector<1xf32>
    %broadcast_in_dim3A_361 = vector.shape_cast %reduce_sum3A_360 : vector<1xf32> to vector<1x1xf32>
    %ge3A_362 = vector.broadcast %broadcast_in_dim3A_361 : vector<1x1xf32> to vector<1x128xf32>
    %ge3A_363 = arith.cmpf oge, %convert_element_type3A_267, %ge3A_362 : vector<1x128xf32>
    %jit3A_364 = arith.constant 1 : i32
    %jit3A_365 = arith.constant 0 : i32
    %broadcast_in_dim3A_366 = vector.broadcast %jit3A_364 : i32 to vector<1x128xi32>
    %broadcast_in_dim3A_367 = vector.broadcast %jit3A_365 : i32 to vector<1x128xi32>
    %select_n3A_368 = arith.select %ge3A_363, %broadcast_in_dim3A_366, %broadcast_in_dim3A_367 : vector<1x128xi1>, vector<1x128xi32>
    %add3A_369 = arith.addi %add3A_352, %select_n3A_368 : vector<1x128xi32>
    %le3A_370 = arith.constant 6 : i32
    %le3A_371 = vector.broadcast %le3A_370 : i32 to vector<1x128xi32>
    %le3A_372 = arith.cmpi sle, %slice3A, %le3A_371 : vector<1x128xi32>
    %jit3A_373 = arith.constant 0.000000e+00 : f32
    %broadcast_in_dim3A_374 = vector.broadcast %jit3A_373 : f32 to vector<1x128xf32>
    %select_n3A_375 = arith.select %le3A_372, %convert_element_type3A_110, %broadcast_in_dim3A_374 : vector<1x128xi1>, vector<1x128xf32>
    %reduce_sum3A_376 = arith.constant dense<0.000000e+00> : vector<1xf32>
    %reduce_sum3A_377 = vector.multi_reduction <add>, %select_n3A_375, %reduce_sum3A_376 [1] : vector<1x128xf32> to vector<1xf32>
    %broadcast_in_dim3A_378 = vector.shape_cast %reduce_sum3A_377 : vector<1xf32> to vector<1x1xf32>
    %ge3A_379 = vector.broadcast %broadcast_in_dim3A_378 : vector<1x1xf32> to vector<1x128xf32>
    %ge3A_380 = arith.cmpf oge, %convert_element_type3A_267, %ge3A_379 : vector<1x128xf32>
    %jit3A_381 = arith.constant 1 : i32
    %jit3A_382 = arith.constant 0 : i32
    %broadcast_in_dim3A_383 = vector.broadcast %jit3A_381 : i32 to vector<1x128xi32>
    %broadcast_in_dim3A_384 = vector.broadcast %jit3A_382 : i32 to vector<1x128xi32>
    %select_n3A_385 = arith.select %ge3A_380, %broadcast_in_dim3A_383, %broadcast_in_dim3A_384 : vector<1x128xi1>, vector<1x128xi32>
    %add3A_386 = arith.addi %add3A_369, %select_n3A_385 : vector<1x128xi32>
    %lt3A_387 = arith.constant 8 : i32
    %lt3A_388 = vector.broadcast %lt3A_387 : i32 to vector<1x128xi32>
    %lt3A_389 = arith.cmpi slt, %slice3A, %lt3A_388 : vector<1x128xi32>
    %jit3A_390 = arith.constant 0.000000e+00 : f32
    %broadcast_in_dim3A_391 = vector.broadcast %jit3A_390 : f32 to vector<1x128xf32>
    %select_n3A_392 = arith.select %lt3A_389, %convert_element_type3A_110, %broadcast_in_dim3A_391 : vector<1x128xi1>, vector<1x128xf32>
    %reduce_sum3A_393 = arith.constant dense<0.000000e+00> : vector<1xf32>
    %reduce_sum3A_394 = vector.multi_reduction <add>, %select_n3A_392, %reduce_sum3A_393 [1] : vector<1x128xf32> to vector<1xf32>
    %broadcast_in_dim3A_395 = vector.shape_cast %reduce_sum3A_394 : vector<1xf32> to vector<1x1xf32>
    %div3A_396 = arith.constant 2.560000e+02 : f32
    %div3A_397 = vector.broadcast %div3A_396 : f32 to vector<1x1xf32>
    %div3A_398 = arith.divf %broadcast_in_dim3A_395, %div3A_397 : vector<1x1xf32>
    %convert_element_type3A_399 = arith.fptosi %div3A_398 : vector<1x1xf32> to vector<1x1xi32>
    %eq3A_400 = arith.constant 127 : i32
    %eq3A_401 = vector.broadcast %eq3A_400 : i32 to vector<1x128xi32>
    %eq3A_402 = arith.cmpi eq, %slice3A, %eq3A_401 : vector<1x128xi32>
    %broadcast_in_dim3A_403 = vector.shape_cast %convert_element_type3A_399 : vector<1x1xi32> to vector<1x1xi32>
    %broadcast_in_dim3A_404 = vector.broadcast %broadcast_in_dim3A_403 : vector<1x1xi32> to vector<1x128xi32>
    %select_n3A_405 = arith.select %eq3A_402, %broadcast_in_dim3A_404, %add3A_386 : vector<1x128xi1>, vector<1x128xi32>
    %swap3A_406 = arith.constant 0 : index
    %swap3A_407 = arith.constant 0 : index
    %swap3A_408 = vector.load %arg7[%swap3A_406, %swap3A_407] : memref<1x128xi32, #tpu.memory_space<vmem>>, vector<1x128xi32>
    tpu.vector_store %arg7[%swap3A_406, %swap3A_407], %select_n3A_405 {strides = array<i32>} : memref<1x128xi32, #tpu.memory_space<vmem>>, vector<1x128xi32>,
    return
  }
  func.func @transform_0(%arg0: i32) -> (i32, i32) {
    %c0_i32 = arith.constant 0 : i32
    %c0_i32_0 = arith.constant 0 : i32
    %c0_i32_1 = arith.constant 0 : i32
    return %c0_i32, %c0_i32_0 : i32, i32
  }
  func.func @transform_1(%arg0: i32) -> (i32, i32) {
    %c0_i32 = arith.constant 0 : i32
    %c0_i32_0 = arith.constant 0 : i32
    %c0_i32_1 = arith.constant 0 : i32
    return %c0_i32, %c0_i32_0 : i32, i32
  }
  func.func @transform_2(%arg0: i32) -> (i32, i32) {
    %c0_i32 = arith.constant 0 : i32
    %c0_i32_0 = arith.constant 0 : i32
    %c0_i32_1 = arith.constant 0 : i32
    return %c0_i32, %c0_i32_0 : i32, i32
  }
  func.func @transform_3(%arg0: i32) -> (i32, i32) {
    %c0_i32 = arith.constant 0 : i32
    %c0_i32_0 = arith.constant 0 : i32
    %c0_i32_1 = arith.constant 0 : i32
    return %c0_i32, %c0_i32_0 : i32, i32
  }
  func.func @transform_4(%arg0: i32) -> (i32, i32) {
    %c0_i32 = arith.constant 0 : i32
    %c0_i32_0 = arith.constant 0 : i32
    %c0_i32_1 = arith.constant 0 : i32
    return %c0_i32, %c0_i32_0 : i32, i32
  }
  func.func @transform_5(%arg0: i32) -> (i32, i32) {
    %c0_i32 = arith.constant 0 : i32
    %c0_i32_0 = arith.constant 0 : i32
    %c0_i32_1 = arith.constant 0 : i32
    return %c0_i32, %c0_i32_0 : i32, i32
  }
  func.func @transform_6(%arg0: i32) -> (i32, i32) {
    %c0_i32 = arith.constant 0 : i32
    %c0_i32_0 = arith.constant 0 : i32
    %c0_i32_1 = arith.constant 0 : i32
    return %c0_i32, %c0_i32_0 : i32, i32
  }
}

module attributes {stable_mosaic.version = 14 : i64} {
  func.func @_shared_body(%arg0: i32, %arg1: memref<512x1024xf32, #tpu.memory_space<vmem>>, %arg2: memref<1024x1408xf32, #tpu.memory_space<vmem>>, %arg3: memref<1024x1408xf32, #tpu.memory_space<vmem>>, %arg4: memref<1408x1024xf32, #tpu.memory_space<vmem>>, %arg5: memref<512x1024xf32, #tpu.memory_space<vmem>>) attributes {dimension_semantics = [#tpu.dimension_semantics<arbitrary>], iteration_bounds = array<i64: 4>, scalar_prefetch = 0 : i64, scratch_operands = 0 : i64, tpu.core_type = #tpu.core_type<tc>, window_params = [{transform_indices = @transform_0, window_bounds = array<i64: 512, 1024>}, {pipeline_mode = #tpu.pipeline_mode<synchronous>, transform_indices = @transform_1, window_bounds = array<i64: 1024, 1408>}, {pipeline_mode = #tpu.pipeline_mode<synchronous>, transform_indices = @transform_2, window_bounds = array<i64: 1024, 1408>}, {pipeline_mode = #tpu.pipeline_mode<synchronous>, transform_indices = @transform_3, window_bounds = array<i64: 1408, 1024>}, {transform_indices = @transform_4, window_bounds = array<i64: 512, 1024>}]} {
    %get3A = arith.constant 0 : index
    %get3A_0 = arith.constant 0 : index
    %get3A_1 = vector.load %arg1[%get3A, %get3A_0] : memref<512x1024xf32, #tpu.memory_space<vmem>>, vector<512x1024xf32>
    %get3A_2 = arith.constant 0 : index
    %get3A_3 = arith.constant 0 : index
    %get3A_4 = vector.load %arg2[%get3A_2, %get3A_3] : memref<1024x1408xf32, #tpu.memory_space<vmem>>, vector<1024x1408xf32>
    %dot_general3A = arith.constant dense<0.000000e+00> : vector<512x1408xf32>
    %dot_general3A_5 = tpu.matmul %get3A_1, %get3A_4, %dot_general3A {dimension_numbers = #tpu.dot_dimension_numbers<[1], [0], [0], [1], [0, 0, 1, 1], [], []>, transpose_lhs_hint = false} : vector<512x1024xf32>, vector<1024x1408xf32>, vector<512x1408xf32> -> vector<512x1408xf32>
    %get3A_6 = arith.constant 0 : index
    %get3A_7 = arith.constant 0 : index
    %get3A_8 = vector.load %arg3[%get3A_6, %get3A_7] : memref<1024x1408xf32, #tpu.memory_space<vmem>>, vector<1024x1408xf32>
    %dot_general3A_9 = arith.constant dense<0.000000e+00> : vector<512x1408xf32>
    %dot_general3A_10 = tpu.matmul %get3A_1, %get3A_8, %dot_general3A_9 {dimension_numbers = #tpu.dot_dimension_numbers<[1], [0], [0], [1], [0, 0, 1, 1], [], []>, transpose_lhs_hint = false} : vector<512x1024xf32>, vector<1024x1408xf32>, vector<512x1408xf32> -> vector<512x1408xf32>
    %logistic3A = arith.negf %dot_general3A_5 : vector<512x1408xf32>
    %logistic3A_11 = math.exp %logistic3A : vector<512x1408xf32>
    %logistic3A_12 = arith.constant 1.000000e+00 : f32
    %logistic3A_13 = vector.broadcast %logistic3A_12 : f32 to vector<512x1408xf32>
    %logistic3A_14 = arith.addf %logistic3A_13, %logistic3A_11 : vector<512x1408xf32>
    %logistic3A_15 = arith.divf %logistic3A_13, %logistic3A_14 : vector<512x1408xf32>
    %mul3A = arith.mulf %dot_general3A_5, %logistic3A_15 : vector<512x1408xf32>
    %mul3A_16 = arith.mulf %mul3A, %dot_general3A_10 : vector<512x1408xf32>
    %get3A_17 = arith.constant 0 : index
    %get3A_18 = arith.constant 0 : index
    %get3A_19 = vector.load %arg4[%get3A_17, %get3A_18] : memref<1408x1024xf32, #tpu.memory_space<vmem>>, vector<1408x1024xf32>
    %dot_general3A_20 = arith.constant dense<0.000000e+00> : vector<512x1024xf32>
    %dot_general3A_21 = tpu.matmul %mul3A_16, %get3A_19, %dot_general3A_20 {dimension_numbers = #tpu.dot_dimension_numbers<[1], [0], [0], [1], [0, 0, 1, 1], [], []>, transpose_lhs_hint = false} : vector<512x1408xf32>, vector<1408x1024xf32>, vector<512x1024xf32> -> vector<512x1024xf32>
    %swap3A = arith.constant 0 : index
    %swap3A_22 = arith.constant 0 : index
    %swap3A_23 = vector.load %arg5[%swap3A, %swap3A_22] : memref<512x1024xf32, #tpu.memory_space<vmem>>, vector<512x1024xf32>
    tpu.vector_store %arg5[%swap3A, %swap3A_22], %dot_general3A_21 {strides = array<i32>} : memref<512x1024xf32, #tpu.memory_space<vmem>>, vector<512x1024xf32>,
    return
  }
  func.func @transform_0(%arg0: i32) -> (i32, i32) {
    %c0_i32 = arith.constant 0 : i32
    %c0_i32_0 = arith.constant 0 : i32
    return %arg0, %c0_i32 : i32, i32
  }
  func.func @transform_1(%arg0: i32) -> (i32, i32) {
    %c0_i32 = arith.constant 0 : i32
    %c0_i32_0 = arith.constant 0 : i32
    %c0_i32_1 = arith.constant 0 : i32
    return %c0_i32, %c0_i32_0 : i32, i32
  }
  func.func @transform_2(%arg0: i32) -> (i32, i32) {
    %c0_i32 = arith.constant 0 : i32
    %c0_i32_0 = arith.constant 0 : i32
    %c0_i32_1 = arith.constant 0 : i32
    return %c0_i32, %c0_i32_0 : i32, i32
  }
  func.func @transform_3(%arg0: i32) -> (i32, i32) {
    %c0_i32 = arith.constant 0 : i32
    %c0_i32_0 = arith.constant 0 : i32
    %c0_i32_1 = arith.constant 0 : i32
    return %c0_i32, %c0_i32_0 : i32, i32
  }
  func.func @transform_4(%arg0: i32) -> (i32, i32) {
    %c0_i32 = arith.constant 0 : i32
    %c0_i32_0 = arith.constant 0 : i32
    return %arg0, %c0_i32 : i32, i32
  }
}

module attributes {stable_mosaic.version = 14 : i64} {
  func.func @_grouped_body(%arg0: i32, %arg1: memref<128xi32, #tpu.memory_space<smem>>, %arg2: memref<256x1024xf32, #tpu.memory_space<vmem>>, %arg3: memref<1x1024x704xf32, #tpu.memory_space<vmem>>, %arg4: memref<1x1024x704xf32, #tpu.memory_space<vmem>>, %arg5: memref<1x704x1024xf32, #tpu.memory_space<vmem>>, %arg6: memref<256x1024xf32, #tpu.memory_space<vmem>>) attributes {dimension_semantics = [#tpu.dimension_semantics<arbitrary>], iteration_bounds = array<i64: 24>, scalar_prefetch = 1 : i64, scratch_operands = 0 : i64, tpu.core_type = #tpu.core_type<tc>, window_params = [{transform_indices = @transform_0, window_bounds = array<i64: 256, 1024>}, {transform_indices = @transform_1, window_bounds = array<i64: 1, 1024, 704>}, {transform_indices = @transform_2, window_bounds = array<i64: 1, 1024, 704>}, {transform_indices = @transform_3, window_bounds = array<i64: 1, 704, 1024>}, {transform_indices = @transform_4, window_bounds = array<i64: 256, 1024>}]} {
    %get3A = arith.constant 127 : index
    %get3A_0 = memref.load %arg1[%get3A] : memref<128xi32, #tpu.memory_space<smem>>
    %lt3A = arith.cmpi slt, %arg0, %get3A_0 : i32
    %convert_element_type3A = arith.extui %lt3A : i1 to i32
    %cond3A = arith.constant 0 : i32
    %cond3A_1 = arith.cmpi ne, %convert_element_type3A, %cond3A : i32
    scf.if %cond3A_1 {
      %get3A_2 = arith.constant 0 : index
      %get3A_3 = arith.constant 0 : index
      %get3A_4 = vector.load %arg2[%get3A_2, %get3A_3] : memref<256x1024xf32, #tpu.memory_space<vmem>>, vector<256x1024xf32>
      %get3A_5 = arith.constant 0 : index
      %get3A_6 = arith.constant 0 : index
      %get3A_7 = arith.constant 0 : index
      %get3A_8 = vector.load %arg3[%get3A_5, %get3A_6, %get3A_7] : memref<1x1024x704xf32, #tpu.memory_space<vmem>>, vector<1x1024x704xf32>
      %get3A_9 = vector.shape_cast %get3A_8 : vector<1x1024x704xf32> to vector<1024x704xf32>
      %dot_general3A = arith.constant dense<0.000000e+00> : vector<256x704xf32>
      %dot_general3A_10 = tpu.matmul %get3A_4, %get3A_9, %dot_general3A {dimension_numbers = #tpu.dot_dimension_numbers<[1], [0], [0], [1], [0, 0, 1, 1], [], []>, transpose_lhs_hint = false} : vector<256x1024xf32>, vector<1024x704xf32>, vector<256x704xf32> -> vector<256x704xf32>
      %get3A_11 = arith.constant 0 : index
      %get3A_12 = arith.constant 0 : index
      %get3A_13 = arith.constant 0 : index
      %get3A_14 = vector.load %arg4[%get3A_11, %get3A_12, %get3A_13] : memref<1x1024x704xf32, #tpu.memory_space<vmem>>, vector<1x1024x704xf32>
      %get3A_15 = vector.shape_cast %get3A_14 : vector<1x1024x704xf32> to vector<1024x704xf32>
      %dot_general3A_16 = arith.constant dense<0.000000e+00> : vector<256x704xf32>
      %dot_general3A_17 = tpu.matmul %get3A_4, %get3A_15, %dot_general3A_16 {dimension_numbers = #tpu.dot_dimension_numbers<[1], [0], [0], [1], [0, 0, 1, 1], [], []>, transpose_lhs_hint = false} : vector<256x1024xf32>, vector<1024x704xf32>, vector<256x704xf32> -> vector<256x704xf32>
      %logistic3A = arith.negf %dot_general3A_10 : vector<256x704xf32>
      %logistic3A_18 = math.exp %logistic3A : vector<256x704xf32>
      %logistic3A_19 = arith.constant 1.000000e+00 : f32
      %logistic3A_20 = vector.broadcast %logistic3A_19 : f32 to vector<256x704xf32>
      %logistic3A_21 = arith.addf %logistic3A_20, %logistic3A_18 : vector<256x704xf32>
      %logistic3A_22 = arith.divf %logistic3A_20, %logistic3A_21 : vector<256x704xf32>
      %mul3A = arith.mulf %dot_general3A_10, %logistic3A_22 : vector<256x704xf32>
      %mul3A_23 = arith.mulf %mul3A, %dot_general3A_17 : vector<256x704xf32>
      %get3A_24 = arith.constant 0 : index
      %get3A_25 = arith.constant 0 : index
      %get3A_26 = arith.constant 0 : index
      %get3A_27 = vector.load %arg5[%get3A_24, %get3A_25, %get3A_26] : memref<1x704x1024xf32, #tpu.memory_space<vmem>>, vector<1x704x1024xf32>
      %get3A_28 = vector.shape_cast %get3A_27 : vector<1x704x1024xf32> to vector<704x1024xf32>
      %dot_general3A_29 = arith.constant dense<0.000000e+00> : vector<256x1024xf32>
      %dot_general3A_30 = tpu.matmul %mul3A_23, %get3A_28, %dot_general3A_29 {dimension_numbers = #tpu.dot_dimension_numbers<[1], [0], [0], [1], [0, 0, 1, 1], [], []>, transpose_lhs_hint = false} : vector<256x704xf32>, vector<704x1024xf32>, vector<256x1024xf32> -> vector<256x1024xf32>
      %swap3A = arith.constant 0 : index
      %swap3A_31 = arith.constant 0 : index
      %swap3A_32 = vector.load %arg6[%swap3A, %swap3A_31] : memref<256x1024xf32, #tpu.memory_space<vmem>>, vector<256x1024xf32>
      tpu.vector_store %arg6[%swap3A, %swap3A_31], %dot_general3A_30 {strides = array<i32>} : memref<256x1024xf32, #tpu.memory_space<vmem>>, vector<256x1024xf32>,
    } else {
    }
    return
  }
  func.func @transform_0(%arg0: i32, %arg1: memref<128xi32, #tpu.memory_space<smem>>) -> (i32, i32) {
    %get3A = arith.constant 127 : index
    %get3A_0 = memref.load %arg1[%get3A] : memref<128xi32, #tpu.memory_space<smem>>
    %sub3A = arith.constant 1 : i32
    %sub3A_1 = arith.subi %get3A_0, %sub3A : i32
    %min3A = arith.minsi %arg0, %sub3A_1 : i32
    %c0_i32 = arith.constant 0 : i32
    %c0_i32_2 = arith.constant 0 : i32
    return %min3A, %c0_i32 : i32, i32
  }
  func.func @transform_1(%arg0: i32, %arg1: memref<128xi32, #tpu.memory_space<smem>>) -> (i32, i32, i32) {
    %get3A = arith.constant 127 : index
    %get3A_0 = memref.load %arg1[%get3A] : memref<128xi32, #tpu.memory_space<smem>>
    %sub3A = arith.constant 1 : i32
    %sub3A_1 = arith.subi %get3A_0, %sub3A : i32
    %min3A = arith.minsi %arg0, %sub3A_1 : i32
    %get3A_2 = arith.index_cast %min3A : i32 to index
    %get3A_3 = memref.load %arg1[%get3A_2] : memref<128xi32, #tpu.memory_space<smem>>
    %c0_i32 = arith.constant 0 : i32
    %c0_i32_4 = arith.constant 0 : i32
    %c0_i32_5 = arith.constant 0 : i32
    return %get3A_3, %c0_i32, %c0_i32_4 : i32, i32, i32
  }
  func.func @transform_2(%arg0: i32, %arg1: memref<128xi32, #tpu.memory_space<smem>>) -> (i32, i32, i32) {
    %get3A = arith.constant 127 : index
    %get3A_0 = memref.load %arg1[%get3A] : memref<128xi32, #tpu.memory_space<smem>>
    %sub3A = arith.constant 1 : i32
    %sub3A_1 = arith.subi %get3A_0, %sub3A : i32
    %min3A = arith.minsi %arg0, %sub3A_1 : i32
    %get3A_2 = arith.index_cast %min3A : i32 to index
    %get3A_3 = memref.load %arg1[%get3A_2] : memref<128xi32, #tpu.memory_space<smem>>
    %c0_i32 = arith.constant 0 : i32
    %c0_i32_4 = arith.constant 0 : i32
    %c0_i32_5 = arith.constant 0 : i32
    return %get3A_3, %c0_i32, %c0_i32_4 : i32, i32, i32
  }
  func.func @transform_3(%arg0: i32, %arg1: memref<128xi32, #tpu.memory_space<smem>>) -> (i32, i32, i32) {
    %get3A = arith.constant 127 : index
    %get3A_0 = memref.load %arg1[%get3A] : memref<128xi32, #tpu.memory_space<smem>>
    %sub3A = arith.constant 1 : i32
    %sub3A_1 = arith.subi %get3A_0, %sub3A : i32
    %min3A = arith.minsi %arg0, %sub3A_1 : i32
    %get3A_2 = arith.index_cast %min3A : i32 to index
    %get3A_3 = memref.load %arg1[%get3A_2] : memref<128xi32, #tpu.memory_space<smem>>
    %c0_i32 = arith.constant 0 : i32
    %c0_i32_4 = arith.constant 0 : i32
    %c0_i32_5 = arith.constant 0 : i32
    return %get3A_3, %c0_i32, %c0_i32_4 : i32, i32, i32
  }
  func.func @transform_4(%arg0: i32, %arg1: memref<128xi32, #tpu.memory_space<smem>>) -> (i32, i32) {
    %get3A = arith.constant 127 : index
    %get3A_0 = memref.load %arg1[%get3A] : memref<128xi32, #tpu.memory_space<smem>>
    %sub3A = arith.constant 1 : i32
    %sub3A_1 = arith.subi %get3A_0, %sub3A : i32
    %min3A = arith.minsi %arg0, %sub3A_1 : i32
    %c0_i32 = arith.constant 0 : i32
    %c0_i32_2 = arith.constant 0 : i32
    return %min3A, %c0_i32 : i32, i32
  }
}

</mosaic_0001>

<sc_bundles>
// kernel: kernel.10.cloned.1.call-start
scs
__scs_entry_jumppad:
0x0: {  	(pc) =	sbr.rel $0x88, $3  }
0x1: {  	(tag) =	ssettag $0x0;
	lr =	simm.s32 $0x1  }
0x2: {  	[smem:$0x3F99] =	sst lr;
	_ =	strace $0xD0000000  }
0x3: {  	_ = 	snop  }
0x4: {  	_ = 	snop  }
0x5: {  	_ = 	snop  }
0x6: {  	_ = 	snop  }
0x7: {  	_ = 	snop  }
__scs_overlays_trampoline_lowered:
0x8: {  	[smem:$0x3FA8] =	sst s0  }
0x9: {  	[smem:$0x3FA9] =	sst s1  }
0xa: {  	[smem:$0x3FAA] =	sst s2  }
0xb: {  	[smem:$0x3FAB] =	sst s3  }
0xc: {  	[smem:$0x3FAC] =	sst s4  }
0xd: {  	[smem:$0x3FAD] =	sst s5  }
0xe: {  	[smem:$0x3FAE] =	sst s6  }
0xf: {  	[smem:$0x3FAF] =	sst s7  }
0x10: {  	[smem:$0x3FB0] =	sst s8  }
0x11: {  	[smem:$0x3FB1] =	sst s9;
	s0 =	simm.s32 @!p0 $0x0  }
0x12: {  	s1 =	sld [smem:$0x3F97];
	s0 =	simm.s32 @p0 $0x1  }
0x13: {  	[smem:$0x3FB2] =	sst s0;
	s0 =	simm.s32 @!p1 $0x0  }
0x14: {  	s2 =	sld [smem:$0x3F96];
	s0 =	simm.s32 @p1 $0x1  }
0x15: {  	[smem:$0x3FB3] =	sst s0;
	s0 =	simm.s32 @!p2 $0x0  }
0x16: {  	s3 =	sld [smem:$0x3FDB];
	s0 =	simm.s32 @p2 $0x1  }
0x17: {  	s4 =	simm.s32 $0x1BF5;
	[smem:$0x3FB5] =	sst s0  }
0x18: {  	s0 =	sld [smem:$0x3F98];
	_ =	swait.ge [sflag:s4], $0x0  }
0x19: {  	s7 =	sld [smem:$0x3F99]  }
0x1a: {  	s8 =	sadd.s32 $0xFFFFE003, lr  }
0x1b: {  	s9 =	sadd.s32 $0xFFFFFEF7, lr;
	s5 =	simm.s32 $0xFFFFFFFF;
	p2 =	slt.u32 s8, $0xFFFFF086  }
0x1c: {  	p1 =	slt.u32 s9, $0xF7A;
	s5 =	simm.s32 @!p2 $0x0  }
0x1d: {  	s5 =	simm.s32 @p1 $0x1;
	p0 =	seq.s32 s7, s2  }
0x1e: {  	s7 =	smul.u32 @!p0 $0xF7A, s2;
	p2 =	seq.s32 @!p0 s5, $0x0  }
0x1f: {  	s9 =	smul.u32 $0xF7A, s1;
	s8 =	simm.s32 @!p0 $0x1BF5;
	p2 =	por !p2, p0  }
0x20: {  	[sflag:s8] =	ssyncset.s32 @!p0 $0xFFFFF086;
	s6 =	sadd.s32 @!p0 s3, s7;
	s7 =	simm.s32 @!p0 $0x108  }
0x21: {  	s3 =	sadd.s32 s3, s9;
	s6 =	sadd.s32 @!p0 $0x88, s6;
	s7 =	simm.s32 @p2 $0x1082  }
0x22: {  	[simem:s7], [sflag:s8] =	dma.local @!p0 [hbm:s6], $0xF7A  }
0x23: {  	s9 =	sor.u32 $0xD0000000, s2;
	s6 =	simm.s32 $0x108;
	_ =	swait.ge @!p0 [sflag:s8], $0x0  }
0x24: {  	s3 =	sadd.s32 $0x88, s3;
	s6 =	simm.s32 @!p1 $0x1082;
	[sflag:s4] =	ssyncset.s32 $0xFFFFF086  }
0x25: {  	[simem:s6], [sflag:s4] =	dma.local [hbm:s3], $0xF7A  }
0x26: {  	[smem:$0x3F99] =	sst s1;
	(tag) =	ssettag s2;
	_ =	strace s9  }
0x27: {  	s1 =	sld [smem:$0x3FA9]  }
0x28: {  	s2 =	sld [smem:$0x3FAA]  }
0x29: {  	s4 =	sld [smem:$0x3FAC]  }
0x2a: {  	p0 =	seq.s32 s5, $0x0;
	s5 =	sld [smem:$0x3FAD]  }
0x2b: {  	s6 =	sld [smem:$0x3FAE]  }
0x2c: {  	s7 =	sld [smem:$0x3FAF]  }
0x2d: {  	s3 =	simm.s32 $0x108;
	s8 =	sld [smem:$0x3FB0]  }
0x2e: {  	s3 =	simm.s32 @!p0 $0x1082;
	s9 =	sld [smem:$0x3FB1]  }
0x2f: {  	lr =	sadd.s32 s0, s3;
	s0 =	sld [smem:$0x3FA8]  }
0x30: {  	s3 =	sld [smem:$0x3FAB]  }
0x31: {  	[smem:$0x3FB4] =	sst s10  }
0x32: {  	s10 =	sld [smem:$0x3FB2];
	_ =	sdelay $0x3  }
0x33: {  	p0 =	seq.s32 s10, $0x1;
	s10 =	sld [smem:$0x3FB4];
	_ =	sdelay $0x3  }
0x34: {  	[smem:$0x3FB4] =	sst s10  }
0x35: {  	s10 =	sld [smem:$0x3FB3];
	_ =	sdelay $0x3  }
0x36: {  	p1 =	seq.s32 s10, $0x1;
	s10 =	sld [smem:$0x3FB4];
	_ =	sdelay $0x3  }
0x37: {  	[smem:$0x3FB4] =	sst s10  }
0x38: {  	s10 =	sld [smem:$0x3FB5]  }
0x39: {  	_ = 	snop;
	(pc) =	sbr.ind lr, $3  }
0x3a: {  	_ = 	snop  }
0x3b: {  	_ = 	snop  }
0x3c: {  	p2 =	seq.s32 s10, $0x1;
	s10 =	sld [smem:$0x3FB4]  }
0x3d: {  	_ =	shalt  }
0x3e: {  	_ =	shalt  }
0x3f: {  	_ =	shalt  }
0x40: {  	_ =	shalt  }
0x41: {  	_ =	shalt  }
0x42: {  	_ =	shalt  }
0x43: {  	_ =	shalt  }
0x44: {  	_ =	shalt  }
0x45: {  	_ =	shalt  }
0x46: {  	_ =	shalt  }
0x47: {  	_ =	shalt  }
0x48: {  	_ =	shalt  }
0x49: {  	_ =	shalt  }
0x4a: {  	_ =	shalt  }
0x4b: {  	_ =	shalt  }
0x4c: {  	_ =	shalt  }
0x4d: {  	_ =	shalt  }
0x4e: {  	_ =	shalt  }
0x4f: {  	_ =	shalt  }
0x50: {  	_ =	shalt  }
0x51: {  	_ =	shalt  }
0x52: {  	_ =	shalt  }
0x53: {  	_ =	shalt  }
0x54: {  	_ =	shalt  }
0x55: {  	_ =	shalt  }
0x56: {  	_ =	shalt  }
0x57: {  	_ =	shalt  }
0x58: {  	_ =	shalt  }
0x59: {  	_ =	shalt  }
0x5a: {  	_ =	shalt  }
0x5b: {  	_ =	shalt  }
0x5c: {  	_ =	shalt  }
0x5d: {  	_ =	shalt  }
0x5e: {  	_ =	shalt  }
0x5f: {  	_ =	shalt  }
0x60: {  	_ =	shalt  }
0x61: {  	_ =	shalt  }
0x62: {  	_ =	shalt  }
0x63: {  	_ =	shalt  }
0x64: {  	_ =	shalt  }
0x65: {  	_ =	shalt  }
0x66: {  	_ =	shalt  }
0x67: {  	_ =	shalt  }
0x68: {  	_ =	shalt  }
0x69: {  	_ =	shalt  }
0x6a: {  	_ =	shalt  }
0x6b: {  	_ =	shalt  }
0x6c: {  	_ =	shalt  }
0x6d: {  	_ =	shalt  }
0x6e: {  	_ =	shalt  }
0x6f: {  	_ =	shalt  }
0x70: {  	_ =	shalt  }
0x71: {  	_ =	shalt  }
0x72: {  	_ =	shalt  }
0x73: {  	_ =	shalt  }
0x74: {  	_ =	shalt  }
0x75: {  	_ =	shalt  }
0x76: {  	_ =	shalt  }
0x77: {  	_ =	shalt  }
0x78: {  	_ =	shalt  }
0x79: {  	_ =	shalt  }
0x7a: {  	_ =	shalt  }
0x7b: {  	_ =	shalt  }
0x7c: {  	_ =	shalt  }
0x7d: {  	_ =	shalt  }
0x7e: {  	_ =	shalt  }
0x7f: {  	_ =	shalt  }
0x80: {  	_ =	shalt  }
0x81: {  	_ =	shalt  }
0x82: {  	_ =	shalt  }
0x83: {  	_ =	shalt  }
0x84: {  	_ =	shalt  }
0x85: {  	_ =	shalt  }
0x86: {  	_ =	shalt  }
0x87: {  	_ =	shalt  }
.Lfunc_end0:
.L_simem_size_0:
called_computation.1_lowered:
.L_overlay_start_0:
0x88: {  	s2 =	sld [smem:$0x3FD9]  }
0x89: {  	s3 =	sld [smem:$0x3FFE];
	_ =	sdelay $0x1  }
0x8a: {  	s1 =	srdreg.scid  }
0x8b: {  	s0 =	sand.u32 $0x1, s1  }
0x8c: {  	s17 =	sshll.u32 s0, $0xA;
	s2 =	sadd.s32 s3, s2  }
0x8d: {  	s2 =	sadd.s32 s2, s17  }
0x8e: {  	[smem:$0x3FC0] =	sst s2  }
0x8f: {  	_ = 	snop  }
0x90: {  	s2 =	sld [smem:$0x3FD0];
	(tm) =	ssettm $0x1  }
0x91: {  	s18 =	sld [smem:$0x3FFB];
	_ =	sdelay $0x3  }
0x92: {  	_ =	strace s18  }
0x93: {  	s3 =	sld [smem:$0x3FFC];
	_ =	sdelay $0x3  }
0x94: {  	_ =	strace s3  }
0x95: {  	s3 =	sld [smem:$0x3FFD];
	_ =	sdelay $0x3  }
0x96: {  	_ =	strace s3  }
0x97: {  	_ =	strace $0x8FFFFFFF  }
0x98: {  	s19 =	sld [smem:$0x3FDB];
	_ =	sdelay $0x1  }
0x99: {  	s4 =	simm.s32 $_scs_section_size  }
0x9a: {  	s5 =	simm.s32 $_size__tile_overlayer_lowered;
	s6 =	simm.s32 $_tile_overlayer_lowered  }
0x9b: {  	s22 =	simm.s32 $0x1BFF;
	s21 =	sshll.u32 s6, $0x1;
	s3 =	sadd.s32 s4, s19  }
0x9c: {  	s7 =	simm.s32 $0x0;
	s20 =	sshll.u32 s5, $0x1;
	s5 =	sadd.s32 s21, s3  }
0x9d: {  	[timem:s7], [sflag:s22] =	dma.local [hbm:s5], s20  }
0x9e: {  	_ =	swait.ge [sflag:s22], s20  }
0x9f: {  	s4 =	ssub.s32 $0x0, s20;
	[sflag:s22] =	ssyncset.done $0x0  }
0xa0: {  	[sflag:s22] =	ssyncadd.s32 s4;
	_ =	sdelay $0x1  }
0xa1: {  	s23 =	simm.s32 $0x1B8B  }
0xa2: {  	_ =	swait.ge [sflag:s23], $0x1  }
0xa3: {  	[sflag:s23] =	ssyncset.done $0x0  }
0xa4: {  	s25 =	simm.s32 $0x1B8E;
	s24 =	sld [smem:$0x3FFE];
	[sflag:s23] =	ssyncadd.s32 $0xFFFFFFFF  }
0xa5: {  	s26 =	simm.s32 $execute0_lowered;
	[smem:$0x3FD2] =	sst s25  }
0xa6: {  	s5 =	sshll.u32 s26, $0x1;
	_ =	strace $0x80000049;
	[dreg:$0x1] =	wrdreg $0xFFFFFFFF  }
0xa7: {  	s28 =	simm.s32 $_size_execute0_lowered;
	s3 =	sadd.s32 s3, s5;
	[dreg:$0x0] =	wrdreg $0x0  }
0xa8: {  	s5 =	sshll.u32 s28, $0x1;
	[dreg:$0x2] =	wrdreg s3  }
0xa9: {  	[dreg:$0x3] =	wrdreg s5  }
0xaa: {  	[dreg:$0x4] =	wrdreg $0xC0  }
0xab: {  	_ =	task [dreg:s7], $0x5FFFF  }
0xac: {  	[dreg:$0x1] =	wrdreg $0xFFFFFFFF  }
0xad: {  	[dreg:$0x0] =	wrdreg $0x60  }
0xae: {  	[dreg:$0x2] =	wrdreg s24  }
0xaf: {  	[dreg:$0x3] =	wrdreg s2  }
0xb0: {  	[dreg:$0x4] =	wrdreg $0x9  }
0xb1: {  	_ =	task.clear_ibuf [dreg:s7], $0x5FFFF;
	_ =	strace $0x90000049  }
0xb2: {  	s29 =	simm.s32 $0x9;
	_ =	strace $0x8000004B  }
0xb3: {  	_ =	swait.ge [sflag:s29], $0x1  }
0xb4: {  	[sflag:s29] =	ssyncadd.s32 $0xFFFFFFFF  }
0xb5: {  	_ =	strace $0x9000004B  }
0xb6: {  	_ =	sfence  }
0xb7: {  	s30 =	sld [smem:$0x0];
	_ =	sdelay $0x2  }
0xb8: {  	s31 =	sshll.u32 s1, $0xD;
	s1 =	sshrl.u32 s1, $0x2  }
0xb9: {  	s3 =	sand.u32 $0x4000, s31;
	s1 =	sadd.s32 s1, s30  }
0xba: {  	s0 =	sor.u32 s3, s0;
	s1 =	sshll.u32 s1, $0x11  }
0xbb: {  	s0 =	sor.u32 s1, s0  }
0xbc: {  	s0 =	sadd.s32 $0x8F2B, s0  }
0xbd: {  	[sflag:s0] =	ssyncadd.remote.s32 $0x1  }
0xbe: {  	_ =	sfence.sel $0xFFFF  }
0xbf: {  	[dreg:$0x0] =	wrdreg $0xFFFFFFFF;
	(pc) =	sbr.abs _section_cstart, $3  }
0xc0: {  	[dreg:$0x1] =	wrdreg $0xFFFFFFFF  }
0xc1: {  	_ =	task.clear_ibuf [dreg:s7], $0x2FFFF;
	_ =	strace $0x9FFFFFFF  }
0xc2: {  	(tm) =	ssettm $0x7FFFFFFF  }
0xc3: {  	_ =	shalt  }
tec
execute0_lowered:
.L_overlay_start_1:
0x0: {  	(tag) =	ssettag $0x1  }
0x1: {  	s0 =	rddreg [dreg:$0x0]  }
0x2: {  	s2 =	rddreg [dreg:$0x1]  }
0x3: {  	s1 =	simm.s32 $0x0;
	s5 =	srdreg.scid;
	s8 =	stileid.u32  }
0x4: {  	s28 =	simm.s32 $0xA800;
	s29 =	simm.s32 $0xB000;
	s30 =	simm.s32 $0xB800  }
0x5: {  	s31 =	simm.s32 $0xC800;
	[smem:$0x7FF] =	sst s1;
	s3 =	sadd.s32 $0x291C00, s0  }
0x6: {  	s4 =	sadd.s32 $0x251C00, s0;
	s6 =	sadd.s32 $0x11800, s0;
	s5 =	sand.u32 $0x1, s5  }
0x7: {  	s7 =	sadd.s32 $0x11A00, s0;
	s8 =	sshll.u32 s8, $0x7;
	s11 =	sadd.s32 $0x1800, s0  }
0x8: {  	s13 =	sadd.s32 $0x9800, s0;
	s9 =	sshll.u32 s5, $0x6;
	s5 =	ssub.s32 $0x2, s5  }
0x9: {  	_ =	strace $0x8000004A;
	s12 =	sor.u32 s9, s8;
	s10 =	sshrl.u32 s5, $0x1  }
0xa: {  	s9 =	sshrl.u32 s12, $0x3;
	s5 =	ssub.s32 s5, s10;
	s15 =	sshll.u32 s12, $0x4  }
0xb: {  	s10 =	sadd.s32 $0x291F00, s0;
	s17 =	sshll.u32 s12, $0x7;
	s14 =	sadd.s32 s6, s9  }
0xc: {  	s9 =	sadd.s32 s7, s9;
	s16 =	sadd.s32 s11, s15;
	[dreg:$0x3] =	wrdreg s14  }
0xd: {  	s8 =	sadd.s32 s13, s15;
	s15 =	sadd.s32 s4, s17;
	[dreg:$0x4] =	wrdreg s9  }
0xe: {  	s26 =	smax.u32 s5, $0x1;
	s5 =	simm.s32 $0x1;
	[dreg:$0x5] =	wrdreg s16  }
0xf: {  	[dreg:$0x6] =	wrdreg s8;
	s8 =	sadd.s32 $0x291D00, s0;
	s9 =	sadd.s32 $0x291E00, s0  }
0x10: {  	s14 =	sor.u32 $0x20, s12;
	[dreg:$0x7] =	wrdreg s15;
	s0 =	sadd.s32 s2, s17  }
0x11: {  	[dreg:$0xf] =	wrdreg s26;
	s26 =	simm.s32 $0xA000;
	s12 =	simm.s32 $0xD000  }
0x12: {  	s15 =	simm.s32 $0x0;
	s18 =	sshrl.u32 s14, $0x3;
	[dreg:$0x8] =	wrdreg s0  }
0x13: {  	s21 =	sshll.u32 s14, $0x4;
	s22 =	sshll.u32 s14, $0x7;
	s19 =	sadd.s32 s6, s18  }
0x14: {  	s14 =	simm.s32 $0xF000;
	s20 =	sadd.s32 s7, s18;
	[dreg:$0x9] =	wrdreg s19  }
0x15: {  	s23 =	sadd.s32 s11, s21;
	s0 =	sadd.s32 s13, s21;
	[dreg:$0xa] =	wrdreg s20  }
0x16: {  	v0 =	vlaneseq.u32;
	s24 =	sadd.s32 s4, s22;
	s25 =	sadd.s32 s2, s22;
	[dreg:$0xb] =	wrdreg s23  }
0x17: {  	v1 =	vand.u32 $0x7, v0;
	v63 =	vshrl.u32 v0, $0x3;
	s21 =	simm.s32 $0x2;
	s11 =	simm.s32 $0xC000;
	[dreg:$0xc] =	wrdreg s0  }
0x18: {  	v0 =	vor.u32 $0x8, v0;
	[tilespmem:$0x1FFD0] =	vst v1;
	v1 =	vmul.u32 $0x8, v63;
	s13 =	simm.s32 $0xE000;
	s2 =	simm.s32 $0xE800;
	[dreg:$0xd] =	wrdreg s24  }
0x19: {  	[tilespmem:$0x1FFF0] =	vst v0;
	s4 =	simm.s32 $0xF800;
	[dreg:$0xe] =	wrdreg s25;
	s24 =	simm.s32 $0x9000  }
0x1a: {  	vm0 =	vmmov $0xffff;
	[tilespmem:$0x1FFE0] =	vst v1;
	s25 =	simm.s32 $0x9800;
	s0 =	simm.s32 $0xD800;
	s20 =	simm.s32 $0x10000  }
.LBB2_1:
0x1b: {  	s6 =	rddreg [dreg:$0x3];
	s7 =	simm.s32 $0x1A000  }
0x1c: {  	[tilespmem:s7], [sflag:$0x2] =	stream.linear.gather [hbm4b:s6+s1], $0x20, $0x38;
	[tilespmem:$0x1A100] =	vst v63  }
0x1d: {  	_ =	swait.ge [sflag:s21], $0x20  }
0x1e: {  	[sflag:s21] =	ssyncset.done $0x0  }
0x1f: {  	s16 =	simm.s32 $0x1A080;
	s7 =	rddreg [dreg:$0x4];
	[sflag:s21] =	ssyncadd.s32 $0xFFFFFFE0  }
0x20: {  	[tilespmem:s16], [sflag:$0x2] =	stream.linear.gather [hbm4b:s7+s1], $0x20, $0x38;
	[tilespmem:$0x1A100] =	vst v63  }
0x21: {  	_ =	swait.ge [sflag:s21], $0x20  }
0x22: {  	[sflag:s21] =	ssyncset.done $0x0  }
0x23: {  	s6 =	simm.s32 $0x18000;
	s17 =	rddreg [dreg:$0x5];
	[sflag:s21] =	ssyncadd.s32 $0xFFFFFFE0  }
0x24: {  	[tilespmem:s6], [sflag:$0x2] =	stream.linear.gather [hbm4b:s17+s1], $0x1000, $0x38;
	[tilespmem:$0x1A100] =	vst v63  }
0x25: {  	_ =	swait.ge [sflag:s21], $0x1000  }
0x26: {  	[sflag:s21] =	ssyncset.done $0x0  }
0x27: {  	s16 =	simm.s32 $0x19000;
	s18 =	rddreg [dreg:$0x6];
	[sflag:s21] =	ssyncadd.s32 $0xFFFFF000  }
0x28: {  	[tilespmem:s16], [sflag:$0x2] =	stream.linear.gather [hbm4b:s18+s1], $0x1000, $0x38;
	[tilespmem:$0x1A100] =	vst v63  }
0x29: {  	_ =	swait.ge [sflag:s21], $0x1000  }
0x2a: {  	[sflag:s21] =	ssyncset.done $0x0  }
0x2b: {  	[sflag:s21] =	ssyncadd.s32 $0xFFFFF000  }
0x2c: {  	v0 =	vld [tilespmem:$0x1A000];
	_ =	sdelay $0x2  }
0x2d: {  	v1 =	vld [tilespmem:$0x1FFD0];
	_ =	sdelay $0x1  }
0x2e: {  	v3 =	vld [tilespmem:$0x1FFE0];
	v2 =	vshll.u32 v0, $0x3  }
0x2f: {  	v0 =	vand.u32 $0x7, v0;
	v2 =	vand.u32 $0xFFFFFFC0, v2  }
0x30: {  	v0 =	vor.u32 v0, v2  }
0x31: {  	v2 =	vperm.xlane v0, v1;
	_ =	sdelay $0x1  }
0x32: {  	v2 =	vadd.s32 v3, v2  }
0x33: {  	v4 =	vld [tilespmem:$0x1FFF0];
	_ =	sdelay $0x3  }
0x34: {  	[tilespmem:s1], [sflag:$0x1] =	stream.indirect_vreg.gather [hbm4b:s3+s1], $0x80, v2, vm0, $0xb8;
	[tilespmem:$0x1A100] =	vst v63  }
0x35: {  	s19 =	simm.s32 $0x800;
	v0 =	vperm.xlane v0, v4  }
0x36: {  	[tilespmem:s19], [sflag:$0x1] =	stream.indirect_vreg.gather [hbm4b:s8+s1], $0x80, v2, vm0, $0xb8;
	[tilespmem:$0x1A100] =	vst v63  }
0x37: {  	s22 =	simm.s32 $0x1000;
	v0 =	vadd.s32 v3, v0  }
0x38: {  	[tilespmem:s22], [sflag:$0x1] =	stream.indirect_vreg.gather [hbm4b:s9+s1], $0x80, v2, vm0, $0xb8;
	[tilespmem:$0x1A100] =	vst v63  }
0x39: {  	s23 =	simm.s32 $0x1800  }
0x3a: {  	[tilespmem:s23], [sflag:$0x1] =	stream.indirect_vreg.gather [hbm4b:s10+s1], $0x80, v2, vm0, $0xb8;
	[tilespmem:$0x1A100] =	vst v63  }
0x3b: {  	s17 =	simm.s32 $0x2000  }
0x3c: {  	[tilespmem:s17], [sflag:$0x1] =	stream.indirect_vreg.gather [hbm4b:s3+s1], $0x80, v0, vm0, $0xb8;
	[tilespmem:$0x1A100] =	vst v63  }
0x3d: {  	s18 =	simm.s32 $0x2800  }
0x3e: {  	[tilespmem:s18], [sflag:$0x1] =	stream.indirect_vreg.gather [hbm4b:s8+s1], $0x80, v0, vm0, $0xb8;
	[tilespmem:$0x1A100] =	vst v63  }
0x3f: {  	s19 =	simm.s32 $0x3000  }
0x40: {  	[tilespmem:s19], [sflag:$0x1] =	stream.indirect_vreg.gather [hbm4b:s9+s1], $0x80, v0, vm0, $0xb8;
	[tilespmem:$0x1A100] =	vst v63  }
0x41: {  	s22 =	simm.s32 $0x3800  }
0x42: {  	[tilespmem:s22], [sflag:$0x1] =	stream.indirect_vreg.gather [hbm4b:s10+s1], $0x80, v0, vm0, $0xb8;
	[tilespmem:$0x1A100] =	vst v63  }
0x43: {  	v0 =	vld [tilespmem:$0x1A010];
	_ =	sdelay $0x4  }
0x44: {  	v61 =	vshll.u32 v0, $0x3  }
0x45: {  	v0 =	vand.u32 $0x7, v0;
	v2 =	vand.u32 $0xFFFFFFC0, v61  }
0x46: {  	v0 =	vor.u32 v0, v2  }
0x47: {  	v2 =	vperm.xlane v0, v1;
	_ =	sdelay $0x1  }
0x48: {  	v2 =	vadd.s32 v3, v2;
	_ =	sdelay $0x3  }
0x49: {  	s23 =	simm.s32 $0x4000  }
0x4a: {  	[tilespmem:s23], [sflag:$0x1] =	stream.indirect_vreg.gather [hbm4b:s3+s1], $0x80, v2, vm0, $0xb8;
	[tilespmem:$0x1A100] =	vst v63  }
0x4b: {  	s17 =	simm.s32 $0x4800;
	v0 =	vperm.xlane v0, v4  }
0x4c: {  	[tilespmem:s17], [sflag:$0x1] =	stream.indirect_vreg.gather [hbm4b:s8+s1], $0x80, v2, vm0, $0xb8;
	[tilespmem:$0x1A100] =	vst v63  }
0x4d: {  	s18 =	simm.s32 $0x5000;
	v0 =	vadd.s32 v3, v0  }
0x4e: {  	[tilespmem:s18], [sflag:$0x1] =	stream.indirect_vreg.gather [hbm4b:s9+s1], $0x80, v2, vm0, $0xb8;
	[tilespmem:$0x1A100] =	vst v63  }
0x4f: {  	s19 =	simm.s32 $0x5800  }
0x50: {  	[tilespmem:s19], [sflag:$0x1] =	stream.indirect_vreg.gather [hbm4b:s10+s1], $0x80, v2, vm0, $0xb8;
	[tilespmem:$0x1A100] =	vst v63  }
0x51: {  	s22 =	simm.s32 $0x6000  }
0x52: {  	[tilespmem:s22], [sflag:$0x1] =	stream.indirect_vreg.gather [hbm4b:s3+s1], $0x80, v0, vm0, $0xb8;
	[tilespmem:$0x1A100] =	vst v63  }
0x53: {  	s23 =	simm.s32 $0x6800  }
0x54: {  	[tilespmem:s23], [sflag:$0x1] =	stream.indirect_vreg.gather [hbm4b:s8+s1], $0x80, v0, vm0, $0xb8;
	[tilespmem:$0x1A100] =	vst v63  }
0x55: {  	s17 =	simm.s32 $0x7000  }
0x56: {  	[tilespmem:s17], [sflag:$0x1] =	stream.indirect_vreg.gather [hbm4b:s9+s1], $0x80, v0, vm0, $0xb8;
	[tilespmem:$0x1A100] =	vst v63  }
0x57: {  	s18 =	simm.s32 $0x7800  }
0x58: {  	[tilespmem:s18], [sflag:$0x1] =	stream.indirect_vreg.gather [hbm4b:s10+s1], $0x80, v0, vm0, $0xb8;
	[tilespmem:$0x1A100] =	vst v63  }
0x59: {  	v0 =	vld [tilespmem:$0x1A080];
	_ =	sdelay $0x4  }
0x5a: {  	v62 =	vshll.u32 v0, $0x3  }
0x5b: {  	v0 =	vand.u32 $0x7, v0;
	v2 =	vand.u32 $0xFFFFFFC0, v62  }
0x5c: {  	v0 =	vor.u32 v0, v2  }
0x5d: {  	v2 =	vperm.xlane v0, v1;
	_ =	sdelay $0x1  }
0x5e: {  	v2 =	vadd.s32 v3, v2;
	_ =	sdelay $0x3  }
0x5f: {  	s19 =	simm.s32 $0x8000  }
0x60: {  	[tilespmem:s19], [sflag:$0x1] =	stream.indirect_vreg.gather [hbm4b:s3+s1], $0x80, v2, vm0, $0xb8;
	[tilespmem:$0x1A100] =	vst v63  }
0x61: {  	s22 =	simm.s32 $0x8800;
	v0 =	vperm.xlane v0, v4  }
0x62: {  	[tilespmem:s22], [sflag:$0x1] =	stream.indirect_vreg.gather [hbm4b:s8+s1], $0x80, v2, vm0, $0xb8;
	[tilespmem:$0x1A100] =	vst v63  }
0x63: {  	v0 =	vadd.s32 v3, v0  }
0x64: {  	[tilespmem:s24], [sflag:$0x1] =	stream.indirect_vreg.gather [hbm4b:s9+s1], $0x80, v2, vm0, $0xb8;
	[tilespmem:$0x1A100] =	vst v63  }
0x65: {  	_ = 	snop  }
0x66: {  	[tilespmem:s25], [sflag:$0x1] =	stream.indirect_vreg.gather [hbm4b:s10+s1], $0x80, v2, vm0, $0xb8;
	[tilespmem:$0x1A100] =	vst v63  }
0x67: {  	_ = 	snop  }
0x68: {  	[tilespmem:s26], [sflag:$0x1] =	stream.indirect_vreg.gather [hbm4b:s3+s1], $0x80, v0, vm0, $0xb8;
	[tilespmem:$0x1A100] =	vst v63  }
0x69: {  	_ = 	snop  }
0x6a: {  	[tilespmem:s28], [sflag:$0x1] =	stream.indirect_vreg.gather [hbm4b:s8+s1], $0x80, v0, vm0, $0xb8;
	[tilespmem:$0x1A100] =	vst v63  }
0x6b: {  	_ = 	snop  }
0x6c: {  	[tilespmem:s29], [sflag:$0x1] =	stream.indirect_vreg.gather [hbm4b:s9+s1], $0x80, v0, vm0, $0xb8;
	[tilespmem:$0x1A100] =	vst v63  }
0x6d: {  	_ = 	snop  }
0x6e: {  	[tilespmem:s30], [sflag:$0x1] =	stream.indirect_vreg.gather [hbm4b:s10+s1], $0x80, v0, vm0, $0xb8;
	[tilespmem:$0x1A100] =	vst v63  }
0x6f: {  	v0 =	vld [tilespmem:$0x1A090];
	_ =	sdelay $0x4  }
0x70: {  	v63 =	vshll.u32 v0, $0x3  }
0x71: {  	v0 =	vand.u32 $0x7, v0;
	v2 =	vand.u32 $0xFFFFFFC0, v63  }
0x72: {  	v0 =	vor.u32 v0, v2  }
0x73: {  	v2 =	vperm.xlane v0, v1;
	_ =	sdelay $0x1  }
0x74: {  	v2 =	vadd.s32 v3, v2;
	_ =	sdelay $0x4  }
0x75: {  	[tilespmem:s11], [sflag:$0x1] =	stream.indirect_vreg.gather [hbm4b:s3+s1], $0x80, v2, vm0, $0xb8;
	[tilespmem:$0x1A100] =	vst v63  }
0x76: {  	v0 =	vperm.xlane v0, v4  }
0x77: {  	[tilespmem:s31], [sflag:$0x1] =	stream.indirect_vreg.gather [hbm4b:s8+s1], $0x80, v2, vm0, $0xb8;
	[tilespmem:$0x1A100] =	vst v63  }
0x78: {  	v0 =	vadd.s32 v3, v0  }
0x79: {  	[tilespmem:s12], [sflag:$0x1] =	stream.indirect_vreg.gather [hbm4b:s9+s1], $0x80, v2, vm0, $0xb8;
	[tilespmem:$0x1A100] =	vst v63  }
0x7a: {  	_ = 	snop  }
0x7b: {  	[tilespmem:s0], [sflag:$0x1] =	stream.indirect_vreg.gather [hbm4b:s10+s1], $0x80, v2, vm0, $0xb8;
	[tilespmem:$0x1A100] =	vst v63  }
0x7c: {  	_ = 	snop  }
0x7d: {  	[tilespmem:s13], [sflag:$0x1] =	stream.indirect_vreg.gather [hbm4b:s3+s1], $0x80, v0, vm0, $0xb8;
	[tilespmem:$0x1A100] =	vst v63  }
0x7e: {  	_ = 	snop  }
0x7f: {  	[tilespmem:s2], [sflag:$0x1] =	stream.indirect_vreg.gather [hbm4b:s8+s1], $0x80, v0, vm0, $0xb8;
	[tilespmem:$0x1A100] =	vst v63  }
0x80: {  	_ = 	snop  }
0x81: {  	[tilespmem:s14], [sflag:$0x1] =	stream.indirect_vreg.gather [hbm4b:s9+s1], $0x80, v0, vm0, $0xb8;
	[tilespmem:$0x1A100] =	vst v63  }
0x82: {  	_ = 	snop  }
0x83: {  	[tilespmem:s4], [sflag:$0x1] =	stream.indirect_vreg.gather [hbm4b:s10+s1], $0x80, v0, vm0, $0xb8;
	[tilespmem:$0x1A100] =	vst v63  }
0x84: {  	s23 =	rddreg [dreg:$0x7]  }
0x85: {  	[tilespmem:s20], [sflag:$0x1] =	stream.linear.gather [hbm4b:s23+s1], $0x8000, $0x38;
	[tilespmem:$0x1A100] =	vst v63  }
0x86: {  	_ =	swait.ge [sflag:s5], $0x8000  }
0x87: {  	[sflag:s5] =	ssyncset.done $0x0  }
0x88: {  	[sflag:s5] =	ssyncadd.s32 $0xFFFF8000  }
0x89: {  	_ =	swait.ge [sflag:s5], $0x8000  }
0x8a: {  	[sflag:s5] =	ssyncset.done $0x0  }
0x8b: {  	[sflag:s5] =	ssyncadd.s32 $0xFFFF8000  }
0x8c: {  	_ =	swait.ge [sflag:s5], $0x8000  }
0x8d: {  	s7 =	simm.s32 $0x0;
	[sflag:s5] =	ssyncset.done $0x0  }
0x8e: {  	s17 =	simm.s32 $0x0;
	s22 =	simm.s32 $0x0;
	[sflag:s5] =	ssyncadd.s32 $0xFFFF8000  }
.LBB2_2:
0x8f: {  	s18 =	sand.u32 $0x6000, s17;
	s23 =	sand.u32 $0x380, s7  }
0x90: {  	s18 =	sor.u32 s23, s18  }
0x91: {  	v0 =	vld [tilespmem:s18+$0x10800];
	_ =	sdelay $0x4  }
0x92: {  	[tilespmem:$0x1FE10] =	vst v0;
	v0 =	vld [tilespmem:s18+$0x10850];
	_ =	sdelay $0x4  }
0x93: {  	[tilespmem:$0x1FEA0] =	vst v0;
	v0 =	vld [tilespmem:s18+$0x860];
	_ =	sdelay $0x4  }
0x94: {  	[tilespmem:$0x1FE50] =	vst v0;
	v0 =	vld [tilespmem:s18+$0x8860];
	_ =	sdelay $0x4  }
0x95: {  	[tilespmem:$0x1FE60] =	vst v0;
	v0 =	vld [tilespmem:s18+$0x10860];
	_ =	sdelay $0x4  }
0x96: {  	[tilespmem:$0x1FEB0] =	vst v0;
	v0 =	vld [tilespmem:s18+$0x870];
	_ =	sdelay $0x4  }
0x97: {  	[tilespmem:$0x1FE70] =	vst v0;
	v0 =	vld [tilespmem:s18+$0x8870];
	_ =	sdelay $0x4  }
0x98: {  	[tilespmem:$0x1FE80] =	vst v0;
	v0 =	vld [tilespmem:s18+$0x10870];
	_ =	sdelay $0x1  }
0x99: {  	v3 =	vld [tilespmem:s6+$0x0]  }
0x9a: {  	v4 =	vld [tilespmem:s16+$0x0]  }
0x9b: {  	v2 =	vld [tilespmem:s18+$0x0]  }
0x9c: {  	[tilespmem:$0x1FEE0] =	vst v0;
	v0 =	vld [tilespmem:s18+$0xC00]  }
0x9d: {  	v6 =	vld [tilespmem:s18+$0x8000]  }
0x9e: {  	v8 =	vld [tilespmem:s18+$0x10000]  }
0x9f: {  	v10 =	vld [tilespmem:s18+$0x10]  }
0xa0: {  	v16 =	vld [tilespmem:s18+$0x8010]  }
0xa1: {  	[tilespmem:$0x1FEC0] =	vst v0;
	v0 =	vld [tilespmem:s18+$0x8C00]  }
0xa2: {  	v17 =	vld [tilespmem:s18+$0x10010]  }
0xa3: {  	v18 =	vld [tilespmem:s18+$0x20]  }
0xa4: {  	v19 =	vld [tilespmem:s18+$0x8020]  }
0xa5: {  	v23 =	vld [tilespmem:s18+$0x10020]  }
0xa6: {  	[tilespmem:$0x1FED0] =	vst v0;
	v0 =	vld [tilespmem:s18+$0x10C00]  }
0xa7: {  	v20 =	vld [tilespmem:s18+$0x30]  }
0xa8: {  	v25 =	vld [tilespmem:s18+$0x8030]  }
0xa9: {  	v26 =	vld [tilespmem:s18+$0x10030]  }
0xaa: {  	v29 =	vld [tilespmem:s18+$0x40]  }
0xab: {  	[tilespmem:$0x1FF50] =	vst v0;
	v0 =	vld [tilespmem:s18+$0xC10]  }
0xac: {  	v35 =	vld [tilespmem:s18+$0x8040]  }
0xad: {  	v37 =	vld [tilespmem:s18+$0x10040]  }
0xae: {  	v40 =	vld [tilespmem:s18+$0x50]  }
0xaf: {  	v41 =	vld [tilespmem:s18+$0x8050]  }
0xb0: {  	[tilespmem:$0x1FEF0] =	vst v0;
	v0 =	vld [tilespmem:s18+$0x8C10]  }
0xb1: {  	v43 =	vld [tilespmem:s18+$0x10050]  }
0xb2: {  	v44 =	vld [tilespmem:s18+$0x60]  }
0xb3: {  	v47 =	vld [tilespmem:s18+$0x8060]  }
0xb4: {  	v49 =	vld [tilespmem:s18+$0x10060]  }
0xb5: {  	[tilespmem:$0x1FF00] =	vst v0;
	v0 =	vld [tilespmem:s18+$0x10C10]  }
0xb6: {  	v55 =	vld [tilespmem:s18+$0x70]  }
0xb7: {  	v58 =	vld [tilespmem:s18+$0x8070]  }
0xb8: {  	v21 =	vld [tilespmem:s18+$0x10070]  }
0xb9: {  	v15 =	vld [tilespmem:s18+$0x400]  }
0xba: {  	[tilespmem:$0x1FF60] =	vst v0;
	v0 =	vld [tilespmem:s18+$0xC20]  }
0xbb: {  	v5 =	vld [tilespmem:s18+$0x8400]  }
0xbc: {  	v38 =	vld [tilespmem:s18+$0x10400]  }
0xbd: {  	v7 =	vld [tilespmem:s18+$0x410]  }
0xbe: {  	v9 =	vld [tilespmem:s18+$0x8410]  }
0xbf: {  	[tilespmem:$0x1FF10] =	vst v0;
	v0 =	vld [tilespmem:s18+$0x8C20]  }
0xc0: {  	v32 =	vld [tilespmem:s18+$0x10410]  }
0xc1: {  	v11 =	vld [tilespmem:s18+$0x420]  }
0xc2: {  	v12 =	vld [tilespmem:s18+$0x8420]  }
0xc3: {  	v36 =	vld [tilespmem:s18+$0x10420]  }
0xc4: {  	[tilespmem:$0x1FF20] =	vst v0;
	v0 =	vld [tilespmem:s18+$0x10C20]  }
0xc5: {  	v13 =	vld [tilespmem:s18+$0x430]  }
0xc6: {  	v14 =	vld [tilespmem:s18+$0x8430]  }
0xc7: {  	v39 =	vld [tilespmem:s18+$0x10430]  }
0xc8: {  	v22 =	vld [tilespmem:s18+$0x440]  }
0xc9: {  	[tilespmem:$0x1FF70] =	vst v0;
	v0 =	vld [tilespmem:s18+$0xC30]  }
0xca: {  	v24 =	vld [tilespmem:s18+$0x8440]  }
0xcb: {  	v53 =	vld [tilespmem:s18+$0x10440]  }
0xcc: {  	v27 =	vld [tilespmem:s18+$0x450]  }
0xcd: {  	v28 =	vld [tilespmem:s18+$0x8450]  }
0xce: {  	[tilespmem:$0x1FF30] =	vst v0;
	v0 =	vld [tilespmem:s18+$0x8C30]  }
0xcf: {  	v61 =	vld [tilespmem:s18+$0x10450]  }
0xd0: {  	v30 =	vld [tilespmem:s18+$0x460]  }
0xd1: {  	v31 =	vld [tilespmem:s18+$0x8460]  }
0xd2: {  	v62 =	vld [tilespmem:s18+$0x10460]  }
0xd3: {  	[tilespmem:$0x1FF40] =	vst v0;
	v0 =	vld [tilespmem:s18+$0x10C30]  }
0xd4: {  	v33 =	vld [tilespmem:s18+$0x470]  }
0xd5: {  	v34 =	vld [tilespmem:s18+$0x8470]  }
0xd6: {  	v54 =	vld [tilespmem:s18+$0x10470]  }
0xd7: {  	v42 =	vld [tilespmem:s18+$0x800]  }
0xd8: {  	[tilespmem:$0x1FFA0] =	vst v0;
	v0 =	vld [tilespmem:s18+$0xC40]  }
0xd9: {  	v45 =	vld [tilespmem:s18+$0x8800]  }
0xda: {  	v46 =	vld [tilespmem:s18+$0x810]  }
0xdb: {  	v48 =	vld [tilespmem:s18+$0x8810]  }
0xdc: {  	v51 =	vld [tilespmem:s18+$0x10810]  }
0xdd: {  	[tilespmem:$0x1FF80] =	vst v0;
	v0 =	vld [tilespmem:s18+$0x8C40]  }
0xde: {  	v50 =	vld [tilespmem:s18+$0x820]  }
0xdf: {  	v52 =	vld [tilespmem:s18+$0x10820]  }
0xe0: {  	v1 =	vld [tilespmem:s18+$0xC50]  }
0xe1: {  	v63 =	vld [tilespmem:s18+$0x830]  }
0xe2: {  	[tilespmem:$0x1FF90] =	vst v0;
	v0 =	vld [tilespmem:s18+$0x10C40]  }
0xe3: {  	v56 =	vld [tilespmem:s18+$0x10830]  }
0xe4: {  	v59 =	vld [tilespmem:s18+$0x840];
	v6 =	vmul.f32 v6, v4  }
0xe5: {  	v57 =	vld [tilespmem:s18+$0x10840];
	[tilespmem:$0x1FFB0] =	vst v1;
	v10 =	vmul.f32 v10, v3;
	v1 =	vmul.f32 v16, v4  }
0xe6: {  	v60 =	vld [tilespmem:s18+$0x8840];
	[tilespmem:$0x1FE20] =	vst v51;
	v18 =	vmul.f32 v18, v3;
	v25 =	vmul.f32 v25, v4  }
0xe7: {  	v51 =	vld [tilespmem:s18+$0x8820];
	v55 =	vmul.f32 v55, v3;
	[tilespmem:$0x1FFC0] =	vst v0;
	v0 =	vmul.f32 v2, v3  }
0xe8: {  	[tilespmem:$0x1FE30] =	vst v52;
	v52 =	vld [tilespmem:s18+$0x8830];
	v58 =	vmul.f32 v58, v4;
	v7 =	vmul.f32 v7, v3  }
0xe9: {  	[tilespmem:$0x1FE40] =	vst v56;
	v56 =	vld [tilespmem:s18+$0x850];
	v9 =	vmul.f32 v9, v4;
	v2 =	vadd.f32 v6, v0;
	v0 =	vmul.f32 v19, v4  }
0xea: {  	[tilespmem:$0x1FE90] =	vst v57;
	v57 =	vld [tilespmem:s18+$0x8850];
	v11 =	vmul.f32 v11, v3;
	v1 =	vadd.f32 v1, v10;
	v10 =	vmul.f32 v20, v3  }
0xeb: {  	v16 =	vld [tilespmem:s18+$0x8C50];
	v12 =	vmul.f32 v12, v4;
	v7 =	vadd.f32 v9, v7;
	v0 =	vadd.f32 v0, v18  }
0xec: {  	v5 =	vmul.f32 v5, v4;
	v20 =	vld [tilespmem:s18+$0x8C60];
	v18 =	vadd.f32 v1, v17;
	v1 =	vadd.f32 v25, v10  }
0xed: {  	v11 =	vadd.f32 v12, v11;
	v9 =	vld [tilespmem:s18+$0x11020];
	v10 =	vmul.f32 v29, v3;
	v29 =	vmul.f32 v35, v4  }
0xee: {  	v12 =	vld [tilespmem:s18+$0x11030];
	v0 =	vadd.f32 v0, v23;
	v26 =	vadd.f32 v1, v26;
	v1 =	vmul.f32 v40, v3  }
0xef: {  	v6 =	vld [tilespmem:s18+$0x10C50];
	v10 =	vadd.f32 v29, v10;
	v29 =	vmul.f32 v44, v3;
	v40 =	vmul.f32 v47, v4  }
0xf0: {  	v19 =	vld [tilespmem:s18+$0xC60];
	v23 =	vmul.f32 v41, v4;
	v41 =	vadd.f32 v58, v55;
	v55 =	vmul.f32 v15, v3  }
0xf1: {  	v2 =	vadd.f32 v2, v8;
	v8 =	vld [tilespmem:s18+$0x10C60];
	v40 =	vadd.f32 v40, v29  }
0xf2: {  	v25 =	vld [tilespmem:s18+$0xC70];
	v58 =	vadd.f32 v5, v55  }
0xf3: {  	v35 =	vld [tilespmem:s18+$0x8C70];
	v55 =	vmul.f32 v14, v4;
	v40 =	vadd.f32 v40, v49;
	v49 =	vmul.f32 v13, v3  }
0xf4: {  	v20 =	vmul.f32 v20, v4;
	v17 =	vld [tilespmem:s18+$0x10C70]  }
0xf5: {  	v15 =	vld [tilespmem:s18+$0x1010];
	v47 =	vmul.f32 v28, v4;
	v14 =	vadd.f32 v58, v38;
	v58 =	vadd.f32 v55, v49  }
0xf6: {  	v44 =	vld [tilespmem:s18+$0x9020];
	v19 =	vmul.f32 v19, v3;
	v1 =	vadd.f32 v23, v1;
	v38 =	vadd.f32 v7, v32  }
0xf7: {  	v23 =	vld [tilespmem:s18+$0x1000];
	v32 =	vmul.f32 v22, v3;
	v22 =	vadd.f32 v58, v39;
	v39 =	vmul.f32 v27, v3  }
0xf8: {  	v37 =	vadd.f32 v10, v37;
	v29 =	vld [tilespmem:s18+$0x9000];
	v13 =	vadd.f32 v11, v36;
	v36 =	vmul.f32 v24, v4  }
0xf9: {  	v10 =	vld [tilespmem:s18+$0x11000];
	v24 =	vmul.f32 v33, v3;
	v7 =	vadd.f32 v47, v39;
	v39 =	vmul.f32 v34, v4  }
0xfa: {  	v41 =	vadd.f32 v41, v21;
	v21 =	vld [tilespmem:s18+$0x9010];
	v11 =	vadd.f32 v36, v32  }
0xfb: {  	v5 =	vld [tilespmem:s18+$0x11010];
	v19 =	vadd.f32 v20, v19;
	v39 =	vadd.f32 v39, v24  }
0xfc: {  	v20 =	vld [tilespmem:s18+$0x9440];
	v1 =	vadd.f32 v1, v43;
	v55 =	vmul.f32 v30, v3;
	v33 =	vadd.f32 v11, v53  }
0xfd: {  	v43 =	vld [tilespmem:s18+$0x1020];
	v53 =	vmul.f32 v50, v3;
	v30 =	vadd.f32 v39, v54;
	v54 =	vmul.f32 v51, v4  }
0xfe: {  	v49 =	vld [tilespmem:s18+$0x1030]  }
0xff: {  	v46 =	vmul.f32 v46, v3;
	v48 =	vmul.f32 v48, v4;
	v34 =	vadd.f32 v54, v53;
	v54 =	vld [tilespmem:$0x1FE30]  }
0x100: {  	v36 =	vmul.f32 v31, v4;
	v31 =	vld [tilespmem:s18+$0x11040]  }
0x101: {  	v32 =	vadd.f32 v48, v46;
	v46 =	vld [tilespmem:s18+$0x1070]  }
0x102: {  	v48 =	vmul.f32 v63, v3;
	v63 =	vmul.f32 v60, v4;
	v60 =	vld [tilespmem:$0x1FE60]  }
0x103: {  	v51 =	vld [tilespmem:$0x1FE10]  }
0x104: {  	v42 =	vmul.f32 v42, v3;
	v45 =	vmul.f32 v45, v4;
	v34 =	vadd.f32 v34, v54;
	v54 =	vld [tilespmem:$0x1FE40]  }
0x105: {  	v59 =	vmul.f32 v59, v3;
	v58 =	vld [tilespmem:s18+$0x9030];
	v50 =	vmul.f32 v52, v4  }
0x106: {  	v56 =	vmul.f32 v56, v3;
	v57 =	vmul.f32 v57, v4;
	v36 =	vadd.f32 v36, v55;
	v55 =	vld [tilespmem:s18+$0x9040]  }
0x107: {  	v28 =	vadd.f32 v45, v42;
	v52 =	vld [tilespmem:$0x1FE20];
	v53 =	vadd.f32 v50, v48  }
0x108: {  	[tilespmem:s18+$0x0] =	vst v2;
	v2 =	vadd.f32 v63, v59;
	v63 =	vadd.f32 v57, v56;
	v56 =	vld [tilespmem:$0x1FE80]  }
0x109: {  	v28 =	vadd.f32 v28, v51;
	v51 =	vadd.f32 v53, v54;
	v54 =	vld [tilespmem:$0x1FE70]  }
0x10a: {  	v11 =	vld [tilespmem:s18+$0x11050]  }
0x10b: {  	v42 =	vmul.f32 v60, v4;
	v60 =	vld [tilespmem:$0x1FEA0]  }
0x10c: {  	v59 =	vld [tilespmem:$0x1FE50]  }
0x10d: {  	v57 =	vld [tilespmem:$0x1FE90]  }
0x10e: {  	v47 =	vld [tilespmem:s18+$0x1040];
	v45 =	vadd.f32 v32, v52;
	v52 =	vmul.f32 v56, v4;
	v32 =	vmul.f32 v54, v3  }
0x10f: {  	v27 =	vadd.f32 v7, v61;
	v61 =	vld [tilespmem:s18+$0x1050]  }
0x110: {  	[tilespmem:s18+$0x10] =	vst v18;
	v18 =	vadd.f32 v63, v60;
	v63 =	vadd.f32 v52, v32;
	v52 =	vld [tilespmem:$0x1FEB0]  }
0x111: {  	v24 =	vadd.f32 v36, v62;
	v62 =	vld [tilespmem:s18+$0x9050];
	v39 =	vmul.f32 v59, v3  }
0x112: {  	v7 =	vld [tilespmem:s18+$0x1060]  }
0x113: {  	v36 =	vld [tilespmem:s18+$0x9060];
	v59 =	vadd.f32 v42, v39  }
0x114: {  	v56 =	vld [tilespmem:$0x1FEC0]  }
0x115: {  	[tilespmem:s18+$0x20] =	vst v0;
	v0 =	vadd.f32 v2, v57;
	v2 =	vadd.f32 v59, v52;
	v59 =	vld [tilespmem:$0x1FEE0]  }
0x116: {  	v57 =	vld [tilespmem:$0x1FED0]  }
0x117: {  	[tilespmem:s18+$0x450] =	vst v27;
	v27 =	vld [tilespmem:s18+$0x1450]  }
0x118: {  	v60 =	vld [tilespmem:$0x1FEF0]  }
0x119: {  	v50 =	vld [tilespmem:s18+$0x11060]  }
0x11a: {  	[tilespmem:s18+$0x50] =	vst v1;
	v1 =	vadd.f32 v63, v59;
	v63 =	vld [tilespmem:$0x1FF00]  }
0x11b: {  	v48 =	vld [tilespmem:s18+$0x11070]  }
0x11c: {  	v39 =	vld [tilespmem:s18+$0x9400]  }
0x11d: {  	[tilespmem:s18+$0x30] =	vst v26;
	v26 =	vmul.f32 v60, v3;
	v60 =	vld [tilespmem:$0x1FF10]  }
0x11e: {  	v42 =	vmul.f32 v57, v4;
	v57 =	vld [tilespmem:s18+$0x9410]  }
0x11f: {  	[tilespmem:s18+$0x40] =	vst v37;
	v37 =	vmul.f32 v56, v3;
	v56 =	vmul.f32 v63, v4;
	v63 =	vld [tilespmem:$0x1FF20]  }
0x120: {  	[tilespmem:s18+$0x850] =	vst v18;
	v18 =	vld [tilespmem:s18+$0x1470]  }
0x121: {  	v53 =	vld [tilespmem:s18+$0x9070]  }
0x122: {  	[tilespmem:s18+$0x60] =	vst v40;
	v40 =	vmul.f32 v60, v3;
	v60 =	vld [tilespmem:$0x1FF40]  }
0x123: {  	v54 =	vld [tilespmem:s18+$0x1400]  }
0x124: {  	v37 =	vadd.f32 v42, v37;
	v42 =	vmul.f32 v63, v4;
	v63 =	vld [tilespmem:$0x1FF50]  }
0x125: {  	v26 =	vadd.f32 v56, v26;
	v56 =	vld [tilespmem:$0x1FF30]  }
0x126: {  	v32 =	vld [tilespmem:s18+$0x11400]  }
0x127: {  	v58 =	vmul.f32 v58, v4;
	[tilespmem:s18+$0x830] =	vst v51;
	v51 =	vmul.f32 v49, v3;
	v52 =	vld [tilespmem:s18+$0x1410]  }
0x128: {  	[tilespmem:s18+$0x400] =	vst v14;
	v59 =	vld [tilespmem:s18+$0x11410]  }
0x129: {  	[tilespmem:s18+$0x800] =	vst v28;
	v28 =	vadd.f32 v58, v51;
	v14 =	vadd.f32 v37, v63;
	v63 =	vld [tilespmem:$0x1FF70]  }
0x12a: {  	[tilespmem:s18+$0x70] =	vst v41;
	v41 =	vmul.f32 v56, v3;
	v56 =	vmul.f32 v60, v4;
	v37 =	vadd.f32 v42, v40;
	v42 =	vld [tilespmem:$0x1FF60]  }
0x12b: {  	[tilespmem:s18+$0x870] =	vst v1;
	v1 =	vadd.f32 v28, v12;
	v28 =	vld [tilespmem:s18+$0x1800]  }
0x12c: {  	[tilespmem:s18+$0x410] =	vst v38;
	v38 =	vadd.f32 v56, v41;
	v56 =	vld [tilespmem:$0x1FF90]  }
0x12d: {  	v40 =	vld [tilespmem:s18+$0x9420]  }
0x12e: {  	[tilespmem:s18+$0x420] =	vst v13;
	v13 =	vadd.f32 v37, v63;
	v63 =	vld [tilespmem:$0x1FFA0]  }
0x12f: {  	v26 =	vadd.f32 v26, v42;
	v42 =	vld [tilespmem:$0x1FF80]  }
0x130: {  	v60 =	vld [tilespmem:s18+$0x1420]  }
0x131: {  	[tilespmem:s18+$0x430] =	vst v22;
	v41 =	vld [tilespmem:s18+$0x11420]  }
0x132: {  	[tilespmem:s18+$0xC00] =	vst v14;
	v14 =	vld [tilespmem:s18+$0x11470]  }
0x133: {  	[tilespmem:s18+$0x820] =	vst v34;
	v34 =	vmul.f32 v55, v4;
	v55 =	vmul.f32 v40, v4;
	v22 =	vadd.f32 v38, v63;
	v63 =	vld [tilespmem:$0x1FFB0]  }
0x134: {  	v40 =	vld [tilespmem:s18+$0x9830];
	v37 =	vmul.f32 v42, v3;
	v42 =	vmul.f32 v56, v4  }
0x135: {  	[tilespmem:s18+$0xC20] =	vst v13;
	v13 =	vld [tilespmem:s18+$0x11800]  }
0x136: {  	[tilespmem:s18+$0x440] =	vst v33;
	v33 =	vadd.f32 v42, v37;
	v42 =	vld [tilespmem:$0x1FFC0]  }
0x137: {  	v16 =	vmul.f32 v16, v4;
	v56 =	vld [tilespmem:s18+$0x1430]  }
0x138: {  	v25 =	vmul.f32 v25, v3;
	v37 =	vld [tilespmem:s18+$0x11430];
	v38 =	vmul.f32 v63, v3  }
0x139: {  	v8 =	vadd.f32 v19, v8;
	v15 =	vmul.f32 v15, v3;
	v43 =	vmul.f32 v43, v3;
	v63 =	vld [tilespmem:s18+$0x9430]  }
0x13a: {  	[tilespmem:s18+$0x810] =	vst v45;
	v45 =	vmul.f32 v44, v4;
	v16 =	vadd.f32 v16, v38;
	v38 =	vmul.f32 v35, v4;
	v35 =	vld [tilespmem:s18+$0x1440]  }
0x13b: {  	v20 =	vmul.f32 v20, v4;
	[tilespmem:s18+$0x460] =	vst v24;
	v24 =	vadd.f32 v33, v42;
	v42 =	vmul.f32 v21, v4;
	v21 =	vld [tilespmem:s18+$0x9450]  }
0x13c: {  	v33 =	vmul.f32 v23, v3;
	v23 =	vadd.f32 v45, v43;
	v43 =	vmul.f32 v36, v4;
	v36 =	vld [tilespmem:s18+$0x1830]  }
0x13d: {  	v44 =	vmul.f32 v46, v3;
	[tilespmem:s18+$0x470] =	vst v30;
	v7 =	vmul.f32 v7, v3;
	v30 =	vadd.f32 v38, v25;
	v25 =	vld [tilespmem:s18+$0x11440]  }
0x13e: {  	[tilespmem:s18+$0xC60] =	vst v8;
	v49 =	vmul.f32 v39, v4;
	v38 =	vmul.f32 v29, v4;
	v29 =	vld [tilespmem:s18+$0x11450]  }
0x13f: {  	v39 =	vmul.f32 v27, v3;
	[tilespmem:s18+$0x860] =	vst v2;
	v51 =	vmul.f32 v52, v3;
	v2 =	vadd.f32 v23, v9;
	v23 =	vld [tilespmem:s18+$0x9470]  }
0x140: {  	v52 =	vmul.f32 v57, v4;
	v45 =	vmul.f32 v53, v4;
	[tilespmem:s18+$0xC40] =	vst v24;
	v24 =	vld [tilespmem:s18+$0x1810]  }
0x141: {  	[tilespmem:s18+$0x840] =	vst v0;
	v15 =	vadd.f32 v42, v15;
	v42 =	vmul.f32 v62, v4;
	v7 =	vadd.f32 v43, v7;
	v62 =	vld [tilespmem:s18+$0x9820]  }
0x142: {  	[tilespmem:s18+$0x1030] =	vst v1;
	v57 =	vmul.f32 v56, v3;
	v46 =	vadd.f32 v45, v44;
	v19 =	vadd.f32 v38, v33;
	v33 =	vld [tilespmem:s18+$0x1460]  }
0x143: {  	[tilespmem:s18+$0xC10] =	vst v26;
	v6 =	vadd.f32 v16, v6;
	v44 =	vmul.f32 v18, v3;
	v16 =	vadd.f32 v30, v17;
	v17 =	vld [tilespmem:s18+$0x11460]  }
0x144: {  	[tilespmem:s18+$0xC30] =	vst v22;
	v58 =	vmul.f32 v63, v4;
	v7 =	vadd.f32 v7, v50;
	v50 =	vadd.f32 v46, v48;
	v46 =	vld [tilespmem:s18+$0x1840]  }
0x145: {  	v30 =	vmul.f32 v47, v3;
	v38 =	vmul.f32 v61, v3;
	[tilespmem:s18+$0xC50] =	vst v6;
	v0 =	vadd.f32 v19, v10;
	v19 =	vld [tilespmem:s18+$0x9460]  }
0x146: {  	v5 =	vadd.f32 v15, v5;
	v47 =	vmul.f32 v54, v3;
	v54 =	vmul.f32 v60, v3;
	[tilespmem:s18+$0x1020] =	vst v2;
	v10 =	vld [tilespmem:s18+$0x9800]  }
0x147: {  	v26 =	vadd.f32 v58, v57;
	v35 =	vmul.f32 v35, v3;
	v9 =	vadd.f32 v34, v30;
	v30 =	vld [tilespmem:s18+$0x9810];
	[tilespmem:s18+$0xC70] =	vst v16  }
0x148: {  	v21 =	vmul.f32 v21, v4;
	v12 =	vadd.f32 v42, v38;
	v53 =	vadd.f32 v49, v47;
	v34 =	vld [tilespmem:s18+$0x1820];
	[tilespmem:s18+$0x1010] =	vst v5  }
0x149: {  	v61 =	vadd.f32 v55, v54;
	v16 =	vld [tilespmem:s18+$0x11820];
	[tilespmem:s18+$0x1060] =	vst v7;
	v54 =	vmul.f32 v28, v3;
	v38 =	vadd.f32 v26, v37  }
0x14a: {  	v42 =	vld [tilespmem:s18+$0x11830];
	[tilespmem:s18+$0x1070] =	vst v50;
	v8 =	vadd.f32 v20, v35;
	v43 =	vadd.f32 v21, v39;
	v45 =	vmul.f32 v23, v4  }
0x14b: {  	v49 =	vld [tilespmem:s18+$0x1850];
	v57 =	vmul.f32 v24, v3;
	v9 =	vadd.f32 v9, v31;
	v11 =	vadd.f32 v12, v11;
	[tilespmem:s18+$0x1000] =	vst v0  }
0x14c: {  	v55 =	vld [tilespmem:s18+$0x1860];
	v62 =	vmul.f32 v62, v4;
	v12 =	vadd.f32 v52, v51;
	v60 =	vadd.f32 v53, v32;
	[tilespmem:s18+$0x1430] =	vst v38  }
0x14d: {  	v24 =	vmul.f32 v36, v3;
	v26 =	vld [tilespmem:s18+$0x9870];
	v32 =	vadd.f32 v61, v41;
	v47 =	vadd.f32 v8, v25;
	[tilespmem:s18+$0x1040] =	vst v9  }
0x14e: {  	v31 =	vld [tilespmem:s18+$0x11810];
	v41 =	vmul.f32 v33, v3;
	v50 =	vadd.f32 v43, v29;
	v51 =	vadd.f32 v45, v44;
	[tilespmem:s18+$0x1050] =	vst v11  }
0x14f: {  	v52 =	vld [tilespmem:s18+$0x9850];
	v25 =	vmul.f32 v40, v4;
	v44 =	vmul.f32 v46, v3;
	v63 =	vadd.f32 v12, v59;
	[tilespmem:s18+$0x1400] =	vst v60  }
0x150: {  	v59 =	vld [tilespmem:s18+$0x9860];
	[tilespmem:s18+$0x1420] =	vst v32;
	v19 =	vmul.f32 v19, v4;
	v10 =	vmul.f32 v10, v4;
	v56 =	vadd.f32 v51, v14  }
0x151: {  	v58 =	vmul.f32 v30, v4;
	v61 =	vmul.f32 v34, v3;
	v29 =	vadd.f32 v25, v24;
	[tilespmem:s18+$0x1410] =	vst v63;
	v63 =	vld [tilespmem:s18+$0x1870]  }
0x152: {  	v28 =	vld [tilespmem:s18+$0x9840];
	[tilespmem:s18+$0x1440] =	vst v47;
	v32 =	vmul.f32 v49, v3;
	v48 =	vadd.f32 v19, v41;
	v60 =	vadd.f32 v10, v54  }
0x153: {  	[tilespmem:s18+$0x1450] =	vst v50;
	v30 =	vld [tilespmem:s18+$0x11850];
	v36 =	vmul.f32 v55, v3;
	v23 =	vadd.f32 v58, v57;
	v35 =	vadd.f32 v29, v42  }
0x154: {  	v34 =	vld [tilespmem:s18+$0x11860];
	v27 =	vadd.f32 v62, v61;
	v33 =	vmul.f32 v52, v4;
	[tilespmem:s18+$0x1470] =	vst v56;
	v53 =	vadd.f32 v48, v17  }
0x155: {  	v38 =	vld [tilespmem:s18+$0x11870];
	v42 =	vmul.f32 v26, v4;
	v2 =	vadd.f32 v60, v13;
	v37 =	vmul.f32 v59, v4;
	[tilespmem:s18+$0x1830] =	vst v35  }
0x156: {  	v40 =	vld [tilespmem:s18+$0x11840];
	v1 =	vadd.f32 v23, v31;
	v39 =	vadd.f32 v33, v32;
	[tilespmem:s18+$0x1460] =	vst v53;
	v41 =	vmul.f32 v63, v3  }
0x157: {  	v8 =	vmul.f32 v28, v4;
	v31 =	vadd.f32 v27, v16;
	[tilespmem:s18+$0x1800] =	vst v2;
	v43 =	vadd.f32 v37, v36  }
0x158: {  	[tilespmem:s18+$0x1810] =	vst v1;
	v45 =	vadd.f32 v39, v30;
	v46 =	vadd.f32 v42, v41  }
0x159: {  	s19 =	sand.u32 $0x7, s22;
	v47 =	vadd.f32 v8, v44;
	[tilespmem:s18+$0x1820] =	vst v31;
	v1 =	vadd.f32 v43, v34  }
0x15a: {  	s23 =	sshll.u32 s19, $0x7;
	[tilespmem:s18+$0x1850] =	vst v45;
	v48 =	vadd.f32 v46, v38  }
0x15b: {  	s23 =	sadd.s32 s23, s17;
	v49 =	vadd.f32 v47, v40;
	[tilespmem:s18+$0x1860] =	vst v1  }
0x15c: {  	s19 =	sor.u32 $0x1C00, s23;
	[tilespmem:s18+$0x1870] =	vst v48  }
0x15d: {  	[tilespmem:s18+$0x1840] =	vst v49;
	v0 =	vld [tilespmem:s19+$0x0]  }
0x15e: {  	v1 =	vld [tilespmem:s19+$0x8000];
	_ =	sdelay $0x3  }
0x15f: {  	v2 =	vld [tilespmem:s19+$0x10000]  }
0x160: {  	v0 =	vmul.f32 v0, v3;
	v1 =	vmul.f32 v1, v4;
	_ =	sdelay $0x1  }
0x161: {  	v0 =	vadd.f32 v1, v0;
	_ =	sdelay $0x1  }
0x162: {  	v0 =	vadd.f32 v0, v2;
	_ =	sdelay $0x1  }
0x163: {  	[tilespmem:s19+$0x0] =	vst v0;
	s19 =	sor.u32 $0x1C10, s23  }
0x164: {  	v0 =	vld [tilespmem:s19+$0x0]  }
0x165: {  	v50 =	vld [tilespmem:s19+$0x8000];
	_ =	sdelay $0x3  }
0x166: {  	v51 =	vld [tilespmem:s19+$0x10000]  }
0x167: {  	v0 =	vmul.f32 v0, v3;
	v1 =	vmul.f32 v50, v4;
	_ =	sdelay $0x1  }
0x168: {  	v0 =	vadd.f32 v1, v0;
	_ =	sdelay $0x1  }
0x169: {  	v0 =	vadd.f32 v0, v51;
	_ =	sdelay $0x1  }
0x16a: {  	[tilespmem:s19+$0x0] =	vst v0;
	s19 =	sor.u32 $0x1C20, s23  }
0x16b: {  	v0 =	vld [tilespmem:s19+$0x0]  }
0x16c: {  	v52 =	vld [tilespmem:s19+$0x8000];
	_ =	sdelay $0x3  }
0x16d: {  	v53 =	vld [tilespmem:s19+$0x10000]  }
0x16e: {  	v0 =	vmul.f32 v0, v3;
	v1 =	vmul.f32 v52, v4;
	_ =	sdelay $0x1  }
0x16f: {  	v0 =	vadd.f32 v1, v0;
	_ =	sdelay $0x1  }
0x170: {  	v0 =	vadd.f32 v0, v53;
	_ =	sdelay $0x1  }
0x171: {  	[tilespmem:s19+$0x0] =	vst v0;
	s19 =	sor.u32 $0x1C30, s23  }
0x172: {  	v0 =	vld [tilespmem:s19+$0x0]  }
0x173: {  	v54 =	vld [tilespmem:s19+$0x8000];
	_ =	sdelay $0x3  }
0x174: {  	v55 =	vld [tilespmem:s19+$0x10000]  }
0x175: {  	v0 =	vmul.f32 v0, v3;
	v1 =	vmul.f32 v54, v4;
	_ =	sdelay $0x1  }
0x176: {  	v0 =	vadd.f32 v1, v0;
	_ =	sdelay $0x1  }
0x177: {  	v0 =	vadd.f32 v0, v55;
	_ =	sdelay $0x1  }
0x178: {  	[tilespmem:s19+$0x0] =	vst v0;
	s19 =	sor.u32 $0x1C40, s23  }
0x179: {  	v0 =	vld [tilespmem:s19+$0x0]  }
0x17a: {  	v56 =	vld [tilespmem:s19+$0x8000];
	_ =	sdelay $0x3  }
0x17b: {  	v57 =	vld [tilespmem:s19+$0x10000]  }
0x17c: {  	v0 =	vmul.f32 v0, v3;
	v1 =	vmul.f32 v56, v4;
	_ =	sdelay $0x1  }
0x17d: {  	v0 =	vadd.f32 v1, v0;
	_ =	sdelay $0x1  }
0x17e: {  	v0 =	vadd.f32 v0, v57;
	_ =	sdelay $0x1  }
0x17f: {  	[tilespmem:s19+$0x0] =	vst v0;
	s19 =	sor.u32 $0x1C50, s23  }
0x180: {  	v0 =	vld [tilespmem:s19+$0x0]  }
0x181: {  	v58 =	vld [tilespmem:s19+$0x8000];
	_ =	sdelay $0x3  }
0x182: {  	v59 =	vld [tilespmem:s19+$0x10000]  }
0x183: {  	v0 =	vmul.f32 v0, v3;
	v1 =	vmul.f32 v58, v4;
	_ =	sdelay $0x1  }
0x184: {  	v0 =	vadd.f32 v1, v0;
	_ =	sdelay $0x1  }
0x185: {  	v0 =	vadd.f32 v0, v59;
	_ =	sdelay $0x1  }
0x186: {  	[tilespmem:s19+$0x0] =	vst v0;
	s19 =	sor.u32 $0x1C60, s23  }
0x187: {  	v0 =	vld [tilespmem:s19+$0x0]  }
0x188: {  	v60 =	vld [tilespmem:s19+$0x8000];
	_ =	sdelay $0x3  }
0x189: {  	v61 =	vld [tilespmem:s19+$0x10000]  }
0x18a: {  	v0 =	vmul.f32 v0, v3;
	v1 =	vmul.f32 v60, v4;
	_ =	sdelay $0x1  }
0x18b: {  	v0 =	vadd.f32 v1, v0;
	_ =	sdelay $0x1  }
0x18c: {  	v0 =	vadd.f32 v0, v61;
	_ =	sdelay $0x1  }
0x18d: {  	s23 =	sor.u32 $0x1C70, s23;
	[tilespmem:s19+$0x0] =	vst v0  }
0x18e: {  	v0 =	vld [tilespmem:s23+$0x0]  }
0x18f: {  	v62 =	vld [tilespmem:s23+$0x8000];
	_ =	sdelay $0x3  }
0x190: {  	v63 =	vld [tilespmem:s23+$0x10000]  }
0x191: {  	v0 =	vmul.f32 v0, v3;
	v1 =	vmul.f32 v62, v4  }
0x192: {  	p0 =	sne.s32 s7, $0xF80  }
.Ltmp0:
0x193: {  	v0 =	vadd.f32 v1, v0;
	(pc) =	sbr.rel @p0 .LBB2_2-.Ltmp0, $4  }
0x194: {  	_ = 	snop  }
0x195: {  	v0 =	vadd.f32 v0, v63  }
0x196: {  	s22 =	sadd.s32 $0x1, s22;
	s6 =	sadd.s32 $0x80, s6  }
0x197: {  	s16 =	sadd.s32 $0x80, s16;
	s7 =	sadd.s32 $0x80, s7;
	s17 =	sadd.s32 $0x400, s17;
	[tilespmem:s23+$0x0] =	vst v0  }
0x198: {  	s6 =	simm.s32 $0x0;
	s7 =	rddreg [dreg:$0x8]  }
0x199: {  	[hbm4b:s7+s6] =	stream.linear.scatter [tilespmem:s6], [sflag:$0x2], $0x8000, $0x38;
	[tilespmem:$0x1A100] =	vst v63  }
0x19a: {  	_ =	swait.ge [sflag:s21], $0x8000  }
0x19b: {  	[sflag:s21] =	ssyncset.done $0x0  }
0x19c: {  	s16 =	simm.s32 $0x1A000;
	s19 =	rddreg [dreg:$0x9];
	[sflag:s21] =	ssyncadd.s32 $0xFFFF8000  }
0x19d: {  	[tilespmem:s16], [sflag:$0x2] =	stream.linear.gather [hbm4b:s19+s6], $0x20, $0x38;
	[tilespmem:$0x1A100] =	vst v63  }
0x19e: {  	_ =	swait.ge [sflag:s21], $0x20  }
0x19f: {  	[sflag:s21] =	ssyncset.done $0x0  }
0x1a0: {  	s23 =	simm.s32 $0x1A080;
	s22 =	rddreg [dreg:$0xa];
	[sflag:s21] =	ssyncadd.s32 $0xFFFFFFE0  }
0x1a1: {  	[tilespmem:s23], [sflag:$0x2] =	stream.linear.gather [hbm4b:s22+s6], $0x20, $0x38;
	[tilespmem:$0x1A100] =	vst v63  }
0x1a2: {  	_ =	swait.ge [sflag:s21], $0x20  }
0x1a3: {  	[sflag:s21] =	ssyncset.done $0x0  }
0x1a4: {  	s16 =	simm.s32 $0x18000;
	s17 =	rddreg [dreg:$0xb];
	[sflag:s21] =	ssyncadd.s32 $0xFFFFFFE0  }
0x1a5: {  	[tilespmem:s16], [sflag:$0x2] =	stream.linear.gather [hbm4b:s17+s6], $0x1000, $0x38;
	[tilespmem:$0x1A100] =	vst v63  }
0x1a6: {  	_ =	swait.ge [sflag:s21], $0x1000  }
0x1a7: {  	[sflag:s21] =	ssyncset.done $0x0  }
0x1a8: {  	s22 =	simm.s32 $0x19000;
	s18 =	rddreg [dreg:$0xc];
	[sflag:s21] =	ssyncadd.s32 $0xFFFFF000  }
0x1a9: {  	[tilespmem:s22], [sflag:$0x2] =	stream.linear.gather [hbm4b:s18+s6], $0x1000, $0x38;
	[tilespmem:$0x1A100] =	vst v63  }
0x1aa: {  	_ =	swait.ge [sflag:s21], $0x1000  }
0x1ab: {  	[sflag:s21] =	ssyncset.done $0x0  }
0x1ac: {  	[sflag:s21] =	ssyncadd.s32 $0xFFFFF000  }
0x1ad: {  	v0 =	vld [tilespmem:$0x1A000];
	_ =	sdelay $0x2  }
0x1ae: {  	v2 =	vld [tilespmem:$0x1FFD0];
	_ =	sdelay $0x1  }
0x1af: {  	v3 =	vld [tilespmem:$0x1FFE0];
	v1 =	vshll.u32 v0, $0x3  }
0x1b0: {  	v0 =	vand.u32 $0x7, v0;
	v1 =	vand.u32 $0xFFFFFFC0, v1  }
0x1b1: {  	v0 =	vor.u32 v0, v1  }
0x1b2: {  	v1 =	vperm.xlane v0, v2;
	_ =	sdelay $0x1  }
0x1b3: {  	v1 =	vadd.s32 v3, v1  }
0x1b4: {  	v4 =	vld [tilespmem:$0x1FFF0];
	_ =	sdelay $0x3  }
0x1b5: {  	[tilespmem:s6], [sflag:$0x1] =	stream.indirect_vreg.gather [hbm4b:s3+s6], $0x80, v1, vm0, $0xb8;
	[tilespmem:$0x1A100] =	vst v63  }
0x1b6: {  	s19 =	simm.s32 $0x800;
	v0 =	vperm.xlane v0, v4  }
0x1b7: {  	[tilespmem:s19], [sflag:$0x1] =	stream.indirect_vreg.gather [hbm4b:s8+s6], $0x80, v1, vm0, $0xb8;
	[tilespmem:$0x1A100] =	vst v63  }
0x1b8: {  	s23 =	simm.s32 $0x1000;
	v0 =	vadd.s32 v3, v0  }
0x1b9: {  	[tilespmem:s23], [sflag:$0x1] =	stream.indirect_vreg.gather [hbm4b:s9+s6], $0x80, v1, vm0, $0xb8;
	[tilespmem:$0x1A100] =	vst v63  }
0x1ba: {  	s17 =	simm.s32 $0x1800  }
0x1bb: {  	[tilespmem:s17], [sflag:$0x1] =	stream.indirect_vreg.gather [hbm4b:s10+s6], $0x80, v1, vm0, $0xb8;
	[tilespmem:$0x1A100] =	vst v63  }
0x1bc: {  	s18 =	simm.s32 $0x2000  }
0x1bd: {  	[tilespmem:s18], [sflag:$0x1] =	stream.indirect_vreg.gather [hbm4b:s3+s6], $0x80, v0, vm0, $0xb8;
	[tilespmem:$0x1A100] =	vst v63  }
0x1be: {  	s19 =	simm.s32 $0x2800  }
0x1bf: {  	[tilespmem:s19], [sflag:$0x1] =	stream.indirect_vreg.gather [hbm4b:s8+s6], $0x80, v0, vm0, $0xb8;
	[tilespmem:$0x1A100] =	vst v63  }
0x1c0: {  	s23 =	simm.s32 $0x3000  }
0x1c1: {  	[tilespmem:s23], [sflag:$0x1] =	stream.indirect_vreg.gather [hbm4b:s9+s6], $0x80, v0, vm0, $0xb8;
	[tilespmem:$0x1A100] =	vst v63  }
0x1c2: {  	s17 =	simm.s32 $0x3800  }
0x1c3: {  	[tilespmem:s17], [sflag:$0x1] =	stream.indirect_vreg.gather [hbm4b:s10+s6], $0x80, v0, vm0, $0xb8;
	[tilespmem:$0x1A100] =	vst v63  }
0x1c4: {  	v0 =	vld [tilespmem:$0x1A010];
	_ =	sdelay $0x4  }
0x1c5: {  	v61 =	vshll.u32 v0, $0x3  }
0x1c6: {  	v0 =	vand.u32 $0x7, v0;
	v1 =	vand.u32 $0xFFFFFFC0, v61  }
0x1c7: {  	v0 =	vor.u32 v0, v1  }
0x1c8: {  	v1 =	vperm.xlane v0, v2;
	_ =	sdelay $0x1  }
0x1c9: {  	v1 =	vadd.s32 v3, v1;
	_ =	sdelay $0x3  }
0x1ca: {  	s18 =	simm.s32 $0x4000  }
0x1cb: {  	[tilespmem:s18], [sflag:$0x1] =	stream.indirect_vreg.gather [hbm4b:s3+s6], $0x80, v1, vm0, $0xb8;
	[tilespmem:$0x1A100] =	vst v63  }
0x1cc: {  	s19 =	simm.s32 $0x4800;
	v0 =	vperm.xlane v0, v4  }
0x1cd: {  	[tilespmem:s19], [sflag:$0x1] =	stream.indirect_vreg.gather [hbm4b:s8+s6], $0x80, v1, vm0, $0xb8;
	[tilespmem:$0x1A100] =	vst v63  }
0x1ce: {  	s23 =	simm.s32 $0x5000;
	v0 =	vadd.s32 v3, v0  }
0x1cf: {  	[tilespmem:s23], [sflag:$0x1] =	stream.indirect_vreg.gather [hbm4b:s9+s6], $0x80, v1, vm0, $0xb8;
	[tilespmem:$0x1A100] =	vst v63  }
0x1d0: {  	s17 =	simm.s32 $0x5800  }
0x1d1: {  	[tilespmem:s17], [sflag:$0x1] =	stream.indirect_vreg.gather [hbm4b:s10+s6], $0x80, v1, vm0, $0xb8;
	[tilespmem:$0x1A100] =	vst v63  }
0x1d2: {  	s18 =	simm.s32 $0x6000  }
0x1d3: {  	[tilespmem:s18], [sflag:$0x1] =	stream.indirect_vreg.gather [hbm4b:s3+s6], $0x80, v0, vm0, $0xb8;
	[tilespmem:$0x1A100] =	vst v63  }
0x1d4: {  	s19 =	simm.s32 $0x6800  }
0x1d5: {  	[tilespmem:s19], [sflag:$0x1] =	stream.indirect_vreg.gather [hbm4b:s8+s6], $0x80, v0, vm0, $0xb8;
	[tilespmem:$0x1A100] =	vst v63  }
0x1d6: {  	s23 =	simm.s32 $0x7000  }
0x1d7: {  	[tilespmem:s23], [sflag:$0x1] =	stream.indirect_vreg.gather [hbm4b:s9+s6], $0x80, v0, vm0, $0xb8;
	[tilespmem:$0x1A100] =	vst v63  }
0x1d8: {  	s17 =	simm.s32 $0x7800  }
0x1d9: {  	[tilespmem:s17], [sflag:$0x1] =	stream.indirect_vreg.gather [hbm4b:s10+s6], $0x80, v0, vm0, $0xb8;
	[tilespmem:$0x1A100] =	vst v63  }
0x1da: {  	v0 =	vld [tilespmem:$0x1A080];
	_ =	sdelay $0x4  }
0x1db: {  	v62 =	vshll.u32 v0, $0x3  }
0x1dc: {  	v0 =	vand.u32 $0x7, v0;
	v1 =	vand.u32 $0xFFFFFFC0, v62  }
0x1dd: {  	v0 =	vor.u32 v0, v1  }
0x1de: {  	v1 =	vperm.xlane v0, v2;
	_ =	sdelay $0x1  }
0x1df: {  	v1 =	vadd.s32 v3, v1;
	_ =	sdelay $0x3  }
0x1e0: {  	s18 =	simm.s32 $0x8000  }
0x1e1: {  	[tilespmem:s18], [sflag:$0x1] =	stream.indirect_vreg.gather [hbm4b:s3+s6], $0x80, v1, vm0, $0xb8;
	[tilespmem:$0x1A100] =	vst v63  }
0x1e2: {  	s19 =	simm.s32 $0x8800;
	v0 =	vperm.xlane v0, v4  }
0x1e3: {  	[tilespmem:s19], [sflag:$0x1] =	stream.indirect_vreg.gather [hbm4b:s8+s6], $0x80, v1, vm0, $0xb8;
	[tilespmem:$0x1A100] =	vst v63  }
0x1e4: {  	v0 =	vadd.s32 v3, v0  }
0x1e5: {  	[tilespmem:s24], [sflag:$0x1] =	stream.indirect_vreg.gather [hbm4b:s9+s6], $0x80, v1, vm0, $0xb8;
	[tilespmem:$0x1A100] =	vst v63  }
0x1e6: {  	_ = 	snop  }
0x1e7: {  	[tilespmem:s25], [sflag:$0x1] =	stream.indirect_vreg.gather [hbm4b:s10+s6], $0x80, v1, vm0, $0xb8;
	[tilespmem:$0x1A100] =	vst v63  }
0x1e8: {  	_ = 	snop  }
0x1e9: {  	[tilespmem:s26], [sflag:$0x1] =	stream.indirect_vreg.gather [hbm4b:s3+s6], $0x80, v0, vm0, $0xb8;
	[tilespmem:$0x1A100] =	vst v63  }
0x1ea: {  	_ = 	snop  }
0x1eb: {  	[tilespmem:s28], [sflag:$0x1] =	stream.indirect_vreg.gather [hbm4b:s8+s6], $0x80, v0, vm0, $0xb8;
	[tilespmem:$0x1A100] =	vst v63  }
0x1ec: {  	_ = 	snop  }
0x1ed: {  	[tilespmem:s29], [sflag:$0x1] =	stream.indirect_vreg.gather [hbm4b:s9+s6], $0x80, v0, vm0, $0xb8;
	[tilespmem:$0x1A100] =	vst v63  }
0x1ee: {  	_ = 	snop  }
0x1ef: {  	[tilespmem:s30], [sflag:$0x1] =	stream.indirect_vreg.gather [hbm4b:s10+s6], $0x80, v0, vm0, $0xb8;
	[tilespmem:$0x1A100] =	vst v63  }
0x1f0: {  	v0 =	vld [tilespmem:$0x1A090];
	_ =	sdelay $0x4  }
0x1f1: {  	v63 =	vshll.u32 v0, $0x3  }
0x1f2: {  	v0 =	vand.u32 $0x7, v0;
	v1 =	vand.u32 $0xFFFFFFC0, v63  }
0x1f3: {  	v0 =	vor.u32 v0, v1  }
0x1f4: {  	v1 =	vperm.xlane v0, v2;
	_ =	sdelay $0x1  }
0x1f5: {  	v1 =	vadd.s32 v3, v1;
	_ =	sdelay $0x4  }
0x1f6: {  	[tilespmem:s11], [sflag:$0x1] =	stream.indirect_vreg.gather [hbm4b:s3+s6], $0x80, v1, vm0, $0xb8;
	[tilespmem:$0x1A100] =	vst v63  }
0x1f7: {  	v0 =	vperm.xlane v0, v4  }
0x1f8: {  	[tilespmem:s31], [sflag:$0x1] =	stream.indirect_vreg.gather [hbm4b:s8+s6], $0x80, v1, vm0, $0xb8;
	[tilespmem:$0x1A100] =	vst v63  }
0x1f9: {  	v0 =	vadd.s32 v3, v0  }
0x1fa: {  	[tilespmem:s12], [sflag:$0x1] =	stream.indirect_vreg.gather [hbm4b:s9+s6], $0x80, v1, vm0, $0xb8;
	[tilespmem:$0x1A100] =	vst v63  }
0x1fb: {  	_ = 	snop  }
0x1fc: {  	[tilespmem:s0], [sflag:$0x1] =	stream.indirect_vreg.gather [hbm4b:s10+s6], $0x80, v1, vm0, $0xb8;
	[tilespmem:$0x1A100] =	vst v63  }
0x1fd: {  	_ = 	snop  }
0x1fe: {  	[tilespmem:s13], [sflag:$0x1] =	stream.indirect_vreg.gather [hbm4b:s3+s6], $0x80, v0, vm0, $0xb8;
	[tilespmem:$0x1A100] =	vst v63  }
0x1ff: {  	_ = 	snop  }
0x200: {  	[tilespmem:s2], [sflag:$0x1] =	stream.indirect_vreg.gather [hbm4b:s8+s6], $0x80, v0, vm0, $0xb8;
	[tilespmem:$0x1A100] =	vst v63  }
0x201: {  	_ = 	snop  }
0x202: {  	[tilespmem:s14], [sflag:$0x1] =	stream.indirect_vreg.gather [hbm4b:s9+s6], $0x80, v0, vm0, $0xb8;
	[tilespmem:$0x1A100] =	vst v63  }
0x203: {  	_ = 	snop  }
0x204: {  	[tilespmem:s4], [sflag:$0x1] =	stream.indirect_vreg.gather [hbm4b:s10+s6], $0x80, v0, vm0, $0xb8;
	[tilespmem:$0x1A100] =	vst v63  }
0x205: {  	s23 =	rddreg [dreg:$0xd]  }
0x206: {  	[tilespmem:s20], [sflag:$0x1] =	stream.linear.gather [hbm4b:s23+s6], $0x8000, $0x38;
	[tilespmem:$0x1A100] =	vst v63  }
0x207: {  	_ =	swait.ge [sflag:s5], $0x8000  }
0x208: {  	[sflag:s5] =	ssyncset.done $0x0  }
0x209: {  	[sflag:s5] =	ssyncadd.s32 $0xFFFF8000  }
0x20a: {  	_ =	swait.ge [sflag:s5], $0x8000  }
0x20b: {  	[sflag:s5] =	ssyncset.done $0x0  }
0x20c: {  	[sflag:s5] =	ssyncadd.s32 $0xFFFF8000  }
0x20d: {  	_ =	swait.ge [sflag:s5], $0x8000  }
0x20e: {  	[sflag:s5] =	ssyncset.done $0x0  }
0x20f: {  	s7 =	simm.s32 $0x0;
	s17 =	simm.s32 $0x0;
	[sflag:s5] =	ssyncadd.s32 $0xFFFF8000  }
.LBB2_4:
0x210: {  	s18 =	sand.u32 $0x6000, s17;
	s19 =	sand.u32 $0x380, s7  }
0x211: {  	s18 =	sor.u32 s19, s18  }
0x212: {  	v0 =	vld [tilespmem:s18+$0x10800];
	_ =	sdelay $0x4  }
0x213: {  	[tilespmem:$0x1FC50] =	vst v0;
	v0 =	vld [tilespmem:s18+$0x10860];
	_ =	sdelay $0x4  }
0x214: {  	[tilespmem:$0x1FCE0] =	vst v0;
	v0 =	vld [tilespmem:s18+$0x870];
	_ =	sdelay $0x4  }
0x215: {  	[tilespmem:$0x1FCA0] =	vst v0;
	v0 =	vld [tilespmem:s18+$0x8870];
	_ =	sdelay $0x2  }
0x216: {  	v3 =	vld [tilespmem:s16+$0x0]  }
0x217: {  	v4 =	vld [tilespmem:s22+$0x0]  }
0x218: {  	[tilespmem:$0x1FCB0] =	vst v0;
	v0 =	vld [tilespmem:s18+$0x10870]  }
0x219: {  	v1 =	vld [tilespmem:s18+$0x0]  }
0x21a: {  	v6 =	vld [tilespmem:s18+$0x8000]  }
0x21b: {  	v8 =	vld [tilespmem:s18+$0x10000]  }
0x21c: {  	v10 =	vld [tilespmem:s18+$0x10]  }
0x21d: {  	[tilespmem:$0x1FD10] =	vst v0;
	v0 =	vld [tilespmem:s18+$0xC00]  }
0x21e: {  	v16 =	vld [tilespmem:s18+$0x8010]  }
0x21f: {  	v17 =	vld [tilespmem:s18+$0x10010]  }
0x220: {  	v18 =	vld [tilespmem:s18+$0x20]  }
0x221: {  	v19 =	vld [tilespmem:s18+$0x8020]  }
0x222: {  	[tilespmem:$0x1FCF0] =	vst v0;
	v0 =	vld [tilespmem:s18+$0x8C00]  }
0x223: {  	v23 =	vld [tilespmem:s18+$0x10020]  }
0x224: {  	v20 =	vld [tilespmem:s18+$0x30]  }
0x225: {  	v25 =	vld [tilespmem:s18+$0x8030]  }
0x226: {  	v26 =	vld [tilespmem:s18+$0x10030]  }
0x227: {  	[tilespmem:$0x1FD00] =	vst v0;
	v0 =	vld [tilespmem:s18+$0x10C00]  }
0x228: {  	v29 =	vld [tilespmem:s18+$0x40]  }
0x229: {  	v35 =	vld [tilespmem:s18+$0x8040]  }
0x22a: {  	v37 =	vld [tilespmem:s18+$0x10040]  }
0x22b: {  	v40 =	vld [tilespmem:s18+$0x50]  }
0x22c: {  	[tilespmem:$0x1FD80] =	vst v0;
	v0 =	vld [tilespmem:s18+$0xC10]  }
0x22d: {  	v41 =	vld [tilespmem:s18+$0x8050]  }
0x22e: {  	v43 =	vld [tilespmem:s18+$0x10050]  }
0x22f: {  	v44 =	vld [tilespmem:s18+$0x60]  }
0x230: {  	v47 =	vld [tilespmem:s18+$0x8060]  }
0x231: {  	[tilespmem:$0x1FD20] =	vst v0;
	v0 =	vld [tilespmem:s18+$0x8C10]  }
0x232: {  	v49 =	vld [tilespmem:s18+$0x10060]  }
0x233: {  	v55 =	vld [tilespmem:s18+$0x70]  }
0x234: {  	v58 =	vld [tilespmem:s18+$0x8070]  }
0x235: {  	v62 =	vld [tilespmem:s18+$0x10070]  }
0x236: {  	[tilespmem:$0x1FD30] =	vst v0;
	v0 =	vld [tilespmem:s18+$0x10C10]  }
0x237: {  	v15 =	vld [tilespmem:s18+$0x400]  }
0x238: {  	v2 =	vld [tilespmem:s18+$0x8400]  }
0x239: {  	v30 =	vld [tilespmem:s18+$0x10400]  }
0x23a: {  	v7 =	vld [tilespmem:s18+$0x410]  }
0x23b: {  	[tilespmem:$0x1FD90] =	vst v0;
	v0 =	vld [tilespmem:s18+$0xC20]  }
0x23c: {  	v5 =	vld [tilespmem:s18+$0x8410]  }
0x23d: {  	v31 =	vld [tilespmem:s18+$0x10410]  }
0x23e: {  	v11 =	vld [tilespmem:s18+$0x420]  }
0x23f: {  	v9 =	vld [tilespmem:s18+$0x8420]  }
0x240: {  	[tilespmem:$0x1FD40] =	vst v0;
	v0 =	vld [tilespmem:s18+$0x8C20]  }
0x241: {  	v34 =	vld [tilespmem:s18+$0x10420]  }
0x242: {  	v13 =	vld [tilespmem:s18+$0x430]  }
0x243: {  	v12 =	vld [tilespmem:s18+$0x8430]  }
0x244: {  	v36 =	vld [tilespmem:s18+$0x10430]  }
0x245: {  	[tilespmem:$0x1FD50] =	vst v0;
	v0 =	vld [tilespmem:s18+$0x10C20]  }
0x246: {  	v21 =	vld [tilespmem:s18+$0x440]  }
0x247: {  	v14 =	vld [tilespmem:s18+$0x8440]  }
0x248: {  	v50 =	vld [tilespmem:s18+$0x10440]  }
0x249: {  	v24 =	vld [tilespmem:s18+$0x450]  }
0x24a: {  	[tilespmem:$0x1FDA0] =	vst v0;
	v0 =	vld [tilespmem:s18+$0xC30]  }
0x24b: {  	v22 =	vld [tilespmem:s18+$0x8450]  }
0x24c: {  	v51 =	vld [tilespmem:s18+$0x10450]  }
0x24d: {  	v28 =	vld [tilespmem:s18+$0x460]  }
0x24e: {  	v27 =	vld [tilespmem:s18+$0x8460]  }
0x24f: {  	[tilespmem:$0x1FD60] =	vst v0;
	v0 =	vld [tilespmem:s18+$0x8C30]  }
0x250: {  	v61 =	vld [tilespmem:s18+$0x10460]  }
0x251: {  	v32 =	vld [tilespmem:s18+$0x470]  }
0x252: {  	v33 =	vld [tilespmem:s18+$0x8470]  }
0x253: {  	v53 =	vld [tilespmem:s18+$0x10470]  }
0x254: {  	[tilespmem:$0x1FD70] =	vst v0;
	v0 =	vld [tilespmem:s18+$0x10C30]  }
0x255: {  	v39 =	vld [tilespmem:s18+$0x800]  }
0x256: {  	v38 =	vld [tilespmem:s18+$0x8800]  }
0x257: {  	v45 =	vld [tilespmem:s18+$0x810]  }
0x258: {  	v42 =	vld [tilespmem:s18+$0x8810]  }
0x259: {  	[tilespmem:$0x1FDD0] =	vst v0;
	v0 =	vld [tilespmem:s18+$0xC40]  }
0x25a: {  	v52 =	vld [tilespmem:s18+$0x10810]  }
0x25b: {  	v48 =	vld [tilespmem:s18+$0x820]  }
0x25c: {  	v46 =	vld [tilespmem:s18+$0x8820]  }
0x25d: {  	v54 =	vld [tilespmem:s18+$0x10820]  }
0x25e: {  	[tilespmem:$0x1FDB0] =	vst v0;
	v0 =	vld [tilespmem:s18+$0x8C40]  }
0x25f: {  	v63 =	vld [tilespmem:s18+$0x830]  }
0x260: {  	v56 =	vld [tilespmem:s18+$0x10830]  }
0x261: {  	v59 =	vld [tilespmem:s18+$0x840]  }
0x262: {  	[tilespmem:$0x1FC70] =	vst v54;
	v54 =	vld [tilespmem:s18+$0x10850]  }
0x263: {  	[tilespmem:$0x1FDC0] =	vst v0;
	v0 =	vld [tilespmem:s18+$0x10C40]  }
0x264: {  	v60 =	vld [tilespmem:s18+$0x8840]  }
0x265: {  	v57 =	vld [tilespmem:s18+$0x10840]  }
0x266: {  	[tilespmem:$0x1FC60] =	vst v52;
	v52 =	vld [tilespmem:s18+$0x8830]  }
0x267: {  	[tilespmem:$0x1FCD0] =	vst v54;
	v54 =	vld [tilespmem:s18+$0x860]  }
0x268: {  	[tilespmem:$0x1FDF0] =	vst v0;
	v0 =	vmul.f32 v1, v3;
	v1 =	vld [tilespmem:s18+$0xC50]  }
0x269: {  	[tilespmem:$0x1FC80] =	vst v56;
	v56 =	vld [tilespmem:s18+$0x850];
	v6 =	vmul.f32 v6, v4  }
0x26a: {  	[tilespmem:$0x1FCC0] =	vst v57;
	v57 =	vld [tilespmem:s18+$0x8850]  }
0x26b: {  	v18 =	vmul.f32 v18, v3;
	v19 =	vmul.f32 v19, v4;
	v0 =	vadd.f32 v6, v0;
	v6 =	vld [tilespmem:s18+$0x10C50]  }
0x26c: {  	v10 =	vmul.f32 v10, v3;
	[tilespmem:$0x1FC90] =	vst v54;
	v54 =	vld [tilespmem:s18+$0x8860]  }
0x26d: {  	v8 =	vadd.f32 v0, v8;
	v0 =	vadd.f32 v19, v18;
	v19 =	vld [tilespmem:s18+$0x8C60];
	[tilespmem:$0x1FDE0] =	vst v1;
	v1 =	vmul.f32 v16, v4  }
0x26e: {  	v20 =	vmul.f32 v20, v3;
	v16 =	vld [tilespmem:s18+$0x8C50]  }
0x26f: {  	v25 =	vmul.f32 v25, v4;
	v0 =	vadd.f32 v0, v23;
	v23 =	vld [tilespmem:s18+$0x1000];
	v10 =	vadd.f32 v1, v10  }
0x270: {  	[tilespmem:$0x1FE00] =	vst v6;
	v6 =	vld [tilespmem:s18+$0xC60]  }
0x271: {  	v18 =	vadd.f32 v10, v17;
	v10 =	vadd.f32 v25, v20;
	v20 =	vld [tilespmem:s18+$0x10C60]  }
0x272: {  	v17 =	vmul.f32 v29, v3;
	v29 =	vmul.f32 v35, v4;
	v25 =	vld [tilespmem:s18+$0xC70]  }
0x273: {  	v35 =	vld [tilespmem:s18+$0x8C70];
	v19 =	vmul.f32 v19, v4;
	v1 =	vadd.f32 v10, v26;
	v10 =	vmul.f32 v40, v3  }
0x274: {  	v26 =	vmul.f32 v41, v4;
	v29 =	vadd.f32 v29, v17;
	v40 =	vmul.f32 v44, v3;
	v17 =	vld [tilespmem:s18+$0x10C70]  }
0x275: {  	v41 =	vmul.f32 v47, v4;
	v44 =	vld [tilespmem:s18+$0x9020];
	v6 =	vmul.f32 v6, v3  }
0x276: {  	v10 =	vadd.f32 v26, v10;
	v26 =	vmul.f32 v55, v3;
	v37 =	vadd.f32 v29, v37;
	v29 =	vld [tilespmem:s18+$0x9000]  }
0x277: {  	v55 =	vmul.f32 v58, v4;
	v58 =	vmul.f32 v15, v3;
	v15 =	vld [tilespmem:s18+$0x1010]  }
0x278: {  	v40 =	vadd.f32 v41, v40;
	v6 =	vadd.f32 v19, v6;
	v19 =	vld [tilespmem:s18+$0x9440]  }
0x279: {  	v2 =	vmul.f32 v2, v4;
	v41 =	vadd.f32 v10, v43;
	v10 =	vld [tilespmem:s18+$0x11000]  }
0x27a: {  	v13 =	vmul.f32 v13, v3;
	v12 =	vmul.f32 v12, v4;
	v43 =	vadd.f32 v40, v49;
	v40 =	vld [tilespmem:s18+$0x9010]  }
0x27b: {  	v26 =	vadd.f32 v55, v26;
	v49 =	vmul.f32 v11, v3;
	v11 =	vld [tilespmem:s18+$0x1020]  }
0x27c: {  	v9 =	vmul.f32 v9, v4;
	v2 =	vadd.f32 v2, v58;
	v58 =	vadd.f32 v12, v13;
	v12 =	vld [tilespmem:s18+$0x11020]  }
0x27d: {  	v7 =	vmul.f32 v7, v3;
	v13 =	vld [tilespmem:s18+$0x11040];
	v26 =	vadd.f32 v26, v62;
	v62 =	vmul.f32 v5, v4  }
0x27e: {  	v5 =	vld [tilespmem:s18+$0x11010];
	v55 =	vadd.f32 v9, v49  }
0x27f: {  	v47 =	vmul.f32 v22, v4;
	v30 =	vadd.f32 v2, v30;
	v49 =	vld [tilespmem:s18+$0x1030];
	v7 =	vadd.f32 v62, v7  }
0x280: {  	v9 =	vld [tilespmem:s18+$0x11030];
	v34 =	vadd.f32 v55, v34;
	v62 =	vmul.f32 v21, v3;
	v21 =	vmul.f32 v14, v4  }
0x281: {  	[tilespmem:s18+$0x60] =	vst v43;
	v43 =	vld [tilespmem:$0x1FD40];
	v14 =	vadd.f32 v58, v36;
	v36 =	vmul.f32 v24, v3;
	v55 =	vmul.f32 v27, v4  }
0x282: {  	v58 =	vld [tilespmem:s18+$0x9030];
	v31 =	vadd.f32 v7, v31;
	v2 =	vadd.f32 v21, v62;
	v21 =	vmul.f32 v28, v3  }
0x283: {  	v7 =	vadd.f32 v47, v36;
	v36 =	vmul.f32 v32, v3;
	v62 =	vmul.f32 v33, v4;
	v47 =	vld [tilespmem:s18+$0x1040]  }
0x284: {  	v32 =	vadd.f32 v55, v21;
	v55 =	vld [tilespmem:s18+$0x9040]  }
0x285: {  	v27 =	vadd.f32 v2, v50;
	v33 =	vadd.f32 v62, v36;
	v62 =	vld [tilespmem:s18+$0x9050]  }
0x286: {  	v21 =	vadd.f32 v7, v51;
	v50 =	vmul.f32 v45, v3;
	v51 =	vmul.f32 v42, v4;
	v2 =	vld [tilespmem:s18+$0x11050]  }
0x287: {  	v45 =	vmul.f32 v46, v4;
	v46 =	vmul.f32 v63, v3;
	v7 =	vld [tilespmem:s18+$0x1060]  }
0x288: {  	v63 =	vmul.f32 v60, v4;
	v60 =	vmul.f32 v54, v4;
	v54 =	vld [tilespmem:$0x1FCA0]  }
0x289: {  	v36 =	vmul.f32 v39, v3;
	v39 =	vmul.f32 v38, v4;
	v22 =	vadd.f32 v32, v61;
	v61 =	vld [tilespmem:s18+$0x1050]  }
0x28a: {  	v32 =	vadd.f32 v51, v50;
	v50 =	vld [tilespmem:$0x1FC50]  }
0x28b: {  	v59 =	vmul.f32 v59, v3;
	v24 =	vadd.f32 v39, v36;
	v36 =	vld [tilespmem:s18+$0x9060]  }
0x28c: {  	v56 =	vmul.f32 v56, v3;
	v57 =	vmul.f32 v57, v4;
	v51 =	vld [tilespmem:$0x1FC60]  }
0x28d: {  	[tilespmem:s18+$0x0] =	vst v8;
	v8 =	vadd.f32 v63, v59;
	v59 =	vld [tilespmem:$0x1FC90]  }
0x28e: {  	v63 =	vadd.f32 v57, v56;
	v56 =	vld [tilespmem:$0x1FCB0]  }
0x28f: {  	v57 =	vld [tilespmem:$0x1FCC0]  }
0x290: {  	v28 =	vadd.f32 v33, v53;
	v53 =	vmul.f32 v48, v3;
	[tilespmem:s18+$0x450] =	vst v21;
	v21 =	vmul.f32 v25, v3;
	v25 =	vld [tilespmem:s18+$0x11440]  }
0x291: {  	[tilespmem:s18+$0x440] =	vst v27;
	v27 =	vld [tilespmem:s18+$0x9450]  }
0x292: {  	v48 =	vmul.f32 v52, v4;
	v33 =	vadd.f32 v45, v53;
	v53 =	vld [tilespmem:$0x1FC70]  }
0x293: {  	v45 =	vld [tilespmem:s18+$0x1070]  }
0x294: {  	v52 =	vadd.f32 v48, v46;
	v48 =	vld [tilespmem:s18+$0x11070]  }
0x295: {  	[tilespmem:s18+$0x470] =	vst v28;
	v28 =	vld [tilespmem:s18+$0x11450]  }
0x296: {  	v24 =	vadd.f32 v24, v50;
	v50 =	vld [tilespmem:s18+$0x11060]  }
0x297: {  	v42 =	vadd.f32 v32, v51;
	v32 =	vmul.f32 v54, v3;
	v54 =	vld [tilespmem:$0x1FCE0]  }
0x298: {  	v51 =	vmul.f32 v56, v4;
	v56 =	vld [tilespmem:$0x1FCF0]  }
0x299: {  	[tilespmem:s18+$0x20] =	vst v0;
	v38 =	vmul.f32 v59, v3;
	v0 =	vadd.f32 v8, v57;
	v57 =	vld [tilespmem:$0x1FD00]  }
0x29a: {  	v33 =	vadd.f32 v33, v53;
	v53 =	vld [tilespmem:$0x1FC80]  }
0x29b: {  	v59 =	vadd.f32 v60, v38;
	v38 =	vld [tilespmem:s18+$0x9400]  }
0x29c: {  	v60 =	vld [tilespmem:$0x1FCD0]  }
0x29d: {  	[tilespmem:s18+$0x800] =	vst v24;
	v24 =	vld [tilespmem:s18+$0x1450]  }
0x29e: {  	[tilespmem:s18+$0x820] =	vst v33;
	v33 =	vld [tilespmem:s18+$0x1460]  }
0x29f: {  	v8 =	vadd.f32 v59, v54;
	v59 =	vld [tilespmem:$0x1FD10]  }
0x2a0: {  	[tilespmem:s18+$0x40] =	vst v37;
	v37 =	vmul.f32 v56, v3;
	v56 =	vld [tilespmem:s18+$0x9410]  }
0x2a1: {  	v39 =	vmul.f32 v57, v4;
	v57 =	vld [tilespmem:$0x1FD50]  }
0x2a2: {  	v46 =	vadd.f32 v52, v53;
	v52 =	vld [tilespmem:s18+$0x9070]  }
0x2a3: {  	v53 =	vld [tilespmem:s18+$0x1400]  }
0x2a4: {  	[tilespmem:s18+$0x30] =	vst v1;
	v1 =	vadd.f32 v63, v60;
	v63 =	vadd.f32 v51, v32;
	v32 =	vld [tilespmem:s18+$0x11400]  }
0x2a5: {  	v51 =	vld [tilespmem:s18+$0x1410]  }
0x2a6: {  	v44 =	vmul.f32 v44, v4;
	v11 =	vmul.f32 v11, v3;
	v60 =	vld [tilespmem:$0x1FD20]  }
0x2a7: {  	[tilespmem:s18+$0x10] =	vst v18;
	v18 =	vadd.f32 v63, v59;
	v63 =	vld [tilespmem:$0x1FD30]  }
0x2a8: {  	[tilespmem:s18+$0x830] =	vst v46;
	v46 =	vmul.f32 v49, v3;
	v49 =	vmul.f32 v58, v4;
	v58 =	vadd.f32 v44, v11;
	v11 =	vld [tilespmem:s18+$0x9460]  }
0x2a9: {  	v37 =	vadd.f32 v39, v37;
	v39 =	vmul.f32 v43, v3;
	v43 =	vmul.f32 v57, v4;
	v57 =	vld [tilespmem:s18+$0x11410]  }
0x2aa: {  	v7 =	vmul.f32 v7, v3;
	v59 =	vld [tilespmem:$0x1FD60]  }
0x2ab: {  	[tilespmem:s18+$0x50] =	vst v41;
	v44 =	vmul.f32 v36, v4;
	v41 =	vmul.f32 v60, v3;
	v60 =	vld [tilespmem:$0x1FD70]  }
0x2ac: {  	v54 =	vmul.f32 v63, v4;
	v63 =	vld [tilespmem:$0x1FD80]  }
0x2ad: {  	[tilespmem:s18+$0x860] =	vst v8;
	v8 =	vadd.f32 v58, v12;
	v7 =	vadd.f32 v44, v7;
	v12 =	vld [tilespmem:s18+$0x9800]  }
0x2ae: {  	v44 =	vld [tilespmem:s18+$0x11830]  }
0x2af: {  	v7 =	vadd.f32 v7, v50;
	v50 =	vmul.f32 v38, v4;
	v38 =	vld [tilespmem:s18+$0x1830]  }
0x2b0: {  	[tilespmem:s18+$0x70] =	vst v26;
	v26 =	vadd.f32 v54, v41;
	v54 =	vmul.f32 v60, v4;
	v60 =	vld [tilespmem:$0x1FD90]  }
0x2b1: {  	[tilespmem:s18+$0x400] =	vst v30;
	v41 =	vmul.f32 v59, v3;
	v30 =	vadd.f32 v37, v63;
	v63 =	vld [tilespmem:$0x1FDA0]  }
0x2b2: {  	v59 =	vld [tilespmem:s18+$0x1420]  }
0x2b3: {  	[tilespmem:s18+$0x410] =	vst v31;
	v31 =	vadd.f32 v54, v41;
	v54 =	vld [tilespmem:$0x1FDC0]  }
0x2b4: {  	v37 =	vadd.f32 v43, v39;
	v43 =	vld [tilespmem:$0x1FDB0]  }
0x2b5: {  	v26 =	vadd.f32 v26, v60;
	v60 =	vld [tilespmem:$0x1FDD0]  }
0x2b6: {  	[tilespmem:s18+$0x420] =	vst v34;
	v34 =	vadd.f32 v37, v63;
	v63 =	vld [tilespmem:$0x1FDE0]  }
0x2b7: {  	v41 =	vld [tilespmem:s18+$0x11420]  }
0x2b8: {  	v39 =	vld [tilespmem:s18+$0x9420]  }
0x2b9: {  	v16 =	vmul.f32 v16, v4;
	v6 =	vadd.f32 v6, v20;
	v15 =	vmul.f32 v15, v3;
	[tilespmem:s18+$0xC00] =	vst v30;
	v30 =	vld [tilespmem:s18+$0x9810]  }
0x2ba: {  	[tilespmem:s18+$0x430] =	vst v14;
	v37 =	vmul.f32 v43, v3;
	v43 =	vmul.f32 v54, v4;
	v14 =	vadd.f32 v31, v60;
	v60 =	vld [tilespmem:s18+$0x9430]  }
0x2bb: {  	[tilespmem:s18+$0xC60] =	vst v6;
	v31 =	vmul.f32 v63, v3;
	v63 =	vmul.f32 v35, v4;
	v35 =	vld [tilespmem:$0x1FDF0]  }
0x2bc: {  	[tilespmem:s18+$0x810] =	vst v42;
	v42 =	vmul.f32 v61, v3;
	v45 =	vmul.f32 v45, v3;
	v54 =	vld [tilespmem:s18+$0x1430]  }
0x2bd: {  	[tilespmem:s18+$0x460] =	vst v22;
	v36 =	vmul.f32 v19, v4;
	v11 =	vmul.f32 v11, v4;
	v43 =	vadd.f32 v43, v37;
	v37 =	vld [tilespmem:s18+$0x11430]  }
0x2be: {  	v12 =	vmul.f32 v12, v4;
	v58 =	vmul.f32 v39, v4;
	[tilespmem:s18+$0xC20] =	vst v34;
	v34 =	vld [tilespmem:s18+$0x11810]  }
0x2bf: {  	[tilespmem:s18+$0xC30] =	vst v14;
	v14 =	vld [tilespmem:s18+$0x9820];
	v16 =	vadd.f32 v16, v31;
	v21 =	vadd.f32 v63, v21;
	v63 =	vmul.f32 v23, v3  }
0x2c0: {  	[tilespmem:s18+$0x840] =	vst v0;
	v60 =	vmul.f32 v60, v4;
	v22 =	vadd.f32 v43, v35;
	v43 =	vld [tilespmem:$0x1FE00];
	v35 =	vmul.f32 v29, v4  }
0x2c1: {  	[tilespmem:s18+$0x850] =	vst v1;
	v31 =	vld [tilespmem:s18+$0x1440];
	v29 =	vadd.f32 v49, v46;
	v49 =	vmul.f32 v53, v3;
	v53 =	vmul.f32 v56, v4  }
0x2c2: {  	[tilespmem:s18+$0x870] =	vst v18;
	v23 =	vld [tilespmem:s18+$0x11470];
	v56 =	vmul.f32 v59, v3;
	v59 =	vmul.f32 v54, v3  }
0x2c3: {  	[tilespmem:s18+$0x1020] =	vst v8;
	v17 =	vadd.f32 v21, v17;
	v21 =	vld [tilespmem:s18+$0x9470];
	v46 =	vmul.f32 v52, v4;
	v52 =	vmul.f32 v51, v3  }
0x2c4: {  	[tilespmem:s18+$0xC10] =	vst v26;
	v51 =	vld [tilespmem:s18+$0x1850];
	v20 =	vadd.f32 v35, v63;
	v35 =	vmul.f32 v47, v3;
	v26 =	vadd.f32 v60, v59  }
0x2c5: {  	v47 =	vadd.f32 v46, v45;
	[tilespmem:s18+$0xC40] =	vst v22;
	v22 =	vld [tilespmem:s18+$0x1810];
	v16 =	vadd.f32 v16, v43;
	v43 =	vmul.f32 v40, v4  }
0x2c6: {  	[tilespmem:s18+$0xC70] =	vst v17;
	v17 =	vld [tilespmem:s18+$0x11820];
	v0 =	vadd.f32 v20, v10;
	v39 =	vadd.f32 v26, v37;
	v40 =	vmul.f32 v55, v4  }
0x2c7: {  	[tilespmem:s18+$0x1060] =	vst v7;
	v59 =	vmul.f32 v30, v4;
	v60 =	vld [tilespmem:s18+$0x9860];
	v55 =	vadd.f32 v50, v49;
	v15 =	vadd.f32 v43, v15  }
0x2c8: {  	v20 =	vld [tilespmem:s18+$0x1470];
	v43 =	vmul.f32 v62, v4;
	v10 =	vadd.f32 v40, v35;
	[tilespmem:s18+$0xC50] =	vst v16;
	v16 =	vadd.f32 v53, v52  }
0x2c9: {  	v26 =	vld [tilespmem:s18+$0x9870];
	[tilespmem:s18+$0x1000] =	vst v0;
	v61 =	vadd.f32 v55, v32;
	v62 =	vadd.f32 v58, v56;
	v32 =	vmul.f32 v31, v3  }
0x2ca: {  	[tilespmem:s18+$0x1430] =	vst v39;
	v35 =	vld [tilespmem:s18+$0x1820];
	v40 =	vmul.f32 v24, v3;
	v58 =	vmul.f32 v22, v3;
	v63 =	vadd.f32 v15, v5  }
0x2cb: {  	v53 =	vld [tilespmem:s18+$0x9850];
	v24 =	vmul.f32 v38, v3;
	v5 =	vadd.f32 v29, v9;
	v9 =	vadd.f32 v43, v42;
	[tilespmem:s18+$0x1400] =	vst v61  }
0x2cc: {  	v56 =	vld [tilespmem:s18+$0x1860];
	v38 =	vmul.f32 v60, v4;
	v10 =	vadd.f32 v10, v13;
	v6 =	vadd.f32 v62, v41;
	[tilespmem:s18+$0x1010] =	vst v63  }
0x2cd: {  	v15 =	vld [tilespmem:s18+$0x11460];
	v41 =	vmul.f32 v27, v4;
	v8 =	vadd.f32 v36, v32;
	v43 =	vmul.f32 v33, v3;
	[tilespmem:s18+$0x1030] =	vst v5  }
0x2ce: {  	v29 =	vld [tilespmem:s18+$0x1800];
	v46 =	vmul.f32 v20, v3;
	v2 =	vadd.f32 v9, v2;
	v9 =	vadd.f32 v47, v48;
	[tilespmem:s18+$0x1040] =	vst v10  }
0x2cf: {  	v42 =	vld [tilespmem:s18+$0x9830];
	v63 =	vadd.f32 v16, v57;
	v45 =	vadd.f32 v41, v40;
	v47 =	vmul.f32 v21, v4;
	[tilespmem:s18+$0x1420] =	vst v6  }
0x2d0: {  	v22 =	vld [tilespmem:s18+$0x1870];
	v33 =	vmul.f32 v51, v3;
	v49 =	vadd.f32 v8, v25;
	v50 =	vadd.f32 v11, v43;
	[tilespmem:s18+$0x1050] =	vst v2  }
0x2d1: {  	v48 =	vld [tilespmem:s18+$0x1840];
	v43 =	vmul.f32 v26, v4;
	v62 =	vmul.f32 v35, v3;
	[tilespmem:s18+$0x1070] =	vst v9;
	v52 =	vadd.f32 v47, v46  }
0x2d2: {  	v13 =	vld [tilespmem:s18+$0x11800];
	v2 =	vadd.f32 v45, v28;
	[tilespmem:s18+$0x1410] =	vst v63;
	v63 =	vmul.f32 v14, v4;
	v54 =	vadd.f32 v50, v15  }
0x2d3: {  	[tilespmem:s18+$0x1440] =	vst v49;
	v28 =	vld [tilespmem:s18+$0x9840];
	v55 =	vmul.f32 v29, v3;
	v57 =	vadd.f32 v52, v23;
	v23 =	vadd.f32 v59, v58  }
0x2d4: {  	v39 =	vld [tilespmem:s18+$0x11870];
	v37 =	vmul.f32 v56, v3;
	v25 =	vmul.f32 v42, v4;
	v27 =	vadd.f32 v63, v62;
	[tilespmem:s18+$0x1450] =	vst v2  }
0x2d5: {  	v35 =	vld [tilespmem:s18+$0x11860];
	v42 =	vmul.f32 v22, v3;
	v61 =	vadd.f32 v12, v55;
	[tilespmem:s18+$0x1460] =	vst v54;
	v29 =	vadd.f32 v23, v34  }
0x2d6: {  	v31 =	vld [tilespmem:s18+$0x11850];
	v30 =	vadd.f32 v25, v24;
	v45 =	vmul.f32 v48, v3;
	v32 =	vadd.f32 v27, v17;
	[tilespmem:s18+$0x1470] =	vst v57  }
0x2d7: {  	v41 =	vld [tilespmem:s18+$0x11840];
	v47 =	vadd.f32 v43, v42;
	v34 =	vmul.f32 v53, v4;
	v6 =	vadd.f32 v61, v13;
	[tilespmem:s18+$0x1810] =	vst v29  }
0x2d8: {  	v36 =	vadd.f32 v30, v44;
	v44 =	vadd.f32 v38, v37;
	v8 =	vmul.f32 v28, v4;
	[tilespmem:s18+$0x1820] =	vst v32  }
0x2d9: {  	v49 =	vadd.f32 v47, v39;
	v40 =	vadd.f32 v34, v33;
	[tilespmem:s18+$0x1800] =	vst v6  }
0x2da: {  	s23 =	sand.u32 $0x7, s6;
	[tilespmem:s18+$0x1830] =	vst v36;
	v48 =	vadd.f32 v8, v45;
	v2 =	vadd.f32 v44, v35  }
0x2db: {  	s19 =	sshll.u32 s23, $0x7;
	[tilespmem:s18+$0x1870] =	vst v49;
	v46 =	vadd.f32 v40, v31  }
0x2dc: {  	s23 =	sadd.s32 s19, s17;
	v1 =	vadd.f32 v48, v41;
	[tilespmem:s18+$0x1860] =	vst v2  }
0x2dd: {  	s19 =	sor.u32 $0x1C00, s23;
	[tilespmem:s18+$0x1850] =	vst v46  }
0x2de: {  	[tilespmem:s18+$0x1840] =	vst v1;
	v0 =	vld [tilespmem:s19+$0x0]  }
0x2df: {  	v1 =	vld [tilespmem:s19+$0x8000];
	_ =	sdelay $0x3  }
0x2e0: {  	v2 =	vld [tilespmem:s19+$0x10000]  }
0x2e1: {  	v0 =	vmul.f32 v0, v3;
	v1 =	vmul.f32 v1, v4;
	_ =	sdelay $0x1  }
0x2e2: {  	v0 =	vadd.f32 v1, v0;
	_ =	sdelay $0x1  }
0x2e3: {  	v0 =	vadd.f32 v0, v2;
	_ =	sdelay $0x1  }
0x2e4: {  	[tilespmem:s19+$0x0] =	vst v0;
	s19 =	sor.u32 $0x1C10, s23  }
0x2e5: {  	v0 =	vld [tilespmem:s19+$0x0]  }
0x2e6: {  	v50 =	vld [tilespmem:s19+$0x8000];
	_ =	sdelay $0x3  }
0x2e7: {  	v51 =	vld [tilespmem:s19+$0x10000]  }
0x2e8: {  	v0 =	vmul.f32 v0, v3;
	v1 =	vmul.f32 v50, v4;
	_ =	sdelay $0x1  }
0x2e9: {  	v0 =	vadd.f32 v1, v0;
	_ =	sdelay $0x1  }
0x2ea: {  	v0 =	vadd.f32 v0, v51;
	_ =	sdelay $0x1  }
0x2eb: {  	[tilespmem:s19+$0x0] =	vst v0;
	s19 =	sor.u32 $0x1C20, s23  }
0x2ec: {  	v0 =	vld [tilespmem:s19+$0x0]  }
0x2ed: {  	v52 =	vld [tilespmem:s19+$0x8000];
	_ =	sdelay $0x3  }
0x2ee: {  	v53 =	vld [tilespmem:s19+$0x10000]  }
0x2ef: {  	v0 =	vmul.f32 v0, v3;
	v1 =	vmul.f32 v52, v4;
	_ =	sdelay $0x1  }
0x2f0: {  	v0 =	vadd.f32 v1, v0;
	_ =	sdelay $0x1  }
0x2f1: {  	v0 =	vadd.f32 v0, v53;
	_ =	sdelay $0x1  }
0x2f2: {  	[tilespmem:s19+$0x0] =	vst v0;
	s19 =	sor.u32 $0x1C30, s23  }
0x2f3: {  	v0 =	vld [tilespmem:s19+$0x0]  }
0x2f4: {  	v54 =	vld [tilespmem:s19+$0x8000];
	_ =	sdelay $0x3  }
0x2f5: {  	v55 =	vld [tilespmem:s19+$0x10000]  }
0x2f6: {  	v0 =	vmul.f32 v0, v3;
	v1 =	vmul.f32 v54, v4;
	_ =	sdelay $0x1  }
0x2f7: {  	v0 =	vadd.f32 v1, v0;
	_ =	sdelay $0x1  }
0x2f8: {  	v0 =	vadd.f32 v0, v55;
	_ =	sdelay $0x1  }
0x2f9: {  	[tilespmem:s19+$0x0] =	vst v0;
	s19 =	sor.u32 $0x1C40, s23  }
0x2fa: {  	v0 =	vld [tilespmem:s19+$0x0]  }
0x2fb: {  	v56 =	vld [tilespmem:s19+$0x8000];
	_ =	sdelay $0x3  }
0x2fc: {  	v57 =	vld [tilespmem:s19+$0x10000]  }
0x2fd: {  	v0 =	vmul.f32 v0, v3;
	v1 =	vmul.f32 v56, v4;
	_ =	sdelay $0x1  }
0x2fe: {  	v0 =	vadd.f32 v1, v0;
	_ =	sdelay $0x1  }
0x2ff: {  	v0 =	vadd.f32 v0, v57;
	_ =	sdelay $0x1  }
0x300: {  	[tilespmem:s19+$0x0] =	vst v0;
	s19 =	sor.u32 $0x1C50, s23  }
0x301: {  	v0 =	vld [tilespmem:s19+$0x0]  }
0x302: {  	v58 =	vld [tilespmem:s19+$0x8000];
	_ =	sdelay $0x3  }
0x303: {  	v59 =	vld [tilespmem:s19+$0x10000]  }
0x304: {  	v0 =	vmul.f32 v0, v3;
	v1 =	vmul.f32 v58, v4;
	_ =	sdelay $0x1  }
0x305: {  	v0 =	vadd.f32 v1, v0;
	_ =	sdelay $0x1  }
0x306: {  	v0 =	vadd.f32 v0, v59;
	_ =	sdelay $0x1  }
0x307: {  	[tilespmem:s19+$0x0] =	vst v0;
	s19 =	sor.u32 $0x1C60, s23  }
0x308: {  	v0 =	vld [tilespmem:s19+$0x0]  }
0x309: {  	v60 =	vld [tilespmem:s19+$0x8000];
	_ =	sdelay $0x3  }
0x30a: {  	v61 =	vld [tilespmem:s19+$0x10000]  }
0x30b: {  	v0 =	vmul.f32 v0, v3;
	v1 =	vmul.f32 v60, v4;
	_ =	sdelay $0x1  }
0x30c: {  	v0 =	vadd.f32 v1, v0;
	_ =	sdelay $0x1  }
0x30d: {  	v0 =	vadd.f32 v0, v61;
	_ =	sdelay $0x1  }
0x30e: {  	s23 =	sor.u32 $0x1C70, s23;
	[tilespmem:s19+$0x0] =	vst v0  }
0x30f: {  	v0 =	vld [tilespmem:s23+$0x0]  }
0x310: {  	v62 =	vld [tilespmem:s23+$0x8000];
	_ =	sdelay $0x3  }
0x311: {  	v63 =	vld [tilespmem:s23+$0x10000]  }
0x312: {  	v0 =	vmul.f32 v0, v3;
	v1 =	vmul.f32 v62, v4  }
0x313: {  	p0 =	sne.s32 s7, $0xF80  }
.Ltmp1:
0x314: {  	v0 =	vadd.f32 v1, v0;
	(pc) =	sbr.rel @p0 .LBB2_4-.Ltmp1, $4  }
0x315: {  	_ = 	snop  }
0x316: {  	v0 =	vadd.f32 v0, v63  }
0x317: {  	s6 =	sadd.s32 $0x1, s6;
	s16 =	sadd.s32 $0x80, s16  }
0x318: {  	s22 =	sadd.s32 $0x80, s22;
	s7 =	sadd.s32 $0x80, s7;
	s17 =	sadd.s32 $0x400, s17;
	[tilespmem:s23+$0x0] =	vst v0  }
0x319: {  	s6 =	rddreg [dreg:$0xe]  }
0x31a: {  	[hbm4b:s6+s1] =	stream.linear.scatter [tilespmem:s1], [sflag:$0x2], $0x8000, $0x38;
	[tilespmem:$0x1A100] =	vst v63  }
0x31b: {  	_ =	swait.ge [sflag:s21], $0x8000  }
0x31c: {  	s15 =	sadd.s32 $0x1, s15;
	s23 =	rddreg [dreg:$0xf]  }
0x31d: {  	p0 =	sne.s32 s15, s23  }
.Ltmp2:
0x31e: {  	_ = 	snop;
	(pc) =	sbr.rel @p0 .LBB2_1-.Ltmp2, $3  }
0x31f: {  	_ =	sdelay $0x1  }
0x320: {  	[sflag:s21] =	ssyncset.done $0x0  }
0x321: {  	[sflag:s21] =	ssyncadd.s32 $0xFFFF8000  }
0x322: {  	_ =	sfence.sel $0x180000  }
0x323: {  	[bflag:$0x0] =	sbarrier.arrive $0xFFFF  }
0x324: {  	_ =	strace $0x9000004A  }
0x325: {  	s0 =	stileid.u32;
	[bflag:$0x2] =	sbarrier.arrive $0xFFFF  }
0x326: {  	p0 =	sne.s32 s0, $0x0;
	s0 =	rddreg [dreg:$0x2]  }
0x327: {  	s0 =	sadd.s32 @!p0 $0x100000, s0  }
0x328: {  	[sflag:s0] =	ssyncadd.tile.s32 @!p0 $0x1;
	_ =	shalt  }
.Lfunc_end2:
_tile_overlayer_lowered:
.L_overlay_start_2:
0x329: {  	(tag) =	ssettag $0x2  }
0x32a: {  	s0 =	rddreg [dreg:$0x0];
	s2 =	stileid.u32  }
0x32b: {  	s1 =	rddreg [dreg:$0x1];
	p0 =	sne.s32 s2, $0x0  }
0x32c: {  	s3 =	rddreg [dreg:$0x2];
	[bflag:$0x3] =	sbarrier.arrive $0xFFFF;
	s2 =	simm.s32 @!p0 $0x1C02  }
0x32d: {  	[timem:s3], [sflag:s2] =	dma.local @!p0 [hbm:s0], s1  }
0x32e: {  	s0 =	simm.s32 @!p0 $0x2  }
0x32f: {  	_ =	swait.ge @!p0 [sflag:s0], s1  }
0x330: {  	s1 =	ssub.s32 @!p0 $0x0, s1;
	[sflag:s0] =	ssyncset.done @!p0 $0x0  }
0x331: {  	[sflag:s0] =	ssyncadd.s32 @!p0 s1  }
0x332: {  	[bflag:$0x3] =	sbarrier.arrive $0xFFFF  }
0x333: {  	_ =	shalt  }

// kernel: kernel.7.cloned.1.call-start
scs
__scs_entry_jumppad:
0x0: {  	(pc) =	sbr.rel $0x88, $3  }
0x1: {  	(tag) =	ssettag $0x0;
	lr =	simm.s32 $0x1  }
0x2: {  	[smem:$0x3F99] =	sst lr;
	_ =	strace $0xD0000000  }
0x3: {  	_ = 	snop  }
0x4: {  	_ = 	snop  }
0x5: {  	_ = 	snop  }
0x6: {  	_ = 	snop  }
0x7: {  	_ = 	snop  }
__scs_overlays_trampoline_lowered:
0x8: {  	[smem:$0x3FA8] =	sst s0  }
0x9: {  	[smem:$0x3FA9] =	sst s1  }
0xa: {  	[smem:$0x3FAA] =	sst s2  }
0xb: {  	[smem:$0x3FAB] =	sst s3  }
0xc: {  	[smem:$0x3FAC] =	sst s4  }
0xd: {  	[smem:$0x3FAD] =	sst s5  }
0xe: {  	[smem:$0x3FAE] =	sst s6  }
0xf: {  	[smem:$0x3FAF] =	sst s7  }
0x10: {  	[smem:$0x3FB0] =	sst s8  }
0x11: {  	[smem:$0x3FB1] =	sst s9;
	s0 =	simm.s32 @!p0 $0x0  }
0x12: {  	s1 =	sld [smem:$0x3F97];
	s0 =	simm.s32 @p0 $0x1  }
0x13: {  	[smem:$0x3FB2] =	sst s0;
	s0 =	simm.s32 @!p1 $0x0  }
0x14: {  	s2 =	sld [smem:$0x3F96];
	s0 =	simm.s32 @p1 $0x1  }
0x15: {  	[smem:$0x3FB3] =	sst s0;
	s0 =	simm.s32 @!p2 $0x0  }
0x16: {  	s3 =	sld [smem:$0x3FDB];
	s0 =	simm.s32 @p2 $0x1  }
0x17: {  	s4 =	simm.s32 $0x1BF5;
	[smem:$0x3FB5] =	sst s0  }
0x18: {  	s0 =	sld [smem:$0x3F98];
	_ =	swait.ge [sflag:s4], $0x0  }
0x19: {  	s7 =	sld [smem:$0x3F99]  }
0x1a: {  	s8 =	sadd.s32 $0xFFFFE003, lr  }
0x1b: {  	s9 =	sadd.s32 $0xFFFFFEF7, lr;
	s5 =	simm.s32 $0xFFFFFFFF;
	p2 =	slt.u32 s8, $0xFFFFF086  }
0x1c: {  	p1 =	slt.u32 s9, $0xF7A;
	s5 =	simm.s32 @!p2 $0x0  }
0x1d: {  	s5 =	simm.s32 @p1 $0x1;
	p0 =	seq.s32 s7, s2  }
0x1e: {  	s7 =	smul.u32 @!p0 $0xF7A, s2;
	p2 =	seq.s32 @!p0 s5, $0x0  }
0x1f: {  	s9 =	smul.u32 $0xF7A, s1;
	s8 =	simm.s32 @!p0 $0x1BF5;
	p2 =	por !p2, p0  }
0x20: {  	[sflag:s8] =	ssyncset.s32 @!p0 $0xFFFFF086;
	s6 =	sadd.s32 @!p0 s3, s7;
	s7 =	simm.s32 @!p0 $0x108  }
0x21: {  	s3 =	sadd.s32 s3, s9;
	s6 =	sadd.s32 @!p0 $0x88, s6;
	s7 =	simm.s32 @p2 $0x1082  }
0x22: {  	[simem:s7], [sflag:s8] =	dma.local @!p0 [hbm:s6], $0xF7A  }
0x23: {  	s9 =	sor.u32 $0xD0000000, s2;
	s6 =	simm.s32 $0x108;
	_ =	swait.ge @!p0 [sflag:s8], $0x0  }
0x24: {  	s3 =	sadd.s32 $0x88, s3;
	s6 =	simm.s32 @!p1 $0x1082;
	[sflag:s4] =	ssyncset.s32 $0xFFFFF086  }
0x25: {  	[simem:s6], [sflag:s4] =	dma.local [hbm:s3], $0xF7A  }
0x26: {  	[smem:$0x3F99] =	sst s1;
	(tag) =	ssettag s2;
	_ =	strace s9  }
0x27: {  	s1 =	sld [smem:$0x3FA9]  }
0x28: {  	s2 =	sld [smem:$0x3FAA]  }
0x29: {  	s4 =	sld [smem:$0x3FAC]  }
0x2a: {  	p0 =	seq.s32 s5, $0x0;
	s5 =	sld [smem:$0x3FAD]  }
0x2b: {  	s6 =	sld [smem:$0x3FAE]  }
0x2c: {  	s7 =	sld [smem:$0x3FAF]  }
0x2d: {  	s3 =	simm.s32 $0x108;
	s8 =	sld [smem:$0x3FB0]  }
0x2e: {  	s3 =	simm.s32 @!p0 $0x1082;
	s9 =	sld [smem:$0x3FB1]  }
0x2f: {  	lr =	sadd.s32 s0, s3;
	s0 =	sld [smem:$0x3FA8]  }
0x30: {  	s3 =	sld [smem:$0x3FAB]  }
0x31: {  	[smem:$0x3FB4] =	sst s10  }
0x32: {  	s10 =	sld [smem:$0x3FB2];
	_ =	sdelay $0x3  }
0x33: {  	p0 =	seq.s32 s10, $0x1;
	s10 =	sld [smem:$0x3FB4];
	_ =	sdelay $0x3  }
0x34: {  	[smem:$0x3FB4] =	sst s10  }
0x35: {  	s10 =	sld [smem:$0x3FB3];
	_ =	sdelay $0x3  }
0x36: {  	p1 =	seq.s32 s10, $0x1;
	s10 =	sld [smem:$0x3FB4];
	_ =	sdelay $0x3  }
0x37: {  	[smem:$0x3FB4] =	sst s10  }
0x38: {  	s10 =	sld [smem:$0x3FB5]  }
0x39: {  	_ = 	snop;
	(pc) =	sbr.ind lr, $3  }
0x3a: {  	_ = 	snop  }
0x3b: {  	_ = 	snop  }
0x3c: {  	p2 =	seq.s32 s10, $0x1;
	s10 =	sld [smem:$0x3FB4]  }
0x3d: {  	_ =	shalt  }
0x3e: {  	_ =	shalt  }
0x3f: {  	_ =	shalt  }
0x40: {  	_ =	shalt  }
0x41: {  	_ =	shalt  }
0x42: {  	_ =	shalt  }
0x43: {  	_ =	shalt  }
0x44: {  	_ =	shalt  }
0x45: {  	_ =	shalt  }
0x46: {  	_ =	shalt  }
0x47: {  	_ =	shalt  }
0x48: {  	_ =	shalt  }
0x49: {  	_ =	shalt  }
0x4a: {  	_ =	shalt  }
0x4b: {  	_ =	shalt  }
0x4c: {  	_ =	shalt  }
0x4d: {  	_ =	shalt  }
0x4e: {  	_ =	shalt  }
0x4f: {  	_ =	shalt  }
0x50: {  	_ =	shalt  }
0x51: {  	_ =	shalt  }
0x52: {  	_ =	shalt  }
0x53: {  	_ =	shalt  }
0x54: {  	_ =	shalt  }
0x55: {  	_ =	shalt  }
0x56: {  	_ =	shalt  }
0x57: {  	_ =	shalt  }
0x58: {  	_ =	shalt  }
0x59: {  	_ =	shalt  }
0x5a: {  	_ =	shalt  }
0x5b: {  	_ =	shalt  }
0x5c: {  	_ =	shalt  }
0x5d: {  	_ =	shalt  }
0x5e: {  	_ =	shalt  }
0x5f: {  	_ =	shalt  }
0x60: {  	_ =	shalt  }
0x61: {  	_ =	shalt  }
0x62: {  	_ =	shalt  }
0x63: {  	_ =	shalt  }
0x64: {  	_ =	shalt  }
0x65: {  	_ =	shalt  }
0x66: {  	_ =	shalt  }
0x67: {  	_ =	shalt  }
0x68: {  	_ =	shalt  }
0x69: {  	_ =	shalt  }
0x6a: {  	_ =	shalt  }
0x6b: {  	_ =	shalt  }
0x6c: {  	_ =	shalt  }
0x6d: {  	_ =	shalt  }
0x6e: {  	_ =	shalt  }
0x6f: {  	_ =	shalt  }
0x70: {  	_ =	shalt  }
0x71: {  	_ =	shalt  }
0x72: {  	_ =	shalt  }
0x73: {  	_ =	shalt  }
0x74: {  	_ =	shalt  }
0x75: {  	_ =	shalt  }
0x76: {  	_ =	shalt  }
0x77: {  	_ =	shalt  }
0x78: {  	_ =	shalt  }
0x79: {  	_ =	shalt  }
0x7a: {  	_ =	shalt  }
0x7b: {  	_ =	shalt  }
0x7c: {  	_ =	shalt  }
0x7d: {  	_ =	shalt  }
0x7e: {  	_ =	shalt  }
0x7f: {  	_ =	shalt  }
0x80: {  	_ =	shalt  }
0x81: {  	_ =	shalt  }
0x82: {  	_ =	shalt  }
0x83: {  	_ =	shalt  }
0x84: {  	_ =	shalt  }
0x85: {  	_ =	shalt  }
0x86: {  	_ =	shalt  }
0x87: {  	_ =	shalt  }
.Lfunc_end0:
.L_simem_size_0:
called_computation_lowered:
.L_overlay_start_0:
0x88: {  	s2 =	sld [smem:$0x3FD9]  }
0x89: {  	s3 =	sld [smem:$0x3FFE];
	_ =	sdelay $0x1  }
0x8a: {  	s1 =	srdreg.scid  }
0x8b: {  	s0 =	sand.u32 $0x1, s1  }
0x8c: {  	s17 =	sshll.u32 s0, $0xA;
	s2 =	sadd.s32 s3, s2  }
0x8d: {  	s2 =	sadd.s32 s2, s17  }
0x8e: {  	[smem:$0x3FC0] =	sst s2  }
0x8f: {  	_ = 	snop  }
0x90: {  	s2 =	sld [smem:$0x3FC9];
	(tm) =	ssettm $0x1  }
0x91: {  	s18 =	sld [smem:$0x3FFB];
	_ =	sdelay $0x3  }
0x92: {  	_ =	strace s18  }
0x93: {  	s3 =	sld [smem:$0x3FFC];
	_ =	sdelay $0x3  }
0x94: {  	_ =	strace s3  }
0x95: {  	s3 =	sld [smem:$0x3FFD];
	_ =	sdelay $0x3  }
0x96: {  	_ =	strace s3  }
0x97: {  	_ =	strace $0x8FFFFFFF  }
0x98: {  	s19 =	sld [smem:$0x3FDB];
	_ =	sdelay $0x1  }
0x99: {  	s4 =	simm.s32 $_scs_section_size  }
0x9a: {  	s5 =	simm.s32 $_size__tile_overlayer_lowered;
	s6 =	simm.s32 $_tile_overlayer_lowered  }
0x9b: {  	s22 =	simm.s32 $0x1BFF;
	s21 =	sshll.u32 s6, $0x1;
	s3 =	sadd.s32 s4, s19  }
0x9c: {  	s7 =	simm.s32 $0x0;
	s20 =	sshll.u32 s5, $0x1;
	s5 =	sadd.s32 s21, s3  }
0x9d: {  	[timem:s7], [sflag:s22] =	dma.local [hbm:s5], s20  }
0x9e: {  	_ =	swait.ge [sflag:s22], s20  }
0x9f: {  	s4 =	ssub.s32 $0x0, s20;
	[sflag:s22] =	ssyncset.done $0x0  }
0xa0: {  	[sflag:s22] =	ssyncadd.s32 s4;
	_ =	sdelay $0x1  }
0xa1: {  	s23 =	simm.s32 $0x1B8B  }
0xa2: {  	_ =	swait.ge [sflag:s23], $0x1  }
0xa3: {  	[sflag:s23] =	ssyncset.done $0x0  }
0xa4: {  	s25 =	simm.s32 $0x1B8E;
	s24 =	sld [smem:$0x3FFE];
	[sflag:s23] =	ssyncadd.s32 $0xFFFFFFFF  }
0xa5: {  	s26 =	simm.s32 $execute0_lowered;
	[smem:$0x3FD2] =	sst s25  }
0xa6: {  	s5 =	sshll.u32 s26, $0x1;
	_ =	strace $0x80000046;
	[dreg:$0x1] =	wrdreg $0xFFFFFFFF  }
0xa7: {  	s28 =	simm.s32 $_size_execute0_lowered;
	s3 =	sadd.s32 s3, s5;
	[dreg:$0x0] =	wrdreg $0x0  }
0xa8: {  	s5 =	sshll.u32 s28, $0x1;
	[dreg:$0x2] =	wrdreg s3  }
0xa9: {  	[dreg:$0x3] =	wrdreg s5  }
0xaa: {  	[dreg:$0x4] =	wrdreg $0xC0  }
0xab: {  	_ =	task [dreg:s7], $0x5FFFF  }
0xac: {  	[dreg:$0x1] =	wrdreg $0xFFFFFFFF  }
0xad: {  	[dreg:$0x0] =	wrdreg $0x60  }
0xae: {  	[dreg:$0x2] =	wrdreg s2  }
0xaf: {  	[dreg:$0x3] =	wrdreg s24  }
0xb0: {  	[dreg:$0x4] =	wrdreg $0x9  }
0xb1: {  	_ =	task.clear_ibuf [dreg:s7], $0x5FFFF;
	_ =	strace $0x90000046  }
0xb2: {  	s29 =	simm.s32 $0x9;
	_ =	strace $0x80000048  }
0xb3: {  	_ =	swait.ge [sflag:s29], $0x1  }
0xb4: {  	[sflag:s29] =	ssyncadd.s32 $0xFFFFFFFF  }
0xb5: {  	_ =	strace $0x90000048  }
0xb6: {  	_ =	sfence  }
0xb7: {  	s30 =	sld [smem:$0x0];
	_ =	sdelay $0x2  }
0xb8: {  	s31 =	sshll.u32 s1, $0xD;
	s1 =	sshrl.u32 s1, $0x2  }
0xb9: {  	s3 =	sand.u32 $0x4000, s31;
	s1 =	sadd.s32 s1, s30  }
0xba: {  	s0 =	sor.u32 s3, s0;
	s1 =	sshll.u32 s1, $0x11  }
0xbb: {  	s0 =	sor.u32 s1, s0  }
0xbc: {  	s0 =	sadd.s32 $0x8F2B, s0  }
0xbd: {  	[sflag:s0] =	ssyncadd.remote.s32 $0x1  }
0xbe: {  	_ =	sfence.sel $0xFFFF  }
0xbf: {  	[dreg:$0x0] =	wrdreg $0xFFFFFFFF;
	(pc) =	sbr.abs _section_cstart, $3  }
0xc0: {  	[dreg:$0x1] =	wrdreg $0xFFFFFFFF  }
0xc1: {  	_ =	task.clear_ibuf [dreg:s7], $0x2FFFF;
	_ =	strace $0x9FFFFFFF  }
0xc2: {  	(tm) =	ssettm $0x7FFFFFFF  }
0xc3: {  	_ =	shalt  }
tec
execute0_lowered:
.L_overlay_start_1:
0x0: {  	(tag) =	ssettag $0x1  }
0x1: {  	s0 =	srdreg.scid  }
0x2: {  	s1 =	rddreg [dreg:$0x0];
	s2 =	stileid.u32  }
0x3: {  	s6 =	rddreg [dreg:$0x1];
	s25 =	simm.s32 $0x10000;
	s8 =	simm.s32 $0x2  }
0x4: {  	s26 =	simm.s32 $0x10080;
	s19 =	simm.s32 $0x1800;
	s20 =	simm.s32 $0x2000  }
0x5: {  	s21 =	simm.s32 $0x2800;
	s28 =	simm.s32 $0x5800;
	s29 =	simm.s32 $0x6000  }
0x6: {  	s30 =	simm.s32 $0x6800;
	s31 =	simm.s32 $0x7000;
	s9 =	simm.s32 $0x8800  }
0x7: {  	s10 =	simm.s32 $0x9000;
	s11 =	simm.s32 $0x9800;
	s12 =	simm.s32 $0xA000  }
0x8: {  	s13 =	simm.s32 $0xA800;
	s14 =	simm.s32 $0xB000;
	s15 =	simm.s32 $0xB800  }
0x9: {  	s0 =	sand.u32 $0x1, s0;
	s3 =	sshll.u32 s2, $0x7;
	s2 =	simm.s32 $0x0  }
0xa: {  	s16 =	simm.s32 $0xC000;
	s4 =	sshll.u32 s0, $0x6;
	[smem:$0x7FF] =	sst s2  }
0xb: {  	s0 =	ssub.s32 $0x2, s0;
	_ =	strace $0x80000047;
	[dreg:$0x6] =	wrdreg s25  }
0xc: {  	s3 =	sor.u32 s4, s3;
	s22 =	sshrl.u32 s0, $0x1;
	[dreg:$0x7] =	wrdreg s26  }
0xd: {  	s25 =	simm.s32 $0x4800;
	s26 =	simm.s32 $0x5000;
	s4 =	sshrl.u32 s3, $0x3  }
0xe: {  	s5 =	sshll.u32 s3, $0x7;
	s3 =	sadd.s32 $0x11C00, s6;
	s0 =	ssub.s32 s0, s22  }
0xf: {  	s22 =	simm.s32 $0x3000;
	s4 =	sadd.s32 s4, s6;
	s1 =	sadd.s32 s1, s5  }
0x10: {  	s5 =	sadd.s32 $0x11E00, s6;
	s7 =	smax.u32 s0, $0x1;
	[dreg:$0x3] =	wrdreg s1  }
0x11: {  	v2 =	vlaneseq.u32;
	s23 =	sadd.s32 $0x11800, s4;
	s24 =	sadd.s32 $0x11A00, s4;
	s4 =	sadd.s32 $0x11D00, s6  }
0x12: {  	vm0 =	vmmov $0xffff;
	v1 =	vshrl.u32 v2, $0x3;
	s6 =	sadd.s32 $0x11F00, s6;
	s1 =	simm.s32 $0x7800;
	[dreg:$0x4] =	wrdreg s23  }
0x13: {  	v0 =	vand.u32 $0x7, v2;
	v2 =	vor.u32 $0x8, v2;
	v1 =	vmul.u32 $0x8, v1;
	[dreg:$0x5] =	wrdreg s24;
	s23 =	simm.s32 $0x3800;
	s24 =	simm.s32 $0x4000  }
.LBB2_1:
0x14: {  	s17 =	rddreg [dreg:$0x3]  }
0x15: {  	[tilespmem:s2], [sflag:$0x2] =	stream.linear.gather [hbm4b:s17+s2], $0x10000, $0x38;
	[tilespmem:$0x10100] =	vst v63  }
0x16: {  	_ =	swait.ge [sflag:s8], $0x10000  }
0x17: {  	s0 =	rddreg [dreg:$0x4];
	[sflag:s8] =	ssyncset.done $0x0  }
0x18: {  	s18 =	rddreg [dreg:$0x6];
	[sflag:s8] =	ssyncadd.s32 $0xFFFF0000  }
0x19: {  	[tilespmem:s18], [sflag:$0x2] =	stream.linear.gather [hbm4b:s0+s2], $0x40, $0x38;
	[tilespmem:$0x10100] =	vst v63  }
0x1a: {  	_ =	swait.ge [sflag:s8], $0x40  }
0x1b: {  	s18 =	rddreg [dreg:$0x5];
	[sflag:s8] =	ssyncset.done $0x0  }
0x1c: {  	s0 =	rddreg [dreg:$0x7];
	[sflag:s8] =	ssyncadd.s32 $0xFFFFFFC0  }
0x1d: {  	[tilespmem:s0], [sflag:$0x2] =	stream.linear.gather [hbm4b:s18+s2], $0x40, $0x38;
	[tilespmem:$0x10100] =	vst v63  }
0x1e: {  	_ =	swait.ge [sflag:s8], $0x40  }
0x1f: {  	[sflag:s8] =	ssyncset.done $0x0  }
0x20: {  	[sflag:s8] =	ssyncadd.s32 $0xFFFFFFC0  }
0x21: {  	v3 =	vld [tilespmem:$0x10000];
	_ =	sdelay $0x4  }
0x22: {  	v4 =	vshll.u32 v3, $0x3  }
0x23: {  	v3 =	vand.u32 $0x7, v3;
	v4 =	vand.u32 $0xFFFFFFC0, v4  }
0x24: {  	v3 =	vor.u32 v3, v4  }
0x25: {  	v4 =	vperm.xlane v3, v0;
	_ =	sdelay $0x1  }
0x26: {  	v4 =	vadd.s32 v1, v4;
	_ =	sdelay $0x4  }
0x27: {  	[hbm4b:s3+s2] =	stream.indirect_vreg.scatter [tilespmem:s2], [sflag:$0x1], $0x80, v4, vm0, $0xb8;
	[tilespmem:$0x10100] =	vst v63  }
0x28: {  	s17 =	simm.s32 $0x800;
	v3 =	vperm.xlane v3, v2  }
0x29: {  	[hbm4b:s4+s2] =	stream.indirect_vreg.scatter [tilespmem:s17], [sflag:$0x1], $0x80, v4, vm0, $0xb8;
	[tilespmem:$0x10100] =	vst v63  }
0x2a: {  	s18 =	simm.s32 $0x1000;
	v3 =	vadd.s32 v1, v3  }
0x2b: {  	[hbm4b:s5+s2] =	stream.indirect_vreg.scatter [tilespmem:s18], [sflag:$0x1], $0x80, v4, vm0, $0xb8;
	[tilespmem:$0x10100] =	vst v63  }
0x2c: {  	_ = 	snop  }
0x2d: {  	[hbm4b:s6+s2] =	stream.indirect_vreg.scatter [tilespmem:s19], [sflag:$0x1], $0x80, v4, vm0, $0xb8;
	[tilespmem:$0x10100] =	vst v63  }
0x2e: {  	_ = 	snop  }
0x2f: {  	[hbm4b:s3+s2] =	stream.indirect_vreg.scatter [tilespmem:s20], [sflag:$0x1], $0x80, v3, vm0, $0xb8;
	[tilespmem:$0x10100] =	vst v63  }
0x30: {  	_ = 	snop  }
0x31: {  	[hbm4b:s4+s2] =	stream.indirect_vreg.scatter [tilespmem:s21], [sflag:$0x1], $0x80, v3, vm0, $0xb8;
	[tilespmem:$0x10100] =	vst v63  }
0x32: {  	_ = 	snop  }
0x33: {  	[hbm4b:s5+s2] =	stream.indirect_vreg.scatter [tilespmem:s22], [sflag:$0x1], $0x80, v3, vm0, $0xb8;
	[tilespmem:$0x10100] =	vst v63  }
0x34: {  	_ = 	snop  }
0x35: {  	[hbm4b:s6+s2] =	stream.indirect_vreg.scatter [tilespmem:s23], [sflag:$0x1], $0x80, v3, vm0, $0xb8;
	[tilespmem:$0x10100] =	vst v63  }
0x36: {  	v3 =	vld [tilespmem:$0x10010];
	_ =	sdelay $0x4  }
0x37: {  	v57 =	vshll.u32 v3, $0x3  }
0x38: {  	v3 =	vand.u32 $0x7, v3;
	v4 =	vand.u32 $0xFFFFFFC0, v57  }
0x39: {  	v3 =	vor.u32 v3, v4  }
0x3a: {  	v4 =	vperm.xlane v3, v0;
	_ =	sdelay $0x1  }
0x3b: {  	v4 =	vadd.s32 v1, v4;
	_ =	sdelay $0x4  }
0x3c: {  	[hbm4b:s3+s2] =	stream.indirect_vreg.scatter [tilespmem:s24], [sflag:$0x1], $0x80, v4, vm0, $0xb8;
	[tilespmem:$0x10100] =	vst v63  }
0x3d: {  	v3 =	vperm.xlane v3, v2  }
0x3e: {  	[hbm4b:s4+s2] =	stream.indirect_vreg.scatter [tilespmem:s25], [sflag:$0x1], $0x80, v4, vm0, $0xb8;
	[tilespmem:$0x10100] =	vst v63  }
0x3f: {  	v3 =	vadd.s32 v1, v3  }
0x40: {  	[hbm4b:s5+s2] =	stream.indirect_vreg.scatter [tilespmem:s26], [sflag:$0x1], $0x80, v4, vm0, $0xb8;
	[tilespmem:$0x10100] =	vst v63  }
0x41: {  	_ = 	snop  }
0x42: {  	[hbm4b:s6+s2] =	stream.indirect_vreg.scatter [tilespmem:s28], [sflag:$0x1], $0x80, v4, vm0, $0xb8;
	[tilespmem:$0x10100] =	vst v63  }
0x43: {  	_ = 	snop  }
0x44: {  	[hbm4b:s3+s2] =	stream.indirect_vreg.scatter [tilespmem:s29], [sflag:$0x1], $0x80, v3, vm0, $0xb8;
	[tilespmem:$0x10100] =	vst v63  }
0x45: {  	_ = 	snop  }
0x46: {  	[hbm4b:s4+s2] =	stream.indirect_vreg.scatter [tilespmem:s30], [sflag:$0x1], $0x80, v3, vm0, $0xb8;
	[tilespmem:$0x10100] =	vst v63  }
0x47: {  	_ = 	snop  }
0x48: {  	[hbm4b:s5+s2] =	stream.indirect_vreg.scatter [tilespmem:s31], [sflag:$0x1], $0x80, v3, vm0, $0xb8;
	[tilespmem:$0x10100] =	vst v63  }
0x49: {  	_ = 	snop  }
0x4a: {  	[hbm4b:s6+s2] =	stream.indirect_vreg.scatter [tilespmem:s1], [sflag:$0x1], $0x80, v3, vm0, $0xb8;
	[tilespmem:$0x10100] =	vst v63  }
0x4b: {  	v3 =	vld [tilespmem:$0x10020];
	_ =	sdelay $0x4  }
0x4c: {  	v58 =	vshll.u32 v3, $0x3  }
0x4d: {  	v3 =	vand.u32 $0x7, v3;
	v4 =	vand.u32 $0xFFFFFFC0, v58  }
0x4e: {  	v3 =	vor.u32 v3, v4  }
0x4f: {  	v4 =	vperm.xlane v3, v0;
	_ =	sdelay $0x1  }
0x50: {  	v4 =	vadd.s32 v1, v4;
	_ =	sdelay $0x3  }
0x51: {  	s0 =	simm.s32 $0x8000  }
0x52: {  	[hbm4b:s3+s2] =	stream.indirect_vreg.scatter [tilespmem:s0], [sflag:$0x1], $0x80, v4, vm0, $0xb8;
	[tilespmem:$0x10100] =	vst v63  }
0x53: {  	v3 =	vperm.xlane v3, v2  }
0x54: {  	[hbm4b:s4+s2] =	stream.indirect_vreg.scatter [tilespmem:s9], [sflag:$0x1], $0x80, v4, vm0, $0xb8;
	[tilespmem:$0x10100] =	vst v63  }
0x55: {  	v3 =	vadd.s32 v1, v3  }
0x56: {  	[hbm4b:s5+s2] =	stream.indirect_vreg.scatter [tilespmem:s10], [sflag:$0x1], $0x80, v4, vm0, $0xb8;
	[tilespmem:$0x10100] =	vst v63  }
0x57: {  	_ = 	snop  }
0x58: {  	[hbm4b:s6+s2] =	stream.indirect_vreg.scatter [tilespmem:s11], [sflag:$0x1], $0x80, v4, vm0, $0xb8;
	[tilespmem:$0x10100] =	vst v63  }
0x59: {  	_ = 	snop  }
0x5a: {  	[hbm4b:s3+s2] =	stream.indirect_vreg.scatter [tilespmem:s12], [sflag:$0x1], $0x80, v3, vm0, $0xb8;
	[tilespmem:$0x10100] =	vst v63  }
0x5b: {  	_ = 	snop  }
0x5c: {  	[hbm4b:s4+s2] =	stream.indirect_vreg.scatter [tilespmem:s13], [sflag:$0x1], $0x80, v3, vm0, $0xb8;
	[tilespmem:$0x10100] =	vst v63  }
0x5d: {  	_ = 	snop  }
0x5e: {  	[hbm4b:s5+s2] =	stream.indirect_vreg.scatter [tilespmem:s14], [sflag:$0x1], $0x80, v3, vm0, $0xb8;
	[tilespmem:$0x10100] =	vst v63  }
0x5f: {  	_ = 	snop  }
0x60: {  	[hbm4b:s6+s2] =	stream.indirect_vreg.scatter [tilespmem:s15], [sflag:$0x1], $0x80, v3, vm0, $0xb8;
	[tilespmem:$0x10100] =	vst v63  }
0x61: {  	v3 =	vld [tilespmem:$0x10030];
	_ =	sdelay $0x4  }
0x62: {  	v59 =	vshll.u32 v3, $0x3  }
0x63: {  	v3 =	vand.u32 $0x7, v3;
	v4 =	vand.u32 $0xFFFFFFC0, v59  }
0x64: {  	v3 =	vor.u32 v3, v4  }
0x65: {  	v4 =	vperm.xlane v3, v0;
	_ =	sdelay $0x1  }
0x66: {  	v4 =	vadd.s32 v1, v4;
	_ =	sdelay $0x4  }
0x67: {  	[hbm4b:s3+s2] =	stream.indirect_vreg.scatter [tilespmem:s16], [sflag:$0x1], $0x80, v4, vm0, $0xb8;
	[tilespmem:$0x10100] =	vst v63  }
0x68: {  	s0 =	simm.s32 $0xC800;
	v3 =	vperm.xlane v3, v2  }
0x69: {  	[hbm4b:s4+s2] =	stream.indirect_vreg.scatter [tilespmem:s0], [sflag:$0x1], $0x80, v4, vm0, $0xb8;
	[tilespmem:$0x10100] =	vst v63  }
0x6a: {  	v3 =	vadd.s32 v1, v3;
	s0 =	simm.s32 $0xD000  }
0x6b: {  	[hbm4b:s5+s2] =	stream.indirect_vreg.scatter [tilespmem:s0], [sflag:$0x1], $0x80, v4, vm0, $0xb8;
	[tilespmem:$0x10100] =	vst v63  }
0x6c: {  	s0 =	simm.s32 $0xD800  }
0x6d: {  	[hbm4b:s6+s2] =	stream.indirect_vreg.scatter [tilespmem:s0], [sflag:$0x1], $0x80, v4, vm0, $0xb8;
	[tilespmem:$0x10100] =	vst v63  }
0x6e: {  	s0 =	simm.s32 $0xE000  }
0x6f: {  	[hbm4b:s3+s2] =	stream.indirect_vreg.scatter [tilespmem:s0], [sflag:$0x1], $0x80, v3, vm0, $0xb8;
	[tilespmem:$0x10100] =	vst v63  }
0x70: {  	s0 =	simm.s32 $0xE800  }
0x71: {  	[hbm4b:s4+s2] =	stream.indirect_vreg.scatter [tilespmem:s0], [sflag:$0x1], $0x80, v3, vm0, $0xb8;
	[tilespmem:$0x10100] =	vst v63  }
0x72: {  	s0 =	simm.s32 $0xF000  }
0x73: {  	[hbm4b:s5+s2] =	stream.indirect_vreg.scatter [tilespmem:s0], [sflag:$0x1], $0x80, v3, vm0, $0xb8;
	[tilespmem:$0x10100] =	vst v63  }
0x74: {  	s0 =	simm.s32 $0xF800  }
0x75: {  	[hbm4b:s6+s2] =	stream.indirect_vreg.scatter [tilespmem:s0], [sflag:$0x1], $0x80, v3, vm0, $0xb8;
	[tilespmem:$0x10100] =	vst v63  }
0x76: {  	v3 =	vld [tilespmem:$0x10080];
	_ =	sdelay $0x4  }
0x77: {  	v60 =	vshll.u32 v3, $0x3  }
0x78: {  	v3 =	vand.u32 $0x7, v3;
	v4 =	vand.u32 $0xFFFFFFC0, v60  }
0x79: {  	v3 =	vor.u32 v3, v4  }
0x7a: {  	v4 =	vperm.xlane v3, v0;
	_ =	sdelay $0x1  }
0x7b: {  	v4 =	vadd.s32 v1, v4;
	_ =	sdelay $0x4  }
0x7c: {  	[hbm4b:s3+s2] =	stream.indirect_vreg.scatter [tilespmem:s2], [sflag:$0x1], $0x80, v4, vm0, $0xb8;
	[tilespmem:$0x10100] =	vst v63  }
0x7d: {  	v3 =	vperm.xlane v3, v2  }
0x7e: {  	[hbm4b:s4+s2] =	stream.indirect_vreg.scatter [tilespmem:s17], [sflag:$0x1], $0x80, v4, vm0, $0xb8;
	[tilespmem:$0x10100] =	vst v63  }
0x7f: {  	v3 =	vadd.s32 v1, v3  }
0x80: {  	[hbm4b:s5+s2] =	stream.indirect_vreg.scatter [tilespmem:s18], [sflag:$0x1], $0x80, v4, vm0, $0xb8;
	[tilespmem:$0x10100] =	vst v63  }
0x81: {  	_ = 	snop  }
0x82: {  	[hbm4b:s6+s2] =	stream.indirect_vreg.scatter [tilespmem:s19], [sflag:$0x1], $0x80, v4, vm0, $0xb8;
	[tilespmem:$0x10100] =	vst v63  }
0x83: {  	_ = 	snop  }
0x84: {  	[hbm4b:s3+s2] =	stream.indirect_vreg.scatter [tilespmem:s20], [sflag:$0x1], $0x80, v3, vm0, $0xb8;
	[tilespmem:$0x10100] =	vst v63  }
0x85: {  	_ = 	snop  }
0x86: {  	[hbm4b:s4+s2] =	stream.indirect_vreg.scatter [tilespmem:s21], [sflag:$0x1], $0x80, v3, vm0, $0xb8;
	[tilespmem:$0x10100] =	vst v63  }
0x87: {  	_ = 	snop  }
0x88: {  	[hbm4b:s5+s2] =	stream.indirect_vreg.scatter [tilespmem:s22], [sflag:$0x1], $0x80, v3, vm0, $0xb8;
	[tilespmem:$0x10100] =	vst v63  }
0x89: {  	_ = 	snop  }
0x8a: {  	[hbm4b:s6+s2] =	stream.indirect_vreg.scatter [tilespmem:s23], [sflag:$0x1], $0x80, v3, vm0, $0xb8;
	[tilespmem:$0x10100] =	vst v63  }
0x8b: {  	v3 =	vld [tilespmem:$0x10090];
	_ =	sdelay $0x4  }
0x8c: {  	v61 =	vshll.u32 v3, $0x3  }
0x8d: {  	v3 =	vand.u32 $0x7, v3;
	v4 =	vand.u32 $0xFFFFFFC0, v61  }
0x8e: {  	v3 =	vor.u32 v3, v4  }
0x8f: {  	v4 =	vperm.xlane v3, v0;
	_ =	sdelay $0x1  }
0x90: {  	v4 =	vadd.s32 v1, v4;
	_ =	sdelay $0x4  }
0x91: {  	[hbm4b:s3+s2] =	stream.indirect_vreg.scatter [tilespmem:s24], [sflag:$0x1], $0x80, v4, vm0, $0xb8;
	[tilespmem:$0x10100] =	vst v63  }
0x92: {  	v3 =	vperm.xlane v3, v2  }
0x93: {  	[hbm4b:s4+s2] =	stream.indirect_vreg.scatter [tilespmem:s25], [sflag:$0x1], $0x80, v4, vm0, $0xb8;
	[tilespmem:$0x10100] =	vst v63  }
0x94: {  	v3 =	vadd.s32 v1, v3  }
0x95: {  	[hbm4b:s5+s2] =	stream.indirect_vreg.scatter [tilespmem:s26], [sflag:$0x1], $0x80, v4, vm0, $0xb8;
	[tilespmem:$0x10100] =	vst v63  }
0x96: {  	_ = 	snop  }
0x97: {  	[hbm4b:s6+s2] =	stream.indirect_vreg.scatter [tilespmem:s28], [sflag:$0x1], $0x80, v4, vm0, $0xb8;
	[tilespmem:$0x10100] =	vst v63  }
0x98: {  	_ = 	snop  }
0x99: {  	[hbm4b:s3+s2] =	stream.indirect_vreg.scatter [tilespmem:s29], [sflag:$0x1], $0x80, v3, vm0, $0xb8;
	[tilespmem:$0x10100] =	vst v63  }
0x9a: {  	_ = 	snop  }
0x9b: {  	[hbm4b:s4+s2] =	stream.indirect_vreg.scatter [tilespmem:s30], [sflag:$0x1], $0x80, v3, vm0, $0xb8;
	[tilespmem:$0x10100] =	vst v63  }
0x9c: {  	_ = 	snop  }
0x9d: {  	[hbm4b:s5+s2] =	stream.indirect_vreg.scatter [tilespmem:s31], [sflag:$0x1], $0x80, v3, vm0, $0xb8;
	[tilespmem:$0x10100] =	vst v63  }
0x9e: {  	_ = 	snop  }
0x9f: {  	[hbm4b:s6+s2] =	stream.indirect_vreg.scatter [tilespmem:s1], [sflag:$0x1], $0x80, v3, vm0, $0xb8;
	[tilespmem:$0x10100] =	vst v63  }
0xa0: {  	v3 =	vld [tilespmem:$0x100A0];
	_ =	sdelay $0x4  }
0xa1: {  	v62 =	vshll.u32 v3, $0x3  }
0xa2: {  	v3 =	vand.u32 $0x7, v3;
	v4 =	vand.u32 $0xFFFFFFC0, v62  }
0xa3: {  	v3 =	vor.u32 v3, v4  }
0xa4: {  	v4 =	vperm.xlane v3, v0;
	_ =	sdelay $0x1  }
0xa5: {  	v4 =	vadd.s32 v1, v4;
	_ =	sdelay $0x3  }
0xa6: {  	s18 =	simm.s32 $0x8000  }
0xa7: {  	[hbm4b:s3+s2] =	stream.indirect_vreg.scatter [tilespmem:s18], [sflag:$0x1], $0x80, v4, vm0, $0xb8;
	[tilespmem:$0x10100] =	vst v63  }
0xa8: {  	v3 =	vperm.xlane v3, v2  }
0xa9: {  	[hbm4b:s4+s2] =	stream.indirect_vreg.scatter [tilespmem:s9], [sflag:$0x1], $0x80, v4, vm0, $0xb8;
	[tilespmem:$0x10100] =	vst v63  }
0xaa: {  	v3 =	vadd.s32 v1, v3  }
0xab: {  	[hbm4b:s5+s2] =	stream.indirect_vreg.scatter [tilespmem:s10], [sflag:$0x1], $0x80, v4, vm0, $0xb8;
	[tilespmem:$0x10100] =	vst v63  }
0xac: {  	_ = 	snop  }
0xad: {  	[hbm4b:s6+s2] =	stream.indirect_vreg.scatter [tilespmem:s11], [sflag:$0x1], $0x80, v4, vm0, $0xb8;
	[tilespmem:$0x10100] =	vst v63  }
0xae: {  	_ = 	snop  }
0xaf: {  	[hbm4b:s3+s2] =	stream.indirect_vreg.scatter [tilespmem:s12], [sflag:$0x1], $0x80, v3, vm0, $0xb8;
	[tilespmem:$0x10100] =	vst v63  }
0xb0: {  	_ = 	snop  }
0xb1: {  	[hbm4b:s4+s2] =	stream.indirect_vreg.scatter [tilespmem:s13], [sflag:$0x1], $0x80, v3, vm0, $0xb8;
	[tilespmem:$0x10100] =	vst v63  }
0xb2: {  	_ = 	snop  }
0xb3: {  	[hbm4b:s5+s2] =	stream.indirect_vreg.scatter [tilespmem:s14], [sflag:$0x1], $0x80, v3, vm0, $0xb8;
	[tilespmem:$0x10100] =	vst v63  }
0xb4: {  	_ = 	snop  }
0xb5: {  	[hbm4b:s6+s2] =	stream.indirect_vreg.scatter [tilespmem:s15], [sflag:$0x1], $0x80, v3, vm0, $0xb8;
	[tilespmem:$0x10100] =	vst v63  }
0xb6: {  	v3 =	vld [tilespmem:$0x100B0];
	_ =	sdelay $0x4  }
0xb7: {  	v63 =	vshll.u32 v3, $0x3  }
0xb8: {  	v3 =	vand.u32 $0x7, v3;
	v4 =	vand.u32 $0xFFFFFFC0, v63  }
0xb9: {  	v3 =	vor.u32 v3, v4  }
0xba: {  	v4 =	vperm.xlane v3, v0;
	_ =	sdelay $0x1  }
0xbb: {  	v4 =	vadd.s32 v1, v4;
	_ =	sdelay $0x4  }
0xbc: {  	[hbm4b:s3+s2] =	stream.indirect_vreg.scatter [tilespmem:s16], [sflag:$0x1], $0x80, v4, vm0, $0xb8;
	[tilespmem:$0x10100] =	vst v63  }
0xbd: {  	s17 =	simm.s32 $0xC800;
	v3 =	vperm.xlane v3, v2  }
0xbe: {  	[hbm4b:s4+s2] =	stream.indirect_vreg.scatter [tilespmem:s17], [sflag:$0x1], $0x80, v4, vm0, $0xb8;
	[tilespmem:$0x10100] =	vst v63  }
0xbf: {  	s18 =	simm.s32 $0xD000;
	v3 =	vadd.s32 v1, v3  }
0xc0: {  	[hbm4b:s5+s2] =	stream.indirect_vreg.scatter [tilespmem:s18], [sflag:$0x1], $0x80, v4, vm0, $0xb8;
	[tilespmem:$0x10100] =	vst v63  }
0xc1: {  	s17 =	simm.s32 $0xD800  }
0xc2: {  	[hbm4b:s6+s2] =	stream.indirect_vreg.scatter [tilespmem:s17], [sflag:$0x1], $0x80, v4, vm0, $0xb8;
	[tilespmem:$0x10100] =	vst v63  }
0xc3: {  	s18 =	simm.s32 $0xE000  }
0xc4: {  	[hbm4b:s3+s2] =	stream.indirect_vreg.scatter [tilespmem:s18], [sflag:$0x1], $0x80, v3, vm0, $0xb8;
	[tilespmem:$0x10100] =	vst v63  }
0xc5: {  	s17 =	simm.s32 $0xE800  }
0xc6: {  	[hbm4b:s4+s2] =	stream.indirect_vreg.scatter [tilespmem:s17], [sflag:$0x1], $0x80, v3, vm0, $0xb8;
	[tilespmem:$0x10100] =	vst v63  }
0xc7: {  	s18 =	simm.s32 $0xF000  }
0xc8: {  	[hbm4b:s5+s2] =	stream.indirect_vreg.scatter [tilespmem:s18], [sflag:$0x1], $0x80, v3, vm0, $0xb8;
	[tilespmem:$0x10100] =	vst v63  }
0xc9: {  	s17 =	simm.s32 $0xF800;
	s18 =	simm.s32 $0x1  }
0xca: {  	[hbm4b:s6+s2] =	stream.indirect_vreg.scatter [tilespmem:s17], [sflag:$0x1], $0x80, v3, vm0, $0xb8;
	[tilespmem:$0x10100] =	vst v63  }
0xcb: {  	p0 =	sne.s32 s7, $0x1;
	_ =	swait.ge [sflag:s18], $0x10000  }
.Ltmp0:
0xcc: {  	[sflag:s18] =	ssyncset.done $0x0;
	(pc) =	sbr.rel @p0 .LBB2_1-.Ltmp0, $4  }
0xcd: {  	[sflag:s18] =	ssyncadd.s32 $0xFFFF0000  }
0xce: {  	_ =	swait.ge [sflag:s18], $0x10000  }
0xcf: {  	[sflag:s18] =	ssyncset.done $0x0  }
0xd0: {  	s7 =	sadd.s32 $0xFFFFFFFF, s7;
	[sflag:s18] =	ssyncadd.s32 $0xFFFF0000  }
0xd1: {  	_ =	sfence.sel $0x180000  }
0xd2: {  	[bflag:$0x0] =	sbarrier.arrive $0xFFFF  }
0xd3: {  	_ =	strace $0x90000047  }
0xd4: {  	s0 =	stileid.u32;
	[bflag:$0x2] =	sbarrier.arrive $0xFFFF  }
0xd5: {  	p0 =	sne.s32 s0, $0x0;
	s0 =	rddreg [dreg:$0x2]  }
0xd6: {  	s0 =	sadd.s32 @!p0 $0x100000, s0  }
0xd7: {  	[sflag:s0] =	ssyncadd.tile.s32 @!p0 $0x1;
	_ =	shalt  }
.Lfunc_end2:
_tile_overlayer_lowered:
.L_overlay_start_2:
0xd8: {  	(tag) =	ssettag $0x2  }
0xd9: {  	s0 =	rddreg [dreg:$0x0];
	s2 =	stileid.u32  }
0xda: {  	s1 =	rddreg [dreg:$0x1];
	p0 =	sne.s32 s2, $0x0  }
0xdb: {  	s3 =	rddreg [dreg:$0x2];
	[bflag:$0x3] =	sbarrier.arrive $0xFFFF;
	s2 =	simm.s32 @!p0 $0x1C02  }
0xdc: {  	[timem:s3], [sflag:s2] =	dma.local @!p0 [hbm:s0], s1  }
0xdd: {  	s0 =	simm.s32 @!p0 $0x2  }
0xde: {  	_ =	swait.ge @!p0 [sflag:s0], s1  }
0xdf: {  	s1 =	ssub.s32 @!p0 $0x0, s1;
	[sflag:s0] =	ssyncset.done @!p0 $0x0  }
0xe0: {  	[sflag:s0] =	ssyncadd.s32 @!p0 s1  }
0xe1: {  	[bflag:$0x3] =	sbarrier.arrive $0xFFFF  }
0xe2: {  	_ =	shalt  }

</sc_bundles>
